<compile_context>
chip_gen: v7x
topology: tpu7x:2x2x1
jax: 0.10.2.dev20260603
libtpu: 0.0.44.dev20260713+nightly
codegen_flags: <defaults>
</compile_context>

<pallas_src>
import functools

import jax
import jax.numpy as jnp
from jax import lax
from jax.experimental import pallas as pl
from jax.experimental.pallas import tpu as pltpu
from jax.experimental.pallas import tpu_sc as plsc

N = 10000
D = 128
DH = D // 2
E = 320000
NC = 2
NS = 16
L = 16
K = 128
BLOCKS = 160
EP = NS * BLOCKS * K
NT = 2 * N
NACC = 10240
RPT = NACC // NS
NPAD = N + 16
ROW_BLK = 2000
GRID = N // ROW_BLK



def _front_body(x_ref, w_ref, asrc_ref, adst_ref, hs_ref, as_ref, ad_ref):
    h = jnp.dot(x_ref[...], w_ref[...], preferred_element_type=jnp.float32)
    hb = h.astype(jnp.bfloat16)
    hs_ref[0] = hb[:, :DH]
    hs_ref[1] = hb[:, DH:]
    as_ref[...] = jnp.dot(h, asrc_ref[...], preferred_element_type=jnp.float32)
    ad_ref[...] = jnp.dot(h, adst_ref[...], preferred_element_type=jnp.float32)


def _front(x, W, asrc, adst):
    return pl.pallas_call(
        _front_body,
        grid=(GRID,),
        in_specs=[
            pl.BlockSpec((ROW_BLK, D), lambda i: (i, 0)),
            pl.BlockSpec((D, D), lambda i: (0, 0)),
            pl.BlockSpec((D, 1), lambda i: (0, 0)),
            pl.BlockSpec((D, 1), lambda i: (0, 0)),
        ],
        out_specs=[
            pl.BlockSpec((2, ROW_BLK, DH), lambda i: (0, i, 0)),
            pl.BlockSpec((ROW_BLK, 1), lambda i: (i, 0)),
            pl.BlockSpec((ROW_BLK, 1), lambda i: (i, 0)),
        ],
        out_shape=[
            jax.ShapeDtypeStruct((2, N, DH), jnp.bfloat16),
            jax.ShapeDtypeStruct((N, 1), jnp.float32),
            jax.ShapeDtypeStruct((N, 1), jnp.float32),
        ],
    )(x, W, asrc, adst)


def _comb_front_body(acc_ref, den_ref, as_ref, ad_ref, hs_ref, b_ref,
                     w_ref, asrc_ref, adst_ref,
                     out_ref, hsn_ref, asn_ref, adn_ref):
    e = as_ref[...] + ad_ref[...]
    ws = jnp.exp(jnp.where(e >= 0.0, e, 0.2 * e))
    h = jnp.concatenate([hs_ref[0], hs_ref[1]], axis=-1).astype(jnp.float32)
    acc = jnp.concatenate([acc_ref[0], acc_ref[1]], axis=-1) + ws * h
    den = jnp.sum(den_ref[...], axis=1, keepdims=True) + ws
    out = jnp.maximum(acc / den + b_ref[...], 0.0)
    out_ref[...] = out
    hn = jnp.dot(out, w_ref[...], preferred_element_type=jnp.float32)
    hb = hn.astype(jnp.bfloat16)
    hsn_ref[0] = hb[:, :DH]
    hsn_ref[1] = hb[:, DH:]
    asn_ref[...] = jnp.dot(hn, asrc_ref[...], preferred_element_type=jnp.float32)
    adn_ref[...] = jnp.dot(hn, adst_ref[...], preferred_element_type=jnp.float32)


def _comb_front(acc, den, as_, ad, hs, b, W, asrc, adst):
    return pl.pallas_call(
        _comb_front_body,
        grid=(GRID,),
        in_specs=[
            pl.BlockSpec((2, ROW_BLK, DH), lambda i: (0, i, 0)),
            pl.BlockSpec((ROW_BLK, NS), lambda i: (i, 0)),
            pl.BlockSpec((ROW_BLK, 1), lambda i: (i, 0)),
            pl.BlockSpec((ROW_BLK, 1), lambda i: (i, 0)),
            pl.BlockSpec((2, ROW_BLK, DH), lambda i: (0, i, 0)),
            pl.BlockSpec((1, D), lambda i: (0, 0)),
            pl.BlockSpec((D, D), lambda i: (0, 0)),
            pl.BlockSpec((D, 1), lambda i: (0, 0)),
            pl.BlockSpec((D, 1), lambda i: (0, 0)),
        ],
        out_specs=[
            pl.BlockSpec((ROW_BLK, D), lambda i: (i, 0)),
            pl.BlockSpec((2, ROW_BLK, DH), lambda i: (0, i, 0)),
            pl.BlockSpec((ROW_BLK, 1), lambda i: (i, 0)),
            pl.BlockSpec((ROW_BLK, 1), lambda i: (i, 0)),
        ],
        out_shape=[
            jax.ShapeDtypeStruct((N, D), jnp.float32),
            jax.ShapeDtypeStruct((2, N, DH), jnp.bfloat16),
            jax.ShapeDtypeStruct((N, 1), jnp.float32),
            jax.ShapeDtypeStruct((N, 1), jnp.float32),
        ],
    )(acc, den, as_, ad, hs, b, W, asrc, adst)



def _sc_edge_body(esd_hbm, asrc_hbm, adst_hbm, h_hbm,
                  acc_out, den_out,
                  esd_v, srcadj, asrc_v, adst_v, rows_bf, rows_f, w_v, den_v,
                  acc_sh, gsem0, gsem1, ssem,
                  esem0, esem1, esem2, esem3):
    cid = lax.axis_index("c")
    sid = lax.axis_index("s")
    z16 = jnp.zeros((L,), jnp.float32)
    gsems = (gsem0, gsem1)
    esems = (esem0, esem1, esem2, esem3)
    off = (cid * N).astype(jnp.int32)
    clamp = jnp.full((L,), N - 1, jnp.int32)

    def zrow(r, carry):
        for f in range(DH // L):
            rows_f[r, pl.ds(f * L, L)] = z16
        return carry
    lax.fori_loop(0, K, zrow, None)

    def zden(i, carry):
        den_v[pl.ds(i * L, L)] = z16
        return carry
    lax.fori_loop(0, NPAD // L, zden, None)

    base = sid * RPT
    for c in range(RPT // K):
        pltpu.sync_copy(rows_f, acc_sh.at[pl.ds(base + c * K, K)])

    pltpu.sync_copy(asrc_hbm, asrc_v)
    pltpu.sync_copy(adst_hbm, adst_v)

    def start_edge_load(j, u):
        pltpu.async_copy(esd_hbm.at[sid, j], esd_v.at[u], esems[u])

    def wait_edge_load(j, u):
        pltpu.make_async_copy(esd_hbm.at[sid, j], esd_v.at[u], esems[u]).wait()
        for f in range(K // L):
            sl = pl.ds(f * L, L)
            srcadj[u, sl] = jnp.minimum(esd_v[u, 0, sl], clamp) + off

    start_edge_load(0, 0)
    start_edge_load(1, 1)
    start_edge_load(2, 2)
    wait_edge_load(0, 0)
    pltpu.async_copy(h_hbm.at[srcadj.at[0]], rows_bf.at[0], gsem0)
    plsc.subcore_barrier()

    def outer(g, carry):
        for u in range(4):
            j = 4 * g + u
            rb = u % 2
            nrb = 1 - rb
            un = (u + 1) % 4
            uf = (u + 3) % 4

            @pl.when(j + 1 < BLOCKS)
            def _start_next_gather():
                wait_edge_load(j + 1, un)
                pltpu.async_copy(h_hbm.at[srcadj.at[un]], rows_bf.at[nrb],
                                 gsems[nrb])

            for i in range(K // L):
                sl = pl.ds(i * L, L)
                s_idx = esd_v[u, 0, sl]
                d_idx = esd_v[u, 1, sl]
                e = plsc.load_gather(asrc_v, [s_idx]) + plsc.load_gather(adst_v, [d_idx])
                e = jnp.where(e >= 0.0, e, 0.2 * e)
                w = jnp.exp(e)
                w_v[sl] = w
                plsc.addupdate_scatter(den_v, [d_idx], w)

            @pl.when(j >= 1)
            def _drain_prev():
                pltpu.make_async_copy(rows_f, acc_sh.at[esd_v.at[uf, 1]],
                                      ssem).wait()

            @pl.when(j + 3 < BLOCKS)
            def _start_far_edge_load():
                start_edge_load(j + 3, uf)

            pltpu.make_async_copy(h_hbm.at[srcadj.at[u]], rows_bf.at[rb],
                                  gsems[rb]).wait()

            @plsc.parallel_loop(0, K, 1, unroll=4)
            def scale(r):
                rsp = jnp.full((L,), r, jnp.int32)
                wbc = plsc.load_gather(w_v, [rsp])
                for g2 in range(DH // (2 * L)):
                    xp = rows_bf[rb, r, pl.ds(g2 * 2 * L, 2 * L)]
                    a, bb = plsc.unpack(xp, format=plsc.PackFormat.INTERLEAVED)
                    ieven = lax.iota(jnp.int32, L) * 2 + g2 * 2 * L
                    plsc.store_scatter(rows_f, [rsp, ieven], a * wbc)
                    plsc.store_scatter(rows_f, [rsp, ieven + 1], bb * wbc)

            pltpu.async_copy(rows_f, acc_sh.at[esd_v.at[u, 1]], ssem,
                             add=True)
        return carry

    lax.fori_loop(0, BLOCKS // 4, outer, None)
    pltpu.make_async_copy(rows_f, acc_sh.at[esd_v.at[3, 1]], ssem).wait()
    plsc.subcore_barrier()

    dumps = [pltpu.async_copy(acc_sh.at[pl.ds(base + c * K, K)],
                              acc_out.at[cid, pl.ds(base + c * K, K)], gsem0)
             for c in range(RPT // K)]
    for d in dumps:
        d.wait()

    @pl.when(cid == 0)
    def _den_dump():
        pltpu.sync_copy(den_v, den_out.at[sid])


@functools.cache
def _sc_edge():
  return pl.kernel(
    _sc_edge_body,
    out_type=(
        jax.ShapeDtypeStruct((NC, NACC, DH), jnp.float32),
        jax.ShapeDtypeStruct((NS, NPAD), jnp.float32),
    ),
    mesh=plsc.VectorSubcoreMesh(core_axis_name="c", subcore_axis_name="s",
                                num_cores=NC, num_subcores=NS),
    compiler_params=pltpu.CompilerParams(needs_layout_passes=False,
                                         use_tc_tiling_on_sc=False),
    scratch_types=(
        pltpu.VMEM((4, 2, K), jnp.int32),
        pltpu.VMEM((4, K), jnp.int32),
        pltpu.VMEM((NPAD,), jnp.float32),
        pltpu.VMEM((NPAD,), jnp.float32),
        pltpu.VMEM((2, K, DH), jnp.bfloat16),
        pltpu.VMEM((K, DH), jnp.float32),
        pltpu.VMEM((K,), jnp.float32),
        pltpu.VMEM((NPAD,), jnp.float32),
        pltpu.VMEM_SHARED((NACC, DH), jnp.float32),
        pltpu.SemaphoreType.DMA,
        pltpu.SemaphoreType.DMA,
        pltpu.SemaphoreType.DMA,
        pltpu.SemaphoreType.DMA,
        pltpu.SemaphoreType.DMA,
        pltpu.SemaphoreType.DMA,
        pltpu.SemaphoreType.DMA,
    ),
  )



def _pad_alpha(a):
    return jnp.concatenate([a.reshape(N),
                            jnp.full((NPAD - N,), -1e30, jnp.float32)])




def kernel(x, edge_index, W1, a_src1, a_dst1, b1, W2, a_src2, a_dst2, b2):
    src = edge_index[0].astype(jnp.int32)
    dst = edge_index[1].astype(jnp.int32)
    src_p = jnp.concatenate([src, jnp.full((EP - E,), N, jnp.int32)]).reshape(NS, BLOCKS, K)
    dst_p = jnp.concatenate([dst, jnp.zeros((EP - E,), jnp.int32)]).reshape(NS, BLOCKS, K)
    esd = jnp.stack([src_p, dst_p], axis=2)

    hs1, as1, ad1 = _front(x, W1, a_src1.reshape(D, 1), a_dst1.reshape(D, 1))

    Wn = jnp.stack([W2, W2])
    asn = jnp.stack([a_src2.reshape(D, 1), a_src2.reshape(D, 1)])
    adn = jnp.stack([a_dst2.reshape(D, 1), a_dst2.reshape(D, 1)])
    bs = jnp.stack([b1.reshape(1, D), b2.reshape(1, D)])

    def body(carry, xs):
        hs, as_, ad, _ = carry
        Wt, ast, adt, bt = xs
        acc, den = _sc_edge()(esd, _pad_alpha(as_), _pad_alpha(ad),
                              hs.reshape(NT, DH))
        out, hsn, asn2, adn2 = _comb_front(acc, den.T, as_, ad, hs, bt,
                                           Wt, ast, adt)
        return (hsn, asn2, adn2, out), None

    init = (hs1, as1, ad1, jnp.zeros((N, D), jnp.float32))
    fin, _ = lax.scan(body, init, (Wn, asn, adn, bs))
    return fin[3]

# --- scband reference (transcript-rebuilt; emitter-appended) ---
"""Pipeline reference for scband-graph-encoder-9929964388988 (READ-ONLY COPY).

The authoritative reference and input builder live on the scoring server;
editing this copy changes nothing except your own understanding.
"""

import jax, jax.numpy as jnp
import numpy as np

N_NODES = 10000
N_EDGES = 320000
D_IN = 128
D_OUT = 128


def _gat_conv(x, edge_index, W, a_src, a_dst, b):
    # PyG-style GATConv, heads=1, concat=True, negative_slope=0.2, add_self_loops=True
    N = x.shape[0]
    h = x @ W  # [N, D_OUT]
    loop = jnp.arange(N, dtype=edge_index.dtype)
    src = jnp.concatenate([edge_index[0], loop])
    dst = jnp.concatenate([edge_index[1], loop])
    alpha_src = h @ a_src  # [N]
    alpha_dst = h @ a_dst  # [N]
    e = alpha_src[src] + alpha_dst[dst]
    e = jax.nn.leaky_relu(e, negative_slope=0.2)
    # segment softmax over destination nodes (numerically stable)
    m = jax.ops.segment_max(e, dst, num_segments=N)
    m = jnp.where(jnp.isfinite(m), m, 0.0)
    m = jax.lax.stop_gradient(m)
    ex = jnp.exp(e - m[dst])
    denom = jax.ops.segment_sum(ex, dst, num_segments=N)
    alpha = ex / jnp.maximum(denom[dst], 1e-16)
    out = jax.ops.segment_sum(h[src] * alpha[:, None], dst, num_segments=N)
    return out + b


def setup_inputs(seed: int = 0) -> dict:
    key = jax.random.key(seed)
    ks = jax.random.split(key, 12)
    x = jax.random.normal(ks[0], (N_NODES, D_IN), dtype=jnp.float32)
    edge_index = jax.random.randint(ks[1], (2, N_EDGES), 0, N_NODES, dtype=jnp.int64)
    s = 1.0 / np.sqrt(D_IN)
    W1 = jax.random.normal(ks[2], (D_IN, D_OUT), dtype=jnp.float32) * s
    a_src1 = jax.random.normal(ks[3], (D_OUT,), dtype=jnp.float32) * s
    a_dst1 = jax.random.normal(ks[4], (D_OUT,), dtype=jnp.float32) * s
    b1 = jnp.zeros((D_OUT,), dtype=jnp.float32)
    W2 = jax.random.normal(ks[5], (D_IN, D_OUT), dtype=jnp.float32) * s
    a_src2 = jax.random.normal(ks[6], (D_OUT,), dtype=jnp.float32) * s
    a_dst2 = jax.random.normal(ks[7], (D_OUT,), dtype=jnp.float32) * s
    b2 = jnp.zeros((D_OUT,), dtype=jnp.float32)
    return {"x": x, "edge_index": edge_index, "W1": W1, "a_src1": a_src1, "a_dst1": a_dst1, "b1": b1, "W2": W2, "a_src2": a_src2, "a_dst2": a_dst2, "b2": b2}


def reference(x, edge_index, W1, a_src1, a_dst1, b1, W2, a_src2, a_dst2, b2):
    h = jax.nn.relu(_gat_conv(x, edge_index, W1, a_src1, a_dst1, b1))
    h = jax.nn.relu(_gat_conv(h, edge_index, W2, a_src2, a_dst2, b2))
    return h

if __name__ == "__main__":
    import jax
    _d = setup_inputs()
    print(jax.jit(kernel)(*tuple(_d.values())))

</pallas_src>

<mosaic_0001>
#map = affine_map<(d0, d1) -> (0, 0, 0, 0)>
#map1 = affine_map<(d0, d1) -> (0)>
#map2 = affine_map<(d0, d1) -> (0, 0)>
#map3 = affine_map<(d0, d1) -> (0, 0, 0)>
module attributes {stable_mosaic.version = 14 : i64} {
  func.func @_sc_edge_body(%arg0: i32, %arg1: i32, %arg2: memref<16x160x2x128xi32, #tpu.memory_space<hbm>>, %arg3: memref<10016xf32, #tpu.memory_space<hbm>>, %arg4: memref<10016xf32, #tpu.memory_space<hbm>>, %arg5: memref<20000x64xbf16, #tpu.memory_space<hbm>>, %arg6: memref<2x10240x64xf32, #tpu.memory_space<hbm>>, %arg7: memref<16x10016xf32, #tpu.memory_space<hbm>>, %arg8: memref<4x2x128xi32, #tpu.memory_space<vmem>>, %arg9: memref<4x128xi32, #tpu.memory_space<vmem>>, %arg10: memref<10016xf32, #tpu.memory_space<vmem>>, %arg11: memref<10016xf32, #tpu.memory_space<vmem>>, %arg12: memref<2x128x64xbf16, #tpu.memory_space<vmem>>, %arg13: memref<128x64xf32, #tpu.memory_space<vmem>>, %arg14: memref<128xf32, #tpu.memory_space<vmem>>, %arg15: memref<10016xf32, #tpu.memory_space<vmem>>, %arg16: memref<10240x64xf32, #tpu.memory_space<vmem_shared>>, %arg17: memref<!tpu.dma_semaphore, #tpu.memory_space<semaphore_mem>>, %arg18: memref<!tpu.dma_semaphore, #tpu.memory_space<semaphore_mem>>, %arg19: memref<!tpu.dma_semaphore, #tpu.memory_space<semaphore_mem>>, %arg20: memref<!tpu.dma_semaphore, #tpu.memory_space<semaphore_mem>>, %arg21: memref<!tpu.dma_semaphore, #tpu.memory_space<semaphore_mem>>, %arg22: memref<!tpu.dma_semaphore, #tpu.memory_space<semaphore_mem>>, %arg23: memref<!tpu.dma_semaphore, #tpu.memory_space<semaphore_mem>>) attributes {dimension_semantics = [#tpu.dimension_semantics<core_parallel>, #tpu.dimension_semantics<subcore_parallel>], iteration_bounds = array<i64: 2, 16>, scalar_prefetch = 0 : i64, scratch_operands = 16 : i64, tpu.core_type = #tpu.core_type<sc_vector_subcore>, window_params = [{transform_indices = #map}, {transform_indices = #map1}, {transform_indices = #map1}, {transform_indices = #map2}, {transform_indices = #map3}, {transform_indices = #map2}]} {
    %broadcast_in_dim3A = arith.constant 0.000000e+00 : f32
    %broadcast_in_dim3A_0 = vector.broadcast %broadcast_in_dim3A : f32 to vector<16xf32>
    %mul3A = arith.constant 10000 : i32
    %mul3A_1 = arith.muli %arg0, %mul3A : i32
    %broadcast_in_dim3A_2 = arith.constant 9999 : i32
    %broadcast_in_dim3A_3 = vector.broadcast %broadcast_in_dim3A_2 : i32 to vector<16xi32>
    %scan3A = arith.constant 0 : i32
    %scan3A_4 = arith.constant 128 : i32
    %scan3A_5 = arith.addi %scan3A, %scan3A_4 : i32
    %scan3A_6 = arith.constant 1 : i32
    scf.for %scan3A_293 = %scan3A to %scan3A_5 step %scan3A_6  : i32 {
      %swap3A_294 = arith.index_cast %scan3A_293 : i32 to index
      %swap3A_295 = arith.constant 0 : index
      %swap3A_296 = tpu.vector_load %arg13[%swap3A_294, %swap3A_295] {strides = array<i32>} : memref<128x64xf32, #tpu.memory_space<vmem>>, vector<16xf32>,
      tpu.vector_store %arg13[%swap3A_294, %swap3A_295], %broadcast_in_dim3A_0 {strides = array<i32>} : memref<128x64xf32, #tpu.memory_space<vmem>>, vector<16xf32>,
      %swap3A_297 = arith.index_cast %scan3A_293 : i32 to index
      %swap3A_298 = arith.constant 16 : index
      %swap3A_299 = tpu.vector_load %arg13[%swap3A_297, %swap3A_298] {strides = array<i32>} : memref<128x64xf32, #tpu.memory_space<vmem>>, vector<16xf32>,
      tpu.vector_store %arg13[%swap3A_297, %swap3A_298], %broadcast_in_dim3A_0 {strides = array<i32>} : memref<128x64xf32, #tpu.memory_space<vmem>>, vector<16xf32>,
      %swap3A_300 = arith.index_cast %scan3A_293 : i32 to index
      %swap3A_301 = arith.constant 32 : index
      %swap3A_302 = tpu.vector_load %arg13[%swap3A_300, %swap3A_301] {strides = array<i32>} : memref<128x64xf32, #tpu.memory_space<vmem>>, vector<16xf32>,
      tpu.vector_store %arg13[%swap3A_300, %swap3A_301], %broadcast_in_dim3A_0 {strides = array<i32>} : memref<128x64xf32, #tpu.memory_space<vmem>>, vector<16xf32>,
      %swap3A_303 = arith.index_cast %scan3A_293 : i32 to index
      %swap3A_304 = arith.constant 48 : index
      %swap3A_305 = tpu.vector_load %arg13[%swap3A_303, %swap3A_304] {strides = array<i32>} : memref<128x64xf32, #tpu.memory_space<vmem>>, vector<16xf32>,
      tpu.vector_store %arg13[%swap3A_303, %swap3A_304], %broadcast_in_dim3A_0 {strides = array<i32>} : memref<128x64xf32, #tpu.memory_space<vmem>>, vector<16xf32>,
    }
    %scan3A_7 = arith.constant 128 : i32
    %scan3A_8 = arith.constant 0 : i32
    %scan3A_9 = arith.constant 626 : i32
    %scan3A_10 = arith.addi %scan3A_8, %scan3A_9 : i32
    %scan3A_11 = arith.constant 1 : i32
    scf.for %scan3A_293 = %scan3A_8 to %scan3A_10 step %scan3A_11  : i32 {
      %mul3A_294 = arith.constant 16 : i32
      %mul3A_295 = arith.muli %scan3A_293, %mul3A_294 : i32
      %swap3A_296 = arith.index_cast %mul3A_295 : i32 to index
      %swap3A_297 = tpu.vector_load %arg15[%swap3A_296] {strides = array<i32>} : memref<10016xf32, #tpu.memory_space<vmem>>, vector<16xf32>,
      tpu.vector_store %arg15[%swap3A_296], %broadcast_in_dim3A_0 {strides = array<i32>} : memref<10016xf32, #tpu.memory_space<vmem>>, vector<16xf32>,
    }
    %scan3A_12 = arith.constant 626 : i32
    %mul3A_13 = arith.constant 640 : i32
    %mul3A_14 = arith.muli %arg1, %mul3A_13 : i32
    %add3A = arith.constant 0 : i32
    %add3A_15 = arith.addi %mul3A_14, %add3A : i32
    "tpu.region"() ({
      %run_scoped3A = tpu.sem_alloc : memref<!tpu.dma_semaphore, #tpu.memory_space<semaphore_mem>>
      %dma_start3A_293 = arith.constant 0 : i32
      %dma_start3A_294 = tpu.memref_slice %arg16[%add3A_15, %dma_start3A_293] : memref<10240x64xf32, #tpu.memory_space<vmem_shared>> -> memref<128x64xf32, #tpu.memory_space<vmem_shared>>
      %dma_start3A_295 = arith.constant 0 : i32
      %dma_start3A_296 = tpu.memref_slice %arg16[%add3A_15, %dma_start3A_295] : memref<10240x64xf32, #tpu.memory_space<vmem_shared>> -> memref<128x64xf32, #tpu.memory_space<vmem_shared>>
      tpu.enqueue_dma source(%arg13 : memref<128x64xf32, #tpu.memory_space<vmem>>) target(%dma_start3A_296 : memref<128x64xf32, #tpu.memory_space<vmem_shared>>) target_semaphore(%run_scoped3A : memref<!tpu.dma_semaphore, #tpu.memory_space<semaphore_mem>>)
      %dma_wait3A_297 = arith.constant 0 : i32
      %dma_wait3A_298 = tpu.memref_slice %arg16[%add3A_15, %dma_wait3A_297] : memref<10240x64xf32, #tpu.memory_space<vmem_shared>> -> memref<128x64xf32, #tpu.memory_space<vmem_shared>>
      %dma_wait3A_299 = arith.constant 0 : i32
      %dma_wait3A_300 = tpu.memref_slice %arg16[%add3A_15, %dma_wait3A_299] : memref<10240x64xf32, #tpu.memory_space<vmem_shared>> -> memref<128x64xf32, #tpu.memory_space<vmem_shared>>
      tpu.wait_dma2 semaphore(%run_scoped3A : memref<!tpu.dma_semaphore, #tpu.memory_space<semaphore_mem>>) src(%arg13 : memref<128x64xf32, #tpu.memory_space<vmem>>) dst(%dma_wait3A_300 : memref<128x64xf32, #tpu.memory_space<vmem_shared>>)
      tpu.yield
    }) : () -> ()
    %add3A_16 = arith.constant 128 : i32
    %add3A_17 = arith.addi %mul3A_14, %add3A_16 : i32
    "tpu.region"() ({
      %run_scoped3A = tpu.sem_alloc : memref<!tpu.dma_semaphore, #tpu.memory_space<semaphore_mem>>
      %dma_start3A_293 = arith.constant 0 : i32
      %dma_start3A_294 = tpu.memref_slice %arg16[%add3A_17, %dma_start3A_293] : memref<10240x64xf32, #tpu.memory_space<vmem_shared>> -> memref<128x64xf32, #tpu.memory_space<vmem_shared>>
      %dma_start3A_295 = arith.constant 0 : i32
      %dma_start3A_296 = tpu.memref_slice %arg16[%add3A_17, %dma_start3A_295] : memref<10240x64xf32, #tpu.memory_space<vmem_shared>> -> memref<128x64xf32, #tpu.memory_space<vmem_shared>>
      tpu.enqueue_dma source(%arg13 : memref<128x64xf32, #tpu.memory_space<vmem>>) target(%dma_start3A_296 : memref<128x64xf32, #tpu.memory_space<vmem_shared>>) target_semaphore(%run_scoped3A : memref<!tpu.dma_semaphore, #tpu.memory_space<semaphore_mem>>)
      %dma_wait3A_297 = arith.constant 0 : i32
      %dma_wait3A_298 = tpu.memref_slice %arg16[%add3A_17, %dma_wait3A_297] : memref<10240x64xf32, #tpu.memory_space<vmem_shared>> -> memref<128x64xf32, #tpu.memory_space<vmem_shared>>
      %dma_wait3A_299 = arith.constant 0 : i32
      %dma_wait3A_300 = tpu.memref_slice %arg16[%add3A_17, %dma_wait3A_299] : memref<10240x64xf32, #tpu.memory_space<vmem_shared>> -> memref<128x64xf32, #tpu.memory_space<vmem_shared>>
      tpu.wait_dma2 semaphore(%run_scoped3A : memref<!tpu.dma_semaphore, #tpu.memory_space<semaphore_mem>>) src(%arg13 : memref<128x64xf32, #tpu.memory_space<vmem>>) dst(%dma_wait3A_300 : memref<128x64xf32, #tpu.memory_space<vmem_shared>>)
      tpu.yield
    }) : () -> ()
    %add3A_18 = arith.constant 256 : i32
    %add3A_19 = arith.addi %mul3A_14, %add3A_18 : i32
    "tpu.region"() ({
      %run_scoped3A = tpu.sem_alloc : memref<!tpu.dma_semaphore, #tpu.memory_space<semaphore_mem>>
      %dma_start3A_293 = arith.constant 0 : i32
      %dma_start3A_294 = tpu.memref_slice %arg16[%add3A_19, %dma_start3A_293] : memref<10240x64xf32, #tpu.memory_space<vmem_shared>> -> memref<128x64xf32, #tpu.memory_space<vmem_shared>>
      %dma_start3A_295 = arith.constant 0 : i32
      %dma_start3A_296 = tpu.memref_slice %arg16[%add3A_19, %dma_start3A_295] : memref<10240x64xf32, #tpu.memory_space<vmem_shared>> -> memref<128x64xf32, #tpu.memory_space<vmem_shared>>
      tpu.enqueue_dma source(%arg13 : memref<128x64xf32, #tpu.memory_space<vmem>>) target(%dma_start3A_296 : memref<128x64xf32, #tpu.memory_space<vmem_shared>>) target_semaphore(%run_scoped3A : memref<!tpu.dma_semaphore, #tpu.memory_space<semaphore_mem>>)
      %dma_wait3A_297 = arith.constant 0 : i32
      %dma_wait3A_298 = tpu.memref_slice %arg16[%add3A_19, %dma_wait3A_297] : memref<10240x64xf32, #tpu.memory_space<vmem_shared>> -> memref<128x64xf32, #tpu.memory_space<vmem_shared>>
      %dma_wait3A_299 = arith.constant 0 : i32
      %dma_wait3A_300 = tpu.memref_slice %arg16[%add3A_19, %dma_wait3A_299] : memref<10240x64xf32, #tpu.memory_space<vmem_shared>> -> memref<128x64xf32, #tpu.memory_space<vmem_shared>>
      tpu.wait_dma2 semaphore(%run_scoped3A : memref<!tpu.dma_semaphore, #tpu.memory_space<semaphore_mem>>) src(%arg13 : memref<128x64xf32, #tpu.memory_space<vmem>>) dst(%dma_wait3A_300 : memref<128x64xf32, #tpu.memory_space<vmem_shared>>)
      tpu.yield
    }) : () -> ()
    %add3A_20 = arith.constant 384 : i32
    %add3A_21 = arith.addi %mul3A_14, %add3A_20 : i32
    "tpu.region"() ({
      %run_scoped3A = tpu.sem_alloc : memref<!tpu.dma_semaphore, #tpu.memory_space<semaphore_mem>>
      %dma_start3A_293 = arith.constant 0 : i32
      %dma_start3A_294 = tpu.memref_slice %arg16[%add3A_21, %dma_start3A_293] : memref<10240x64xf32, #tpu.memory_space<vmem_shared>> -> memref<128x64xf32, #tpu.memory_space<vmem_shared>>
      %dma_start3A_295 = arith.constant 0 : i32
      %dma_start3A_296 = tpu.memref_slice %arg16[%add3A_21, %dma_start3A_295] : memref<10240x64xf32, #tpu.memory_space<vmem_shared>> -> memref<128x64xf32, #tpu.memory_space<vmem_shared>>
      tpu.enqueue_dma source(%arg13 : memref<128x64xf32, #tpu.memory_space<vmem>>) target(%dma_start3A_296 : memref<128x64xf32, #tpu.memory_space<vmem_shared>>) target_semaphore(%run_scoped3A : memref<!tpu.dma_semaphore, #tpu.memory_space<semaphore_mem>>)
      %dma_wait3A_297 = arith.constant 0 : i32
      %dma_wait3A_298 = tpu.memref_slice %arg16[%add3A_21, %dma_wait3A_297] : memref<10240x64xf32, #tpu.memory_space<vmem_shared>> -> memref<128x64xf32, #tpu.memory_space<vmem_shared>>
      %dma_wait3A_299 = arith.constant 0 : i32
      %dma_wait3A_300 = tpu.memref_slice %arg16[%add3A_21, %dma_wait3A_299] : memref<10240x64xf32, #tpu.memory_space<vmem_shared>> -> memref<128x64xf32, #tpu.memory_space<vmem_shared>>
      tpu.wait_dma2 semaphore(%run_scoped3A : memref<!tpu.dma_semaphore, #tpu.memory_space<semaphore_mem>>) src(%arg13 : memref<128x64xf32, #tpu.memory_space<vmem>>) dst(%dma_wait3A_300 : memref<128x64xf32, #tpu.memory_space<vmem_shared>>)
      tpu.yield
    }) : () -> ()
    %add3A_22 = arith.constant 512 : i32
    %add3A_23 = arith.addi %mul3A_14, %add3A_22 : i32
    "tpu.region"() ({
      %run_scoped3A = tpu.sem_alloc : memref<!tpu.dma_semaphore, #tpu.memory_space<semaphore_mem>>
      %dma_start3A_293 = arith.constant 0 : i32
      %dma_start3A_294 = tpu.memref_slice %arg16[%add3A_23, %dma_start3A_293] : memref<10240x64xf32, #tpu.memory_space<vmem_shared>> -> memref<128x64xf32, #tpu.memory_space<vmem_shared>>
      %dma_start3A_295 = arith.constant 0 : i32
      %dma_start3A_296 = tpu.memref_slice %arg16[%add3A_23, %dma_start3A_295] : memref<10240x64xf32, #tpu.memory_space<vmem_shared>> -> memref<128x64xf32, #tpu.memory_space<vmem_shared>>
      tpu.enqueue_dma source(%arg13 : memref<128x64xf32, #tpu.memory_space<vmem>>) target(%dma_start3A_296 : memref<128x64xf32, #tpu.memory_space<vmem_shared>>) target_semaphore(%run_scoped3A : memref<!tpu.dma_semaphore, #tpu.memory_space<semaphore_mem>>)
      %dma_wait3A_297 = arith.constant 0 : i32
      %dma_wait3A_298 = tpu.memref_slice %arg16[%add3A_23, %dma_wait3A_297] : memref<10240x64xf32, #tpu.memory_space<vmem_shared>> -> memref<128x64xf32, #tpu.memory_space<vmem_shared>>
      %dma_wait3A_299 = arith.constant 0 : i32
      %dma_wait3A_300 = tpu.memref_slice %arg16[%add3A_23, %dma_wait3A_299] : memref<10240x64xf32, #tpu.memory_space<vmem_shared>> -> memref<128x64xf32, #tpu.memory_space<vmem_shared>>
      tpu.wait_dma2 semaphore(%run_scoped3A : memref<!tpu.dma_semaphore, #tpu.memory_space<semaphore_mem>>) src(%arg13 : memref<128x64xf32, #tpu.memory_space<vmem>>) dst(%dma_wait3A_300 : memref<128x64xf32, #tpu.memory_space<vmem_shared>>)
      tpu.yield
    }) : () -> ()
    "tpu.region"() ({
      %run_scoped3A = tpu.sem_alloc : memref<!tpu.dma_semaphore, #tpu.memory_space<semaphore_mem>>
      tpu.enqueue_dma source(%arg3 : memref<10016xf32, #tpu.memory_space<hbm>>) target(%arg10 : memref<10016xf32, #tpu.memory_space<vmem>>) target_semaphore(%run_scoped3A : memref<!tpu.dma_semaphore, #tpu.memory_space<semaphore_mem>>)
      tpu.wait_dma2 semaphore(%run_scoped3A : memref<!tpu.dma_semaphore, #tpu.memory_space<semaphore_mem>>) src(%arg3 : memref<10016xf32, #tpu.memory_space<hbm>>) dst(%arg10 : memref<10016xf32, #tpu.memory_space<vmem>>)
      tpu.yield
    }) : () -> ()
    "tpu.region"() ({
      %run_scoped3A = tpu.sem_alloc : memref<!tpu.dma_semaphore, #tpu.memory_space<semaphore_mem>>
      tpu.enqueue_dma source(%arg4 : memref<10016xf32, #tpu.memory_space<hbm>>) target(%arg11 : memref<10016xf32, #tpu.memory_space<vmem>>) target_semaphore(%run_scoped3A : memref<!tpu.dma_semaphore, #tpu.memory_space<semaphore_mem>>)
      tpu.wait_dma2 semaphore(%run_scoped3A : memref<!tpu.dma_semaphore, #tpu.memory_space<semaphore_mem>>) src(%arg4 : memref<10016xf32, #tpu.memory_space<hbm>>) dst(%arg11 : memref<10016xf32, #tpu.memory_space<vmem>>)
      tpu.yield
    }) : () -> ()
    %dma_start3A = arith.constant 0 : i32
    %dma_start3A_24 = arith.constant 0 : i32
    %dma_start3A_25 = arith.constant 0 : i32
    %dma_start3A_26 = arith.constant 0 : i32
    %dma_start3A_27 = tpu.memref_slice %arg8[%dma_start3A_24, %dma_start3A_25, %dma_start3A_26] : memref<4x2x128xi32, #tpu.memory_space<vmem>> -> memref<1x2x128xi32, #tpu.memory_space<vmem>>
    %dma_start3A_28 = tpu.memref_squeeze %dma_start3A_27 : memref<1x2x128xi32, #tpu.memory_space<vmem>> -> memref<2x128xi32, #tpu.memory_space<vmem>>
    %dma_start3A_29 = arith.constant 0 : i32
    %dma_start3A_30 = arith.constant 0 : i32
    %dma_start3A_31 = tpu.memref_slice %arg2[%arg1, %dma_start3A, %dma_start3A_29, %dma_start3A_30] : memref<16x160x2x128xi32, #tpu.memory_space<hbm>> -> memref<1x1x2x128xi32, #tpu.memory_space<hbm>>
    %dma_start3A_32 = tpu.memref_squeeze %dma_start3A_31 : memref<1x1x2x128xi32, #tpu.memory_space<hbm>> -> memref<2x128xi32, #tpu.memory_space<hbm>>
    %dma_start3A_33 = arith.constant 0 : i32
    %dma_start3A_34 = arith.constant 0 : i32
    %dma_start3A_35 = tpu.memref_slice %arg8[%dma_start3A_24, %dma_start3A_33, %dma_start3A_34] : memref<4x2x128xi32, #tpu.memory_space<vmem>> -> memref<1x2x128xi32, #tpu.memory_space<vmem>>
    %dma_start3A_36 = tpu.memref_squeeze %dma_start3A_35 : memref<1x2x128xi32, #tpu.memory_space<vmem>> -> memref<2x128xi32, #tpu.memory_space<vmem>>
    %dma_start3A_37 = arith.constant 0 : i32
    %dma_start3A_38 = arith.constant 0 : i32
    %dma_start3A_39 = tpu.memref_slice %arg2[%arg1, %dma_start3A, %dma_start3A_37, %dma_start3A_38] : memref<16x160x2x128xi32, #tpu.memory_space<hbm>> -> memref<1x1x2x128xi32, #tpu.memory_space<hbm>>
    %dma_start3A_40 = tpu.memref_squeeze %dma_start3A_39 : memref<1x1x2x128xi32, #tpu.memory_space<hbm>> -> memref<2x128xi32, #tpu.memory_space<hbm>>
    tpu.enqueue_dma source(%dma_start3A_40 : memref<2x128xi32, #tpu.memory_space<hbm>>) target(%dma_start3A_36 : memref<2x128xi32, #tpu.memory_space<vmem>>) target_semaphore(%arg20 : memref<!tpu.dma_semaphore, #tpu.memory_space<semaphore_mem>>)
    %dma_start3A_41 = arith.constant 1 : i32
    %dma_start3A_42 = arith.constant 1 : i32
    %dma_start3A_43 = arith.constant 0 : i32
    %dma_start3A_44 = arith.constant 0 : i32
    %dma_start3A_45 = tpu.memref_slice %arg8[%dma_start3A_42, %dma_start3A_43, %dma_start3A_44] : memref<4x2x128xi32, #tpu.memory_space<vmem>> -> memref<1x2x128xi32, #tpu.memory_space<vmem>>
    %dma_start3A_46 = tpu.memref_squeeze %dma_start3A_45 : memref<1x2x128xi32, #tpu.memory_space<vmem>> -> memref<2x128xi32, #tpu.memory_space<vmem>>
    %dma_start3A_47 = arith.constant 0 : i32
    %dma_start3A_48 = arith.constant 0 : i32
    %dma_start3A_49 = tpu.memref_slice %arg2[%arg1, %dma_start3A_41, %dma_start3A_47, %dma_start3A_48] : memref<16x160x2x128xi32, #tpu.memory_space<hbm>> -> memref<1x1x2x128xi32, #tpu.memory_space<hbm>>
    %dma_start3A_50 = tpu.memref_squeeze %dma_start3A_49 : memref<1x1x2x128xi32, #tpu.memory_space<hbm>> -> memref<2x128xi32, #tpu.memory_space<hbm>>
    %dma_start3A_51 = arith.constant 0 : i32
    %dma_start3A_52 = arith.constant 0 : i32
    %dma_start3A_53 = tpu.memref_slice %arg8[%dma_start3A_42, %dma_start3A_51, %dma_start3A_52] : memref<4x2x128xi32, #tpu.memory_space<vmem>> -> memref<1x2x128xi32, #tpu.memory_space<vmem>>
    %dma_start3A_54 = tpu.memref_squeeze %dma_start3A_53 : memref<1x2x128xi32, #tpu.memory_space<vmem>> -> memref<2x128xi32, #tpu.memory_space<vmem>>
    %dma_start3A_55 = arith.constant 0 : i32
    %dma_start3A_56 = arith.constant 0 : i32
    %dma_start3A_57 = tpu.memref_slice %arg2[%arg1, %dma_start3A_41, %dma_start3A_55, %dma_start3A_56] : memref<16x160x2x128xi32, #tpu.memory_space<hbm>> -> memref<1x1x2x128xi32, #tpu.memory_space<hbm>>
    %dma_start3A_58 = tpu.memref_squeeze %dma_start3A_57 : memref<1x1x2x128xi32, #tpu.memory_space<hbm>> -> memref<2x128xi32, #tpu.memory_space<hbm>>
    tpu.enqueue_dma source(%dma_start3A_58 : memref<2x128xi32, #tpu.memory_space<hbm>>) target(%dma_start3A_54 : memref<2x128xi32, #tpu.memory_space<vmem>>) target_semaphore(%arg21 : memref<!tpu.dma_semaphore, #tpu.memory_space<semaphore_mem>>)
    %dma_start3A_59 = arith.constant 2 : i32
    %dma_start3A_60 = arith.constant 2 : i32
    %dma_start3A_61 = arith.constant 0 : i32
    %dma_start3A_62 = arith.constant 0 : i32
    %dma_start3A_63 = tpu.memref_slice %arg8[%dma_start3A_60, %dma_start3A_61, %dma_start3A_62] : memref<4x2x128xi32, #tpu.memory_space<vmem>> -> memref<1x2x128xi32, #tpu.memory_space<vmem>>
    %dma_start3A_64 = tpu.memref_squeeze %dma_start3A_63 : memref<1x2x128xi32, #tpu.memory_space<vmem>> -> memref<2x128xi32, #tpu.memory_space<vmem>>
    %dma_start3A_65 = arith.constant 0 : i32
    %dma_start3A_66 = arith.constant 0 : i32
    %dma_start3A_67 = tpu.memref_slice %arg2[%arg1, %dma_start3A_59, %dma_start3A_65, %dma_start3A_66] : memref<16x160x2x128xi32, #tpu.memory_space<hbm>> -> memref<1x1x2x128xi32, #tpu.memory_space<hbm>>
    %dma_start3A_68 = tpu.memref_squeeze %dma_start3A_67 : memref<1x1x2x128xi32, #tpu.memory_space<hbm>> -> memref<2x128xi32, #tpu.memory_space<hbm>>
    %dma_start3A_69 = arith.constant 0 : i32
    %dma_start3A_70 = arith.constant 0 : i32
    %dma_start3A_71 = tpu.memref_slice %arg8[%dma_start3A_60, %dma_start3A_69, %dma_start3A_70] : memref<4x2x128xi32, #tpu.memory_space<vmem>> -> memref<1x2x128xi32, #tpu.memory_space<vmem>>
    %dma_start3A_72 = tpu.memref_squeeze %dma_start3A_71 : memref<1x2x128xi32, #tpu.memory_space<vmem>> -> memref<2x128xi32, #tpu.memory_space<vmem>>
    %dma_start3A_73 = arith.constant 0 : i32
    %dma_start3A_74 = arith.constant 0 : i32
    %dma_start3A_75 = tpu.memref_slice %arg2[%arg1, %dma_start3A_59, %dma_start3A_73, %dma_start3A_74] : memref<16x160x2x128xi32, #tpu.memory_space<hbm>> -> memref<1x1x2x128xi32, #tpu.memory_space<hbm>>
    %dma_start3A_76 = tpu.memref_squeeze %dma_start3A_75 : memref<1x1x2x128xi32, #tpu.memory_space<hbm>> -> memref<2x128xi32, #tpu.memory_space<hbm>>
    tpu.enqueue_dma source(%dma_start3A_76 : memref<2x128xi32, #tpu.memory_space<hbm>>) target(%dma_start3A_72 : memref<2x128xi32, #tpu.memory_space<vmem>>) target_semaphore(%arg22 : memref<!tpu.dma_semaphore, #tpu.memory_space<semaphore_mem>>)
    %dma_wait3A = arith.constant 0 : i32
    %dma_wait3A_77 = arith.constant 0 : i32
    %dma_wait3A_78 = arith.constant 0 : i32
    %dma_wait3A_79 = arith.constant 0 : i32
    %dma_wait3A_80 = tpu.memref_slice %arg8[%dma_wait3A_77, %dma_wait3A_78, %dma_wait3A_79] : memref<4x2x128xi32, #tpu.memory_space<vmem>> -> memref<1x2x128xi32, #tpu.memory_space<vmem>>
    %dma_wait3A_81 = tpu.memref_squeeze %dma_wait3A_80 : memref<1x2x128xi32, #tpu.memory_space<vmem>> -> memref<2x128xi32, #tpu.memory_space<vmem>>
    %dma_wait3A_82 = arith.constant 0 : i32
    %dma_wait3A_83 = arith.constant 0 : i32
    %dma_wait3A_84 = tpu.memref_slice %arg2[%arg1, %dma_wait3A, %dma_wait3A_82, %dma_wait3A_83] : memref<16x160x2x128xi32, #tpu.memory_space<hbm>> -> memref<1x1x2x128xi32, #tpu.memory_space<hbm>>
    %dma_wait3A_85 = tpu.memref_squeeze %dma_wait3A_84 : memref<1x1x2x128xi32, #tpu.memory_space<hbm>> -> memref<2x128xi32, #tpu.memory_space<hbm>>
    %dma_wait3A_86 = arith.constant 0 : i32
    %dma_wait3A_87 = arith.constant 0 : i32
    %dma_wait3A_88 = tpu.memref_slice %arg8[%dma_wait3A_77, %dma_wait3A_86, %dma_wait3A_87] : memref<4x2x128xi32, #tpu.memory_space<vmem>> -> memref<1x2x128xi32, #tpu.memory_space<vmem>>
    %dma_wait3A_89 = tpu.memref_squeeze %dma_wait3A_88 : memref<1x2x128xi32, #tpu.memory_space<vmem>> -> memref<2x128xi32, #tpu.memory_space<vmem>>
    %dma_wait3A_90 = arith.constant 0 : i32
    %dma_wait3A_91 = arith.constant 0 : i32
    %dma_wait3A_92 = tpu.memref_slice %arg2[%arg1, %dma_wait3A, %dma_wait3A_90, %dma_wait3A_91] : memref<16x160x2x128xi32, #tpu.memory_space<hbm>> -> memref<1x1x2x128xi32, #tpu.memory_space<hbm>>
    %dma_wait3A_93 = tpu.memref_squeeze %dma_wait3A_92 : memref<1x1x2x128xi32, #tpu.memory_space<hbm>> -> memref<2x128xi32, #tpu.memory_space<hbm>>
    tpu.wait_dma2 semaphore(%arg20 : memref<!tpu.dma_semaphore, #tpu.memory_space<semaphore_mem>>) src(%dma_wait3A_93 : memref<2x128xi32, #tpu.memory_space<hbm>>) dst(%dma_wait3A_89 : memref<2x128xi32, #tpu.memory_space<vmem>>)
    %get3A = arith.constant 0 : i32
    %get3A_94 = arith.constant 0 : i32
    %get3A_95 = arith.index_cast %get3A : i32 to index
    %get3A_96 = arith.index_cast %get3A_94 : i32 to index
    %get3A_97 = arith.constant 0 : index
    %get3A_98 = tpu.vector_load %arg8[%get3A_95, %get3A_96, %get3A_97] {strides = array<i32>} : memref<4x2x128xi32, #tpu.memory_space<vmem>>, vector<16xi32>,
    %min3A = arith.minsi %get3A_98, %broadcast_in_dim3A_3 : vector<16xi32>
    %add3A_99 = vector.broadcast %mul3A_1 : i32 to vector<16xi32>
    %add3A_100 = arith.addi %min3A, %add3A_99 : vector<16xi32>
    %swap3A = arith.constant 0 : i32
    %swap3A_101 = arith.index_cast %swap3A : i32 to index
    %swap3A_102 = arith.constant 0 : index
    %swap3A_103 = tpu.vector_load %arg9[%swap3A_101, %swap3A_102] {strides = array<i32>} : memref<4x128xi32, #tpu.memory_space<vmem>>, vector<16xi32>,
    tpu.vector_store %arg9[%swap3A_101, %swap3A_102], %add3A_100 {strides = array<i32>} : memref<4x128xi32, #tpu.memory_space<vmem>>, vector<16xi32>,
    %get3A_104 = arith.constant 0 : i32
    %get3A_105 = arith.constant 0 : i32
    %get3A_106 = arith.index_cast %get3A_104 : i32 to index
    %get3A_107 = arith.index_cast %get3A_105 : i32 to index
    %get3A_108 = arith.constant 16 : index
    %get3A_109 = tpu.vector_load %arg8[%get3A_106, %get3A_107, %get3A_108] {strides = array<i32>} : memref<4x2x128xi32, #tpu.memory_space<vmem>>, vector<16xi32>,
    %min3A_110 = arith.minsi %get3A_109, %broadcast_in_dim3A_3 : vector<16xi32>
    %add3A_111 = vector.broadcast %mul3A_1 : i32 to vector<16xi32>
    %add3A_112 = arith.addi %min3A_110, %add3A_111 : vector<16xi32>
    %swap3A_113 = arith.constant 0 : i32
    %swap3A_114 = arith.index_cast %swap3A_113 : i32 to index
    %swap3A_115 = arith.constant 16 : index
    %swap3A_116 = tpu.vector_load %arg9[%swap3A_114, %swap3A_115] {strides = array<i32>} : memref<4x128xi32, #tpu.memory_space<vmem>>, vector<16xi32>,
    tpu.vector_store %arg9[%swap3A_114, %swap3A_115], %add3A_112 {strides = array<i32>} : memref<4x128xi32, #tpu.memory_space<vmem>>, vector<16xi32>,
    %get3A_117 = arith.constant 0 : i32
    %get3A_118 = arith.constant 0 : i32
    %get3A_119 = arith.index_cast %get3A_117 : i32 to index
    %get3A_120 = arith.index_cast %get3A_118 : i32 to index
    %get3A_121 = arith.constant 32 : index
    %get3A_122 = tpu.vector_load %arg8[%get3A_119, %get3A_120, %get3A_121] {strides = array<i32>} : memref<4x2x128xi32, #tpu.memory_space<vmem>>, vector<16xi32>,
    %min3A_123 = arith.minsi %get3A_122, %broadcast_in_dim3A_3 : vector<16xi32>
    %add3A_124 = vector.broadcast %mul3A_1 : i32 to vector<16xi32>
    %add3A_125 = arith.addi %min3A_123, %add3A_124 : vector<16xi32>
    %swap3A_126 = arith.constant 0 : i32
    %swap3A_127 = arith.index_cast %swap3A_126 : i32 to index
    %swap3A_128 = arith.constant 32 : index
    %swap3A_129 = tpu.vector_load %arg9[%swap3A_127, %swap3A_128] {strides = array<i32>} : memref<4x128xi32, #tpu.memory_space<vmem>>, vector<16xi32>,
    tpu.vector_store %arg9[%swap3A_127, %swap3A_128], %add3A_125 {strides = array<i32>} : memref<4x128xi32, #tpu.memory_space<vmem>>, vector<16xi32>,
    %get3A_130 = arith.constant 0 : i32
    %get3A_131 = arith.constant 0 : i32
    %get3A_132 = arith.index_cast %get3A_130 : i32 to index
    %get3A_133 = arith.index_cast %get3A_131 : i32 to index
    %get3A_134 = arith.constant 48 : index
    %get3A_135 = tpu.vector_load %arg8[%get3A_132, %get3A_133, %get3A_134] {strides = array<i32>} : memref<4x2x128xi32, #tpu.memory_space<vmem>>, vector<16xi32>,
    %min3A_136 = arith.minsi %get3A_135, %broadcast_in_dim3A_3 : vector<16xi32>
    %add3A_137 = vector.broadcast %mul3A_1 : i32 to vector<16xi32>
    %add3A_138 = arith.addi %min3A_136, %add3A_137 : vector<16xi32>
    %swap3A_139 = arith.constant 0 : i32
    %swap3A_140 = arith.index_cast %swap3A_139 : i32 to index
    %swap3A_141 = arith.constant 48 : index
    %swap3A_142 = tpu.vector_load %arg9[%swap3A_140, %swap3A_141] {strides = array<i32>} : memref<4x128xi32, #tpu.memory_space<vmem>>, vector<16xi32>,
    tpu.vector_store %arg9[%swap3A_140, %swap3A_141], %add3A_138 {strides = array<i32>} : memref<4x128xi32, #tpu.memory_space<vmem>>, vector<16xi32>,
    %get3A_143 = arith.constant 0 : i32
    %get3A_144 = arith.constant 0 : i32
    %get3A_145 = arith.index_cast %get3A_143 : i32 to index
    %get3A_146 = arith.index_cast %get3A_144 : i32 to index
    %get3A_147 = arith.constant 64 : index
    %get3A_148 = tpu.vector_load %arg8[%get3A_145, %get3A_146, %get3A_147] {strides = array<i32>} : memref<4x2x128xi32, #tpu.memory_space<vmem>>, vector<16xi32>,
    %min3A_149 = arith.minsi %get3A_148, %broadcast_in_dim3A_3 : vector<16xi32>
    %add3A_150 = vector.broadcast %mul3A_1 : i32 to vector<16xi32>
    %add3A_151 = arith.addi %min3A_149, %add3A_150 : vector<16xi32>
    %swap3A_152 = arith.constant 0 : i32
    %swap3A_153 = arith.index_cast %swap3A_152 : i32 to index
    %swap3A_154 = arith.constant 64 : index
    %swap3A_155 = tpu.vector_load %arg9[%swap3A_153, %swap3A_154] {strides = array<i32>} : memref<4x128xi32, #tpu.memory_space<vmem>>, vector<16xi32>,
    tpu.vector_store %arg9[%swap3A_153, %swap3A_154], %add3A_151 {strides = array<i32>} : memref<4x128xi32, #tpu.memory_space<vmem>>, vector<16xi32>,
    %get3A_156 = arith.constant 0 : i32
    %get3A_157 = arith.constant 0 : i32
    %get3A_158 = arith.index_cast %get3A_156 : i32 to index
    %get3A_159 = arith.index_cast %get3A_157 : i32 to index
    %get3A_160 = arith.constant 80 : index
    %get3A_161 = tpu.vector_load %arg8[%get3A_158, %get3A_159, %get3A_160] {strides = array<i32>} : memref<4x2x128xi32, #tpu.memory_space<vmem>>, vector<16xi32>,
    %min3A_162 = arith.minsi %get3A_161, %broadcast_in_dim3A_3 : vector<16xi32>
    %add3A_163 = vector.broadcast %mul3A_1 : i32 to vector<16xi32>
    %add3A_164 = arith.addi %min3A_162, %add3A_163 : vector<16xi32>
    %swap3A_165 = arith.constant 0 : i32
    %swap3A_166 = arith.index_cast %swap3A_165 : i32 to index
    %swap3A_167 = arith.constant 80 : index
    %swap3A_168 = tpu.vector_load %arg9[%swap3A_166, %swap3A_167] {strides = array<i32>} : memref<4x128xi32, #tpu.memory_space<vmem>>, vector<16xi32>,
    tpu.vector_store %arg9[%swap3A_166, %swap3A_167], %add3A_164 {strides = array<i32>} : memref<4x128xi32, #tpu.memory_space<vmem>>, vector<16xi32>,
    %get3A_169 = arith.constant 0 : i32
    %get3A_170 = arith.constant 0 : i32
    %get3A_171 = arith.index_cast %get3A_169 : i32 to index
    %get3A_172 = arith.index_cast %get3A_170 : i32 to index
    %get3A_173 = arith.constant 96 : index
    %get3A_174 = tpu.vector_load %arg8[%get3A_171, %get3A_172, %get3A_173] {strides = array<i32>} : memref<4x2x128xi32, #tpu.memory_space<vmem>>, vector<16xi32>,
    %min3A_175 = arith.minsi %get3A_174, %broadcast_in_dim3A_3 : vector<16xi32>
    %add3A_176 = vector.broadcast %mul3A_1 : i32 to vector<16xi32>
    %add3A_177 = arith.addi %min3A_175, %add3A_176 : vector<16xi32>
    %swap3A_178 = arith.constant 0 : i32
    %swap3A_179 = arith.index_cast %swap3A_178 : i32 to index
    %swap3A_180 = arith.constant 96 : index
    %swap3A_181 = tpu.vector_load %arg9[%swap3A_179, %swap3A_180] {strides = array<i32>} : memref<4x128xi32, #tpu.memory_space<vmem>>, vector<16xi32>,
    tpu.vector_store %arg9[%swap3A_179, %swap3A_180], %add3A_177 {strides = array<i32>} : memref<4x128xi32, #tpu.memory_space<vmem>>, vector<16xi32>,
    %get3A_182 = arith.constant 0 : i32
    %get3A_183 = arith.constant 0 : i32
    %get3A_184 = arith.index_cast %get3A_182 : i32 to index
    %get3A_185 = arith.index_cast %get3A_183 : i32 to index
    %get3A_186 = arith.constant 112 : index
    %get3A_187 = tpu.vector_load %arg8[%get3A_184, %get3A_185, %get3A_186] {strides = array<i32>} : memref<4x2x128xi32, #tpu.memory_space<vmem>>, vector<16xi32>,
    %min3A_188 = arith.minsi %get3A_187, %broadcast_in_dim3A_3 : vector<16xi32>
    %add3A_189 = vector.broadcast %mul3A_1 : i32 to vector<16xi32>
    %add3A_190 = arith.addi %min3A_188, %add3A_189 : vector<16xi32>
    %swap3A_191 = arith.constant 0 : i32
    %swap3A_192 = arith.index_cast %swap3A_191 : i32 to index
    %swap3A_193 = arith.constant 112 : index
    %swap3A_194 = tpu.vector_load %arg9[%swap3A_192, %swap3A_193] {strides = array<i32>} : memref<4x128xi32, #tpu.memory_space<vmem>>, vector<16xi32>,
    tpu.vector_store %arg9[%swap3A_192, %swap3A_193], %add3A_190 {strides = array<i32>} : memref<4x128xi32, #tpu.memory_space<vmem>>, vector<16xi32>,
    %dma_start3A_195 = arith.constant 0 : i32
    %dma_start3A_196 = arith.constant 0 : i32
    %dma_start3A_197 = arith.constant 0 : i32
    %dma_start3A_198 = arith.constant 0 : i32
    %dma_start3A_199 = tpu.memref_slice %arg12[%dma_start3A_196, %dma_start3A_197, %dma_start3A_198] : memref<2x128x64xbf16, #tpu.memory_space<vmem>> -> memref<1x128x64xbf16, #tpu.memory_space<vmem>>
    %dma_start3A_200 = tpu.memref_squeeze %dma_start3A_199 : memref<1x128x64xbf16, #tpu.memory_space<vmem>> -> memref<128x64xbf16, #tpu.memory_space<vmem>>
    %dma_start3A_201 = arith.constant 0 : i32
    %dma_start3A_202 = tpu.memref_slice %arg9[%dma_start3A_195, %dma_start3A_201] : memref<4x128xi32, #tpu.memory_space<vmem>> -> memref<1x128xi32, #tpu.memory_space<vmem>>
    %dma_start3A_203 = tpu.memref_squeeze %dma_start3A_202 : memref<1x128xi32, #tpu.memory_space<vmem>> -> memref<128xi32, #tpu.memory_space<vmem>>
    %dma_start3A_204 = arith.constant 0 : i32
    %dma_start3A_205 = arith.constant 0 : i32
    %dma_start3A_206 = tpu.memref_slice %arg5[%dma_start3A_204, %dma_start3A_205] : memref<20000x64xbf16, #tpu.memory_space<hbm>> -> memref<20000x64xbf16, #tpu.memory_space<hbm>>
    tpu.enqueue_indirect_dma source(%dma_start3A_206 : memref<20000x64xbf16, #tpu.memory_space<hbm>>) target(%dma_start3A_200 : memref<128x64xbf16, #tpu.memory_space<vmem>>) offsets(%dma_start3A_203 : memref<128xi32, #tpu.memory_space<vmem>>) semaphore(%arg17 : memref<!tpu.dma_semaphore, #tpu.memory_space<semaphore_mem>>)
    %barrier3A = arith.constant 0 : index
    tpu.barrier barrier_id(%barrier3A)
    %scan3A_207 = arith.constant 0 : i32
    %scan3A_208 = arith.constant 40 : i32
    %scan3A_209 = arith.addi %scan3A_207, %scan3A_208 : i32
    %scan3A_210 = arith.constant 1 : i32
    scf.for %scan3A_293 = %scan3A_207 to %scan3A_209 step %scan3A_210  : i32 {
      %mul3A_294 = arith.constant 4 : i32
      %mul3A_295 = arith.muli %mul3A_294, %scan3A_293 : i32
      %add3A_296 = arith.constant 0 : i32
      %add3A_297 = arith.addi %mul3A_295, %add3A_296 : i32
      %add3A_298 = arith.constant 1 : i32
      %add3A_299 = arith.addi %add3A_297, %add3A_298 : i32
      %lt3A = arith.constant 160 : i32
      %lt3A_300 = arith.cmpi slt, %add3A_299, %lt3A : i32
      %convert_element_type3A_301 = arith.extui %lt3A_300 : i1 to i32
      %cond3A_302 = arith.constant 0 : i32
      %cond3A_303 = arith.cmpi ne, %convert_element_type3A_301, %cond3A_302 : i32
      scf.if %cond3A_303 {
        %add3A_1272 = arith.constant 1 : i32
        %add3A_1273 = arith.addi %add3A_297, %add3A_1272 : i32
        %dma_wait3A_1274 = arith.constant 1 : i32
        %dma_wait3A_1275 = arith.constant 0 : i32
        %dma_wait3A_1276 = arith.constant 0 : i32
        %dma_wait3A_1277 = tpu.memref_slice %arg8[%dma_wait3A_1274, %dma_wait3A_1275, %dma_wait3A_1276] : memref<4x2x128xi32, #tpu.memory_space<vmem>> -> memref<1x2x128xi32, #tpu.memory_space<vmem>>
        %dma_wait3A_1278 = tpu.memref_squeeze %dma_wait3A_1277 : memref<1x2x128xi32, #tpu.memory_space<vmem>> -> memref<2x128xi32, #tpu.memory_space<vmem>>
        %dma_wait3A_1279 = arith.constant 0 : i32
        %dma_wait3A_1280 = arith.constant 0 : i32
        %dma_wait3A_1281 = tpu.memref_slice %arg2[%arg1, %add3A_1273, %dma_wait3A_1279, %dma_wait3A_1280] : memref<16x160x2x128xi32, #tpu.memory_space<hbm>> -> memref<1x1x2x128xi32, #tpu.memory_space<hbm>>
        %dma_wait3A_1282 = tpu.memref_squeeze %dma_wait3A_1281 : memref<1x1x2x128xi32, #tpu.memory_space<hbm>> -> memref<2x128xi32, #tpu.memory_space<hbm>>
        %dma_wait3A_1283 = arith.constant 0 : i32
        %dma_wait3A_1284 = arith.constant 0 : i32
        %dma_wait3A_1285 = tpu.memref_slice %arg8[%dma_wait3A_1274, %dma_wait3A_1283, %dma_wait3A_1284] : memref<4x2x128xi32, #tpu.memory_space<vmem>> -> memref<1x2x128xi32, #tpu.memory_space<vmem>>
        %dma_wait3A_1286 = tpu.memref_squeeze %dma_wait3A_1285 : memref<1x2x128xi32, #tpu.memory_space<vmem>> -> memref<2x128xi32, #tpu.memory_space<vmem>>
        %dma_wait3A_1287 = arith.constant 0 : i32
        %dma_wait3A_1288 = arith.constant 0 : i32
        %dma_wait3A_1289 = tpu.memref_slice %arg2[%arg1, %add3A_1273, %dma_wait3A_1287, %dma_wait3A_1288] : memref<16x160x2x128xi32, #tpu.memory_space<hbm>> -> memref<1x1x2x128xi32, #tpu.memory_space<hbm>>
        %dma_wait3A_1290 = tpu.memref_squeeze %dma_wait3A_1289 : memref<1x1x2x128xi32, #tpu.memory_space<hbm>> -> memref<2x128xi32, #tpu.memory_space<hbm>>
        tpu.wait_dma2 semaphore(%arg21 : memref<!tpu.dma_semaphore, #tpu.memory_space<semaphore_mem>>) src(%dma_wait3A_1290 : memref<2x128xi32, #tpu.memory_space<hbm>>) dst(%dma_wait3A_1286 : memref<2x128xi32, #tpu.memory_space<vmem>>)
        %get3A_1291 = arith.constant 1 : i32
        %get3A_1292 = arith.constant 0 : i32
        %get3A_1293 = arith.index_cast %get3A_1291 : i32 to index
        %get3A_1294 = arith.index_cast %get3A_1292 : i32 to index
        %get3A_1295 = arith.constant 0 : index
        %get3A_1296 = tpu.vector_load %arg8[%get3A_1293, %get3A_1294, %get3A_1295] {strides = array<i32>} : memref<4x2x128xi32, #tpu.memory_space<vmem>>, vector<16xi32>,
        %min3A_1297 = arith.minsi %get3A_1296, %broadcast_in_dim3A_3 : vector<16xi32>
        %add3A_1298 = vector.broadcast %mul3A_1 : i32 to vector<16xi32>
        %add3A_1299 = arith.addi %min3A_1297, %add3A_1298 : vector<16xi32>
        %swap3A_1300 = arith.constant 1 : i32
        %swap3A_1301 = arith.index_cast %swap3A_1300 : i32 to index
        %swap3A_1302 = arith.constant 0 : index
        %swap3A_1303 = tpu.vector_load %arg9[%swap3A_1301, %swap3A_1302] {strides = array<i32>} : memref<4x128xi32, #tpu.memory_space<vmem>>, vector<16xi32>,
        tpu.vector_store %arg9[%swap3A_1301, %swap3A_1302], %add3A_1299 {strides = array<i32>} : memref<4x128xi32, #tpu.memory_space<vmem>>, vector<16xi32>,
        %get3A_1304 = arith.constant 1 : i32
        %get3A_1305 = arith.constant 0 : i32
        %get3A_1306 = arith.index_cast %get3A_1304 : i32 to index
        %get3A_1307 = arith.index_cast %get3A_1305 : i32 to index
        %get3A_1308 = arith.constant 16 : index
        %get3A_1309 = tpu.vector_load %arg8[%get3A_1306, %get3A_1307, %get3A_1308] {strides = array<i32>} : memref<4x2x128xi32, #tpu.memory_space<vmem>>, vector<16xi32>,
        %min3A_1310 = arith.minsi %get3A_1309, %broadcast_in_dim3A_3 : vector<16xi32>
        %add3A_1311 = vector.broadcast %mul3A_1 : i32 to vector<16xi32>
        %add3A_1312 = arith.addi %min3A_1310, %add3A_1311 : vector<16xi32>
        %swap3A_1313 = arith.constant 1 : i32
        %swap3A_1314 = arith.index_cast %swap3A_1313 : i32 to index
        %swap3A_1315 = arith.constant 16 : index
        %swap3A_1316 = tpu.vector_load %arg9[%swap3A_1314, %swap3A_1315] {strides = array<i32>} : memref<4x128xi32, #tpu.memory_space<vmem>>, vector<16xi32>,
        tpu.vector_store %arg9[%swap3A_1314, %swap3A_1315], %add3A_1312 {strides = array<i32>} : memref<4x128xi32, #tpu.memory_space<vmem>>, vector<16xi32>,
        %get3A_1317 = arith.constant 1 : i32
        %get3A_1318 = arith.constant 0 : i32
        %get3A_1319 = arith.index_cast %get3A_1317 : i32 to index
        %get3A_1320 = arith.index_cast %get3A_1318 : i32 to index
        %get3A_1321 = arith.constant 32 : index
        %get3A_1322 = tpu.vector_load %arg8[%get3A_1319, %get3A_1320, %get3A_1321] {strides = array<i32>} : memref<4x2x128xi32, #tpu.memory_space<vmem>>, vector<16xi32>,
        %min3A_1323 = arith.minsi %get3A_1322, %broadcast_in_dim3A_3 : vector<16xi32>
        %add3A_1324 = vector.broadcast %mul3A_1 : i32 to vector<16xi32>
        %add3A_1325 = arith.addi %min3A_1323, %add3A_1324 : vector<16xi32>
        %swap3A_1326 = arith.constant 1 : i32
        %swap3A_1327 = arith.index_cast %swap3A_1326 : i32 to index
        %swap3A_1328 = arith.constant 32 : index
        %swap3A_1329 = tpu.vector_load %arg9[%swap3A_1327, %swap3A_1328] {strides = array<i32>} : memref<4x128xi32, #tpu.memory_space<vmem>>, vector<16xi32>,
        tpu.vector_store %arg9[%swap3A_1327, %swap3A_1328], %add3A_1325 {strides = array<i32>} : memref<4x128xi32, #tpu.memory_space<vmem>>, vector<16xi32>,
        %get3A_1330 = arith.constant 1 : i32
        %get3A_1331 = arith.constant 0 : i32
        %get3A_1332 = arith.index_cast %get3A_1330 : i32 to index
        %get3A_1333 = arith.index_cast %get3A_1331 : i32 to index
        %get3A_1334 = arith.constant 48 : index
        %get3A_1335 = tpu.vector_load %arg8[%get3A_1332, %get3A_1333, %get3A_1334] {strides = array<i32>} : memref<4x2x128xi32, #tpu.memory_space<vmem>>, vector<16xi32>,
        %min3A_1336 = arith.minsi %get3A_1335, %broadcast_in_dim3A_3 : vector<16xi32>
        %add3A_1337 = vector.broadcast %mul3A_1 : i32 to vector<16xi32>
        %add3A_1338 = arith.addi %min3A_1336, %add3A_1337 : vector<16xi32>
        %swap3A_1339 = arith.constant 1 : i32
        %swap3A_1340 = arith.index_cast %swap3A_1339 : i32 to index
        %swap3A_1341 = arith.constant 48 : index
        %swap3A_1342 = tpu.vector_load %arg9[%swap3A_1340, %swap3A_1341] {strides = array<i32>} : memref<4x128xi32, #tpu.memory_space<vmem>>, vector<16xi32>,
        tpu.vector_store %arg9[%swap3A_1340, %swap3A_1341], %add3A_1338 {strides = array<i32>} : memref<4x128xi32, #tpu.memory_space<vmem>>, vector<16xi32>,
        %get3A_1343 = arith.constant 1 : i32
        %get3A_1344 = arith.constant 0 : i32
        %get3A_1345 = arith.index_cast %get3A_1343 : i32 to index
        %get3A_1346 = arith.index_cast %get3A_1344 : i32 to index
        %get3A_1347 = arith.constant 64 : index
        %get3A_1348 = tpu.vector_load %arg8[%get3A_1345, %get3A_1346, %get3A_1347] {strides = array<i32>} : memref<4x2x128xi32, #tpu.memory_space<vmem>>, vector<16xi32>,
        %min3A_1349 = arith.minsi %get3A_1348, %broadcast_in_dim3A_3 : vector<16xi32>
        %add3A_1350 = vector.broadcast %mul3A_1 : i32 to vector<16xi32>
        %add3A_1351 = arith.addi %min3A_1349, %add3A_1350 : vector<16xi32>
        %swap3A_1352 = arith.constant 1 : i32
        %swap3A_1353 = arith.index_cast %swap3A_1352 : i32 to index
        %swap3A_1354 = arith.constant 64 : index
        %swap3A_1355 = tpu.vector_load %arg9[%swap3A_1353, %swap3A_1354] {strides = array<i32>} : memref<4x128xi32, #tpu.memory_space<vmem>>, vector<16xi32>,
        tpu.vector_store %arg9[%swap3A_1353, %swap3A_1354], %add3A_1351 {strides = array<i32>} : memref<4x128xi32, #tpu.memory_space<vmem>>, vector<16xi32>,
        %get3A_1356 = arith.constant 1 : i32
        %get3A_1357 = arith.constant 0 : i32
        %get3A_1358 = arith.index_cast %get3A_1356 : i32 to index
        %get3A_1359 = arith.index_cast %get3A_1357 : i32 to index
        %get3A_1360 = arith.constant 80 : index
        %get3A_1361 = tpu.vector_load %arg8[%get3A_1358, %get3A_1359, %get3A_1360] {strides = array<i32>} : memref<4x2x128xi32, #tpu.memory_space<vmem>>, vector<16xi32>,
        %min3A_1362 = arith.minsi %get3A_1361, %broadcast_in_dim3A_3 : vector<16xi32>
        %add3A_1363 = vector.broadcast %mul3A_1 : i32 to vector<16xi32>
        %add3A_1364 = arith.addi %min3A_1362, %add3A_1363 : vector<16xi32>
        %swap3A_1365 = arith.constant 1 : i32
        %swap3A_1366 = arith.index_cast %swap3A_1365 : i32 to index
        %swap3A_1367 = arith.constant 80 : index
        %swap3A_1368 = tpu.vector_load %arg9[%swap3A_1366, %swap3A_1367] {strides = array<i32>} : memref<4x128xi32, #tpu.memory_space<vmem>>, vector<16xi32>,
        tpu.vector_store %arg9[%swap3A_1366, %swap3A_1367], %add3A_1364 {strides = array<i32>} : memref<4x128xi32, #tpu.memory_space<vmem>>, vector<16xi32>,
        %get3A_1369 = arith.constant 1 : i32
        %get3A_1370 = arith.constant 0 : i32
        %get3A_1371 = arith.index_cast %get3A_1369 : i32 to index
        %get3A_1372 = arith.index_cast %get3A_1370 : i32 to index
        %get3A_1373 = arith.constant 96 : index
        %get3A_1374 = tpu.vector_load %arg8[%get3A_1371, %get3A_1372, %get3A_1373] {strides = array<i32>} : memref<4x2x128xi32, #tpu.memory_space<vmem>>, vector<16xi32>,
        %min3A_1375 = arith.minsi %get3A_1374, %broadcast_in_dim3A_3 : vector<16xi32>
        %add3A_1376 = vector.broadcast %mul3A_1 : i32 to vector<16xi32>
        %add3A_1377 = arith.addi %min3A_1375, %add3A_1376 : vector<16xi32>
        %swap3A_1378 = arith.constant 1 : i32
        %swap3A_1379 = arith.index_cast %swap3A_1378 : i32 to index
        %swap3A_1380 = arith.constant 96 : index
        %swap3A_1381 = tpu.vector_load %arg9[%swap3A_1379, %swap3A_1380] {strides = array<i32>} : memref<4x128xi32, #tpu.memory_space<vmem>>, vector<16xi32>,
        tpu.vector_store %arg9[%swap3A_1379, %swap3A_1380], %add3A_1377 {strides = array<i32>} : memref<4x128xi32, #tpu.memory_space<vmem>>, vector<16xi32>,
        %get3A_1382 = arith.constant 1 : i32
        %get3A_1383 = arith.constant 0 : i32
        %get3A_1384 = arith.index_cast %get3A_1382 : i32 to index
        %get3A_1385 = arith.index_cast %get3A_1383 : i32 to index
        %get3A_1386 = arith.constant 112 : index
        %get3A_1387 = tpu.vector_load %arg8[%get3A_1384, %get3A_1385, %get3A_1386] {strides = array<i32>} : memref<4x2x128xi32, #tpu.memory_space<vmem>>, vector<16xi32>,
        %min3A_1388 = arith.minsi %get3A_1387, %broadcast_in_dim3A_3 : vector<16xi32>
        %add3A_1389 = vector.broadcast %mul3A_1 : i32 to vector<16xi32>
        %add3A_1390 = arith.addi %min3A_1388, %add3A_1389 : vector<16xi32>
        %swap3A_1391 = arith.constant 1 : i32
        %swap3A_1392 = arith.index_cast %swap3A_1391 : i32 to index
        %swap3A_1393 = arith.constant 112 : index
        %swap3A_1394 = tpu.vector_load %arg9[%swap3A_1392, %swap3A_1393] {strides = array<i32>} : memref<4x128xi32, #tpu.memory_space<vmem>>, vector<16xi32>,
        tpu.vector_store %arg9[%swap3A_1392, %swap3A_1393], %add3A_1390 {strides = array<i32>} : memref<4x128xi32, #tpu.memory_space<vmem>>, vector<16xi32>,
        %dma_start3A_1395 = arith.constant 1 : i32
        %dma_start3A_1396 = arith.constant 1 : i32
        %dma_start3A_1397 = arith.constant 0 : i32
        %dma_start3A_1398 = arith.constant 0 : i32
        %dma_start3A_1399 = tpu.memref_slice %arg12[%dma_start3A_1396, %dma_start3A_1397, %dma_start3A_1398] : memref<2x128x64xbf16, #tpu.memory_space<vmem>> -> memref<1x128x64xbf16, #tpu.memory_space<vmem>>
        %dma_start3A_1400 = tpu.memref_squeeze %dma_start3A_1399 : memref<1x128x64xbf16, #tpu.memory_space<vmem>> -> memref<128x64xbf16, #tpu.memory_space<vmem>>
        %dma_start3A_1401 = arith.constant 0 : i32
        %dma_start3A_1402 = tpu.memref_slice %arg9[%dma_start3A_1395, %dma_start3A_1401] : memref<4x128xi32, #tpu.memory_space<vmem>> -> memref<1x128xi32, #tpu.memory_space<vmem>>
        %dma_start3A_1403 = tpu.memref_squeeze %dma_start3A_1402 : memref<1x128xi32, #tpu.memory_space<vmem>> -> memref<128xi32, #tpu.memory_space<vmem>>
        %dma_start3A_1404 = arith.constant 0 : i32
        %dma_start3A_1405 = arith.constant 0 : i32
        %dma_start3A_1406 = tpu.memref_slice %arg5[%dma_start3A_1404, %dma_start3A_1405] : memref<20000x64xbf16, #tpu.memory_space<hbm>> -> memref<20000x64xbf16, #tpu.memory_space<hbm>>
        tpu.enqueue_indirect_dma source(%dma_start3A_1406 : memref<20000x64xbf16, #tpu.memory_space<hbm>>) target(%dma_start3A_1400 : memref<128x64xbf16, #tpu.memory_space<vmem>>) offsets(%dma_start3A_1403 : memref<128xi32, #tpu.memory_space<vmem>>) semaphore(%arg18 : memref<!tpu.dma_semaphore, #tpu.memory_space<semaphore_mem>>)
      } else {
      }
      %get3A_304 = arith.constant 0 : i32
      %get3A_305 = arith.constant 0 : i32
      %get3A_306 = arith.index_cast %get3A_304 : i32 to index
      %get3A_307 = arith.index_cast %get3A_305 : i32 to index
      %get3A_308 = arith.constant 0 : index
      %get3A_309 = tpu.vector_load %arg8[%get3A_306, %get3A_307, %get3A_308] {strides = array<i32>} : memref<4x2x128xi32, #tpu.memory_space<vmem>>, vector<16xi32>,
      %get3A_310 = arith.constant 0 : i32
      %get3A_311 = arith.constant 1 : i32
      %get3A_312 = arith.index_cast %get3A_310 : i32 to index
      %get3A_313 = arith.index_cast %get3A_311 : i32 to index
      %get3A_314 = arith.constant 0 : index
      %get3A_315 = tpu.vector_load %arg8[%get3A_312, %get3A_313, %get3A_314] {strides = array<i32>} : memref<4x2x128xi32, #tpu.memory_space<vmem>>, vector<16xi32>,
      %gather3A = tpu.vector_load_idx %arg10[%get3A_309] : memref<10016xf32, #tpu.memory_space<vmem>>[vector<16xi32>], vector<16xf32>,
      %gather3A_316 = tpu.vector_load_idx %arg11[%get3A_315] : memref<10016xf32, #tpu.memory_space<vmem>>[vector<16xi32>], vector<16xf32>,
      %add3A_317 = arith.addf %gather3A, %gather3A_316 : vector<16xf32>
      %ge3A = arith.constant 0.000000e+00 : f32
      %ge3A_318 = vector.broadcast %ge3A : f32 to vector<16xf32>
      %ge3A_319 = arith.cmpf oge, %add3A_317, %ge3A_318 : vector<16xf32>
      %mul3A_320 = arith.constant 2.000000e-01 : f32
      %mul3A_321 = vector.broadcast %mul3A_320 : f32 to vector<16xf32>
      %mul3A_322 = arith.mulf %mul3A_321, %add3A_317 : vector<16xf32>
      %select_n3A = arith.select %ge3A_319, %add3A_317, %mul3A_322 : vector<16xi1>, vector<16xf32>
      %exp3A = math.exp %select_n3A : vector<16xf32>
      %swap3A_323 = arith.constant 0 : index
      %swap3A_324 = tpu.vector_load %arg14[%swap3A_323] {strides = array<i32>} : memref<128xf32, #tpu.memory_space<vmem>>, vector<16xf32>,
      tpu.vector_store %arg14[%swap3A_323], %exp3A {strides = array<i32>} : memref<128xf32, #tpu.memory_space<vmem>>, vector<16xf32>,
      tpu.vector_store_idx %arg15[%get3A_315], %exp3A {add = true} : memref<10016xf32, #tpu.memory_space<vmem>>[vector<16xi32>], vector<16xf32>,
      %get3A_325 = arith.constant 0 : i32
      %get3A_326 = arith.constant 0 : i32
      %get3A_327 = arith.index_cast %get3A_325 : i32 to index
      %get3A_328 = arith.index_cast %get3A_326 : i32 to index
      %get3A_329 = arith.constant 16 : index
      %get3A_330 = tpu.vector_load %arg8[%get3A_327, %get3A_328, %get3A_329] {strides = array<i32>} : memref<4x2x128xi32, #tpu.memory_space<vmem>>, vector<16xi32>,
      %get3A_331 = arith.constant 0 : i32
      %get3A_332 = arith.constant 1 : i32
      %get3A_333 = arith.index_cast %get3A_331 : i32 to index
      %get3A_334 = arith.index_cast %get3A_332 : i32 to index
      %get3A_335 = arith.constant 16 : index
      %get3A_336 = tpu.vector_load %arg8[%get3A_333, %get3A_334, %get3A_335] {strides = array<i32>} : memref<4x2x128xi32, #tpu.memory_space<vmem>>, vector<16xi32>,
      %gather3A_337 = tpu.vector_load_idx %arg10[%get3A_330] : memref<10016xf32, #tpu.memory_space<vmem>>[vector<16xi32>], vector<16xf32>,
      %gather3A_338 = tpu.vector_load_idx %arg11[%get3A_336] : memref<10016xf32, #tpu.memory_space<vmem>>[vector<16xi32>], vector<16xf32>,
      %add3A_339 = arith.addf %gather3A_337, %gather3A_338 : vector<16xf32>
      %ge3A_340 = arith.constant 0.000000e+00 : f32
      %ge3A_341 = vector.broadcast %ge3A_340 : f32 to vector<16xf32>
      %ge3A_342 = arith.cmpf oge, %add3A_339, %ge3A_341 : vector<16xf32>
      %mul3A_343 = arith.constant 2.000000e-01 : f32
      %mul3A_344 = vector.broadcast %mul3A_343 : f32 to vector<16xf32>
      %mul3A_345 = arith.mulf %mul3A_344, %add3A_339 : vector<16xf32>
      %select_n3A_346 = arith.select %ge3A_342, %add3A_339, %mul3A_345 : vector<16xi1>, vector<16xf32>
      %exp3A_347 = math.exp %select_n3A_346 : vector<16xf32>
      %swap3A_348 = arith.constant 16 : index
      %swap3A_349 = tpu.vector_load %arg14[%swap3A_348] {strides = array<i32>} : memref<128xf32, #tpu.memory_space<vmem>>, vector<16xf32>,
      tpu.vector_store %arg14[%swap3A_348], %exp3A_347 {strides = array<i32>} : memref<128xf32, #tpu.memory_space<vmem>>, vector<16xf32>,
      tpu.vector_store_idx %arg15[%get3A_336], %exp3A_347 {add = true} : memref<10016xf32, #tpu.memory_space<vmem>>[vector<16xi32>], vector<16xf32>,
      %get3A_350 = arith.constant 0 : i32
      %get3A_351 = arith.constant 0 : i32
      %get3A_352 = arith.index_cast %get3A_350 : i32 to index
      %get3A_353 = arith.index_cast %get3A_351 : i32 to index
      %get3A_354 = arith.constant 32 : index
      %get3A_355 = tpu.vector_load %arg8[%get3A_352, %get3A_353, %get3A_354] {strides = array<i32>} : memref<4x2x128xi32, #tpu.memory_space<vmem>>, vector<16xi32>,
      %get3A_356 = arith.constant 0 : i32
      %get3A_357 = arith.constant 1 : i32
      %get3A_358 = arith.index_cast %get3A_356 : i32 to index
      %get3A_359 = arith.index_cast %get3A_357 : i32 to index
      %get3A_360 = arith.constant 32 : index
      %get3A_361 = tpu.vector_load %arg8[%get3A_358, %get3A_359, %get3A_360] {strides = array<i32>} : memref<4x2x128xi32, #tpu.memory_space<vmem>>, vector<16xi32>,
      %gather3A_362 = tpu.vector_load_idx %arg10[%get3A_355] : memref<10016xf32, #tpu.memory_space<vmem>>[vector<16xi32>], vector<16xf32>,
      %gather3A_363 = tpu.vector_load_idx %arg11[%get3A_361] : memref<10016xf32, #tpu.memory_space<vmem>>[vector<16xi32>], vector<16xf32>,
      %add3A_364 = arith.addf %gather3A_362, %gather3A_363 : vector<16xf32>
      %ge3A_365 = arith.constant 0.000000e+00 : f32
      %ge3A_366 = vector.broadcast %ge3A_365 : f32 to vector<16xf32>
      %ge3A_367 = arith.cmpf oge, %add3A_364, %ge3A_366 : vector<16xf32>
      %mul3A_368 = arith.constant 2.000000e-01 : f32
      %mul3A_369 = vector.broadcast %mul3A_368 : f32 to vector<16xf32>
      %mul3A_370 = arith.mulf %mul3A_369, %add3A_364 : vector<16xf32>
      %select_n3A_371 = arith.select %ge3A_367, %add3A_364, %mul3A_370 : vector<16xi1>, vector<16xf32>
      %exp3A_372 = math.exp %select_n3A_371 : vector<16xf32>
      %swap3A_373 = arith.constant 32 : index
      %swap3A_374 = tpu.vector_load %arg14[%swap3A_373] {strides = array<i32>} : memref<128xf32, #tpu.memory_space<vmem>>, vector<16xf32>,
      tpu.vector_store %arg14[%swap3A_373], %exp3A_372 {strides = array<i32>} : memref<128xf32, #tpu.memory_space<vmem>>, vector<16xf32>,
      tpu.vector_store_idx %arg15[%get3A_361], %exp3A_372 {add = true} : memref<10016xf32, #tpu.memory_space<vmem>>[vector<16xi32>], vector<16xf32>,
      %get3A_375 = arith.constant 0 : i32
      %get3A_376 = arith.constant 0 : i32
      %get3A_377 = arith.index_cast %get3A_375 : i32 to index
      %get3A_378 = arith.index_cast %get3A_376 : i32 to index
      %get3A_379 = arith.constant 48 : index
      %get3A_380 = tpu.vector_load %arg8[%get3A_377, %get3A_378, %get3A_379] {strides = array<i32>} : memref<4x2x128xi32, #tpu.memory_space<vmem>>, vector<16xi32>,
      %get3A_381 = arith.constant 0 : i32
      %get3A_382 = arith.constant 1 : i32
      %get3A_383 = arith.index_cast %get3A_381 : i32 to index
      %get3A_384 = arith.index_cast %get3A_382 : i32 to index
      %get3A_385 = arith.constant 48 : index
      %get3A_386 = tpu.vector_load %arg8[%get3A_383, %get3A_384, %get3A_385] {strides = array<i32>} : memref<4x2x128xi32, #tpu.memory_space<vmem>>, vector<16xi32>,
      %gather3A_387 = tpu.vector_load_idx %arg10[%get3A_380] : memref<10016xf32, #tpu.memory_space<vmem>>[vector<16xi32>], vector<16xf32>,
      %gather3A_388 = tpu.vector_load_idx %arg11[%get3A_386] : memref<10016xf32, #tpu.memory_space<vmem>>[vector<16xi32>], vector<16xf32>,
      %add3A_389 = arith.addf %gather3A_387, %gather3A_388 : vector<16xf32>
      %ge3A_390 = arith.constant 0.000000e+00 : f32
      %ge3A_391 = vector.broadcast %ge3A_390 : f32 to vector<16xf32>
      %ge3A_392 = arith.cmpf oge, %add3A_389, %ge3A_391 : vector<16xf32>
      %mul3A_393 = arith.constant 2.000000e-01 : f32
      %mul3A_394 = vector.broadcast %mul3A_393 : f32 to vector<16xf32>
      %mul3A_395 = arith.mulf %mul3A_394, %add3A_389 : vector<16xf32>
      %select_n3A_396 = arith.select %ge3A_392, %add3A_389, %mul3A_395 : vector<16xi1>, vector<16xf32>
      %exp3A_397 = math.exp %select_n3A_396 : vector<16xf32>
      %swap3A_398 = arith.constant 48 : index
      %swap3A_399 = tpu.vector_load %arg14[%swap3A_398] {strides = array<i32>} : memref<128xf32, #tpu.memory_space<vmem>>, vector<16xf32>,
      tpu.vector_store %arg14[%swap3A_398], %exp3A_397 {strides = array<i32>} : memref<128xf32, #tpu.memory_space<vmem>>, vector<16xf32>,
      tpu.vector_store_idx %arg15[%get3A_386], %exp3A_397 {add = true} : memref<10016xf32, #tpu.memory_space<vmem>>[vector<16xi32>], vector<16xf32>,
      %get3A_400 = arith.constant 0 : i32
      %get3A_401 = arith.constant 0 : i32
      %get3A_402 = arith.index_cast %get3A_400 : i32 to index
      %get3A_403 = arith.index_cast %get3A_401 : i32 to index
      %get3A_404 = arith.constant 64 : index
      %get3A_405 = tpu.vector_load %arg8[%get3A_402, %get3A_403, %get3A_404] {strides = array<i32>} : memref<4x2x128xi32, #tpu.memory_space<vmem>>, vector<16xi32>,
      %get3A_406 = arith.constant 0 : i32
      %get3A_407 = arith.constant 1 : i32
      %get3A_408 = arith.index_cast %get3A_406 : i32 to index
      %get3A_409 = arith.index_cast %get3A_407 : i32 to index
      %get3A_410 = arith.constant 64 : index
      %get3A_411 = tpu.vector_load %arg8[%get3A_408, %get3A_409, %get3A_410] {strides = array<i32>} : memref<4x2x128xi32, #tpu.memory_space<vmem>>, vector<16xi32>,
      %gather3A_412 = tpu.vector_load_idx %arg10[%get3A_405] : memref<10016xf32, #tpu.memory_space<vmem>>[vector<16xi32>], vector<16xf32>,
      %gather3A_413 = tpu.vector_load_idx %arg11[%get3A_411] : memref<10016xf32, #tpu.memory_space<vmem>>[vector<16xi32>], vector<16xf32>,
      %add3A_414 = arith.addf %gather3A_412, %gather3A_413 : vector<16xf32>
      %ge3A_415 = arith.constant 0.000000e+00 : f32
      %ge3A_416 = vector.broadcast %ge3A_415 : f32 to vector<16xf32>
      %ge3A_417 = arith.cmpf oge, %add3A_414, %ge3A_416 : vector<16xf32>
      %mul3A_418 = arith.constant 2.000000e-01 : f32
      %mul3A_419 = vector.broadcast %mul3A_418 : f32 to vector<16xf32>
      %mul3A_420 = arith.mulf %mul3A_419, %add3A_414 : vector<16xf32>
      %select_n3A_421 = arith.select %ge3A_417, %add3A_414, %mul3A_420 : vector<16xi1>, vector<16xf32>
      %exp3A_422 = math.exp %select_n3A_421 : vector<16xf32>
      %swap3A_423 = arith.constant 64 : index
      %swap3A_424 = tpu.vector_load %arg14[%swap3A_423] {strides = array<i32>} : memref<128xf32, #tpu.memory_space<vmem>>, vector<16xf32>,
      tpu.vector_store %arg14[%swap3A_423], %exp3A_422 {strides = array<i32>} : memref<128xf32, #tpu.memory_space<vmem>>, vector<16xf32>,
      tpu.vector_store_idx %arg15[%get3A_411], %exp3A_422 {add = true} : memref<10016xf32, #tpu.memory_space<vmem>>[vector<16xi32>], vector<16xf32>,
      %get3A_425 = arith.constant 0 : i32
      %get3A_426 = arith.constant 0 : i32
      %get3A_427 = arith.index_cast %get3A_425 : i32 to index
      %get3A_428 = arith.index_cast %get3A_426 : i32 to index
      %get3A_429 = arith.constant 80 : index
      %get3A_430 = tpu.vector_load %arg8[%get3A_427, %get3A_428, %get3A_429] {strides = array<i32>} : memref<4x2x128xi32, #tpu.memory_space<vmem>>, vector<16xi32>,
      %get3A_431 = arith.constant 0 : i32
      %get3A_432 = arith.constant 1 : i32
      %get3A_433 = arith.index_cast %get3A_431 : i32 to index
      %get3A_434 = arith.index_cast %get3A_432 : i32 to index
      %get3A_435 = arith.constant 80 : index
      %get3A_436 = tpu.vector_load %arg8[%get3A_433, %get3A_434, %get3A_435] {strides = array<i32>} : memref<4x2x128xi32, #tpu.memory_space<vmem>>, vector<16xi32>,
      %gather3A_437 = tpu.vector_load_idx %arg10[%get3A_430] : memref<10016xf32, #tpu.memory_space<vmem>>[vector<16xi32>], vector<16xf32>,
      %gather3A_438 = tpu.vector_load_idx %arg11[%get3A_436] : memref<10016xf32, #tpu.memory_space<vmem>>[vector<16xi32>], vector<16xf32>,
      %add3A_439 = arith.addf %gather3A_437, %gather3A_438 : vector<16xf32>
      %ge3A_440 = arith.constant 0.000000e+00 : f32
      %ge3A_441 = vector.broadcast %ge3A_440 : f32 to vector<16xf32>
      %ge3A_442 = arith.cmpf oge, %add3A_439, %ge3A_441 : vector<16xf32>
      %mul3A_443 = arith.constant 2.000000e-01 : f32
      %mul3A_444 = vector.broadcast %mul3A_443 : f32 to vector<16xf32>
      %mul3A_445 = arith.mulf %mul3A_444, %add3A_439 : vector<16xf32>
      %select_n3A_446 = arith.select %ge3A_442, %add3A_439, %mul3A_445 : vector<16xi1>, vector<16xf32>
      %exp3A_447 = math.exp %select_n3A_446 : vector<16xf32>
      %swap3A_448 = arith.constant 80 : index
      %swap3A_449 = tpu.vector_load %arg14[%swap3A_448] {strides = array<i32>} : memref<128xf32, #tpu.memory_space<vmem>>, vector<16xf32>,
      tpu.vector_store %arg14[%swap3A_448], %exp3A_447 {strides = array<i32>} : memref<128xf32, #tpu.memory_space<vmem>>, vector<16xf32>,
      tpu.vector_store_idx %arg15[%get3A_436], %exp3A_447 {add = true} : memref<10016xf32, #tpu.memory_space<vmem>>[vector<16xi32>], vector<16xf32>,
      %get3A_450 = arith.constant 0 : i32
      %get3A_451 = arith.constant 0 : i32
      %get3A_452 = arith.index_cast %get3A_450 : i32 to index
      %get3A_453 = arith.index_cast %get3A_451 : i32 to index
      %get3A_454 = arith.constant 96 : index
      %get3A_455 = tpu.vector_load %arg8[%get3A_452, %get3A_453, %get3A_454] {strides = array<i32>} : memref<4x2x128xi32, #tpu.memory_space<vmem>>, vector<16xi32>,
      %get3A_456 = arith.constant 0 : i32
      %get3A_457 = arith.constant 1 : i32
      %get3A_458 = arith.index_cast %get3A_456 : i32 to index
      %get3A_459 = arith.index_cast %get3A_457 : i32 to index
      %get3A_460 = arith.constant 96 : index
      %get3A_461 = tpu.vector_load %arg8[%get3A_458, %get3A_459, %get3A_460] {strides = array<i32>} : memref<4x2x128xi32, #tpu.memory_space<vmem>>, vector<16xi32>,
      %gather3A_462 = tpu.vector_load_idx %arg10[%get3A_455] : memref<10016xf32, #tpu.memory_space<vmem>>[vector<16xi32>], vector<16xf32>,
      %gather3A_463 = tpu.vector_load_idx %arg11[%get3A_461] : memref<10016xf32, #tpu.memory_space<vmem>>[vector<16xi32>], vector<16xf32>,
      %add3A_464 = arith.addf %gather3A_462, %gather3A_463 : vector<16xf32>
      %ge3A_465 = arith.constant 0.000000e+00 : f32
      %ge3A_466 = vector.broadcast %ge3A_465 : f32 to vector<16xf32>
      %ge3A_467 = arith.cmpf oge, %add3A_464, %ge3A_466 : vector<16xf32>
      %mul3A_468 = arith.constant 2.000000e-01 : f32
      %mul3A_469 = vector.broadcast %mul3A_468 : f32 to vector<16xf32>
      %mul3A_470 = arith.mulf %mul3A_469, %add3A_464 : vector<16xf32>
      %select_n3A_471 = arith.select %ge3A_467, %add3A_464, %mul3A_470 : vector<16xi1>, vector<16xf32>
      %exp3A_472 = math.exp %select_n3A_471 : vector<16xf32>
      %swap3A_473 = arith.constant 96 : index
      %swap3A_474 = tpu.vector_load %arg14[%swap3A_473] {strides = array<i32>} : memref<128xf32, #tpu.memory_space<vmem>>, vector<16xf32>,
      tpu.vector_store %arg14[%swap3A_473], %exp3A_472 {strides = array<i32>} : memref<128xf32, #tpu.memory_space<vmem>>, vector<16xf32>,
      tpu.vector_store_idx %arg15[%get3A_461], %exp3A_472 {add = true} : memref<10016xf32, #tpu.memory_space<vmem>>[vector<16xi32>], vector<16xf32>,
      %get3A_475 = arith.constant 0 : i32
      %get3A_476 = arith.constant 0 : i32
      %get3A_477 = arith.index_cast %get3A_475 : i32 to index
      %get3A_478 = arith.index_cast %get3A_476 : i32 to index
      %get3A_479 = arith.constant 112 : index
      %get3A_480 = tpu.vector_load %arg8[%get3A_477, %get3A_478, %get3A_479] {strides = array<i32>} : memref<4x2x128xi32, #tpu.memory_space<vmem>>, vector<16xi32>,
      %get3A_481 = arith.constant 0 : i32
      %get3A_482 = arith.constant 1 : i32
      %get3A_483 = arith.index_cast %get3A_481 : i32 to index
      %get3A_484 = arith.index_cast %get3A_482 : i32 to index
      %get3A_485 = arith.constant 112 : index
      %get3A_486 = tpu.vector_load %arg8[%get3A_483, %get3A_484, %get3A_485] {strides = array<i32>} : memref<4x2x128xi32, #tpu.memory_space<vmem>>, vector<16xi32>,
      %gather3A_487 = tpu.vector_load_idx %arg10[%get3A_480] : memref<10016xf32, #tpu.memory_space<vmem>>[vector<16xi32>], vector<16xf32>,
      %gather3A_488 = tpu.vector_load_idx %arg11[%get3A_486] : memref<10016xf32, #tpu.memory_space<vmem>>[vector<16xi32>], vector<16xf32>,
      %add3A_489 = arith.addf %gather3A_487, %gather3A_488 : vector<16xf32>
      %ge3A_490 = arith.constant 0.000000e+00 : f32
      %ge3A_491 = vector.broadcast %ge3A_490 : f32 to vector<16xf32>
      %ge3A_492 = arith.cmpf oge, %add3A_489, %ge3A_491 : vector<16xf32>
      %mul3A_493 = arith.constant 2.000000e-01 : f32
      %mul3A_494 = vector.broadcast %mul3A_493 : f32 to vector<16xf32>
      %mul3A_495 = arith.mulf %mul3A_494, %add3A_489 : vector<16xf32>
      %select_n3A_496 = arith.select %ge3A_492, %add3A_489, %mul3A_495 : vector<16xi1>, vector<16xf32>
      %exp3A_497 = math.exp %select_n3A_496 : vector<16xf32>
      %swap3A_498 = arith.constant 112 : index
      %swap3A_499 = tpu.vector_load %arg14[%swap3A_498] {strides = array<i32>} : memref<128xf32, #tpu.memory_space<vmem>>, vector<16xf32>,
      tpu.vector_store %arg14[%swap3A_498], %exp3A_497 {strides = array<i32>} : memref<128xf32, #tpu.memory_space<vmem>>, vector<16xf32>,
      tpu.vector_store_idx %arg15[%get3A_486], %exp3A_497 {add = true} : memref<10016xf32, #tpu.memory_space<vmem>>[vector<16xi32>], vector<16xf32>,
      %ge3A_500 = arith.constant 1 : i32
      %ge3A_501 = arith.cmpi sge, %add3A_297, %ge3A_500 : i32
      %convert_element_type3A_502 = arith.extui %ge3A_501 : i1 to i32
      %cond3A_503 = arith.constant 0 : i32
      %cond3A_504 = arith.cmpi ne, %convert_element_type3A_502, %cond3A_503 : i32
      scf.if %cond3A_504 {
        %dma_wait3A_1272 = arith.constant 3 : i32
        %dma_wait3A_1273 = arith.constant 1 : i32
        %dma_wait3A_1274 = arith.constant 0 : i32
        %dma_wait3A_1275 = tpu.memref_slice %arg8[%dma_wait3A_1272, %dma_wait3A_1273, %dma_wait3A_1274] : memref<4x2x128xi32, #tpu.memory_space<vmem>> -> memref<1x1x128xi32, #tpu.memory_space<vmem>>
        %dma_wait3A_1276 = tpu.memref_squeeze %dma_wait3A_1275 : memref<1x1x128xi32, #tpu.memory_space<vmem>> -> memref<128xi32, #tpu.memory_space<vmem>>
        %dma_wait3A_1277 = arith.constant 0 : i32
        %dma_wait3A_1278 = arith.constant 0 : i32
        %dma_wait3A_1279 = tpu.memref_slice %arg16[%dma_wait3A_1277, %dma_wait3A_1278] : memref<10240x64xf32, #tpu.memory_space<vmem_shared>> -> memref<10240x64xf32, #tpu.memory_space<vmem_shared>>
        tpu.wait_indirect_dma semaphore(%arg19 : memref<!tpu.dma_semaphore, #tpu.memory_space<semaphore_mem>>) src(%arg13 : memref<128x64xf32, #tpu.memory_space<vmem>>) dst(%dma_wait3A_1279 : memref<10240x64xf32, #tpu.memory_space<vmem_shared>>)
      } else {
      }
      %add3A_505 = arith.constant 3 : i32
      %add3A_506 = arith.addi %add3A_297, %add3A_505 : i32
      %lt3A_507 = arith.constant 160 : i32
      %lt3A_508 = arith.cmpi slt, %add3A_506, %lt3A_507 : i32
      %convert_element_type3A_509 = arith.extui %lt3A_508 : i1 to i32
      %cond3A_510 = arith.constant 0 : i32
      %cond3A_511 = arith.cmpi ne, %convert_element_type3A_509, %cond3A_510 : i32
      scf.if %cond3A_511 {
        %add3A_1272 = arith.constant 3 : i32
        %add3A_1273 = arith.addi %add3A_297, %add3A_1272 : i32
        %dma_start3A_1274 = arith.constant 3 : i32
        %dma_start3A_1275 = arith.constant 0 : i32
        %dma_start3A_1276 = arith.constant 0 : i32
        %dma_start3A_1277 = tpu.memref_slice %arg8[%dma_start3A_1274, %dma_start3A_1275, %dma_start3A_1276] : memref<4x2x128xi32, #tpu.memory_space<vmem>> -> memref<1x2x128xi32, #tpu.memory_space<vmem>>
        %dma_start3A_1278 = tpu.memref_squeeze %dma_start3A_1277 : memref<1x2x128xi32, #tpu.memory_space<vmem>> -> memref<2x128xi32, #tpu.memory_space<vmem>>
        %dma_start3A_1279 = arith.constant 0 : i32
        %dma_start3A_1280 = arith.constant 0 : i32
        %dma_start3A_1281 = tpu.memref_slice %arg2[%arg1, %add3A_1273, %dma_start3A_1279, %dma_start3A_1280] : memref<16x160x2x128xi32, #tpu.memory_space<hbm>> -> memref<1x1x2x128xi32, #tpu.memory_space<hbm>>
        %dma_start3A_1282 = tpu.memref_squeeze %dma_start3A_1281 : memref<1x1x2x128xi32, #tpu.memory_space<hbm>> -> memref<2x128xi32, #tpu.memory_space<hbm>>
        %dma_start3A_1283 = arith.constant 0 : i32
        %dma_start3A_1284 = arith.constant 0 : i32
        %dma_start3A_1285 = tpu.memref_slice %arg8[%dma_start3A_1274, %dma_start3A_1283, %dma_start3A_1284] : memref<4x2x128xi32, #tpu.memory_space<vmem>> -> memref<1x2x128xi32, #tpu.memory_space<vmem>>
        %dma_start3A_1286 = tpu.memref_squeeze %dma_start3A_1285 : memref<1x2x128xi32, #tpu.memory_space<vmem>> -> memref<2x128xi32, #tpu.memory_space<vmem>>
        %dma_start3A_1287 = arith.constant 0 : i32
        %dma_start3A_1288 = arith.constant 0 : i32
        %dma_start3A_1289 = tpu.memref_slice %arg2[%arg1, %add3A_1273, %dma_start3A_1287, %dma_start3A_1288] : memref<16x160x2x128xi32, #tpu.memory_space<hbm>> -> memref<1x1x2x128xi32, #tpu.memory_space<hbm>>
        %dma_start3A_1290 = tpu.memref_squeeze %dma_start3A_1289 : memref<1x1x2x128xi32, #tpu.memory_space<hbm>> -> memref<2x128xi32, #tpu.memory_space<hbm>>
        tpu.enqueue_dma source(%dma_start3A_1290 : memref<2x128xi32, #tpu.memory_space<hbm>>) target(%dma_start3A_1286 : memref<2x128xi32, #tpu.memory_space<vmem>>) target_semaphore(%arg23 : memref<!tpu.dma_semaphore, #tpu.memory_space<semaphore_mem>>)
      } else {
      }
      %dma_wait3A_512 = arith.constant 0 : i32
      %dma_wait3A_513 = arith.constant 0 : i32
      %dma_wait3A_514 = arith.constant 0 : i32
      %dma_wait3A_515 = arith.constant 0 : i32
      %dma_wait3A_516 = tpu.memref_slice %arg12[%dma_wait3A_513, %dma_wait3A_514, %dma_wait3A_515] : memref<2x128x64xbf16, #tpu.memory_space<vmem>> -> memref<1x128x64xbf16, #tpu.memory_space<vmem>>
      %dma_wait3A_517 = tpu.memref_squeeze %dma_wait3A_516 : memref<1x128x64xbf16, #tpu.memory_space<vmem>> -> memref<128x64xbf16, #tpu.memory_space<vmem>>
      %dma_wait3A_518 = arith.constant 0 : i32
      %dma_wait3A_519 = tpu.memref_slice %arg9[%dma_wait3A_512, %dma_wait3A_518] : memref<4x128xi32, #tpu.memory_space<vmem>> -> memref<1x128xi32, #tpu.memory_space<vmem>>
      %dma_wait3A_520 = tpu.memref_squeeze %dma_wait3A_519 : memref<1x128xi32, #tpu.memory_space<vmem>> -> memref<128xi32, #tpu.memory_space<vmem>>
      %dma_wait3A_521 = arith.constant 0 : i32
      %dma_wait3A_522 = arith.constant 0 : i32
      %dma_wait3A_523 = tpu.memref_slice %arg5[%dma_wait3A_521, %dma_wait3A_522] : memref<20000x64xbf16, #tpu.memory_space<hbm>> -> memref<20000x64xbf16, #tpu.memory_space<hbm>>
      tpu.wait_indirect_dma semaphore(%arg17 : memref<!tpu.dma_semaphore, #tpu.memory_space<semaphore_mem>>) src(%dma_wait3A_523 : memref<20000x64xbf16, #tpu.memory_space<hbm>>) dst(%dma_wait3A_517 : memref<128x64xbf16, #tpu.memory_space<vmem>>)
      %parallel_loop3A = arith.constant 0 : i32
      %parallel_loop3A_524 = arith.constant 128 : i32
      %parallel_loop3A_525 = arith.constant 1 : i32
      scf.for %parallel_loop3A_1272 = %parallel_loop3A to %parallel_loop3A_524 step %parallel_loop3A_525  : i32 {
        %parallel_loop3A_1273 = vector.broadcast %parallel_loop3A_1272 : i32 to vector<16xi32>
        %parallel_loop3A_1274 = tpu.vector_load_idx %arg14[%parallel_loop3A_1273] : memref<128xf32, #tpu.memory_space<vmem>>[vector<16xi32>], vector<16xf32>,
        %parallel_loop3A_1275 = arith.constant 0 : i32
        %parallel_loop3A_1276 = arith.index_cast %parallel_loop3A_1275 : i32 to index
        %parallel_loop3A_1277 = arith.index_cast %parallel_loop3A_1272 : i32 to index
        %parallel_loop3A_1278 = arith.constant 0 : index
        %parallel_loop3A_1279 = tpu.vector_load %arg12[%parallel_loop3A_1276, %parallel_loop3A_1277, %parallel_loop3A_1278] {strides = array<i32>} : memref<2x128x64xbf16, #tpu.memory_space<vmem>>, vector<32xbf16>,
        %parallel_loop3A_1280 = tpu.unpack_subelements %parallel_loop3A_1279, 0 {pack_format = #tpu.pack_format<interleaved>} : vector<32xbf16> -> vector<16xf32>
        %parallel_loop3A_1281 = tpu.unpack_subelements %parallel_loop3A_1279, 1 {pack_format = #tpu.pack_format<interleaved>} : vector<32xbf16> -> vector<16xf32>
        %parallel_loop3A_1282 = tpu.iota {dimensions = array<i32: 0>} : vector<16xi32>
        %parallel_loop3A_1283 = arith.constant 2 : i32
        %parallel_loop3A_1284 = vector.broadcast %parallel_loop3A_1283 : i32 to vector<16xi32>
        %parallel_loop3A_1285 = arith.muli %parallel_loop3A_1282, %parallel_loop3A_1284 : vector<16xi32>
        %parallel_loop3A_1286 = arith.constant 0 : i32
        %parallel_loop3A_1287 = vector.broadcast %parallel_loop3A_1286 : i32 to vector<16xi32>
        %parallel_loop3A_1288 = arith.addi %parallel_loop3A_1285, %parallel_loop3A_1287 : vector<16xi32>
        %parallel_loop3A_1289 = arith.mulf %parallel_loop3A_1280, %parallel_loop3A_1274 : vector<16xf32>
        tpu.vector_store_idx %arg13[%parallel_loop3A_1273, %parallel_loop3A_1288], %parallel_loop3A_1289 : memref<128x64xf32, #tpu.memory_space<vmem>>[vector<16xi32>, vector<16xi32>], vector<16xf32>,
        %parallel_loop3A_1290 = arith.constant 1 : i32
        %parallel_loop3A_1291 = vector.broadcast %parallel_loop3A_1290 : i32 to vector<16xi32>
        %parallel_loop3A_1292 = arith.addi %parallel_loop3A_1288, %parallel_loop3A_1291 : vector<16xi32>
        %parallel_loop3A_1293 = arith.mulf %parallel_loop3A_1281, %parallel_loop3A_1274 : vector<16xf32>
        tpu.vector_store_idx %arg13[%parallel_loop3A_1273, %parallel_loop3A_1292], %parallel_loop3A_1293 : memref<128x64xf32, #tpu.memory_space<vmem>>[vector<16xi32>, vector<16xi32>], vector<16xf32>,
        %parallel_loop3A_1294 = arith.constant 0 : i32
        %parallel_loop3A_1295 = arith.index_cast %parallel_loop3A_1294 : i32 to index
        %parallel_loop3A_1296 = arith.index_cast %parallel_loop3A_1272 : i32 to index
        %parallel_loop3A_1297 = arith.constant 32 : index
        %parallel_loop3A_1298 = tpu.vector_load %arg12[%parallel_loop3A_1295, %parallel_loop3A_1296, %parallel_loop3A_1297] {strides = array<i32>} : memref<2x128x64xbf16, #tpu.memory_space<vmem>>, vector<32xbf16>,
        %parallel_loop3A_1299 = tpu.unpack_subelements %parallel_loop3A_1298, 0 {pack_format = #tpu.pack_format<interleaved>} : vector<32xbf16> -> vector<16xf32>
        %parallel_loop3A_1300 = tpu.unpack_subelements %parallel_loop3A_1298, 1 {pack_format = #tpu.pack_format<interleaved>} : vector<32xbf16> -> vector<16xf32>
        %parallel_loop3A_1301 = tpu.iota {dimensions = array<i32: 0>} : vector<16xi32>
        %parallel_loop3A_1302 = arith.constant 2 : i32
        %parallel_loop3A_1303 = vector.broadcast %parallel_loop3A_1302 : i32 to vector<16xi32>
        %parallel_loop3A_1304 = arith.muli %parallel_loop3A_1301, %parallel_loop3A_1303 : vector<16xi32>
        %parallel_loop3A_1305 = arith.constant 32 : i32
        %parallel_loop3A_1306 = vector.broadcast %parallel_loop3A_1305 : i32 to vector<16xi32>
        %parallel_loop3A_1307 = arith.addi %parallel_loop3A_1304, %parallel_loop3A_1306 : vector<16xi32>
        %parallel_loop3A_1308 = arith.mulf %parallel_loop3A_1299, %parallel_loop3A_1274 : vector<16xf32>
        tpu.vector_store_idx %arg13[%parallel_loop3A_1273, %parallel_loop3A_1307], %parallel_loop3A_1308 : memref<128x64xf32, #tpu.memory_space<vmem>>[vector<16xi32>, vector<16xi32>], vector<16xf32>,
        %parallel_loop3A_1309 = arith.constant 1 : i32
        %parallel_loop3A_1310 = vector.broadcast %parallel_loop3A_1309 : i32 to vector<16xi32>
        %parallel_loop3A_1311 = arith.addi %parallel_loop3A_1307, %parallel_loop3A_1310 : vector<16xi32>
        %parallel_loop3A_1312 = arith.mulf %parallel_loop3A_1300, %parallel_loop3A_1274 : vector<16xf32>
        tpu.vector_store_idx %arg13[%parallel_loop3A_1273, %parallel_loop3A_1311], %parallel_loop3A_1312 : memref<128x64xf32, #tpu.memory_space<vmem>>[vector<16xi32>, vector<16xi32>], vector<16xf32>,
      } {sc.loop_unroll_factor = 4 : i64, sc.parallel_access}
      %dma_start3A_526 = arith.constant 0 : i32
      %dma_start3A_527 = arith.constant 1 : i32
      %dma_start3A_528 = arith.constant 0 : i32
      %dma_start3A_529 = tpu.memref_slice %arg8[%dma_start3A_526, %dma_start3A_527, %dma_start3A_528] : memref<4x2x128xi32, #tpu.memory_space<vmem>> -> memref<1x1x128xi32, #tpu.memory_space<vmem>>
      %dma_start3A_530 = tpu.memref_squeeze %dma_start3A_529 : memref<1x1x128xi32, #tpu.memory_space<vmem>> -> memref<128xi32, #tpu.memory_space<vmem>>
      %dma_start3A_531 = arith.constant 0 : i32
      %dma_start3A_532 = arith.constant 0 : i32
      %dma_start3A_533 = tpu.memref_slice %arg16[%dma_start3A_531, %dma_start3A_532] : memref<10240x64xf32, #tpu.memory_space<vmem_shared>> -> memref<10240x64xf32, #tpu.memory_space<vmem_shared>>
      tpu.enqueue_indirect_dma source(%arg13 : memref<128x64xf32, #tpu.memory_space<vmem>>) target(%dma_start3A_533 : memref<10240x64xf32, #tpu.memory_space<vmem_shared>>) offsets(%dma_start3A_530 : memref<128xi32, #tpu.memory_space<vmem>>) semaphore(%arg19 : memref<!tpu.dma_semaphore, #tpu.memory_space<semaphore_mem>>) {add = true}
      %mul3A_534 = arith.constant 4 : i32
      %mul3A_535 = arith.muli %mul3A_534, %scan3A_293 : i32
      %add3A_536 = arith.constant 1 : i32
      %add3A_537 = arith.addi %mul3A_535, %add3A_536 : i32
      %add3A_538 = arith.constant 1 : i32
      %add3A_539 = arith.addi %add3A_537, %add3A_538 : i32
      %lt3A_540 = arith.constant 160 : i32
      %lt3A_541 = arith.cmpi slt, %add3A_539, %lt3A_540 : i32
      %convert_element_type3A_542 = arith.extui %lt3A_541 : i1 to i32
      %cond3A_543 = arith.constant 0 : i32
      %cond3A_544 = arith.cmpi ne, %convert_element_type3A_542, %cond3A_543 : i32
      scf.if %cond3A_544 {
        %add3A_1272 = arith.constant 1 : i32
        %add3A_1273 = arith.addi %add3A_537, %add3A_1272 : i32
        %dma_wait3A_1274 = arith.constant 2 : i32
        %dma_wait3A_1275 = arith.constant 0 : i32
        %dma_wait3A_1276 = arith.constant 0 : i32
        %dma_wait3A_1277 = tpu.memref_slice %arg8[%dma_wait3A_1274, %dma_wait3A_1275, %dma_wait3A_1276] : memref<4x2x128xi32, #tpu.memory_space<vmem>> -> memref<1x2x128xi32, #tpu.memory_space<vmem>>
        %dma_wait3A_1278 = tpu.memref_squeeze %dma_wait3A_1277 : memref<1x2x128xi32, #tpu.memory_space<vmem>> -> memref<2x128xi32, #tpu.memory_space<vmem>>
        %dma_wait3A_1279 = arith.constant 0 : i32
        %dma_wait3A_1280 = arith.constant 0 : i32
        %dma_wait3A_1281 = tpu.memref_slice %arg2[%arg1, %add3A_1273, %dma_wait3A_1279, %dma_wait3A_1280] : memref<16x160x2x128xi32, #tpu.memory_space<hbm>> -> memref<1x1x2x128xi32, #tpu.memory_space<hbm>>
        %dma_wait3A_1282 = tpu.memref_squeeze %dma_wait3A_1281 : memref<1x1x2x128xi32, #tpu.memory_space<hbm>> -> memref<2x128xi32, #tpu.memory_space<hbm>>
        %dma_wait3A_1283 = arith.constant 0 : i32
        %dma_wait3A_1284 = arith.constant 0 : i32
        %dma_wait3A_1285 = tpu.memref_slice %arg8[%dma_wait3A_1274, %dma_wait3A_1283, %dma_wait3A_1284] : memref<4x2x128xi32, #tpu.memory_space<vmem>> -> memref<1x2x128xi32, #tpu.memory_space<vmem>>
        %dma_wait3A_1286 = tpu.memref_squeeze %dma_wait3A_1285 : memref<1x2x128xi32, #tpu.memory_space<vmem>> -> memref<2x128xi32, #tpu.memory_space<vmem>>
        %dma_wait3A_1287 = arith.constant 0 : i32
        %dma_wait3A_1288 = arith.constant 0 : i32
        %dma_wait3A_1289 = tpu.memref_slice %arg2[%arg1, %add3A_1273, %dma_wait3A_1287, %dma_wait3A_1288] : memref<16x160x2x128xi32, #tpu.memory_space<hbm>> -> memref<1x1x2x128xi32, #tpu.memory_space<hbm>>
        %dma_wait3A_1290 = tpu.memref_squeeze %dma_wait3A_1289 : memref<1x1x2x128xi32, #tpu.memory_space<hbm>> -> memref<2x128xi32, #tpu.memory_space<hbm>>
        tpu.wait_dma2 semaphore(%arg22 : memref<!tpu.dma_semaphore, #tpu.memory_space<semaphore_mem>>) src(%dma_wait3A_1290 : memref<2x128xi32, #tpu.memory_space<hbm>>) dst(%dma_wait3A_1286 : memref<2x128xi32, #tpu.memory_space<vmem>>)
        %get3A_1291 = arith.constant 2 : i32
        %get3A_1292 = arith.constant 0 : i32
        %get3A_1293 = arith.index_cast %get3A_1291 : i32 to index
        %get3A_1294 = arith.index_cast %get3A_1292 : i32 to index
        %get3A_1295 = arith.constant 0 : index
        %get3A_1296 = tpu.vector_load %arg8[%get3A_1293, %get3A_1294, %get3A_1295] {strides = array<i32>} : memref<4x2x128xi32, #tpu.memory_space<vmem>>, vector<16xi32>,
        %min3A_1297 = arith.minsi %get3A_1296, %broadcast_in_dim3A_3 : vector<16xi32>
        %add3A_1298 = vector.broadcast %mul3A_1 : i32 to vector<16xi32>
        %add3A_1299 = arith.addi %min3A_1297, %add3A_1298 : vector<16xi32>
        %swap3A_1300 = arith.constant 2 : i32
        %swap3A_1301 = arith.index_cast %swap3A_1300 : i32 to index
        %swap3A_1302 = arith.constant 0 : index
        %swap3A_1303 = tpu.vector_load %arg9[%swap3A_1301, %swap3A_1302] {strides = array<i32>} : memref<4x128xi32, #tpu.memory_space<vmem>>, vector<16xi32>,
        tpu.vector_store %arg9[%swap3A_1301, %swap3A_1302], %add3A_1299 {strides = array<i32>} : memref<4x128xi32, #tpu.memory_space<vmem>>, vector<16xi32>,
        %get3A_1304 = arith.constant 2 : i32
        %get3A_1305 = arith.constant 0 : i32
        %get3A_1306 = arith.index_cast %get3A_1304 : i32 to index
        %get3A_1307 = arith.index_cast %get3A_1305 : i32 to index
        %get3A_1308 = arith.constant 16 : index
        %get3A_1309 = tpu.vector_load %arg8[%get3A_1306, %get3A_1307, %get3A_1308] {strides = array<i32>} : memref<4x2x128xi32, #tpu.memory_space<vmem>>, vector<16xi32>,
        %min3A_1310 = arith.minsi %get3A_1309, %broadcast_in_dim3A_3 : vector<16xi32>
        %add3A_1311 = vector.broadcast %mul3A_1 : i32 to vector<16xi32>
        %add3A_1312 = arith.addi %min3A_1310, %add3A_1311 : vector<16xi32>
        %swap3A_1313 = arith.constant 2 : i32
        %swap3A_1314 = arith.index_cast %swap3A_1313 : i32 to index
        %swap3A_1315 = arith.constant 16 : index
        %swap3A_1316 = tpu.vector_load %arg9[%swap3A_1314, %swap3A_1315] {strides = array<i32>} : memref<4x128xi32, #tpu.memory_space<vmem>>, vector<16xi32>,
        tpu.vector_store %arg9[%swap3A_1314, %swap3A_1315], %add3A_1312 {strides = array<i32>} : memref<4x128xi32, #tpu.memory_space<vmem>>, vector<16xi32>,
        %get3A_1317 = arith.constant 2 : i32
        %get3A_1318 = arith.constant 0 : i32
        %get3A_1319 = arith.index_cast %get3A_1317 : i32 to index
        %get3A_1320 = arith.index_cast %get3A_1318 : i32 to index
        %get3A_1321 = arith.constant 32 : index
        %get3A_1322 = tpu.vector_load %arg8[%get3A_1319, %get3A_1320, %get3A_1321] {strides = array<i32>} : memref<4x2x128xi32, #tpu.memory_space<vmem>>, vector<16xi32>,
        %min3A_1323 = arith.minsi %get3A_1322, %broadcast_in_dim3A_3 : vector<16xi32>
        %add3A_1324 = vector.broadcast %mul3A_1 : i32 to vector<16xi32>
        %add3A_1325 = arith.addi %min3A_1323, %add3A_1324 : vector<16xi32>
        %swap3A_1326 = arith.constant 2 : i32
        %swap3A_1327 = arith.index_cast %swap3A_1326 : i32 to index
        %swap3A_1328 = arith.constant 32 : index
        %swap3A_1329 = tpu.vector_load %arg9[%swap3A_1327, %swap3A_1328] {strides = array<i32>} : memref<4x128xi32, #tpu.memory_space<vmem>>, vector<16xi32>,
        tpu.vector_store %arg9[%swap3A_1327, %swap3A_1328], %add3A_1325 {strides = array<i32>} : memref<4x128xi32, #tpu.memory_space<vmem>>, vector<16xi32>,
        %get3A_1330 = arith.constant 2 : i32
        %get3A_1331 = arith.constant 0 : i32
        %get3A_1332 = arith.index_cast %get3A_1330 : i32 to index
        %get3A_1333 = arith.index_cast %get3A_1331 : i32 to index
        %get3A_1334 = arith.constant 48 : index
        %get3A_1335 = tpu.vector_load %arg8[%get3A_1332, %get3A_1333, %get3A_1334] {strides = array<i32>} : memref<4x2x128xi32, #tpu.memory_space<vmem>>, vector<16xi32>,
        %min3A_1336 = arith.minsi %get3A_1335, %broadcast_in_dim3A_3 : vector<16xi32>
        %add3A_1337 = vector.broadcast %mul3A_1 : i32 to vector<16xi32>
        %add3A_1338 = arith.addi %min3A_1336, %add3A_1337 : vector<16xi32>
        %swap3A_1339 = arith.constant 2 : i32
        %swap3A_1340 = arith.index_cast %swap3A_1339 : i32 to index
        %swap3A_1341 = arith.constant 48 : index
        %swap3A_1342 = tpu.vector_load %arg9[%swap3A_1340, %swap3A_1341] {strides = array<i32>} : memref<4x128xi32, #tpu.memory_space<vmem>>, vector<16xi32>,
        tpu.vector_store %arg9[%swap3A_1340, %swap3A_1341], %add3A_1338 {strides = array<i32>} : memref<4x128xi32, #tpu.memory_space<vmem>>, vector<16xi32>,
        %get3A_1343 = arith.constant 2 : i32
        %get3A_1344 = arith.constant 0 : i32
        %get3A_1345 = arith.index_cast %get3A_1343 : i32 to index
        %get3A_1346 = arith.index_cast %get3A_1344 : i32 to index
        %get3A_1347 = arith.constant 64 : index
        %get3A_1348 = tpu.vector_load %arg8[%get3A_1345, %get3A_1346, %get3A_1347] {strides = array<i32>} : memref<4x2x128xi32, #tpu.memory_space<vmem>>, vector<16xi32>,
        %min3A_1349 = arith.minsi %get3A_1348, %broadcast_in_dim3A_3 : vector<16xi32>
        %add3A_1350 = vector.broadcast %mul3A_1 : i32 to vector<16xi32>
        %add3A_1351 = arith.addi %min3A_1349, %add3A_1350 : vector<16xi32>
        %swap3A_1352 = arith.constant 2 : i32
        %swap3A_1353 = arith.index_cast %swap3A_1352 : i32 to index
        %swap3A_1354 = arith.constant 64 : index
        %swap3A_1355 = tpu.vector_load %arg9[%swap3A_1353, %swap3A_1354] {strides = array<i32>} : memref<4x128xi32, #tpu.memory_space<vmem>>, vector<16xi32>,
        tpu.vector_store %arg9[%swap3A_1353, %swap3A_1354], %add3A_1351 {strides = array<i32>} : memref<4x128xi32, #tpu.memory_space<vmem>>, vector<16xi32>,
        %get3A_1356 = arith.constant 2 : i32
        %get3A_1357 = arith.constant 0 : i32
        %get3A_1358 = arith.index_cast %get3A_1356 : i32 to index
        %get3A_1359 = arith.index_cast %get3A_1357 : i32 to index
        %get3A_1360 = arith.constant 80 : index
        %get3A_1361 = tpu.vector_load %arg8[%get3A_1358, %get3A_1359, %get3A_1360] {strides = array<i32>} : memref<4x2x128xi32, #tpu.memory_space<vmem>>, vector<16xi32>,
        %min3A_1362 = arith.minsi %get3A_1361, %broadcast_in_dim3A_3 : vector<16xi32>
        %add3A_1363 = vector.broadcast %mul3A_1 : i32 to vector<16xi32>
        %add3A_1364 = arith.addi %min3A_1362, %add3A_1363 : vector<16xi32>
        %swap3A_1365 = arith.constant 2 : i32
        %swap3A_1366 = arith.index_cast %swap3A_1365 : i32 to index
        %swap3A_1367 = arith.constant 80 : index
        %swap3A_1368 = tpu.vector_load %arg9[%swap3A_1366, %swap3A_1367] {strides = array<i32>} : memref<4x128xi32, #tpu.memory_space<vmem>>, vector<16xi32>,
        tpu.vector_store %arg9[%swap3A_1366, %swap3A_1367], %add3A_1364 {strides = array<i32>} : memref<4x128xi32, #tpu.memory_space<vmem>>, vector<16xi32>,
        %get3A_1369 = arith.constant 2 : i32
        %get3A_1370 = arith.constant 0 : i32
        %get3A_1371 = arith.index_cast %get3A_1369 : i32 to index
        %get3A_1372 = arith.index_cast %get3A_1370 : i32 to index
        %get3A_1373 = arith.constant 96 : index
        %get3A_1374 = tpu.vector_load %arg8[%get3A_1371, %get3A_1372, %get3A_1373] {strides = array<i32>} : memref<4x2x128xi32, #tpu.memory_space<vmem>>, vector<16xi32>,
        %min3A_1375 = arith.minsi %get3A_1374, %broadcast_in_dim3A_3 : vector<16xi32>
        %add3A_1376 = vector.broadcast %mul3A_1 : i32 to vector<16xi32>
        %add3A_1377 = arith.addi %min3A_1375, %add3A_1376 : vector<16xi32>
        %swap3A_1378 = arith.constant 2 : i32
        %swap3A_1379 = arith.index_cast %swap3A_1378 : i32 to index
        %swap3A_1380 = arith.constant 96 : index
        %swap3A_1381 = tpu.vector_load %arg9[%swap3A_1379, %swap3A_1380] {strides = array<i32>} : memref<4x128xi32, #tpu.memory_space<vmem>>, vector<16xi32>,
        tpu.vector_store %arg9[%swap3A_1379, %swap3A_1380], %add3A_1377 {strides = array<i32>} : memref<4x128xi32, #tpu.memory_space<vmem>>, vector<16xi32>,
        %get3A_1382 = arith.constant 2 : i32
        %get3A_1383 = arith.constant 0 : i32
        %get3A_1384 = arith.index_cast %get3A_1382 : i32 to index
        %get3A_1385 = arith.index_cast %get3A_1383 : i32 to index
        %get3A_1386 = arith.constant 112 : index
        %get3A_1387 = tpu.vector_load %arg8[%get3A_1384, %get3A_1385, %get3A_1386] {strides = array<i32>} : memref<4x2x128xi32, #tpu.memory_space<vmem>>, vector<16xi32>,
        %min3A_1388 = arith.minsi %get3A_1387, %broadcast_in_dim3A_3 : vector<16xi32>
        %add3A_1389 = vector.broadcast %mul3A_1 : i32 to vector<16xi32>
        %add3A_1390 = arith.addi %min3A_1388, %add3A_1389 : vector<16xi32>
        %swap3A_1391 = arith.constant 2 : i32
        %swap3A_1392 = arith.index_cast %swap3A_1391 : i32 to index
        %swap3A_1393 = arith.constant 112 : index
        %swap3A_1394 = tpu.vector_load %arg9[%swap3A_1392, %swap3A_1393] {strides = array<i32>} : memref<4x128xi32, #tpu.memory_space<vmem>>, vector<16xi32>,
        tpu.vector_store %arg9[%swap3A_1392, %swap3A_1393], %add3A_1390 {strides = array<i32>} : memref<4x128xi32, #tpu.memory_space<vmem>>, vector<16xi32>,
        %dma_start3A_1395 = arith.constant 2 : i32
        %dma_start3A_1396 = arith.constant 0 : i32
        %dma_start3A_1397 = arith.constant 0 : i32
        %dma_start3A_1398 = arith.constant 0 : i32
        %dma_start3A_1399 = tpu.memref_slice %arg12[%dma_start3A_1396, %dma_start3A_1397, %dma_start3A_1398] : memref<2x128x64xbf16, #tpu.memory_space<vmem>> -> memref<1x128x64xbf16, #tpu.memory_space<vmem>>
        %dma_start3A_1400 = tpu.memref_squeeze %dma_start3A_1399 : memref<1x128x64xbf16, #tpu.memory_space<vmem>> -> memref<128x64xbf16, #tpu.memory_space<vmem>>
        %dma_start3A_1401 = arith.constant 0 : i32
        %dma_start3A_1402 = tpu.memref_slice %arg9[%dma_start3A_1395, %dma_start3A_1401] : memref<4x128xi32, #tpu.memory_space<vmem>> -> memref<1x128xi32, #tpu.memory_space<vmem>>
        %dma_start3A_1403 = tpu.memref_squeeze %dma_start3A_1402 : memref<1x128xi32, #tpu.memory_space<vmem>> -> memref<128xi32, #tpu.memory_space<vmem>>
        %dma_start3A_1404 = arith.constant 0 : i32
        %dma_start3A_1405 = arith.constant 0 : i32
        %dma_start3A_1406 = tpu.memref_slice %arg5[%dma_start3A_1404, %dma_start3A_1405] : memref<20000x64xbf16, #tpu.memory_space<hbm>> -> memref<20000x64xbf16, #tpu.memory_space<hbm>>
        tpu.enqueue_indirect_dma source(%dma_start3A_1406 : memref<20000x64xbf16, #tpu.memory_space<hbm>>) target(%dma_start3A_1400 : memref<128x64xbf16, #tpu.memory_space<vmem>>) offsets(%dma_start3A_1403 : memref<128xi32, #tpu.memory_space<vmem>>) semaphore(%arg17 : memref<!tpu.dma_semaphore, #tpu.memory_space<semaphore_mem>>)
      } else {
      }
      %get3A_545 = arith.constant 1 : i32
      %get3A_546 = arith.constant 0 : i32
      %get3A_547 = arith.index_cast %get3A_545 : i32 to index
      %get3A_548 = arith.index_cast %get3A_546 : i32 to index
      %get3A_549 = arith.constant 0 : index
      %get3A_550 = tpu.vector_load %arg8[%get3A_547, %get3A_548, %get3A_549] {strides = array<i32>} : memref<4x2x128xi32, #tpu.memory_space<vmem>>, vector<16xi32>,
      %get3A_551 = arith.constant 1 : i32
      %get3A_552 = arith.constant 1 : i32
      %get3A_553 = arith.index_cast %get3A_551 : i32 to index
      %get3A_554 = arith.index_cast %get3A_552 : i32 to index
      %get3A_555 = arith.constant 0 : index
      %get3A_556 = tpu.vector_load %arg8[%get3A_553, %get3A_554, %get3A_555] {strides = array<i32>} : memref<4x2x128xi32, #tpu.memory_space<vmem>>, vector<16xi32>,
      %gather3A_557 = tpu.vector_load_idx %arg10[%get3A_550] : memref<10016xf32, #tpu.memory_space<vmem>>[vector<16xi32>], vector<16xf32>,
      %gather3A_558 = tpu.vector_load_idx %arg11[%get3A_556] : memref<10016xf32, #tpu.memory_space<vmem>>[vector<16xi32>], vector<16xf32>,
      %add3A_559 = arith.addf %gather3A_557, %gather3A_558 : vector<16xf32>
      %ge3A_560 = arith.constant 0.000000e+00 : f32
      %ge3A_561 = vector.broadcast %ge3A_560 : f32 to vector<16xf32>
      %ge3A_562 = arith.cmpf oge, %add3A_559, %ge3A_561 : vector<16xf32>
      %mul3A_563 = arith.constant 2.000000e-01 : f32
      %mul3A_564 = vector.broadcast %mul3A_563 : f32 to vector<16xf32>
      %mul3A_565 = arith.mulf %mul3A_564, %add3A_559 : vector<16xf32>
      %select_n3A_566 = arith.select %ge3A_562, %add3A_559, %mul3A_565 : vector<16xi1>, vector<16xf32>
      %exp3A_567 = math.exp %select_n3A_566 : vector<16xf32>
      %swap3A_568 = arith.constant 0 : index
      %swap3A_569 = tpu.vector_load %arg14[%swap3A_568] {strides = array<i32>} : memref<128xf32, #tpu.memory_space<vmem>>, vector<16xf32>,
      tpu.vector_store %arg14[%swap3A_568], %exp3A_567 {strides = array<i32>} : memref<128xf32, #tpu.memory_space<vmem>>, vector<16xf32>,
      tpu.vector_store_idx %arg15[%get3A_556], %exp3A_567 {add = true} : memref<10016xf32, #tpu.memory_space<vmem>>[vector<16xi32>], vector<16xf32>,
      %get3A_570 = arith.constant 1 : i32
      %get3A_571 = arith.constant 0 : i32
      %get3A_572 = arith.index_cast %get3A_570 : i32 to index
      %get3A_573 = arith.index_cast %get3A_571 : i32 to index
      %get3A_574 = arith.constant 16 : index
      %get3A_575 = tpu.vector_load %arg8[%get3A_572, %get3A_573, %get3A_574] {strides = array<i32>} : memref<4x2x128xi32, #tpu.memory_space<vmem>>, vector<16xi32>,
      %get3A_576 = arith.constant 1 : i32
      %get3A_577 = arith.constant 1 : i32
      %get3A_578 = arith.index_cast %get3A_576 : i32 to index
      %get3A_579 = arith.index_cast %get3A_577 : i32 to index
      %get3A_580 = arith.constant 16 : index
      %get3A_581 = tpu.vector_load %arg8[%get3A_578, %get3A_579, %get3A_580] {strides = array<i32>} : memref<4x2x128xi32, #tpu.memory_space<vmem>>, vector<16xi32>,
      %gather3A_582 = tpu.vector_load_idx %arg10[%get3A_575] : memref<10016xf32, #tpu.memory_space<vmem>>[vector<16xi32>], vector<16xf32>,
      %gather3A_583 = tpu.vector_load_idx %arg11[%get3A_581] : memref<10016xf32, #tpu.memory_space<vmem>>[vector<16xi32>], vector<16xf32>,
      %add3A_584 = arith.addf %gather3A_582, %gather3A_583 : vector<16xf32>
      %ge3A_585 = arith.constant 0.000000e+00 : f32
      %ge3A_586 = vector.broadcast %ge3A_585 : f32 to vector<16xf32>
      %ge3A_587 = arith.cmpf oge, %add3A_584, %ge3A_586 : vector<16xf32>
      %mul3A_588 = arith.constant 2.000000e-01 : f32
      %mul3A_589 = vector.broadcast %mul3A_588 : f32 to vector<16xf32>
      %mul3A_590 = arith.mulf %mul3A_589, %add3A_584 : vector<16xf32>
      %select_n3A_591 = arith.select %ge3A_587, %add3A_584, %mul3A_590 : vector<16xi1>, vector<16xf32>
      %exp3A_592 = math.exp %select_n3A_591 : vector<16xf32>
      %swap3A_593 = arith.constant 16 : index
      %swap3A_594 = tpu.vector_load %arg14[%swap3A_593] {strides = array<i32>} : memref<128xf32, #tpu.memory_space<vmem>>, vector<16xf32>,
      tpu.vector_store %arg14[%swap3A_593], %exp3A_592 {strides = array<i32>} : memref<128xf32, #tpu.memory_space<vmem>>, vector<16xf32>,
      tpu.vector_store_idx %arg15[%get3A_581], %exp3A_592 {add = true} : memref<10016xf32, #tpu.memory_space<vmem>>[vector<16xi32>], vector<16xf32>,
      %get3A_595 = arith.constant 1 : i32
      %get3A_596 = arith.constant 0 : i32
      %get3A_597 = arith.index_cast %get3A_595 : i32 to index
      %get3A_598 = arith.index_cast %get3A_596 : i32 to index
      %get3A_599 = arith.constant 32 : index
      %get3A_600 = tpu.vector_load %arg8[%get3A_597, %get3A_598, %get3A_599] {strides = array<i32>} : memref<4x2x128xi32, #tpu.memory_space<vmem>>, vector<16xi32>,
      %get3A_601 = arith.constant 1 : i32
      %get3A_602 = arith.constant 1 : i32
      %get3A_603 = arith.index_cast %get3A_601 : i32 to index
      %get3A_604 = arith.index_cast %get3A_602 : i32 to index
      %get3A_605 = arith.constant 32 : index
      %get3A_606 = tpu.vector_load %arg8[%get3A_603, %get3A_604, %get3A_605] {strides = array<i32>} : memref<4x2x128xi32, #tpu.memory_space<vmem>>, vector<16xi32>,
      %gather3A_607 = tpu.vector_load_idx %arg10[%get3A_600] : memref<10016xf32, #tpu.memory_space<vmem>>[vector<16xi32>], vector<16xf32>,
      %gather3A_608 = tpu.vector_load_idx %arg11[%get3A_606] : memref<10016xf32, #tpu.memory_space<vmem>>[vector<16xi32>], vector<16xf32>,
      %add3A_609 = arith.addf %gather3A_607, %gather3A_608 : vector<16xf32>
      %ge3A_610 = arith.constant 0.000000e+00 : f32
      %ge3A_611 = vector.broadcast %ge3A_610 : f32 to vector<16xf32>
      %ge3A_612 = arith.cmpf oge, %add3A_609, %ge3A_611 : vector<16xf32>
      %mul3A_613 = arith.constant 2.000000e-01 : f32
      %mul3A_614 = vector.broadcast %mul3A_613 : f32 to vector<16xf32>
      %mul3A_615 = arith.mulf %mul3A_614, %add3A_609 : vector<16xf32>
      %select_n3A_616 = arith.select %ge3A_612, %add3A_609, %mul3A_615 : vector<16xi1>, vector<16xf32>
      %exp3A_617 = math.exp %select_n3A_616 : vector<16xf32>
      %swap3A_618 = arith.constant 32 : index
      %swap3A_619 = tpu.vector_load %arg14[%swap3A_618] {strides = array<i32>} : memref<128xf32, #tpu.memory_space<vmem>>, vector<16xf32>,
      tpu.vector_store %arg14[%swap3A_618], %exp3A_617 {strides = array<i32>} : memref<128xf32, #tpu.memory_space<vmem>>, vector<16xf32>,
      tpu.vector_store_idx %arg15[%get3A_606], %exp3A_617 {add = true} : memref<10016xf32, #tpu.memory_space<vmem>>[vector<16xi32>], vector<16xf32>,
      %get3A_620 = arith.constant 1 : i32
      %get3A_621 = arith.constant 0 : i32
      %get3A_622 = arith.index_cast %get3A_620 : i32 to index
      %get3A_623 = arith.index_cast %get3A_621 : i32 to index
      %get3A_624 = arith.constant 48 : index
      %get3A_625 = tpu.vector_load %arg8[%get3A_622, %get3A_623, %get3A_624] {strides = array<i32>} : memref<4x2x128xi32, #tpu.memory_space<vmem>>, vector<16xi32>,
      %get3A_626 = arith.constant 1 : i32
      %get3A_627 = arith.constant 1 : i32
      %get3A_628 = arith.index_cast %get3A_626 : i32 to index
      %get3A_629 = arith.index_cast %get3A_627 : i32 to index
      %get3A_630 = arith.constant 48 : index
      %get3A_631 = tpu.vector_load %arg8[%get3A_628, %get3A_629, %get3A_630] {strides = array<i32>} : memref<4x2x128xi32, #tpu.memory_space<vmem>>, vector<16xi32>,
      %gather3A_632 = tpu.vector_load_idx %arg10[%get3A_625] : memref<10016xf32, #tpu.memory_space<vmem>>[vector<16xi32>], vector<16xf32>,
      %gather3A_633 = tpu.vector_load_idx %arg11[%get3A_631] : memref<10016xf32, #tpu.memory_space<vmem>>[vector<16xi32>], vector<16xf32>,
      %add3A_634 = arith.addf %gather3A_632, %gather3A_633 : vector<16xf32>
      %ge3A_635 = arith.constant 0.000000e+00 : f32
      %ge3A_636 = vector.broadcast %ge3A_635 : f32 to vector<16xf32>
      %ge3A_637 = arith.cmpf oge, %add3A_634, %ge3A_636 : vector<16xf32>
      %mul3A_638 = arith.constant 2.000000e-01 : f32
      %mul3A_639 = vector.broadcast %mul3A_638 : f32 to vector<16xf32>
      %mul3A_640 = arith.mulf %mul3A_639, %add3A_634 : vector<16xf32>
      %select_n3A_641 = arith.select %ge3A_637, %add3A_634, %mul3A_640 : vector<16xi1>, vector<16xf32>
      %exp3A_642 = math.exp %select_n3A_641 : vector<16xf32>
      %swap3A_643 = arith.constant 48 : index
      %swap3A_644 = tpu.vector_load %arg14[%swap3A_643] {strides = array<i32>} : memref<128xf32, #tpu.memory_space<vmem>>, vector<16xf32>,
      tpu.vector_store %arg14[%swap3A_643], %exp3A_642 {strides = array<i32>} : memref<128xf32, #tpu.memory_space<vmem>>, vector<16xf32>,
      tpu.vector_store_idx %arg15[%get3A_631], %exp3A_642 {add = true} : memref<10016xf32, #tpu.memory_space<vmem>>[vector<16xi32>], vector<16xf32>,
      %get3A_645 = arith.constant 1 : i32
      %get3A_646 = arith.constant 0 : i32
      %get3A_647 = arith.index_cast %get3A_645 : i32 to index
      %get3A_648 = arith.index_cast %get3A_646 : i32 to index
      %get3A_649 = arith.constant 64 : index
      %get3A_650 = tpu.vector_load %arg8[%get3A_647, %get3A_648, %get3A_649] {strides = array<i32>} : memref<4x2x128xi32, #tpu.memory_space<vmem>>, vector<16xi32>,
      %get3A_651 = arith.constant 1 : i32
      %get3A_652 = arith.constant 1 : i32
      %get3A_653 = arith.index_cast %get3A_651 : i32 to index
      %get3A_654 = arith.index_cast %get3A_652 : i32 to index
      %get3A_655 = arith.constant 64 : index
      %get3A_656 = tpu.vector_load %arg8[%get3A_653, %get3A_654, %get3A_655] {strides = array<i32>} : memref<4x2x128xi32, #tpu.memory_space<vmem>>, vector<16xi32>,
      %gather3A_657 = tpu.vector_load_idx %arg10[%get3A_650] : memref<10016xf32, #tpu.memory_space<vmem>>[vector<16xi32>], vector<16xf32>,
      %gather3A_658 = tpu.vector_load_idx %arg11[%get3A_656] : memref<10016xf32, #tpu.memory_space<vmem>>[vector<16xi32>], vector<16xf32>,
      %add3A_659 = arith.addf %gather3A_657, %gather3A_658 : vector<16xf32>
      %ge3A_660 = arith.constant 0.000000e+00 : f32
      %ge3A_661 = vector.broadcast %ge3A_660 : f32 to vector<16xf32>
      %ge3A_662 = arith.cmpf oge, %add3A_659, %ge3A_661 : vector<16xf32>
      %mul3A_663 = arith.constant 2.000000e-01 : f32
      %mul3A_664 = vector.broadcast %mul3A_663 : f32 to vector<16xf32>
      %mul3A_665 = arith.mulf %mul3A_664, %add3A_659 : vector<16xf32>
      %select_n3A_666 = arith.select %ge3A_662, %add3A_659, %mul3A_665 : vector<16xi1>, vector<16xf32>
      %exp3A_667 = math.exp %select_n3A_666 : vector<16xf32>
      %swap3A_668 = arith.constant 64 : index
      %swap3A_669 = tpu.vector_load %arg14[%swap3A_668] {strides = array<i32>} : memref<128xf32, #tpu.memory_space<vmem>>, vector<16xf32>,
      tpu.vector_store %arg14[%swap3A_668], %exp3A_667 {strides = array<i32>} : memref<128xf32, #tpu.memory_space<vmem>>, vector<16xf32>,
      tpu.vector_store_idx %arg15[%get3A_656], %exp3A_667 {add = true} : memref<10016xf32, #tpu.memory_space<vmem>>[vector<16xi32>], vector<16xf32>,
      %get3A_670 = arith.constant 1 : i32
      %get3A_671 = arith.constant 0 : i32
      %get3A_672 = arith.index_cast %get3A_670 : i32 to index
      %get3A_673 = arith.index_cast %get3A_671 : i32 to index
      %get3A_674 = arith.constant 80 : index
      %get3A_675 = tpu.vector_load %arg8[%get3A_672, %get3A_673, %get3A_674] {strides = array<i32>} : memref<4x2x128xi32, #tpu.memory_space<vmem>>, vector<16xi32>,
      %get3A_676 = arith.constant 1 : i32
      %get3A_677 = arith.constant 1 : i32
      %get3A_678 = arith.index_cast %get3A_676 : i32 to index
      %get3A_679 = arith.index_cast %get3A_677 : i32 to index
      %get3A_680 = arith.constant 80 : index
      %get3A_681 = tpu.vector_load %arg8[%get3A_678, %get3A_679, %get3A_680] {strides = array<i32>} : memref<4x2x128xi32, #tpu.memory_space<vmem>>, vector<16xi32>,
      %gather3A_682 = tpu.vector_load_idx %arg10[%get3A_675] : memref<10016xf32, #tpu.memory_space<vmem>>[vector<16xi32>], vector<16xf32>,
      %gather3A_683 = tpu.vector_load_idx %arg11[%get3A_681] : memref<10016xf32, #tpu.memory_space<vmem>>[vector<16xi32>], vector<16xf32>,
      %add3A_684 = arith.addf %gather3A_682, %gather3A_683 : vector<16xf32>
      %ge3A_685 = arith.constant 0.000000e+00 : f32
      %ge3A_686 = vector.broadcast %ge3A_685 : f32 to vector<16xf32>
      %ge3A_687 = arith.cmpf oge, %add3A_684, %ge3A_686 : vector<16xf32>
      %mul3A_688 = arith.constant 2.000000e-01 : f32
      %mul3A_689 = vector.broadcast %mul3A_688 : f32 to vector<16xf32>
      %mul3A_690 = arith.mulf %mul3A_689, %add3A_684 : vector<16xf32>
      %select_n3A_691 = arith.select %ge3A_687, %add3A_684, %mul3A_690 : vector<16xi1>, vector<16xf32>
      %exp3A_692 = math.exp %select_n3A_691 : vector<16xf32>
      %swap3A_693 = arith.constant 80 : index
      %swap3A_694 = tpu.vector_load %arg14[%swap3A_693] {strides = array<i32>} : memref<128xf32, #tpu.memory_space<vmem>>, vector<16xf32>,
      tpu.vector_store %arg14[%swap3A_693], %exp3A_692 {strides = array<i32>} : memref<128xf32, #tpu.memory_space<vmem>>, vector<16xf32>,
      tpu.vector_store_idx %arg15[%get3A_681], %exp3A_692 {add = true} : memref<10016xf32, #tpu.memory_space<vmem>>[vector<16xi32>], vector<16xf32>,
      %get3A_695 = arith.constant 1 : i32
      %get3A_696 = arith.constant 0 : i32
      %get3A_697 = arith.index_cast %get3A_695 : i32 to index
      %get3A_698 = arith.index_cast %get3A_696 : i32 to index
      %get3A_699 = arith.constant 96 : index
      %get3A_700 = tpu.vector_load %arg8[%get3A_697, %get3A_698, %get3A_699] {strides = array<i32>} : memref<4x2x128xi32, #tpu.memory_space<vmem>>, vector<16xi32>,
      %get3A_701 = arith.constant 1 : i32
      %get3A_702 = arith.constant 1 : i32
      %get3A_703 = arith.index_cast %get3A_701 : i32 to index
      %get3A_704 = arith.index_cast %get3A_702 : i32 to index
      %get3A_705 = arith.constant 96 : index
      %get3A_706 = tpu.vector_load %arg8[%get3A_703, %get3A_704, %get3A_705] {strides = array<i32>} : memref<4x2x128xi32, #tpu.memory_space<vmem>>, vector<16xi32>,
      %gather3A_707 = tpu.vector_load_idx %arg10[%get3A_700] : memref<10016xf32, #tpu.memory_space<vmem>>[vector<16xi32>], vector<16xf32>,
      %gather3A_708 = tpu.vector_load_idx %arg11[%get3A_706] : memref<10016xf32, #tpu.memory_space<vmem>>[vector<16xi32>], vector<16xf32>,
      %add3A_709 = arith.addf %gather3A_707, %gather3A_708 : vector<16xf32>
      %ge3A_710 = arith.constant 0.000000e+00 : f32
      %ge3A_711 = vector.broadcast %ge3A_710 : f32 to vector<16xf32>
      %ge3A_712 = arith.cmpf oge, %add3A_709, %ge3A_711 : vector<16xf32>
      %mul3A_713 = arith.constant 2.000000e-01 : f32
      %mul3A_714 = vector.broadcast %mul3A_713 : f32 to vector<16xf32>
      %mul3A_715 = arith.mulf %mul3A_714, %add3A_709 : vector<16xf32>
      %select_n3A_716 = arith.select %ge3A_712, %add3A_709, %mul3A_715 : vector<16xi1>, vector<16xf32>
      %exp3A_717 = math.exp %select_n3A_716 : vector<16xf32>
      %swap3A_718 = arith.constant 96 : index
      %swap3A_719 = tpu.vector_load %arg14[%swap3A_718] {strides = array<i32>} : memref<128xf32, #tpu.memory_space<vmem>>, vector<16xf32>,
      tpu.vector_store %arg14[%swap3A_718], %exp3A_717 {strides = array<i32>} : memref<128xf32, #tpu.memory_space<vmem>>, vector<16xf32>,
      tpu.vector_store_idx %arg15[%get3A_706], %exp3A_717 {add = true} : memref<10016xf32, #tpu.memory_space<vmem>>[vector<16xi32>], vector<16xf32>,
      %get3A_720 = arith.constant 1 : i32
      %get3A_721 = arith.constant 0 : i32
      %get3A_722 = arith.index_cast %get3A_720 : i32 to index
      %get3A_723 = arith.index_cast %get3A_721 : i32 to index
      %get3A_724 = arith.constant 112 : index
      %get3A_725 = tpu.vector_load %arg8[%get3A_722, %get3A_723, %get3A_724] {strides = array<i32>} : memref<4x2x128xi32, #tpu.memory_space<vmem>>, vector<16xi32>,
      %get3A_726 = arith.constant 1 : i32
      %get3A_727 = arith.constant 1 : i32
      %get3A_728 = arith.index_cast %get3A_726 : i32 to index
      %get3A_729 = arith.index_cast %get3A_727 : i32 to index
      %get3A_730 = arith.constant 112 : index
      %get3A_731 = tpu.vector_load %arg8[%get3A_728, %get3A_729, %get3A_730] {strides = array<i32>} : memref<4x2x128xi32, #tpu.memory_space<vmem>>, vector<16xi32>,
      %gather3A_732 = tpu.vector_load_idx %arg10[%get3A_725] : memref<10016xf32, #tpu.memory_space<vmem>>[vector<16xi32>], vector<16xf32>,
      %gather3A_733 = tpu.vector_load_idx %arg11[%get3A_731] : memref<10016xf32, #tpu.memory_space<vmem>>[vector<16xi32>], vector<16xf32>,
      %add3A_734 = arith.addf %gather3A_732, %gather3A_733 : vector<16xf32>
      %ge3A_735 = arith.constant 0.000000e+00 : f32
      %ge3A_736 = vector.broadcast %ge3A_735 : f32 to vector<16xf32>
      %ge3A_737 = arith.cmpf oge, %add3A_734, %ge3A_736 : vector<16xf32>
      %mul3A_738 = arith.constant 2.000000e-01 : f32
      %mul3A_739 = vector.broadcast %mul3A_738 : f32 to vector<16xf32>
      %mul3A_740 = arith.mulf %mul3A_739, %add3A_734 : vector<16xf32>
      %select_n3A_741 = arith.select %ge3A_737, %add3A_734, %mul3A_740 : vector<16xi1>, vector<16xf32>
      %exp3A_742 = math.exp %select_n3A_741 : vector<16xf32>
      %swap3A_743 = arith.constant 112 : index
      %swap3A_744 = tpu.vector_load %arg14[%swap3A_743] {strides = array<i32>} : memref<128xf32, #tpu.memory_space<vmem>>, vector<16xf32>,
      tpu.vector_store %arg14[%swap3A_743], %exp3A_742 {strides = array<i32>} : memref<128xf32, #tpu.memory_space<vmem>>, vector<16xf32>,
      tpu.vector_store_idx %arg15[%get3A_731], %exp3A_742 {add = true} : memref<10016xf32, #tpu.memory_space<vmem>>[vector<16xi32>], vector<16xf32>,
      %ge3A_745 = arith.constant 1 : i32
      %ge3A_746 = arith.cmpi sge, %add3A_537, %ge3A_745 : i32
      %convert_element_type3A_747 = arith.extui %ge3A_746 : i1 to i32
      %cond3A_748 = arith.constant 0 : i32
      %cond3A_749 = arith.cmpi ne, %convert_element_type3A_747, %cond3A_748 : i32
      scf.if %cond3A_749 {
        %dma_wait3A_1272 = arith.constant 0 : i32
        %dma_wait3A_1273 = arith.constant 1 : i32
        %dma_wait3A_1274 = arith.constant 0 : i32
        %dma_wait3A_1275 = tpu.memref_slice %arg8[%dma_wait3A_1272, %dma_wait3A_1273, %dma_wait3A_1274] : memref<4x2x128xi32, #tpu.memory_space<vmem>> -> memref<1x1x128xi32, #tpu.memory_space<vmem>>
        %dma_wait3A_1276 = tpu.memref_squeeze %dma_wait3A_1275 : memref<1x1x128xi32, #tpu.memory_space<vmem>> -> memref<128xi32, #tpu.memory_space<vmem>>
        %dma_wait3A_1277 = arith.constant 0 : i32
        %dma_wait3A_1278 = arith.constant 0 : i32
        %dma_wait3A_1279 = tpu.memref_slice %arg16[%dma_wait3A_1277, %dma_wait3A_1278] : memref<10240x64xf32, #tpu.memory_space<vmem_shared>> -> memref<10240x64xf32, #tpu.memory_space<vmem_shared>>
        tpu.wait_indirect_dma semaphore(%arg19 : memref<!tpu.dma_semaphore, #tpu.memory_space<semaphore_mem>>) src(%arg13 : memref<128x64xf32, #tpu.memory_space<vmem>>) dst(%dma_wait3A_1279 : memref<10240x64xf32, #tpu.memory_space<vmem_shared>>)
      } else {
      }
      %add3A_750 = arith.constant 3 : i32
      %add3A_751 = arith.addi %add3A_537, %add3A_750 : i32
      %lt3A_752 = arith.constant 160 : i32
      %lt3A_753 = arith.cmpi slt, %add3A_751, %lt3A_752 : i32
      %convert_element_type3A_754 = arith.extui %lt3A_753 : i1 to i32
      %cond3A_755 = arith.constant 0 : i32
      %cond3A_756 = arith.cmpi ne, %convert_element_type3A_754, %cond3A_755 : i32
      scf.if %cond3A_756 {
        %add3A_1272 = arith.constant 3 : i32
        %add3A_1273 = arith.addi %add3A_537, %add3A_1272 : i32
        %dma_start3A_1274 = arith.constant 0 : i32
        %dma_start3A_1275 = arith.constant 0 : i32
        %dma_start3A_1276 = arith.constant 0 : i32
        %dma_start3A_1277 = tpu.memref_slice %arg8[%dma_start3A_1274, %dma_start3A_1275, %dma_start3A_1276] : memref<4x2x128xi32, #tpu.memory_space<vmem>> -> memref<1x2x128xi32, #tpu.memory_space<vmem>>
        %dma_start3A_1278 = tpu.memref_squeeze %dma_start3A_1277 : memref<1x2x128xi32, #tpu.memory_space<vmem>> -> memref<2x128xi32, #tpu.memory_space<vmem>>
        %dma_start3A_1279 = arith.constant 0 : i32
        %dma_start3A_1280 = arith.constant 0 : i32
        %dma_start3A_1281 = tpu.memref_slice %arg2[%arg1, %add3A_1273, %dma_start3A_1279, %dma_start3A_1280] : memref<16x160x2x128xi32, #tpu.memory_space<hbm>> -> memref<1x1x2x128xi32, #tpu.memory_space<hbm>>
        %dma_start3A_1282 = tpu.memref_squeeze %dma_start3A_1281 : memref<1x1x2x128xi32, #tpu.memory_space<hbm>> -> memref<2x128xi32, #tpu.memory_space<hbm>>
        %dma_start3A_1283 = arith.constant 0 : i32
        %dma_start3A_1284 = arith.constant 0 : i32
        %dma_start3A_1285 = tpu.memref_slice %arg8[%dma_start3A_1274, %dma_start3A_1283, %dma_start3A_1284] : memref<4x2x128xi32, #tpu.memory_space<vmem>> -> memref<1x2x128xi32, #tpu.memory_space<vmem>>
        %dma_start3A_1286 = tpu.memref_squeeze %dma_start3A_1285 : memref<1x2x128xi32, #tpu.memory_space<vmem>> -> memref<2x128xi32, #tpu.memory_space<vmem>>
        %dma_start3A_1287 = arith.constant 0 : i32
        %dma_start3A_1288 = arith.constant 0 : i32
        %dma_start3A_1289 = tpu.memref_slice %arg2[%arg1, %add3A_1273, %dma_start3A_1287, %dma_start3A_1288] : memref<16x160x2x128xi32, #tpu.memory_space<hbm>> -> memref<1x1x2x128xi32, #tpu.memory_space<hbm>>
        %dma_start3A_1290 = tpu.memref_squeeze %dma_start3A_1289 : memref<1x1x2x128xi32, #tpu.memory_space<hbm>> -> memref<2x128xi32, #tpu.memory_space<hbm>>
        tpu.enqueue_dma source(%dma_start3A_1290 : memref<2x128xi32, #tpu.memory_space<hbm>>) target(%dma_start3A_1286 : memref<2x128xi32, #tpu.memory_space<vmem>>) target_semaphore(%arg20 : memref<!tpu.dma_semaphore, #tpu.memory_space<semaphore_mem>>)
      } else {
      }
      %dma_wait3A_757 = arith.constant 1 : i32
      %dma_wait3A_758 = arith.constant 1 : i32
      %dma_wait3A_759 = arith.constant 0 : i32
      %dma_wait3A_760 = arith.constant 0 : i32
      %dma_wait3A_761 = tpu.memref_slice %arg12[%dma_wait3A_758, %dma_wait3A_759, %dma_wait3A_760] : memref<2x128x64xbf16, #tpu.memory_space<vmem>> -> memref<1x128x64xbf16, #tpu.memory_space<vmem>>
      %dma_wait3A_762 = tpu.memref_squeeze %dma_wait3A_761 : memref<1x128x64xbf16, #tpu.memory_space<vmem>> -> memref<128x64xbf16, #tpu.memory_space<vmem>>
      %dma_wait3A_763 = arith.constant 0 : i32
      %dma_wait3A_764 = tpu.memref_slice %arg9[%dma_wait3A_757, %dma_wait3A_763] : memref<4x128xi32, #tpu.memory_space<vmem>> -> memref<1x128xi32, #tpu.memory_space<vmem>>
      %dma_wait3A_765 = tpu.memref_squeeze %dma_wait3A_764 : memref<1x128xi32, #tpu.memory_space<vmem>> -> memref<128xi32, #tpu.memory_space<vmem>>
      %dma_wait3A_766 = arith.constant 0 : i32
      %dma_wait3A_767 = arith.constant 0 : i32
      %dma_wait3A_768 = tpu.memref_slice %arg5[%dma_wait3A_766, %dma_wait3A_767] : memref<20000x64xbf16, #tpu.memory_space<hbm>> -> memref<20000x64xbf16, #tpu.memory_space<hbm>>
      tpu.wait_indirect_dma semaphore(%arg18 : memref<!tpu.dma_semaphore, #tpu.memory_space<semaphore_mem>>) src(%dma_wait3A_768 : memref<20000x64xbf16, #tpu.memory_space<hbm>>) dst(%dma_wait3A_762 : memref<128x64xbf16, #tpu.memory_space<vmem>>)
      %parallel_loop3A_769 = arith.constant 0 : i32
      %parallel_loop3A_770 = arith.constant 128 : i32
      %parallel_loop3A_771 = arith.constant 1 : i32
      scf.for %parallel_loop3A_1272 = %parallel_loop3A_769 to %parallel_loop3A_770 step %parallel_loop3A_771  : i32 {
        %parallel_loop3A_1273 = vector.broadcast %parallel_loop3A_1272 : i32 to vector<16xi32>
        %parallel_loop3A_1274 = tpu.vector_load_idx %arg14[%parallel_loop3A_1273] : memref<128xf32, #tpu.memory_space<vmem>>[vector<16xi32>], vector<16xf32>,
        %parallel_loop3A_1275 = arith.constant 1 : i32
        %parallel_loop3A_1276 = arith.index_cast %parallel_loop3A_1275 : i32 to index
        %parallel_loop3A_1277 = arith.index_cast %parallel_loop3A_1272 : i32 to index
        %parallel_loop3A_1278 = arith.constant 0 : index
        %parallel_loop3A_1279 = tpu.vector_load %arg12[%parallel_loop3A_1276, %parallel_loop3A_1277, %parallel_loop3A_1278] {strides = array<i32>} : memref<2x128x64xbf16, #tpu.memory_space<vmem>>, vector<32xbf16>,
        %parallel_loop3A_1280 = tpu.unpack_subelements %parallel_loop3A_1279, 0 {pack_format = #tpu.pack_format<interleaved>} : vector<32xbf16> -> vector<16xf32>
        %parallel_loop3A_1281 = tpu.unpack_subelements %parallel_loop3A_1279, 1 {pack_format = #tpu.pack_format<interleaved>} : vector<32xbf16> -> vector<16xf32>
        %parallel_loop3A_1282 = tpu.iota {dimensions = array<i32: 0>} : vector<16xi32>
        %parallel_loop3A_1283 = arith.constant 2 : i32
        %parallel_loop3A_1284 = vector.broadcast %parallel_loop3A_1283 : i32 to vector<16xi32>
        %parallel_loop3A_1285 = arith.muli %parallel_loop3A_1282, %parallel_loop3A_1284 : vector<16xi32>
        %parallel_loop3A_1286 = arith.constant 0 : i32
        %parallel_loop3A_1287 = vector.broadcast %parallel_loop3A_1286 : i32 to vector<16xi32>
        %parallel_loop3A_1288 = arith.addi %parallel_loop3A_1285, %parallel_loop3A_1287 : vector<16xi32>
        %parallel_loop3A_1289 = arith.mulf %parallel_loop3A_1280, %parallel_loop3A_1274 : vector<16xf32>
        tpu.vector_store_idx %arg13[%parallel_loop3A_1273, %parallel_loop3A_1288], %parallel_loop3A_1289 : memref<128x64xf32, #tpu.memory_space<vmem>>[vector<16xi32>, vector<16xi32>], vector<16xf32>,
        %parallel_loop3A_1290 = arith.constant 1 : i32
        %parallel_loop3A_1291 = vector.broadcast %parallel_loop3A_1290 : i32 to vector<16xi32>
        %parallel_loop3A_1292 = arith.addi %parallel_loop3A_1288, %parallel_loop3A_1291 : vector<16xi32>
        %parallel_loop3A_1293 = arith.mulf %parallel_loop3A_1281, %parallel_loop3A_1274 : vector<16xf32>
        tpu.vector_store_idx %arg13[%parallel_loop3A_1273, %parallel_loop3A_1292], %parallel_loop3A_1293 : memref<128x64xf32, #tpu.memory_space<vmem>>[vector<16xi32>, vector<16xi32>], vector<16xf32>,
        %parallel_loop3A_1294 = arith.constant 1 : i32
        %parallel_loop3A_1295 = arith.index_cast %parallel_loop3A_1294 : i32 to index
        %parallel_loop3A_1296 = arith.index_cast %parallel_loop3A_1272 : i32 to index
        %parallel_loop3A_1297 = arith.constant 32 : index
        %parallel_loop3A_1298 = tpu.vector_load %arg12[%parallel_loop3A_1295, %parallel_loop3A_1296, %parallel_loop3A_1297] {strides = array<i32>} : memref<2x128x64xbf16, #tpu.memory_space<vmem>>, vector<32xbf16>,
        %parallel_loop3A_1299 = tpu.unpack_subelements %parallel_loop3A_1298, 0 {pack_format = #tpu.pack_format<interleaved>} : vector<32xbf16> -> vector<16xf32>
        %parallel_loop3A_1300 = tpu.unpack_subelements %parallel_loop3A_1298, 1 {pack_format = #tpu.pack_format<interleaved>} : vector<32xbf16> -> vector<16xf32>
        %parallel_loop3A_1301 = tpu.iota {dimensions = array<i32: 0>} : vector<16xi32>
        %parallel_loop3A_1302 = arith.constant 2 : i32
        %parallel_loop3A_1303 = vector.broadcast %parallel_loop3A_1302 : i32 to vector<16xi32>
        %parallel_loop3A_1304 = arith.muli %parallel_loop3A_1301, %parallel_loop3A_1303 : vector<16xi32>
        %parallel_loop3A_1305 = arith.constant 32 : i32
        %parallel_loop3A_1306 = vector.broadcast %parallel_loop3A_1305 : i32 to vector<16xi32>
        %parallel_loop3A_1307 = arith.addi %parallel_loop3A_1304, %parallel_loop3A_1306 : vector<16xi32>
        %parallel_loop3A_1308 = arith.mulf %parallel_loop3A_1299, %parallel_loop3A_1274 : vector<16xf32>
        tpu.vector_store_idx %arg13[%parallel_loop3A_1273, %parallel_loop3A_1307], %parallel_loop3A_1308 : memref<128x64xf32, #tpu.memory_space<vmem>>[vector<16xi32>, vector<16xi32>], vector<16xf32>,
        %parallel_loop3A_1309 = arith.constant 1 : i32
        %parallel_loop3A_1310 = vector.broadcast %parallel_loop3A_1309 : i32 to vector<16xi32>
        %parallel_loop3A_1311 = arith.addi %parallel_loop3A_1307, %parallel_loop3A_1310 : vector<16xi32>
        %parallel_loop3A_1312 = arith.mulf %parallel_loop3A_1300, %parallel_loop3A_1274 : vector<16xf32>
        tpu.vector_store_idx %arg13[%parallel_loop3A_1273, %parallel_loop3A_1311], %parallel_loop3A_1312 : memref<128x64xf32, #tpu.memory_space<vmem>>[vector<16xi32>, vector<16xi32>], vector<16xf32>,
      } {sc.loop_unroll_factor = 4 : i64, sc.parallel_access}
      %dma_start3A_772 = arith.constant 1 : i32
      %dma_start3A_773 = arith.constant 1 : i32
      %dma_start3A_774 = arith.constant 0 : i32
      %dma_start3A_775 = tpu.memref_slice %arg8[%dma_start3A_772, %dma_start3A_773, %dma_start3A_774] : memref<4x2x128xi32, #tpu.memory_space<vmem>> -> memref<1x1x128xi32, #tpu.memory_space<vmem>>
      %dma_start3A_776 = tpu.memref_squeeze %dma_start3A_775 : memref<1x1x128xi32, #tpu.memory_space<vmem>> -> memref<128xi32, #tpu.memory_space<vmem>>
      %dma_start3A_777 = arith.constant 0 : i32
      %dma_start3A_778 = arith.constant 0 : i32
      %dma_start3A_779 = tpu.memref_slice %arg16[%dma_start3A_777, %dma_start3A_778] : memref<10240x64xf32, #tpu.memory_space<vmem_shared>> -> memref<10240x64xf32, #tpu.memory_space<vmem_shared>>
      tpu.enqueue_indirect_dma source(%arg13 : memref<128x64xf32, #tpu.memory_space<vmem>>) target(%dma_start3A_779 : memref<10240x64xf32, #tpu.memory_space<vmem_shared>>) offsets(%dma_start3A_776 : memref<128xi32, #tpu.memory_space<vmem>>) semaphore(%arg19 : memref<!tpu.dma_semaphore, #tpu.memory_space<semaphore_mem>>) {add = true}
      %mul3A_780 = arith.constant 4 : i32
      %mul3A_781 = arith.muli %mul3A_780, %scan3A_293 : i32
      %add3A_782 = arith.constant 2 : i32
      %add3A_783 = arith.addi %mul3A_781, %add3A_782 : i32
      %add3A_784 = arith.constant 1 : i32
      %add3A_785 = arith.addi %add3A_783, %add3A_784 : i32
      %lt3A_786 = arith.constant 160 : i32
      %lt3A_787 = arith.cmpi slt, %add3A_785, %lt3A_786 : i32
      %convert_element_type3A_788 = arith.extui %lt3A_787 : i1 to i32
      %cond3A_789 = arith.constant 0 : i32
      %cond3A_790 = arith.cmpi ne, %convert_element_type3A_788, %cond3A_789 : i32
      scf.if %cond3A_790 {
        %add3A_1272 = arith.constant 1 : i32
        %add3A_1273 = arith.addi %add3A_783, %add3A_1272 : i32
        %dma_wait3A_1274 = arith.constant 3 : i32
        %dma_wait3A_1275 = arith.constant 0 : i32
        %dma_wait3A_1276 = arith.constant 0 : i32
        %dma_wait3A_1277 = tpu.memref_slice %arg8[%dma_wait3A_1274, %dma_wait3A_1275, %dma_wait3A_1276] : memref<4x2x128xi32, #tpu.memory_space<vmem>> -> memref<1x2x128xi32, #tpu.memory_space<vmem>>
        %dma_wait3A_1278 = tpu.memref_squeeze %dma_wait3A_1277 : memref<1x2x128xi32, #tpu.memory_space<vmem>> -> memref<2x128xi32, #tpu.memory_space<vmem>>
        %dma_wait3A_1279 = arith.constant 0 : i32
        %dma_wait3A_1280 = arith.constant 0 : i32
        %dma_wait3A_1281 = tpu.memref_slice %arg2[%arg1, %add3A_1273, %dma_wait3A_1279, %dma_wait3A_1280] : memref<16x160x2x128xi32, #tpu.memory_space<hbm>> -> memref<1x1x2x128xi32, #tpu.memory_space<hbm>>
        %dma_wait3A_1282 = tpu.memref_squeeze %dma_wait3A_1281 : memref<1x1x2x128xi32, #tpu.memory_space<hbm>> -> memref<2x128xi32, #tpu.memory_space<hbm>>
        %dma_wait3A_1283 = arith.constant 0 : i32
        %dma_wait3A_1284 = arith.constant 0 : i32
        %dma_wait3A_1285 = tpu.memref_slice %arg8[%dma_wait3A_1274, %dma_wait3A_1283, %dma_wait3A_1284] : memref<4x2x128xi32, #tpu.memory_space<vmem>> -> memref<1x2x128xi32, #tpu.memory_space<vmem>>
        %dma_wait3A_1286 = tpu.memref_squeeze %dma_wait3A_1285 : memref<1x2x128xi32, #tpu.memory_space<vmem>> -> memref<2x128xi32, #tpu.memory_space<vmem>>
        %dma_wait3A_1287 = arith.constant 0 : i32
        %dma_wait3A_1288 = arith.constant 0 : i32
        %dma_wait3A_1289 = tpu.memref_slice %arg2[%arg1, %add3A_1273, %dma_wait3A_1287, %dma_wait3A_1288] : memref<16x160x2x128xi32, #tpu.memory_space<hbm>> -> memref<1x1x2x128xi32, #tpu.memory_space<hbm>>
        %dma_wait3A_1290 = tpu.memref_squeeze %dma_wait3A_1289 : memref<1x1x2x128xi32, #tpu.memory_space<hbm>> -> memref<2x128xi32, #tpu.memory_space<hbm>>
        tpu.wait_dma2 semaphore(%arg23 : memref<!tpu.dma_semaphore, #tpu.memory_space<semaphore_mem>>) src(%dma_wait3A_1290 : memref<2x128xi32, #tpu.memory_space<hbm>>) dst(%dma_wait3A_1286 : memref<2x128xi32, #tpu.memory_space<vmem>>)
        %get3A_1291 = arith.constant 3 : i32
        %get3A_1292 = arith.constant 0 : i32
        %get3A_1293 = arith.index_cast %get3A_1291 : i32 to index
        %get3A_1294 = arith.index_cast %get3A_1292 : i32 to index
        %get3A_1295 = arith.constant 0 : index
        %get3A_1296 = tpu.vector_load %arg8[%get3A_1293, %get3A_1294, %get3A_1295] {strides = array<i32>} : memref<4x2x128xi32, #tpu.memory_space<vmem>>, vector<16xi32>,
        %min3A_1297 = arith.minsi %get3A_1296, %broadcast_in_dim3A_3 : vector<16xi32>
        %add3A_1298 = vector.broadcast %mul3A_1 : i32 to vector<16xi32>
        %add3A_1299 = arith.addi %min3A_1297, %add3A_1298 : vector<16xi32>
        %swap3A_1300 = arith.constant 3 : i32
        %swap3A_1301 = arith.index_cast %swap3A_1300 : i32 to index
        %swap3A_1302 = arith.constant 0 : index
        %swap3A_1303 = tpu.vector_load %arg9[%swap3A_1301, %swap3A_1302] {strides = array<i32>} : memref<4x128xi32, #tpu.memory_space<vmem>>, vector<16xi32>,
        tpu.vector_store %arg9[%swap3A_1301, %swap3A_1302], %add3A_1299 {strides = array<i32>} : memref<4x128xi32, #tpu.memory_space<vmem>>, vector<16xi32>,
        %get3A_1304 = arith.constant 3 : i32
        %get3A_1305 = arith.constant 0 : i32
        %get3A_1306 = arith.index_cast %get3A_1304 : i32 to index
        %get3A_1307 = arith.index_cast %get3A_1305 : i32 to index
        %get3A_1308 = arith.constant 16 : index
        %get3A_1309 = tpu.vector_load %arg8[%get3A_1306, %get3A_1307, %get3A_1308] {strides = array<i32>} : memref<4x2x128xi32, #tpu.memory_space<vmem>>, vector<16xi32>,
        %min3A_1310 = arith.minsi %get3A_1309, %broadcast_in_dim3A_3 : vector<16xi32>
        %add3A_1311 = vector.broadcast %mul3A_1 : i32 to vector<16xi32>
        %add3A_1312 = arith.addi %min3A_1310, %add3A_1311 : vector<16xi32>
        %swap3A_1313 = arith.constant 3 : i32
        %swap3A_1314 = arith.index_cast %swap3A_1313 : i32 to index
        %swap3A_1315 = arith.constant 16 : index
        %swap3A_1316 = tpu.vector_load %arg9[%swap3A_1314, %swap3A_1315] {strides = array<i32>} : memref<4x128xi32, #tpu.memory_space<vmem>>, vector<16xi32>,
        tpu.vector_store %arg9[%swap3A_1314, %swap3A_1315], %add3A_1312 {strides = array<i32>} : memref<4x128xi32, #tpu.memory_space<vmem>>, vector<16xi32>,
        %get3A_1317 = arith.constant 3 : i32
        %get3A_1318 = arith.constant 0 : i32
        %get3A_1319 = arith.index_cast %get3A_1317 : i32 to index
        %get3A_1320 = arith.index_cast %get3A_1318 : i32 to index
        %get3A_1321 = arith.constant 32 : index
        %get3A_1322 = tpu.vector_load %arg8[%get3A_1319, %get3A_1320, %get3A_1321] {strides = array<i32>} : memref<4x2x128xi32, #tpu.memory_space<vmem>>, vector<16xi32>,
        %min3A_1323 = arith.minsi %get3A_1322, %broadcast_in_dim3A_3 : vector<16xi32>
        %add3A_1324 = vector.broadcast %mul3A_1 : i32 to vector<16xi32>
        %add3A_1325 = arith.addi %min3A_1323, %add3A_1324 : vector<16xi32>
        %swap3A_1326 = arith.constant 3 : i32
        %swap3A_1327 = arith.index_cast %swap3A_1326 : i32 to index
        %swap3A_1328 = arith.constant 32 : index
        %swap3A_1329 = tpu.vector_load %arg9[%swap3A_1327, %swap3A_1328] {strides = array<i32>} : memref<4x128xi32, #tpu.memory_space<vmem>>, vector<16xi32>,
        tpu.vector_store %arg9[%swap3A_1327, %swap3A_1328], %add3A_1325 {strides = array<i32>} : memref<4x128xi32, #tpu.memory_space<vmem>>, vector<16xi32>,
        %get3A_1330 = arith.constant 3 : i32
        %get3A_1331 = arith.constant 0 : i32
        %get3A_1332 = arith.index_cast %get3A_1330 : i32 to index
        %get3A_1333 = arith.index_cast %get3A_1331 : i32 to index
        %get3A_1334 = arith.constant 48 : index
        %get3A_1335 = tpu.vector_load %arg8[%get3A_1332, %get3A_1333, %get3A_1334] {strides = array<i32>} : memref<4x2x128xi32, #tpu.memory_space<vmem>>, vector<16xi32>,
        %min3A_1336 = arith.minsi %get3A_1335, %broadcast_in_dim3A_3 : vector<16xi32>
        %add3A_1337 = vector.broadcast %mul3A_1 : i32 to vector<16xi32>
        %add3A_1338 = arith.addi %min3A_1336, %add3A_1337 : vector<16xi32>
        %swap3A_1339 = arith.constant 3 : i32
        %swap3A_1340 = arith.index_cast %swap3A_1339 : i32 to index
        %swap3A_1341 = arith.constant 48 : index
        %swap3A_1342 = tpu.vector_load %arg9[%swap3A_1340, %swap3A_1341] {strides = array<i32>} : memref<4x128xi32, #tpu.memory_space<vmem>>, vector<16xi32>,
        tpu.vector_store %arg9[%swap3A_1340, %swap3A_1341], %add3A_1338 {strides = array<i32>} : memref<4x128xi32, #tpu.memory_space<vmem>>, vector<16xi32>,
        %get3A_1343 = arith.constant 3 : i32
        %get3A_1344 = arith.constant 0 : i32
        %get3A_1345 = arith.index_cast %get3A_1343 : i32 to index
        %get3A_1346 = arith.index_cast %get3A_1344 : i32 to index
        %get3A_1347 = arith.constant 64 : index
        %get3A_1348 = tpu.vector_load %arg8[%get3A_1345, %get3A_1346, %get3A_1347] {strides = array<i32>} : memref<4x2x128xi32, #tpu.memory_space<vmem>>, vector<16xi32>,
        %min3A_1349 = arith.minsi %get3A_1348, %broadcast_in_dim3A_3 : vector<16xi32>
        %add3A_1350 = vector.broadcast %mul3A_1 : i32 to vector<16xi32>
        %add3A_1351 = arith.addi %min3A_1349, %add3A_1350 : vector<16xi32>
        %swap3A_1352 = arith.constant 3 : i32
        %swap3A_1353 = arith.index_cast %swap3A_1352 : i32 to index
        %swap3A_1354 = arith.constant 64 : index
        %swap3A_1355 = tpu.vector_load %arg9[%swap3A_1353, %swap3A_1354] {strides = array<i32>} : memref<4x128xi32, #tpu.memory_space<vmem>>, vector<16xi32>,
        tpu.vector_store %arg9[%swap3A_1353, %swap3A_1354], %add3A_1351 {strides = array<i32>} : memref<4x128xi32, #tpu.memory_space<vmem>>, vector<16xi32>,
        %get3A_1356 = arith.constant 3 : i32
        %get3A_1357 = arith.constant 0 : i32
        %get3A_1358 = arith.index_cast %get3A_1356 : i32 to index
        %get3A_1359 = arith.index_cast %get3A_1357 : i32 to index
        %get3A_1360 = arith.constant 80 : index
        %get3A_1361 = tpu.vector_load %arg8[%get3A_1358, %get3A_1359, %get3A_1360] {strides = array<i32>} : memref<4x2x128xi32, #tpu.memory_space<vmem>>, vector<16xi32>,
        %min3A_1362 = arith.minsi %get3A_1361, %broadcast_in_dim3A_3 : vector<16xi32>
        %add3A_1363 = vector.broadcast %mul3A_1 : i32 to vector<16xi32>
        %add3A_1364 = arith.addi %min3A_1362, %add3A_1363 : vector<16xi32>
        %swap3A_1365 = arith.constant 3 : i32
        %swap3A_1366 = arith.index_cast %swap3A_1365 : i32 to index
        %swap3A_1367 = arith.constant 80 : index
        %swap3A_1368 = tpu.vector_load %arg9[%swap3A_1366, %swap3A_1367] {strides = array<i32>} : memref<4x128xi32, #tpu.memory_space<vmem>>, vector<16xi32>,
        tpu.vector_store %arg9[%swap3A_1366, %swap3A_1367], %add3A_1364 {strides = array<i32>} : memref<4x128xi32, #tpu.memory_space<vmem>>, vector<16xi32>,
        %get3A_1369 = arith.constant 3 : i32
        %get3A_1370 = arith.constant 0 : i32
        %get3A_1371 = arith.index_cast %get3A_1369 : i32 to index
        %get3A_1372 = arith.index_cast %get3A_1370 : i32 to index
        %get3A_1373 = arith.constant 96 : index
        %get3A_1374 = tpu.vector_load %arg8[%get3A_1371, %get3A_1372, %get3A_1373] {strides = array<i32>} : memref<4x2x128xi32, #tpu.memory_space<vmem>>, vector<16xi32>,
        %min3A_1375 = arith.minsi %get3A_1374, %broadcast_in_dim3A_3 : vector<16xi32>
        %add3A_1376 = vector.broadcast %mul3A_1 : i32 to vector<16xi32>
        %add3A_1377 = arith.addi %min3A_1375, %add3A_1376 : vector<16xi32>
        %swap3A_1378 = arith.constant 3 : i32
        %swap3A_1379 = arith.index_cast %swap3A_1378 : i32 to index
        %swap3A_1380 = arith.constant 96 : index
        %swap3A_1381 = tpu.vector_load %arg9[%swap3A_1379, %swap3A_1380] {strides = array<i32>} : memref<4x128xi32, #tpu.memory_space<vmem>>, vector<16xi32>,
        tpu.vector_store %arg9[%swap3A_1379, %swap3A_1380], %add3A_1377 {strides = array<i32>} : memref<4x128xi32, #tpu.memory_space<vmem>>, vector<16xi32>,
        %get3A_1382 = arith.constant 3 : i32
        %get3A_1383 = arith.constant 0 : i32
        %get3A_1384 = arith.index_cast %get3A_1382 : i32 to index
        %get3A_1385 = arith.index_cast %get3A_1383 : i32 to index
        %get3A_1386 = arith.constant 112 : index
        %get3A_1387 = tpu.vector_load %arg8[%get3A_1384, %get3A_1385, %get3A_1386] {strides = array<i32>} : memref<4x2x128xi32, #tpu.memory_space<vmem>>, vector<16xi32>,
        %min3A_1388 = arith.minsi %get3A_1387, %broadcast_in_dim3A_3 : vector<16xi32>
        %add3A_1389 = vector.broadcast %mul3A_1 : i32 to vector<16xi32>
        %add3A_1390 = arith.addi %min3A_1388, %add3A_1389 : vector<16xi32>
        %swap3A_1391 = arith.constant 3 : i32
        %swap3A_1392 = arith.index_cast %swap3A_1391 : i32 to index
        %swap3A_1393 = arith.constant 112 : index
        %swap3A_1394 = tpu.vector_load %arg9[%swap3A_1392, %swap3A_1393] {strides = array<i32>} : memref<4x128xi32, #tpu.memory_space<vmem>>, vector<16xi32>,
        tpu.vector_store %arg9[%swap3A_1392, %swap3A_1393], %add3A_1390 {strides = array<i32>} : memref<4x128xi32, #tpu.memory_space<vmem>>, vector<16xi32>,
        %dma_start3A_1395 = arith.constant 3 : i32
        %dma_start3A_1396 = arith.constant 1 : i32
        %dma_start3A_1397 = arith.constant 0 : i32
        %dma_start3A_1398 = arith.constant 0 : i32
        %dma_start3A_1399 = tpu.memref_slice %arg12[%dma_start3A_1396, %dma_start3A_1397, %dma_start3A_1398] : memref<2x128x64xbf16, #tpu.memory_space<vmem>> -> memref<1x128x64xbf16, #tpu.memory_space<vmem>>
        %dma_start3A_1400 = tpu.memref_squeeze %dma_start3A_1399 : memref<1x128x64xbf16, #tpu.memory_space<vmem>> -> memref<128x64xbf16, #tpu.memory_space<vmem>>
        %dma_start3A_1401 = arith.constant 0 : i32
        %dma_start3A_1402 = tpu.memref_slice %arg9[%dma_start3A_1395, %dma_start3A_1401] : memref<4x128xi32, #tpu.memory_space<vmem>> -> memref<1x128xi32, #tpu.memory_space<vmem>>
        %dma_start3A_1403 = tpu.memref_squeeze %dma_start3A_1402 : memref<1x128xi32, #tpu.memory_space<vmem>> -> memref<128xi32, #tpu.memory_space<vmem>>
        %dma_start3A_1404 = arith.constant 0 : i32
        %dma_start3A_1405 = arith.constant 0 : i32
        %dma_start3A_1406 = tpu.memref_slice %arg5[%dma_start3A_1404, %dma_start3A_1405] : memref<20000x64xbf16, #tpu.memory_space<hbm>> -> memref<20000x64xbf16, #tpu.memory_space<hbm>>
        tpu.enqueue_indirect_dma source(%dma_start3A_1406 : memref<20000x64xbf16, #tpu.memory_space<hbm>>) target(%dma_start3A_1400 : memref<128x64xbf16, #tpu.memory_space<vmem>>) offsets(%dma_start3A_1403 : memref<128xi32, #tpu.memory_space<vmem>>) semaphore(%arg18 : memref<!tpu.dma_semaphore, #tpu.memory_space<semaphore_mem>>)
      } else {
      }
      %get3A_791 = arith.constant 2 : i32
      %get3A_792 = arith.constant 0 : i32
      %get3A_793 = arith.index_cast %get3A_791 : i32 to index
      %get3A_794 = arith.index_cast %get3A_792 : i32 to index
      %get3A_795 = arith.constant 0 : index
      %get3A_796 = tpu.vector_load %arg8[%get3A_793, %get3A_794, %get3A_795] {strides = array<i32>} : memref<4x2x128xi32, #tpu.memory_space<vmem>>, vector<16xi32>,
      %get3A_797 = arith.constant 2 : i32
      %get3A_798 = arith.constant 1 : i32
      %get3A_799 = arith.index_cast %get3A_797 : i32 to index
      %get3A_800 = arith.index_cast %get3A_798 : i32 to index
      %get3A_801 = arith.constant 0 : index
      %get3A_802 = tpu.vector_load %arg8[%get3A_799, %get3A_800, %get3A_801] {strides = array<i32>} : memref<4x2x128xi32, #tpu.memory_space<vmem>>, vector<16xi32>,
      %gather3A_803 = tpu.vector_load_idx %arg10[%get3A_796] : memref<10016xf32, #tpu.memory_space<vmem>>[vector<16xi32>], vector<16xf32>,
      %gather3A_804 = tpu.vector_load_idx %arg11[%get3A_802] : memref<10016xf32, #tpu.memory_space<vmem>>[vector<16xi32>], vector<16xf32>,
      %add3A_805 = arith.addf %gather3A_803, %gather3A_804 : vector<16xf32>
      %ge3A_806 = arith.constant 0.000000e+00 : f32
      %ge3A_807 = vector.broadcast %ge3A_806 : f32 to vector<16xf32>
      %ge3A_808 = arith.cmpf oge, %add3A_805, %ge3A_807 : vector<16xf32>
      %mul3A_809 = arith.constant 2.000000e-01 : f32
      %mul3A_810 = vector.broadcast %mul3A_809 : f32 to vector<16xf32>
      %mul3A_811 = arith.mulf %mul3A_810, %add3A_805 : vector<16xf32>
      %select_n3A_812 = arith.select %ge3A_808, %add3A_805, %mul3A_811 : vector<16xi1>, vector<16xf32>
      %exp3A_813 = math.exp %select_n3A_812 : vector<16xf32>
      %swap3A_814 = arith.constant 0 : index
      %swap3A_815 = tpu.vector_load %arg14[%swap3A_814] {strides = array<i32>} : memref<128xf32, #tpu.memory_space<vmem>>, vector<16xf32>,
      tpu.vector_store %arg14[%swap3A_814], %exp3A_813 {strides = array<i32>} : memref<128xf32, #tpu.memory_space<vmem>>, vector<16xf32>,
      tpu.vector_store_idx %arg15[%get3A_802], %exp3A_813 {add = true} : memref<10016xf32, #tpu.memory_space<vmem>>[vector<16xi32>], vector<16xf32>,
      %get3A_816 = arith.constant 2 : i32
      %get3A_817 = arith.constant 0 : i32
      %get3A_818 = arith.index_cast %get3A_816 : i32 to index
      %get3A_819 = arith.index_cast %get3A_817 : i32 to index
      %get3A_820 = arith.constant 16 : index
      %get3A_821 = tpu.vector_load %arg8[%get3A_818, %get3A_819, %get3A_820] {strides = array<i32>} : memref<4x2x128xi32, #tpu.memory_space<vmem>>, vector<16xi32>,
      %get3A_822 = arith.constant 2 : i32
      %get3A_823 = arith.constant 1 : i32
      %get3A_824 = arith.index_cast %get3A_822 : i32 to index
      %get3A_825 = arith.index_cast %get3A_823 : i32 to index
      %get3A_826 = arith.constant 16 : index
      %get3A_827 = tpu.vector_load %arg8[%get3A_824, %get3A_825, %get3A_826] {strides = array<i32>} : memref<4x2x128xi32, #tpu.memory_space<vmem>>, vector<16xi32>,
      %gather3A_828 = tpu.vector_load_idx %arg10[%get3A_821] : memref<10016xf32, #tpu.memory_space<vmem>>[vector<16xi32>], vector<16xf32>,
      %gather3A_829 = tpu.vector_load_idx %arg11[%get3A_827] : memref<10016xf32, #tpu.memory_space<vmem>>[vector<16xi32>], vector<16xf32>,
      %add3A_830 = arith.addf %gather3A_828, %gather3A_829 : vector<16xf32>
      %ge3A_831 = arith.constant 0.000000e+00 : f32
      %ge3A_832 = vector.broadcast %ge3A_831 : f32 to vector<16xf32>
      %ge3A_833 = arith.cmpf oge, %add3A_830, %ge3A_832 : vector<16xf32>
      %mul3A_834 = arith.constant 2.000000e-01 : f32
      %mul3A_835 = vector.broadcast %mul3A_834 : f32 to vector<16xf32>
      %mul3A_836 = arith.mulf %mul3A_835, %add3A_830 : vector<16xf32>
      %select_n3A_837 = arith.select %ge3A_833, %add3A_830, %mul3A_836 : vector<16xi1>, vector<16xf32>
      %exp3A_838 = math.exp %select_n3A_837 : vector<16xf32>
      %swap3A_839 = arith.constant 16 : index
      %swap3A_840 = tpu.vector_load %arg14[%swap3A_839] {strides = array<i32>} : memref<128xf32, #tpu.memory_space<vmem>>, vector<16xf32>,
      tpu.vector_store %arg14[%swap3A_839], %exp3A_838 {strides = array<i32>} : memref<128xf32, #tpu.memory_space<vmem>>, vector<16xf32>,
      tpu.vector_store_idx %arg15[%get3A_827], %exp3A_838 {add = true} : memref<10016xf32, #tpu.memory_space<vmem>>[vector<16xi32>], vector<16xf32>,
      %get3A_841 = arith.constant 2 : i32
      %get3A_842 = arith.constant 0 : i32
      %get3A_843 = arith.index_cast %get3A_841 : i32 to index
      %get3A_844 = arith.index_cast %get3A_842 : i32 to index
      %get3A_845 = arith.constant 32 : index
      %get3A_846 = tpu.vector_load %arg8[%get3A_843, %get3A_844, %get3A_845] {strides = array<i32>} : memref<4x2x128xi32, #tpu.memory_space<vmem>>, vector<16xi32>,
      %get3A_847 = arith.constant 2 : i32
      %get3A_848 = arith.constant 1 : i32
      %get3A_849 = arith.index_cast %get3A_847 : i32 to index
      %get3A_850 = arith.index_cast %get3A_848 : i32 to index
      %get3A_851 = arith.constant 32 : index
      %get3A_852 = tpu.vector_load %arg8[%get3A_849, %get3A_850, %get3A_851] {strides = array<i32>} : memref<4x2x128xi32, #tpu.memory_space<vmem>>, vector<16xi32>,
      %gather3A_853 = tpu.vector_load_idx %arg10[%get3A_846] : memref<10016xf32, #tpu.memory_space<vmem>>[vector<16xi32>], vector<16xf32>,
      %gather3A_854 = tpu.vector_load_idx %arg11[%get3A_852] : memref<10016xf32, #tpu.memory_space<vmem>>[vector<16xi32>], vector<16xf32>,
      %add3A_855 = arith.addf %gather3A_853, %gather3A_854 : vector<16xf32>
      %ge3A_856 = arith.constant 0.000000e+00 : f32
      %ge3A_857 = vector.broadcast %ge3A_856 : f32 to vector<16xf32>
      %ge3A_858 = arith.cmpf oge, %add3A_855, %ge3A_857 : vector<16xf32>
      %mul3A_859 = arith.constant 2.000000e-01 : f32
      %mul3A_860 = vector.broadcast %mul3A_859 : f32 to vector<16xf32>
      %mul3A_861 = arith.mulf %mul3A_860, %add3A_855 : vector<16xf32>
      %select_n3A_862 = arith.select %ge3A_858, %add3A_855, %mul3A_861 : vector<16xi1>, vector<16xf32>
      %exp3A_863 = math.exp %select_n3A_862 : vector<16xf32>
      %swap3A_864 = arith.constant 32 : index
      %swap3A_865 = tpu.vector_load %arg14[%swap3A_864] {strides = array<i32>} : memref<128xf32, #tpu.memory_space<vmem>>, vector<16xf32>,
      tpu.vector_store %arg14[%swap3A_864], %exp3A_863 {strides = array<i32>} : memref<128xf32, #tpu.memory_space<vmem>>, vector<16xf32>,
      tpu.vector_store_idx %arg15[%get3A_852], %exp3A_863 {add = true} : memref<10016xf32, #tpu.memory_space<vmem>>[vector<16xi32>], vector<16xf32>,
      %get3A_866 = arith.constant 2 : i32
      %get3A_867 = arith.constant 0 : i32
      %get3A_868 = arith.index_cast %get3A_866 : i32 to index
      %get3A_869 = arith.index_cast %get3A_867 : i32 to index
      %get3A_870 = arith.constant 48 : index
      %get3A_871 = tpu.vector_load %arg8[%get3A_868, %get3A_869, %get3A_870] {strides = array<i32>} : memref<4x2x128xi32, #tpu.memory_space<vmem>>, vector<16xi32>,
      %get3A_872 = arith.constant 2 : i32
      %get3A_873 = arith.constant 1 : i32
      %get3A_874 = arith.index_cast %get3A_872 : i32 to index
      %get3A_875 = arith.index_cast %get3A_873 : i32 to index
      %get3A_876 = arith.constant 48 : index
      %get3A_877 = tpu.vector_load %arg8[%get3A_874, %get3A_875, %get3A_876] {strides = array<i32>} : memref<4x2x128xi32, #tpu.memory_space<vmem>>, vector<16xi32>,
      %gather3A_878 = tpu.vector_load_idx %arg10[%get3A_871] : memref<10016xf32, #tpu.memory_space<vmem>>[vector<16xi32>], vector<16xf32>,
      %gather3A_879 = tpu.vector_load_idx %arg11[%get3A_877] : memref<10016xf32, #tpu.memory_space<vmem>>[vector<16xi32>], vector<16xf32>,
      %add3A_880 = arith.addf %gather3A_878, %gather3A_879 : vector<16xf32>
      %ge3A_881 = arith.constant 0.000000e+00 : f32
      %ge3A_882 = vector.broadcast %ge3A_881 : f32 to vector<16xf32>
      %ge3A_883 = arith.cmpf oge, %add3A_880, %ge3A_882 : vector<16xf32>
      %mul3A_884 = arith.constant 2.000000e-01 : f32
      %mul3A_885 = vector.broadcast %mul3A_884 : f32 to vector<16xf32>
      %mul3A_886 = arith.mulf %mul3A_885, %add3A_880 : vector<16xf32>
      %select_n3A_887 = arith.select %ge3A_883, %add3A_880, %mul3A_886 : vector<16xi1>, vector<16xf32>
      %exp3A_888 = math.exp %select_n3A_887 : vector<16xf32>
      %swap3A_889 = arith.constant 48 : index
      %swap3A_890 = tpu.vector_load %arg14[%swap3A_889] {strides = array<i32>} : memref<128xf32, #tpu.memory_space<vmem>>, vector<16xf32>,
      tpu.vector_store %arg14[%swap3A_889], %exp3A_888 {strides = array<i32>} : memref<128xf32, #tpu.memory_space<vmem>>, vector<16xf32>,
      tpu.vector_store_idx %arg15[%get3A_877], %exp3A_888 {add = true} : memref<10016xf32, #tpu.memory_space<vmem>>[vector<16xi32>], vector<16xf32>,
      %get3A_891 = arith.constant 2 : i32
      %get3A_892 = arith.constant 0 : i32
      %get3A_893 = arith.index_cast %get3A_891 : i32 to index
      %get3A_894 = arith.index_cast %get3A_892 : i32 to index
      %get3A_895 = arith.constant 64 : index
      %get3A_896 = tpu.vector_load %arg8[%get3A_893, %get3A_894, %get3A_895] {strides = array<i32>} : memref<4x2x128xi32, #tpu.memory_space<vmem>>, vector<16xi32>,
      %get3A_897 = arith.constant 2 : i32
      %get3A_898 = arith.constant 1 : i32
      %get3A_899 = arith.index_cast %get3A_897 : i32 to index
      %get3A_900 = arith.index_cast %get3A_898 : i32 to index
      %get3A_901 = arith.constant 64 : index
      %get3A_902 = tpu.vector_load %arg8[%get3A_899, %get3A_900, %get3A_901] {strides = array<i32>} : memref<4x2x128xi32, #tpu.memory_space<vmem>>, vector<16xi32>,
      %gather3A_903 = tpu.vector_load_idx %arg10[%get3A_896] : memref<10016xf32, #tpu.memory_space<vmem>>[vector<16xi32>], vector<16xf32>,
      %gather3A_904 = tpu.vector_load_idx %arg11[%get3A_902] : memref<10016xf32, #tpu.memory_space<vmem>>[vector<16xi32>], vector<16xf32>,
      %add3A_905 = arith.addf %gather3A_903, %gather3A_904 : vector<16xf32>
      %ge3A_906 = arith.constant 0.000000e+00 : f32
      %ge3A_907 = vector.broadcast %ge3A_906 : f32 to vector<16xf32>
      %ge3A_908 = arith.cmpf oge, %add3A_905, %ge3A_907 : vector<16xf32>
      %mul3A_909 = arith.constant 2.000000e-01 : f32
      %mul3A_910 = vector.broadcast %mul3A_909 : f32 to vector<16xf32>
      %mul3A_911 = arith.mulf %mul3A_910, %add3A_905 : vector<16xf32>
      %select_n3A_912 = arith.select %ge3A_908, %add3A_905, %mul3A_911 : vector<16xi1>, vector<16xf32>
      %exp3A_913 = math.exp %select_n3A_912 : vector<16xf32>
      %swap3A_914 = arith.constant 64 : index
      %swap3A_915 = tpu.vector_load %arg14[%swap3A_914] {strides = array<i32>} : memref<128xf32, #tpu.memory_space<vmem>>, vector<16xf32>,
      tpu.vector_store %arg14[%swap3A_914], %exp3A_913 {strides = array<i32>} : memref<128xf32, #tpu.memory_space<vmem>>, vector<16xf32>,
      tpu.vector_store_idx %arg15[%get3A_902], %exp3A_913 {add = true} : memref<10016xf32, #tpu.memory_space<vmem>>[vector<16xi32>], vector<16xf32>,
      %get3A_916 = arith.constant 2 : i32
      %get3A_917 = arith.constant 0 : i32
      %get3A_918 = arith.index_cast %get3A_916 : i32 to index
      %get3A_919 = arith.index_cast %get3A_917 : i32 to index
      %get3A_920 = arith.constant 80 : index
      %get3A_921 = tpu.vector_load %arg8[%get3A_918, %get3A_919, %get3A_920] {strides = array<i32>} : memref<4x2x128xi32, #tpu.memory_space<vmem>>, vector<16xi32>,
      %get3A_922 = arith.constant 2 : i32
      %get3A_923 = arith.constant 1 : i32
      %get3A_924 = arith.index_cast %get3A_922 : i32 to index
      %get3A_925 = arith.index_cast %get3A_923 : i32 to index
      %get3A_926 = arith.constant 80 : index
      %get3A_927 = tpu.vector_load %arg8[%get3A_924, %get3A_925, %get3A_926] {strides = array<i32>} : memref<4x2x128xi32, #tpu.memory_space<vmem>>, vector<16xi32>,
      %gather3A_928 = tpu.vector_load_idx %arg10[%get3A_921] : memref<10016xf32, #tpu.memory_space<vmem>>[vector<16xi32>], vector<16xf32>,
      %gather3A_929 = tpu.vector_load_idx %arg11[%get3A_927] : memref<10016xf32, #tpu.memory_space<vmem>>[vector<16xi32>], vector<16xf32>,
      %add3A_930 = arith.addf %gather3A_928, %gather3A_929 : vector<16xf32>
      %ge3A_931 = arith.constant 0.000000e+00 : f32
      %ge3A_932 = vector.broadcast %ge3A_931 : f32 to vector<16xf32>
      %ge3A_933 = arith.cmpf oge, %add3A_930, %ge3A_932 : vector<16xf32>
      %mul3A_934 = arith.constant 2.000000e-01 : f32
      %mul3A_935 = vector.broadcast %mul3A_934 : f32 to vector<16xf32>
      %mul3A_936 = arith.mulf %mul3A_935, %add3A_930 : vector<16xf32>
      %select_n3A_937 = arith.select %ge3A_933, %add3A_930, %mul3A_936 : vector<16xi1>, vector<16xf32>
      %exp3A_938 = math.exp %select_n3A_937 : vector<16xf32>
      %swap3A_939 = arith.constant 80 : index
      %swap3A_940 = tpu.vector_load %arg14[%swap3A_939] {strides = array<i32>} : memref<128xf32, #tpu.memory_space<vmem>>, vector<16xf32>,
      tpu.vector_store %arg14[%swap3A_939], %exp3A_938 {strides = array<i32>} : memref<128xf32, #tpu.memory_space<vmem>>, vector<16xf32>,
      tpu.vector_store_idx %arg15[%get3A_927], %exp3A_938 {add = true} : memref<10016xf32, #tpu.memory_space<vmem>>[vector<16xi32>], vector<16xf32>,
      %get3A_941 = arith.constant 2 : i32
      %get3A_942 = arith.constant 0 : i32
      %get3A_943 = arith.index_cast %get3A_941 : i32 to index
      %get3A_944 = arith.index_cast %get3A_942 : i32 to index
      %get3A_945 = arith.constant 96 : index
      %get3A_946 = tpu.vector_load %arg8[%get3A_943, %get3A_944, %get3A_945] {strides = array<i32>} : memref<4x2x128xi32, #tpu.memory_space<vmem>>, vector<16xi32>,
      %get3A_947 = arith.constant 2 : i32
      %get3A_948 = arith.constant 1 : i32
      %get3A_949 = arith.index_cast %get3A_947 : i32 to index
      %get3A_950 = arith.index_cast %get3A_948 : i32 to index
      %get3A_951 = arith.constant 96 : index
      %get3A_952 = tpu.vector_load %arg8[%get3A_949, %get3A_950, %get3A_951] {strides = array<i32>} : memref<4x2x128xi32, #tpu.memory_space<vmem>>, vector<16xi32>,
      %gather3A_953 = tpu.vector_load_idx %arg10[%get3A_946] : memref<10016xf32, #tpu.memory_space<vmem>>[vector<16xi32>], vector<16xf32>,
      %gather3A_954 = tpu.vector_load_idx %arg11[%get3A_952] : memref<10016xf32, #tpu.memory_space<vmem>>[vector<16xi32>], vector<16xf32>,
      %add3A_955 = arith.addf %gather3A_953, %gather3A_954 : vector<16xf32>
      %ge3A_956 = arith.constant 0.000000e+00 : f32
      %ge3A_957 = vector.broadcast %ge3A_956 : f32 to vector<16xf32>
      %ge3A_958 = arith.cmpf oge, %add3A_955, %ge3A_957 : vector<16xf32>
      %mul3A_959 = arith.constant 2.000000e-01 : f32
      %mul3A_960 = vector.broadcast %mul3A_959 : f32 to vector<16xf32>
      %mul3A_961 = arith.mulf %mul3A_960, %add3A_955 : vector<16xf32>
      %select_n3A_962 = arith.select %ge3A_958, %add3A_955, %mul3A_961 : vector<16xi1>, vector<16xf32>
      %exp3A_963 = math.exp %select_n3A_962 : vector<16xf32>
      %swap3A_964 = arith.constant 96 : index
      %swap3A_965 = tpu.vector_load %arg14[%swap3A_964] {strides = array<i32>} : memref<128xf32, #tpu.memory_space<vmem>>, vector<16xf32>,
      tpu.vector_store %arg14[%swap3A_964], %exp3A_963 {strides = array<i32>} : memref<128xf32, #tpu.memory_space<vmem>>, vector<16xf32>,
      tpu.vector_store_idx %arg15[%get3A_952], %exp3A_963 {add = true} : memref<10016xf32, #tpu.memory_space<vmem>>[vector<16xi32>], vector<16xf32>,
      %get3A_966 = arith.constant 2 : i32
      %get3A_967 = arith.constant 0 : i32
      %get3A_968 = arith.index_cast %get3A_966 : i32 to index
      %get3A_969 = arith.index_cast %get3A_967 : i32 to index
      %get3A_970 = arith.constant 112 : index
      %get3A_971 = tpu.vector_load %arg8[%get3A_968, %get3A_969, %get3A_970] {strides = array<i32>} : memref<4x2x128xi32, #tpu.memory_space<vmem>>, vector<16xi32>,
      %get3A_972 = arith.constant 2 : i32
      %get3A_973 = arith.constant 1 : i32
      %get3A_974 = arith.index_cast %get3A_972 : i32 to index
      %get3A_975 = arith.index_cast %get3A_973 : i32 to index
      %get3A_976 = arith.constant 112 : index
      %get3A_977 = tpu.vector_load %arg8[%get3A_974, %get3A_975, %get3A_976] {strides = array<i32>} : memref<4x2x128xi32, #tpu.memory_space<vmem>>, vector<16xi32>,
      %gather3A_978 = tpu.vector_load_idx %arg10[%get3A_971] : memref<10016xf32, #tpu.memory_space<vmem>>[vector<16xi32>], vector<16xf32>,
      %gather3A_979 = tpu.vector_load_idx %arg11[%get3A_977] : memref<10016xf32, #tpu.memory_space<vmem>>[vector<16xi32>], vector<16xf32>,
      %add3A_980 = arith.addf %gather3A_978, %gather3A_979 : vector<16xf32>
      %ge3A_981 = arith.constant 0.000000e+00 : f32
      %ge3A_982 = vector.broadcast %ge3A_981 : f32 to vector<16xf32>
      %ge3A_983 = arith.cmpf oge, %add3A_980, %ge3A_982 : vector<16xf32>
      %mul3A_984 = arith.constant 2.000000e-01 : f32
      %mul3A_985 = vector.broadcast %mul3A_984 : f32 to vector<16xf32>
      %mul3A_986 = arith.mulf %mul3A_985, %add3A_980 : vector<16xf32>
      %select_n3A_987 = arith.select %ge3A_983, %add3A_980, %mul3A_986 : vector<16xi1>, vector<16xf32>
      %exp3A_988 = math.exp %select_n3A_987 : vector<16xf32>
      %swap3A_989 = arith.constant 112 : index
      %swap3A_990 = tpu.vector_load %arg14[%swap3A_989] {strides = array<i32>} : memref<128xf32, #tpu.memory_space<vmem>>, vector<16xf32>,
      tpu.vector_store %arg14[%swap3A_989], %exp3A_988 {strides = array<i32>} : memref<128xf32, #tpu.memory_space<vmem>>, vector<16xf32>,
      tpu.vector_store_idx %arg15[%get3A_977], %exp3A_988 {add = true} : memref<10016xf32, #tpu.memory_space<vmem>>[vector<16xi32>], vector<16xf32>,
      %ge3A_991 = arith.constant 1 : i32
      %ge3A_992 = arith.cmpi sge, %add3A_783, %ge3A_991 : i32
      %convert_element_type3A_993 = arith.extui %ge3A_992 : i1 to i32
      %cond3A_994 = arith.constant 0 : i32
      %cond3A_995 = arith.cmpi ne, %convert_element_type3A_993, %cond3A_994 : i32
      scf.if %cond3A_995 {
        %dma_wait3A_1272 = arith.constant 1 : i32
        %dma_wait3A_1273 = arith.constant 1 : i32
        %dma_wait3A_1274 = arith.constant 0 : i32
        %dma_wait3A_1275 = tpu.memref_slice %arg8[%dma_wait3A_1272, %dma_wait3A_1273, %dma_wait3A_1274] : memref<4x2x128xi32, #tpu.memory_space<vmem>> -> memref<1x1x128xi32, #tpu.memory_space<vmem>>
        %dma_wait3A_1276 = tpu.memref_squeeze %dma_wait3A_1275 : memref<1x1x128xi32, #tpu.memory_space<vmem>> -> memref<128xi32, #tpu.memory_space<vmem>>
        %dma_wait3A_1277 = arith.constant 0 : i32
        %dma_wait3A_1278 = arith.constant 0 : i32
        %dma_wait3A_1279 = tpu.memref_slice %arg16[%dma_wait3A_1277, %dma_wait3A_1278] : memref<10240x64xf32, #tpu.memory_space<vmem_shared>> -> memref<10240x64xf32, #tpu.memory_space<vmem_shared>>
        tpu.wait_indirect_dma semaphore(%arg19 : memref<!tpu.dma_semaphore, #tpu.memory_space<semaphore_mem>>) src(%arg13 : memref<128x64xf32, #tpu.memory_space<vmem>>) dst(%dma_wait3A_1279 : memref<10240x64xf32, #tpu.memory_space<vmem_shared>>)
      } else {
      }
      %add3A_996 = arith.constant 3 : i32
      %add3A_997 = arith.addi %add3A_783, %add3A_996 : i32
      %lt3A_998 = arith.constant 160 : i32
      %lt3A_999 = arith.cmpi slt, %add3A_997, %lt3A_998 : i32
      %convert_element_type3A_1000 = arith.extui %lt3A_999 : i1 to i32
      %cond3A_1001 = arith.constant 0 : i32
      %cond3A_1002 = arith.cmpi ne, %convert_element_type3A_1000, %cond3A_1001 : i32
      scf.if %cond3A_1002 {
        %add3A_1272 = arith.constant 3 : i32
        %add3A_1273 = arith.addi %add3A_783, %add3A_1272 : i32
        %dma_start3A_1274 = arith.constant 1 : i32
        %dma_start3A_1275 = arith.constant 0 : i32
        %dma_start3A_1276 = arith.constant 0 : i32
        %dma_start3A_1277 = tpu.memref_slice %arg8[%dma_start3A_1274, %dma_start3A_1275, %dma_start3A_1276] : memref<4x2x128xi32, #tpu.memory_space<vmem>> -> memref<1x2x128xi32, #tpu.memory_space<vmem>>
        %dma_start3A_1278 = tpu.memref_squeeze %dma_start3A_1277 : memref<1x2x128xi32, #tpu.memory_space<vmem>> -> memref<2x128xi32, #tpu.memory_space<vmem>>
        %dma_start3A_1279 = arith.constant 0 : i32
        %dma_start3A_1280 = arith.constant 0 : i32
        %dma_start3A_1281 = tpu.memref_slice %arg2[%arg1, %add3A_1273, %dma_start3A_1279, %dma_start3A_1280] : memref<16x160x2x128xi32, #tpu.memory_space<hbm>> -> memref<1x1x2x128xi32, #tpu.memory_space<hbm>>
        %dma_start3A_1282 = tpu.memref_squeeze %dma_start3A_1281 : memref<1x1x2x128xi32, #tpu.memory_space<hbm>> -> memref<2x128xi32, #tpu.memory_space<hbm>>
        %dma_start3A_1283 = arith.constant 0 : i32
        %dma_start3A_1284 = arith.constant 0 : i32
        %dma_start3A_1285 = tpu.memref_slice %arg8[%dma_start3A_1274, %dma_start3A_1283, %dma_start3A_1284] : memref<4x2x128xi32, #tpu.memory_space<vmem>> -> memref<1x2x128xi32, #tpu.memory_space<vmem>>
        %dma_start3A_1286 = tpu.memref_squeeze %dma_start3A_1285 : memref<1x2x128xi32, #tpu.memory_space<vmem>> -> memref<2x128xi32, #tpu.memory_space<vmem>>
        %dma_start3A_1287 = arith.constant 0 : i32
        %dma_start3A_1288 = arith.constant 0 : i32
        %dma_start3A_1289 = tpu.memref_slice %arg2[%arg1, %add3A_1273, %dma_start3A_1287, %dma_start3A_1288] : memref<16x160x2x128xi32, #tpu.memory_space<hbm>> -> memref<1x1x2x128xi32, #tpu.memory_space<hbm>>
        %dma_start3A_1290 = tpu.memref_squeeze %dma_start3A_1289 : memref<1x1x2x128xi32, #tpu.memory_space<hbm>> -> memref<2x128xi32, #tpu.memory_space<hbm>>
        tpu.enqueue_dma source(%dma_start3A_1290 : memref<2x128xi32, #tpu.memory_space<hbm>>) target(%dma_start3A_1286 : memref<2x128xi32, #tpu.memory_space<vmem>>) target_semaphore(%arg21 : memref<!tpu.dma_semaphore, #tpu.memory_space<semaphore_mem>>)
      } else {
      }
      %dma_wait3A_1003 = arith.constant 2 : i32
      %dma_wait3A_1004 = arith.constant 0 : i32
      %dma_wait3A_1005 = arith.constant 0 : i32
      %dma_wait3A_1006 = arith.constant 0 : i32
      %dma_wait3A_1007 = tpu.memref_slice %arg12[%dma_wait3A_1004, %dma_wait3A_1005, %dma_wait3A_1006] : memref<2x128x64xbf16, #tpu.memory_space<vmem>> -> memref<1x128x64xbf16, #tpu.memory_space<vmem>>
      %dma_wait3A_1008 = tpu.memref_squeeze %dma_wait3A_1007 : memref<1x128x64xbf16, #tpu.memory_space<vmem>> -> memref<128x64xbf16, #tpu.memory_space<vmem>>
      %dma_wait3A_1009 = arith.constant 0 : i32
      %dma_wait3A_1010 = tpu.memref_slice %arg9[%dma_wait3A_1003, %dma_wait3A_1009] : memref<4x128xi32, #tpu.memory_space<vmem>> -> memref<1x128xi32, #tpu.memory_space<vmem>>
      %dma_wait3A_1011 = tpu.memref_squeeze %dma_wait3A_1010 : memref<1x128xi32, #tpu.memory_space<vmem>> -> memref<128xi32, #tpu.memory_space<vmem>>
      %dma_wait3A_1012 = arith.constant 0 : i32
      %dma_wait3A_1013 = arith.constant 0 : i32
      %dma_wait3A_1014 = tpu.memref_slice %arg5[%dma_wait3A_1012, %dma_wait3A_1013] : memref<20000x64xbf16, #tpu.memory_space<hbm>> -> memref<20000x64xbf16, #tpu.memory_space<hbm>>
      tpu.wait_indirect_dma semaphore(%arg17 : memref<!tpu.dma_semaphore, #tpu.memory_space<semaphore_mem>>) src(%dma_wait3A_1014 : memref<20000x64xbf16, #tpu.memory_space<hbm>>) dst(%dma_wait3A_1008 : memref<128x64xbf16, #tpu.memory_space<vmem>>)
      %parallel_loop3A_1015 = arith.constant 0 : i32
      %parallel_loop3A_1016 = arith.constant 128 : i32
      %parallel_loop3A_1017 = arith.constant 1 : i32
      scf.for %parallel_loop3A_1272 = %parallel_loop3A_1015 to %parallel_loop3A_1016 step %parallel_loop3A_1017  : i32 {
        %parallel_loop3A_1273 = vector.broadcast %parallel_loop3A_1272 : i32 to vector<16xi32>
        %parallel_loop3A_1274 = tpu.vector_load_idx %arg14[%parallel_loop3A_1273] : memref<128xf32, #tpu.memory_space<vmem>>[vector<16xi32>], vector<16xf32>,
        %parallel_loop3A_1275 = arith.constant 0 : i32
        %parallel_loop3A_1276 = arith.index_cast %parallel_loop3A_1275 : i32 to index
        %parallel_loop3A_1277 = arith.index_cast %parallel_loop3A_1272 : i32 to index
        %parallel_loop3A_1278 = arith.constant 0 : index
        %parallel_loop3A_1279 = tpu.vector_load %arg12[%parallel_loop3A_1276, %parallel_loop3A_1277, %parallel_loop3A_1278] {strides = array<i32>} : memref<2x128x64xbf16, #tpu.memory_space<vmem>>, vector<32xbf16>,
        %parallel_loop3A_1280 = tpu.unpack_subelements %parallel_loop3A_1279, 0 {pack_format = #tpu.pack_format<interleaved>} : vector<32xbf16> -> vector<16xf32>
        %parallel_loop3A_1281 = tpu.unpack_subelements %parallel_loop3A_1279, 1 {pack_format = #tpu.pack_format<interleaved>} : vector<32xbf16> -> vector<16xf32>
        %parallel_loop3A_1282 = tpu.iota {dimensions = array<i32: 0>} : vector<16xi32>
        %parallel_loop3A_1283 = arith.constant 2 : i32
        %parallel_loop3A_1284 = vector.broadcast %parallel_loop3A_1283 : i32 to vector<16xi32>
        %parallel_loop3A_1285 = arith.muli %parallel_loop3A_1282, %parallel_loop3A_1284 : vector<16xi32>
        %parallel_loop3A_1286 = arith.constant 0 : i32
        %parallel_loop3A_1287 = vector.broadcast %parallel_loop3A_1286 : i32 to vector<16xi32>
        %parallel_loop3A_1288 = arith.addi %parallel_loop3A_1285, %parallel_loop3A_1287 : vector<16xi32>
        %parallel_loop3A_1289 = arith.mulf %parallel_loop3A_1280, %parallel_loop3A_1274 : vector<16xf32>
        tpu.vector_store_idx %arg13[%parallel_loop3A_1273, %parallel_loop3A_1288], %parallel_loop3A_1289 : memref<128x64xf32, #tpu.memory_space<vmem>>[vector<16xi32>, vector<16xi32>], vector<16xf32>,
        %parallel_loop3A_1290 = arith.constant 1 : i32
        %parallel_loop3A_1291 = vector.broadcast %parallel_loop3A_1290 : i32 to vector<16xi32>
        %parallel_loop3A_1292 = arith.addi %parallel_loop3A_1288, %parallel_loop3A_1291 : vector<16xi32>
        %parallel_loop3A_1293 = arith.mulf %parallel_loop3A_1281, %parallel_loop3A_1274 : vector<16xf32>
        tpu.vector_store_idx %arg13[%parallel_loop3A_1273, %parallel_loop3A_1292], %parallel_loop3A_1293 : memref<128x64xf32, #tpu.memory_space<vmem>>[vector<16xi32>, vector<16xi32>], vector<16xf32>,
        %parallel_loop3A_1294 = arith.constant 0 : i32
        %parallel_loop3A_1295 = arith.index_cast %parallel_loop3A_1294 : i32 to index
        %parallel_loop3A_1296 = arith.index_cast %parallel_loop3A_1272 : i32 to index
        %parallel_loop3A_1297 = arith.constant 32 : index
        %parallel_loop3A_1298 = tpu.vector_load %arg12[%parallel_loop3A_1295, %parallel_loop3A_1296, %parallel_loop3A_1297] {strides = array<i32>} : memref<2x128x64xbf16, #tpu.memory_space<vmem>>, vector<32xbf16>,
        %parallel_loop3A_1299 = tpu.unpack_subelements %parallel_loop3A_1298, 0 {pack_format = #tpu.pack_format<interleaved>} : vector<32xbf16> -> vector<16xf32>
        %parallel_loop3A_1300 = tpu.unpack_subelements %parallel_loop3A_1298, 1 {pack_format = #tpu.pack_format<interleaved>} : vector<32xbf16> -> vector<16xf32>
        %parallel_loop3A_1301 = tpu.iota {dimensions = array<i32: 0>} : vector<16xi32>
        %parallel_loop3A_1302 = arith.constant 2 : i32
        %parallel_loop3A_1303 = vector.broadcast %parallel_loop3A_1302 : i32 to vector<16xi32>
        %parallel_loop3A_1304 = arith.muli %parallel_loop3A_1301, %parallel_loop3A_1303 : vector<16xi32>
        %parallel_loop3A_1305 = arith.constant 32 : i32
        %parallel_loop3A_1306 = vector.broadcast %parallel_loop3A_1305 : i32 to vector<16xi32>
        %parallel_loop3A_1307 = arith.addi %parallel_loop3A_1304, %parallel_loop3A_1306 : vector<16xi32>
        %parallel_loop3A_1308 = arith.mulf %parallel_loop3A_1299, %parallel_loop3A_1274 : vector<16xf32>
        tpu.vector_store_idx %arg13[%parallel_loop3A_1273, %parallel_loop3A_1307], %parallel_loop3A_1308 : memref<128x64xf32, #tpu.memory_space<vmem>>[vector<16xi32>, vector<16xi32>], vector<16xf32>,
        %parallel_loop3A_1309 = arith.constant 1 : i32
        %parallel_loop3A_1310 = vector.broadcast %parallel_loop3A_1309 : i32 to vector<16xi32>
        %parallel_loop3A_1311 = arith.addi %parallel_loop3A_1307, %parallel_loop3A_1310 : vector<16xi32>
        %parallel_loop3A_1312 = arith.mulf %parallel_loop3A_1300, %parallel_loop3A_1274 : vector<16xf32>
        tpu.vector_store_idx %arg13[%parallel_loop3A_1273, %parallel_loop3A_1311], %parallel_loop3A_1312 : memref<128x64xf32, #tpu.memory_space<vmem>>[vector<16xi32>, vector<16xi32>], vector<16xf32>,
      } {sc.loop_unroll_factor = 4 : i64, sc.parallel_access}
      %dma_start3A_1018 = arith.constant 2 : i32
      %dma_start3A_1019 = arith.constant 1 : i32
      %dma_start3A_1020 = arith.constant 0 : i32
      %dma_start3A_1021 = tpu.memref_slice %arg8[%dma_start3A_1018, %dma_start3A_1019, %dma_start3A_1020] : memref<4x2x128xi32, #tpu.memory_space<vmem>> -> memref<1x1x128xi32, #tpu.memory_space<vmem>>
      %dma_start3A_1022 = tpu.memref_squeeze %dma_start3A_1021 : memref<1x1x128xi32, #tpu.memory_space<vmem>> -> memref<128xi32, #tpu.memory_space<vmem>>
      %dma_start3A_1023 = arith.constant 0 : i32
      %dma_start3A_1024 = arith.constant 0 : i32
      %dma_start3A_1025 = tpu.memref_slice %arg16[%dma_start3A_1023, %dma_start3A_1024] : memref<10240x64xf32, #tpu.memory_space<vmem_shared>> -> memref<10240x64xf32, #tpu.memory_space<vmem_shared>>
      tpu.enqueue_indirect_dma source(%arg13 : memref<128x64xf32, #tpu.memory_space<vmem>>) target(%dma_start3A_1025 : memref<10240x64xf32, #tpu.memory_space<vmem_shared>>) offsets(%dma_start3A_1022 : memref<128xi32, #tpu.memory_space<vmem>>) semaphore(%arg19 : memref<!tpu.dma_semaphore, #tpu.memory_space<semaphore_mem>>) {add = true}
      %mul3A_1026 = arith.constant 4 : i32
      %mul3A_1027 = arith.muli %mul3A_1026, %scan3A_293 : i32
      %add3A_1028 = arith.constant 3 : i32
      %add3A_1029 = arith.addi %mul3A_1027, %add3A_1028 : i32
      %add3A_1030 = arith.constant 1 : i32
      %add3A_1031 = arith.addi %add3A_1029, %add3A_1030 : i32
      %lt3A_1032 = arith.constant 160 : i32
      %lt3A_1033 = arith.cmpi slt, %add3A_1031, %lt3A_1032 : i32
      %convert_element_type3A_1034 = arith.extui %lt3A_1033 : i1 to i32
      %cond3A_1035 = arith.constant 0 : i32
      %cond3A_1036 = arith.cmpi ne, %convert_element_type3A_1034, %cond3A_1035 : i32
      scf.if %cond3A_1036 {
        %add3A_1272 = arith.constant 1 : i32
        %add3A_1273 = arith.addi %add3A_1029, %add3A_1272 : i32
        %dma_wait3A_1274 = arith.constant 0 : i32
        %dma_wait3A_1275 = arith.constant 0 : i32
        %dma_wait3A_1276 = arith.constant 0 : i32
        %dma_wait3A_1277 = tpu.memref_slice %arg8[%dma_wait3A_1274, %dma_wait3A_1275, %dma_wait3A_1276] : memref<4x2x128xi32, #tpu.memory_space<vmem>> -> memref<1x2x128xi32, #tpu.memory_space<vmem>>
        %dma_wait3A_1278 = tpu.memref_squeeze %dma_wait3A_1277 : memref<1x2x128xi32, #tpu.memory_space<vmem>> -> memref<2x128xi32, #tpu.memory_space<vmem>>
        %dma_wait3A_1279 = arith.constant 0 : i32
        %dma_wait3A_1280 = arith.constant 0 : i32
        %dma_wait3A_1281 = tpu.memref_slice %arg2[%arg1, %add3A_1273, %dma_wait3A_1279, %dma_wait3A_1280] : memref<16x160x2x128xi32, #tpu.memory_space<hbm>> -> memref<1x1x2x128xi32, #tpu.memory_space<hbm>>
        %dma_wait3A_1282 = tpu.memref_squeeze %dma_wait3A_1281 : memref<1x1x2x128xi32, #tpu.memory_space<hbm>> -> memref<2x128xi32, #tpu.memory_space<hbm>>
        %dma_wait3A_1283 = arith.constant 0 : i32
        %dma_wait3A_1284 = arith.constant 0 : i32
        %dma_wait3A_1285 = tpu.memref_slice %arg8[%dma_wait3A_1274, %dma_wait3A_1283, %dma_wait3A_1284] : memref<4x2x128xi32, #tpu.memory_space<vmem>> -> memref<1x2x128xi32, #tpu.memory_space<vmem>>
        %dma_wait3A_1286 = tpu.memref_squeeze %dma_wait3A_1285 : memref<1x2x128xi32, #tpu.memory_space<vmem>> -> memref<2x128xi32, #tpu.memory_space<vmem>>
        %dma_wait3A_1287 = arith.constant 0 : i32
        %dma_wait3A_1288 = arith.constant 0 : i32
        %dma_wait3A_1289 = tpu.memref_slice %arg2[%arg1, %add3A_1273, %dma_wait3A_1287, %dma_wait3A_1288] : memref<16x160x2x128xi32, #tpu.memory_space<hbm>> -> memref<1x1x2x128xi32, #tpu.memory_space<hbm>>
        %dma_wait3A_1290 = tpu.memref_squeeze %dma_wait3A_1289 : memref<1x1x2x128xi32, #tpu.memory_space<hbm>> -> memref<2x128xi32, #tpu.memory_space<hbm>>
        tpu.wait_dma2 semaphore(%arg20 : memref<!tpu.dma_semaphore, #tpu.memory_space<semaphore_mem>>) src(%dma_wait3A_1290 : memref<2x128xi32, #tpu.memory_space<hbm>>) dst(%dma_wait3A_1286 : memref<2x128xi32, #tpu.memory_space<vmem>>)
        %get3A_1291 = arith.constant 0 : i32
        %get3A_1292 = arith.constant 0 : i32
        %get3A_1293 = arith.index_cast %get3A_1291 : i32 to index
        %get3A_1294 = arith.index_cast %get3A_1292 : i32 to index
        %get3A_1295 = arith.constant 0 : index
        %get3A_1296 = tpu.vector_load %arg8[%get3A_1293, %get3A_1294, %get3A_1295] {strides = array<i32>} : memref<4x2x128xi32, #tpu.memory_space<vmem>>, vector<16xi32>,
        %min3A_1297 = arith.minsi %get3A_1296, %broadcast_in_dim3A_3 : vector<16xi32>
        %add3A_1298 = vector.broadcast %mul3A_1 : i32 to vector<16xi32>
        %add3A_1299 = arith.addi %min3A_1297, %add3A_1298 : vector<16xi32>
        %swap3A_1300 = arith.constant 0 : i32
        %swap3A_1301 = arith.index_cast %swap3A_1300 : i32 to index
        %swap3A_1302 = arith.constant 0 : index
        %swap3A_1303 = tpu.vector_load %arg9[%swap3A_1301, %swap3A_1302] {strides = array<i32>} : memref<4x128xi32, #tpu.memory_space<vmem>>, vector<16xi32>,
        tpu.vector_store %arg9[%swap3A_1301, %swap3A_1302], %add3A_1299 {strides = array<i32>} : memref<4x128xi32, #tpu.memory_space<vmem>>, vector<16xi32>,
        %get3A_1304 = arith.constant 0 : i32
        %get3A_1305 = arith.constant 0 : i32
        %get3A_1306 = arith.index_cast %get3A_1304 : i32 to index
        %get3A_1307 = arith.index_cast %get3A_1305 : i32 to index
        %get3A_1308 = arith.constant 16 : index
        %get3A_1309 = tpu.vector_load %arg8[%get3A_1306, %get3A_1307, %get3A_1308] {strides = array<i32>} : memref<4x2x128xi32, #tpu.memory_space<vmem>>, vector<16xi32>,
        %min3A_1310 = arith.minsi %get3A_1309, %broadcast_in_dim3A_3 : vector<16xi32>
        %add3A_1311 = vector.broadcast %mul3A_1 : i32 to vector<16xi32>
        %add3A_1312 = arith.addi %min3A_1310, %add3A_1311 : vector<16xi32>
        %swap3A_1313 = arith.constant 0 : i32
        %swap3A_1314 = arith.index_cast %swap3A_1313 : i32 to index
        %swap3A_1315 = arith.constant 16 : index
        %swap3A_1316 = tpu.vector_load %arg9[%swap3A_1314, %swap3A_1315] {strides = array<i32>} : memref<4x128xi32, #tpu.memory_space<vmem>>, vector<16xi32>,
        tpu.vector_store %arg9[%swap3A_1314, %swap3A_1315], %add3A_1312 {strides = array<i32>} : memref<4x128xi32, #tpu.memory_space<vmem>>, vector<16xi32>,
        %get3A_1317 = arith.constant 0 : i32
        %get3A_1318 = arith.constant 0 : i32
        %get3A_1319 = arith.index_cast %get3A_1317 : i32 to index
        %get3A_1320 = arith.index_cast %get3A_1318 : i32 to index
        %get3A_1321 = arith.constant 32 : index
        %get3A_1322 = tpu.vector_load %arg8[%get3A_1319, %get3A_1320, %get3A_1321] {strides = array<i32>} : memref<4x2x128xi32, #tpu.memory_space<vmem>>, vector<16xi32>,
        %min3A_1323 = arith.minsi %get3A_1322, %broadcast_in_dim3A_3 : vector<16xi32>
        %add3A_1324 = vector.broadcast %mul3A_1 : i32 to vector<16xi32>
        %add3A_1325 = arith.addi %min3A_1323, %add3A_1324 : vector<16xi32>
        %swap3A_1326 = arith.constant 0 : i32
        %swap3A_1327 = arith.index_cast %swap3A_1326 : i32 to index
        %swap3A_1328 = arith.constant 32 : index
        %swap3A_1329 = tpu.vector_load %arg9[%swap3A_1327, %swap3A_1328] {strides = array<i32>} : memref<4x128xi32, #tpu.memory_space<vmem>>, vector<16xi32>,
        tpu.vector_store %arg9[%swap3A_1327, %swap3A_1328], %add3A_1325 {strides = array<i32>} : memref<4x128xi32, #tpu.memory_space<vmem>>, vector<16xi32>,
        %get3A_1330 = arith.constant 0 : i32
        %get3A_1331 = arith.constant 0 : i32
        %get3A_1332 = arith.index_cast %get3A_1330 : i32 to index
        %get3A_1333 = arith.index_cast %get3A_1331 : i32 to index
        %get3A_1334 = arith.constant 48 : index
        %get3A_1335 = tpu.vector_load %arg8[%get3A_1332, %get3A_1333, %get3A_1334] {strides = array<i32>} : memref<4x2x128xi32, #tpu.memory_space<vmem>>, vector<16xi32>,
        %min3A_1336 = arith.minsi %get3A_1335, %broadcast_in_dim3A_3 : vector<16xi32>
        %add3A_1337 = vector.broadcast %mul3A_1 : i32 to vector<16xi32>
        %add3A_1338 = arith.addi %min3A_1336, %add3A_1337 : vector<16xi32>
        %swap3A_1339 = arith.constant 0 : i32
        %swap3A_1340 = arith.index_cast %swap3A_1339 : i32 to index
        %swap3A_1341 = arith.constant 48 : index
        %swap3A_1342 = tpu.vector_load %arg9[%swap3A_1340, %swap3A_1341] {strides = array<i32>} : memref<4x128xi32, #tpu.memory_space<vmem>>, vector<16xi32>,
        tpu.vector_store %arg9[%swap3A_1340, %swap3A_1341], %add3A_1338 {strides = array<i32>} : memref<4x128xi32, #tpu.memory_space<vmem>>, vector<16xi32>,
        %get3A_1343 = arith.constant 0 : i32
        %get3A_1344 = arith.constant 0 : i32
        %get3A_1345 = arith.index_cast %get3A_1343 : i32 to index
        %get3A_1346 = arith.index_cast %get3A_1344 : i32 to index
        %get3A_1347 = arith.constant 64 : index
        %get3A_1348 = tpu.vector_load %arg8[%get3A_1345, %get3A_1346, %get3A_1347] {strides = array<i32>} : memref<4x2x128xi32, #tpu.memory_space<vmem>>, vector<16xi32>,
        %min3A_1349 = arith.minsi %get3A_1348, %broadcast_in_dim3A_3 : vector<16xi32>
        %add3A_1350 = vector.broadcast %mul3A_1 : i32 to vector<16xi32>
        %add3A_1351 = arith.addi %min3A_1349, %add3A_1350 : vector<16xi32>
        %swap3A_1352 = arith.constant 0 : i32
        %swap3A_1353 = arith.index_cast %swap3A_1352 : i32 to index
        %swap3A_1354 = arith.constant 64 : index
        %swap3A_1355 = tpu.vector_load %arg9[%swap3A_1353, %swap3A_1354] {strides = array<i32>} : memref<4x128xi32, #tpu.memory_space<vmem>>, vector<16xi32>,
        tpu.vector_store %arg9[%swap3A_1353, %swap3A_1354], %add3A_1351 {strides = array<i32>} : memref<4x128xi32, #tpu.memory_space<vmem>>, vector<16xi32>,
        %get3A_1356 = arith.constant 0 : i32
        %get3A_1357 = arith.constant 0 : i32
        %get3A_1358 = arith.index_cast %get3A_1356 : i32 to index
        %get3A_1359 = arith.index_cast %get3A_1357 : i32 to index
        %get3A_1360 = arith.constant 80 : index
        %get3A_1361 = tpu.vector_load %arg8[%get3A_1358, %get3A_1359, %get3A_1360] {strides = array<i32>} : memref<4x2x128xi32, #tpu.memory_space<vmem>>, vector<16xi32>,
        %min3A_1362 = arith.minsi %get3A_1361, %broadcast_in_dim3A_3 : vector<16xi32>
        %add3A_1363 = vector.broadcast %mul3A_1 : i32 to vector<16xi32>
        %add3A_1364 = arith.addi %min3A_1362, %add3A_1363 : vector<16xi32>
        %swap3A_1365 = arith.constant 0 : i32
        %swap3A_1366 = arith.index_cast %swap3A_1365 : i32 to index
        %swap3A_1367 = arith.constant 80 : index
        %swap3A_1368 = tpu.vector_load %arg9[%swap3A_1366, %swap3A_1367] {strides = array<i32>} : memref<4x128xi32, #tpu.memory_space<vmem>>, vector<16xi32>,
        tpu.vector_store %arg9[%swap3A_1366, %swap3A_1367], %add3A_1364 {strides = array<i32>} : memref<4x128xi32, #tpu.memory_space<vmem>>, vector<16xi32>,
        %get3A_1369 = arith.constant 0 : i32
        %get3A_1370 = arith.constant 0 : i32
        %get3A_1371 = arith.index_cast %get3A_1369 : i32 to index
        %get3A_1372 = arith.index_cast %get3A_1370 : i32 to index
        %get3A_1373 = arith.constant 96 : index
        %get3A_1374 = tpu.vector_load %arg8[%get3A_1371, %get3A_1372, %get3A_1373] {strides = array<i32>} : memref<4x2x128xi32, #tpu.memory_space<vmem>>, vector<16xi32>,
        %min3A_1375 = arith.minsi %get3A_1374, %broadcast_in_dim3A_3 : vector<16xi32>
        %add3A_1376 = vector.broadcast %mul3A_1 : i32 to vector<16xi32>
        %add3A_1377 = arith.addi %min3A_1375, %add3A_1376 : vector<16xi32>
        %swap3A_1378 = arith.constant 0 : i32
        %swap3A_1379 = arith.index_cast %swap3A_1378 : i32 to index
        %swap3A_1380 = arith.constant 96 : index
        %swap3A_1381 = tpu.vector_load %arg9[%swap3A_1379, %swap3A_1380] {strides = array<i32>} : memref<4x128xi32, #tpu.memory_space<vmem>>, vector<16xi32>,
        tpu.vector_store %arg9[%swap3A_1379, %swap3A_1380], %add3A_1377 {strides = array<i32>} : memref<4x128xi32, #tpu.memory_space<vmem>>, vector<16xi32>,
        %get3A_1382 = arith.constant 0 : i32
        %get3A_1383 = arith.constant 0 : i32
        %get3A_1384 = arith.index_cast %get3A_1382 : i32 to index
        %get3A_1385 = arith.index_cast %get3A_1383 : i32 to index
        %get3A_1386 = arith.constant 112 : index
        %get3A_1387 = tpu.vector_load %arg8[%get3A_1384, %get3A_1385, %get3A_1386] {strides = array<i32>} : memref<4x2x128xi32, #tpu.memory_space<vmem>>, vector<16xi32>,
        %min3A_1388 = arith.minsi %get3A_1387, %broadcast_in_dim3A_3 : vector<16xi32>
        %add3A_1389 = vector.broadcast %mul3A_1 : i32 to vector<16xi32>
        %add3A_1390 = arith.addi %min3A_1388, %add3A_1389 : vector<16xi32>
        %swap3A_1391 = arith.constant 0 : i32
        %swap3A_1392 = arith.index_cast %swap3A_1391 : i32 to index
        %swap3A_1393 = arith.constant 112 : index
        %swap3A_1394 = tpu.vector_load %arg9[%swap3A_1392, %swap3A_1393] {strides = array<i32>} : memref<4x128xi32, #tpu.memory_space<vmem>>, vector<16xi32>,
        tpu.vector_store %arg9[%swap3A_1392, %swap3A_1393], %add3A_1390 {strides = array<i32>} : memref<4x128xi32, #tpu.memory_space<vmem>>, vector<16xi32>,
        %dma_start3A_1395 = arith.constant 0 : i32
        %dma_start3A_1396 = arith.constant 0 : i32
        %dma_start3A_1397 = arith.constant 0 : i32
        %dma_start3A_1398 = arith.constant 0 : i32
        %dma_start3A_1399 = tpu.memref_slice %arg12[%dma_start3A_1396, %dma_start3A_1397, %dma_start3A_1398] : memref<2x128x64xbf16, #tpu.memory_space<vmem>> -> memref<1x128x64xbf16, #tpu.memory_space<vmem>>
        %dma_start3A_1400 = tpu.memref_squeeze %dma_start3A_1399 : memref<1x128x64xbf16, #tpu.memory_space<vmem>> -> memref<128x64xbf16, #tpu.memory_space<vmem>>
        %dma_start3A_1401 = arith.constant 0 : i32
        %dma_start3A_1402 = tpu.memref_slice %arg9[%dma_start3A_1395, %dma_start3A_1401] : memref<4x128xi32, #tpu.memory_space<vmem>> -> memref<1x128xi32, #tpu.memory_space<vmem>>
        %dma_start3A_1403 = tpu.memref_squeeze %dma_start3A_1402 : memref<1x128xi32, #tpu.memory_space<vmem>> -> memref<128xi32, #tpu.memory_space<vmem>>
        %dma_start3A_1404 = arith.constant 0 : i32
        %dma_start3A_1405 = arith.constant 0 : i32
        %dma_start3A_1406 = tpu.memref_slice %arg5[%dma_start3A_1404, %dma_start3A_1405] : memref<20000x64xbf16, #tpu.memory_space<hbm>> -> memref<20000x64xbf16, #tpu.memory_space<hbm>>
        tpu.enqueue_indirect_dma source(%dma_start3A_1406 : memref<20000x64xbf16, #tpu.memory_space<hbm>>) target(%dma_start3A_1400 : memref<128x64xbf16, #tpu.memory_space<vmem>>) offsets(%dma_start3A_1403 : memref<128xi32, #tpu.memory_space<vmem>>) semaphore(%arg17 : memref<!tpu.dma_semaphore, #tpu.memory_space<semaphore_mem>>)
      } else {
      }
      %get3A_1037 = arith.constant 3 : i32
      %get3A_1038 = arith.constant 0 : i32
      %get3A_1039 = arith.index_cast %get3A_1037 : i32 to index
      %get3A_1040 = arith.index_cast %get3A_1038 : i32 to index
      %get3A_1041 = arith.constant 0 : index
      %get3A_1042 = tpu.vector_load %arg8[%get3A_1039, %get3A_1040, %get3A_1041] {strides = array<i32>} : memref<4x2x128xi32, #tpu.memory_space<vmem>>, vector<16xi32>,
      %get3A_1043 = arith.constant 3 : i32
      %get3A_1044 = arith.constant 1 : i32
      %get3A_1045 = arith.index_cast %get3A_1043 : i32 to index
      %get3A_1046 = arith.index_cast %get3A_1044 : i32 to index
      %get3A_1047 = arith.constant 0 : index
      %get3A_1048 = tpu.vector_load %arg8[%get3A_1045, %get3A_1046, %get3A_1047] {strides = array<i32>} : memref<4x2x128xi32, #tpu.memory_space<vmem>>, vector<16xi32>,
      %gather3A_1049 = tpu.vector_load_idx %arg10[%get3A_1042] : memref<10016xf32, #tpu.memory_space<vmem>>[vector<16xi32>], vector<16xf32>,
      %gather3A_1050 = tpu.vector_load_idx %arg11[%get3A_1048] : memref<10016xf32, #tpu.memory_space<vmem>>[vector<16xi32>], vector<16xf32>,
      %add3A_1051 = arith.addf %gather3A_1049, %gather3A_1050 : vector<16xf32>
      %ge3A_1052 = arith.constant 0.000000e+00 : f32
      %ge3A_1053 = vector.broadcast %ge3A_1052 : f32 to vector<16xf32>
      %ge3A_1054 = arith.cmpf oge, %add3A_1051, %ge3A_1053 : vector<16xf32>
      %mul3A_1055 = arith.constant 2.000000e-01 : f32
      %mul3A_1056 = vector.broadcast %mul3A_1055 : f32 to vector<16xf32>
      %mul3A_1057 = arith.mulf %mul3A_1056, %add3A_1051 : vector<16xf32>
      %select_n3A_1058 = arith.select %ge3A_1054, %add3A_1051, %mul3A_1057 : vector<16xi1>, vector<16xf32>
      %exp3A_1059 = math.exp %select_n3A_1058 : vector<16xf32>
      %swap3A_1060 = arith.constant 0 : index
      %swap3A_1061 = tpu.vector_load %arg14[%swap3A_1060] {strides = array<i32>} : memref<128xf32, #tpu.memory_space<vmem>>, vector<16xf32>,
      tpu.vector_store %arg14[%swap3A_1060], %exp3A_1059 {strides = array<i32>} : memref<128xf32, #tpu.memory_space<vmem>>, vector<16xf32>,
      tpu.vector_store_idx %arg15[%get3A_1048], %exp3A_1059 {add = true} : memref<10016xf32, #tpu.memory_space<vmem>>[vector<16xi32>], vector<16xf32>,
      %get3A_1062 = arith.constant 3 : i32
      %get3A_1063 = arith.constant 0 : i32
      %get3A_1064 = arith.index_cast %get3A_1062 : i32 to index
      %get3A_1065 = arith.index_cast %get3A_1063 : i32 to index
      %get3A_1066 = arith.constant 16 : index
      %get3A_1067 = tpu.vector_load %arg8[%get3A_1064, %get3A_1065, %get3A_1066] {strides = array<i32>} : memref<4x2x128xi32, #tpu.memory_space<vmem>>, vector<16xi32>,
      %get3A_1068 = arith.constant 3 : i32
      %get3A_1069 = arith.constant 1 : i32
      %get3A_1070 = arith.index_cast %get3A_1068 : i32 to index
      %get3A_1071 = arith.index_cast %get3A_1069 : i32 to index
      %get3A_1072 = arith.constant 16 : index
      %get3A_1073 = tpu.vector_load %arg8[%get3A_1070, %get3A_1071, %get3A_1072] {strides = array<i32>} : memref<4x2x128xi32, #tpu.memory_space<vmem>>, vector<16xi32>,
      %gather3A_1074 = tpu.vector_load_idx %arg10[%get3A_1067] : memref<10016xf32, #tpu.memory_space<vmem>>[vector<16xi32>], vector<16xf32>,
      %gather3A_1075 = tpu.vector_load_idx %arg11[%get3A_1073] : memref<10016xf32, #tpu.memory_space<vmem>>[vector<16xi32>], vector<16xf32>,
      %add3A_1076 = arith.addf %gather3A_1074, %gather3A_1075 : vector<16xf32>
      %ge3A_1077 = arith.constant 0.000000e+00 : f32
      %ge3A_1078 = vector.broadcast %ge3A_1077 : f32 to vector<16xf32>
      %ge3A_1079 = arith.cmpf oge, %add3A_1076, %ge3A_1078 : vector<16xf32>
      %mul3A_1080 = arith.constant 2.000000e-01 : f32
      %mul3A_1081 = vector.broadcast %mul3A_1080 : f32 to vector<16xf32>
      %mul3A_1082 = arith.mulf %mul3A_1081, %add3A_1076 : vector<16xf32>
      %select_n3A_1083 = arith.select %ge3A_1079, %add3A_1076, %mul3A_1082 : vector<16xi1>, vector<16xf32>
      %exp3A_1084 = math.exp %select_n3A_1083 : vector<16xf32>
      %swap3A_1085 = arith.constant 16 : index
      %swap3A_1086 = tpu.vector_load %arg14[%swap3A_1085] {strides = array<i32>} : memref<128xf32, #tpu.memory_space<vmem>>, vector<16xf32>,
      tpu.vector_store %arg14[%swap3A_1085], %exp3A_1084 {strides = array<i32>} : memref<128xf32, #tpu.memory_space<vmem>>, vector<16xf32>,
      tpu.vector_store_idx %arg15[%get3A_1073], %exp3A_1084 {add = true} : memref<10016xf32, #tpu.memory_space<vmem>>[vector<16xi32>], vector<16xf32>,
      %get3A_1087 = arith.constant 3 : i32
      %get3A_1088 = arith.constant 0 : i32
      %get3A_1089 = arith.index_cast %get3A_1087 : i32 to index
      %get3A_1090 = arith.index_cast %get3A_1088 : i32 to index
      %get3A_1091 = arith.constant 32 : index
      %get3A_1092 = tpu.vector_load %arg8[%get3A_1089, %get3A_1090, %get3A_1091] {strides = array<i32>} : memref<4x2x128xi32, #tpu.memory_space<vmem>>, vector<16xi32>,
      %get3A_1093 = arith.constant 3 : i32
      %get3A_1094 = arith.constant 1 : i32
      %get3A_1095 = arith.index_cast %get3A_1093 : i32 to index
      %get3A_1096 = arith.index_cast %get3A_1094 : i32 to index
      %get3A_1097 = arith.constant 32 : index
      %get3A_1098 = tpu.vector_load %arg8[%get3A_1095, %get3A_1096, %get3A_1097] {strides = array<i32>} : memref<4x2x128xi32, #tpu.memory_space<vmem>>, vector<16xi32>,
      %gather3A_1099 = tpu.vector_load_idx %arg10[%get3A_1092] : memref<10016xf32, #tpu.memory_space<vmem>>[vector<16xi32>], vector<16xf32>,
      %gather3A_1100 = tpu.vector_load_idx %arg11[%get3A_1098] : memref<10016xf32, #tpu.memory_space<vmem>>[vector<16xi32>], vector<16xf32>,
      %add3A_1101 = arith.addf %gather3A_1099, %gather3A_1100 : vector<16xf32>
      %ge3A_1102 = arith.constant 0.000000e+00 : f32
      %ge3A_1103 = vector.broadcast %ge3A_1102 : f32 to vector<16xf32>
      %ge3A_1104 = arith.cmpf oge, %add3A_1101, %ge3A_1103 : vector<16xf32>
      %mul3A_1105 = arith.constant 2.000000e-01 : f32
      %mul3A_1106 = vector.broadcast %mul3A_1105 : f32 to vector<16xf32>
      %mul3A_1107 = arith.mulf %mul3A_1106, %add3A_1101 : vector<16xf32>
      %select_n3A_1108 = arith.select %ge3A_1104, %add3A_1101, %mul3A_1107 : vector<16xi1>, vector<16xf32>
      %exp3A_1109 = math.exp %select_n3A_1108 : vector<16xf32>
      %swap3A_1110 = arith.constant 32 : index
      %swap3A_1111 = tpu.vector_load %arg14[%swap3A_1110] {strides = array<i32>} : memref<128xf32, #tpu.memory_space<vmem>>, vector<16xf32>,
      tpu.vector_store %arg14[%swap3A_1110], %exp3A_1109 {strides = array<i32>} : memref<128xf32, #tpu.memory_space<vmem>>, vector<16xf32>,
      tpu.vector_store_idx %arg15[%get3A_1098], %exp3A_1109 {add = true} : memref<10016xf32, #tpu.memory_space<vmem>>[vector<16xi32>], vector<16xf32>,
      %get3A_1112 = arith.constant 3 : i32
      %get3A_1113 = arith.constant 0 : i32
      %get3A_1114 = arith.index_cast %get3A_1112 : i32 to index
      %get3A_1115 = arith.index_cast %get3A_1113 : i32 to index
      %get3A_1116 = arith.constant 48 : index
      %get3A_1117 = tpu.vector_load %arg8[%get3A_1114, %get3A_1115, %get3A_1116] {strides = array<i32>} : memref<4x2x128xi32, #tpu.memory_space<vmem>>, vector<16xi32>,
      %get3A_1118 = arith.constant 3 : i32
      %get3A_1119 = arith.constant 1 : i32
      %get3A_1120 = arith.index_cast %get3A_1118 : i32 to index
      %get3A_1121 = arith.index_cast %get3A_1119 : i32 to index
      %get3A_1122 = arith.constant 48 : index
      %get3A_1123 = tpu.vector_load %arg8[%get3A_1120, %get3A_1121, %get3A_1122] {strides = array<i32>} : memref<4x2x128xi32, #tpu.memory_space<vmem>>, vector<16xi32>,
      %gather3A_1124 = tpu.vector_load_idx %arg10[%get3A_1117] : memref<10016xf32, #tpu.memory_space<vmem>>[vector<16xi32>], vector<16xf32>,
      %gather3A_1125 = tpu.vector_load_idx %arg11[%get3A_1123] : memref<10016xf32, #tpu.memory_space<vmem>>[vector<16xi32>], vector<16xf32>,
      %add3A_1126 = arith.addf %gather3A_1124, %gather3A_1125 : vector<16xf32>
      %ge3A_1127 = arith.constant 0.000000e+00 : f32
      %ge3A_1128 = vector.broadcast %ge3A_1127 : f32 to vector<16xf32>
      %ge3A_1129 = arith.cmpf oge, %add3A_1126, %ge3A_1128 : vector<16xf32>
      %mul3A_1130 = arith.constant 2.000000e-01 : f32
      %mul3A_1131 = vector.broadcast %mul3A_1130 : f32 to vector<16xf32>
      %mul3A_1132 = arith.mulf %mul3A_1131, %add3A_1126 : vector<16xf32>
      %select_n3A_1133 = arith.select %ge3A_1129, %add3A_1126, %mul3A_1132 : vector<16xi1>, vector<16xf32>
      %exp3A_1134 = math.exp %select_n3A_1133 : vector<16xf32>
      %swap3A_1135 = arith.constant 48 : index
      %swap3A_1136 = tpu.vector_load %arg14[%swap3A_1135] {strides = array<i32>} : memref<128xf32, #tpu.memory_space<vmem>>, vector<16xf32>,
      tpu.vector_store %arg14[%swap3A_1135], %exp3A_1134 {strides = array<i32>} : memref<128xf32, #tpu.memory_space<vmem>>, vector<16xf32>,
      tpu.vector_store_idx %arg15[%get3A_1123], %exp3A_1134 {add = true} : memref<10016xf32, #tpu.memory_space<vmem>>[vector<16xi32>], vector<16xf32>,
      %get3A_1137 = arith.constant 3 : i32
      %get3A_1138 = arith.constant 0 : i32
      %get3A_1139 = arith.index_cast %get3A_1137 : i32 to index
      %get3A_1140 = arith.index_cast %get3A_1138 : i32 to index
      %get3A_1141 = arith.constant 64 : index
      %get3A_1142 = tpu.vector_load %arg8[%get3A_1139, %get3A_1140, %get3A_1141] {strides = array<i32>} : memref<4x2x128xi32, #tpu.memory_space<vmem>>, vector<16xi32>,
      %get3A_1143 = arith.constant 3 : i32
      %get3A_1144 = arith.constant 1 : i32
      %get3A_1145 = arith.index_cast %get3A_1143 : i32 to index
      %get3A_1146 = arith.index_cast %get3A_1144 : i32 to index
      %get3A_1147 = arith.constant 64 : index
      %get3A_1148 = tpu.vector_load %arg8[%get3A_1145, %get3A_1146, %get3A_1147] {strides = array<i32>} : memref<4x2x128xi32, #tpu.memory_space<vmem>>, vector<16xi32>,
      %gather3A_1149 = tpu.vector_load_idx %arg10[%get3A_1142] : memref<10016xf32, #tpu.memory_space<vmem>>[vector<16xi32>], vector<16xf32>,
      %gather3A_1150 = tpu.vector_load_idx %arg11[%get3A_1148] : memref<10016xf32, #tpu.memory_space<vmem>>[vector<16xi32>], vector<16xf32>,
      %add3A_1151 = arith.addf %gather3A_1149, %gather3A_1150 : vector<16xf32>
      %ge3A_1152 = arith.constant 0.000000e+00 : f32
      %ge3A_1153 = vector.broadcast %ge3A_1152 : f32 to vector<16xf32>
      %ge3A_1154 = arith.cmpf oge, %add3A_1151, %ge3A_1153 : vector<16xf32>
      %mul3A_1155 = arith.constant 2.000000e-01 : f32
      %mul3A_1156 = vector.broadcast %mul3A_1155 : f32 to vector<16xf32>
      %mul3A_1157 = arith.mulf %mul3A_1156, %add3A_1151 : vector<16xf32>
      %select_n3A_1158 = arith.select %ge3A_1154, %add3A_1151, %mul3A_1157 : vector<16xi1>, vector<16xf32>
      %exp3A_1159 = math.exp %select_n3A_1158 : vector<16xf32>
      %swap3A_1160 = arith.constant 64 : index
      %swap3A_1161 = tpu.vector_load %arg14[%swap3A_1160] {strides = array<i32>} : memref<128xf32, #tpu.memory_space<vmem>>, vector<16xf32>,
      tpu.vector_store %arg14[%swap3A_1160], %exp3A_1159 {strides = array<i32>} : memref<128xf32, #tpu.memory_space<vmem>>, vector<16xf32>,
      tpu.vector_store_idx %arg15[%get3A_1148], %exp3A_1159 {add = true} : memref<10016xf32, #tpu.memory_space<vmem>>[vector<16xi32>], vector<16xf32>,
      %get3A_1162 = arith.constant 3 : i32
      %get3A_1163 = arith.constant 0 : i32
      %get3A_1164 = arith.index_cast %get3A_1162 : i32 to index
      %get3A_1165 = arith.index_cast %get3A_1163 : i32 to index
      %get3A_1166 = arith.constant 80 : index
      %get3A_1167 = tpu.vector_load %arg8[%get3A_1164, %get3A_1165, %get3A_1166] {strides = array<i32>} : memref<4x2x128xi32, #tpu.memory_space<vmem>>, vector<16xi32>,
      %get3A_1168 = arith.constant 3 : i32
      %get3A_1169 = arith.constant 1 : i32
      %get3A_1170 = arith.index_cast %get3A_1168 : i32 to index
      %get3A_1171 = arith.index_cast %get3A_1169 : i32 to index
      %get3A_1172 = arith.constant 80 : index
      %get3A_1173 = tpu.vector_load %arg8[%get3A_1170, %get3A_1171, %get3A_1172] {strides = array<i32>} : memref<4x2x128xi32, #tpu.memory_space<vmem>>, vector<16xi32>,
      %gather3A_1174 = tpu.vector_load_idx %arg10[%get3A_1167] : memref<10016xf32, #tpu.memory_space<vmem>>[vector<16xi32>], vector<16xf32>,
      %gather3A_1175 = tpu.vector_load_idx %arg11[%get3A_1173] : memref<10016xf32, #tpu.memory_space<vmem>>[vector<16xi32>], vector<16xf32>,
      %add3A_1176 = arith.addf %gather3A_1174, %gather3A_1175 : vector<16xf32>
      %ge3A_1177 = arith.constant 0.000000e+00 : f32
      %ge3A_1178 = vector.broadcast %ge3A_1177 : f32 to vector<16xf32>
      %ge3A_1179 = arith.cmpf oge, %add3A_1176, %ge3A_1178 : vector<16xf32>
      %mul3A_1180 = arith.constant 2.000000e-01 : f32
      %mul3A_1181 = vector.broadcast %mul3A_1180 : f32 to vector<16xf32>
      %mul3A_1182 = arith.mulf %mul3A_1181, %add3A_1176 : vector<16xf32>
      %select_n3A_1183 = arith.select %ge3A_1179, %add3A_1176, %mul3A_1182 : vector<16xi1>, vector<16xf32>
      %exp3A_1184 = math.exp %select_n3A_1183 : vector<16xf32>
      %swap3A_1185 = arith.constant 80 : index
      %swap3A_1186 = tpu.vector_load %arg14[%swap3A_1185] {strides = array<i32>} : memref<128xf32, #tpu.memory_space<vmem>>, vector<16xf32>,
      tpu.vector_store %arg14[%swap3A_1185], %exp3A_1184 {strides = array<i32>} : memref<128xf32, #tpu.memory_space<vmem>>, vector<16xf32>,
      tpu.vector_store_idx %arg15[%get3A_1173], %exp3A_1184 {add = true} : memref<10016xf32, #tpu.memory_space<vmem>>[vector<16xi32>], vector<16xf32>,
      %get3A_1187 = arith.constant 3 : i32
      %get3A_1188 = arith.constant 0 : i32
      %get3A_1189 = arith.index_cast %get3A_1187 : i32 to index
      %get3A_1190 = arith.index_cast %get3A_1188 : i32 to index
      %get3A_1191 = arith.constant 96 : index
      %get3A_1192 = tpu.vector_load %arg8[%get3A_1189, %get3A_1190, %get3A_1191] {strides = array<i32>} : memref<4x2x128xi32, #tpu.memory_space<vmem>>, vector<16xi32>,
      %get3A_1193 = arith.constant 3 : i32
      %get3A_1194 = arith.constant 1 : i32
      %get3A_1195 = arith.index_cast %get3A_1193 : i32 to index
      %get3A_1196 = arith.index_cast %get3A_1194 : i32 to index
      %get3A_1197 = arith.constant 96 : index
      %get3A_1198 = tpu.vector_load %arg8[%get3A_1195, %get3A_1196, %get3A_1197] {strides = array<i32>} : memref<4x2x128xi32, #tpu.memory_space<vmem>>, vector<16xi32>,
      %gather3A_1199 = tpu.vector_load_idx %arg10[%get3A_1192] : memref<10016xf32, #tpu.memory_space<vmem>>[vector<16xi32>], vector<16xf32>,
      %gather3A_1200 = tpu.vector_load_idx %arg11[%get3A_1198] : memref<10016xf32, #tpu.memory_space<vmem>>[vector<16xi32>], vector<16xf32>,
      %add3A_1201 = arith.addf %gather3A_1199, %gather3A_1200 : vector<16xf32>
      %ge3A_1202 = arith.constant 0.000000e+00 : f32
      %ge3A_1203 = vector.broadcast %ge3A_1202 : f32 to vector<16xf32>
      %ge3A_1204 = arith.cmpf oge, %add3A_1201, %ge3A_1203 : vector<16xf32>
      %mul3A_1205 = arith.constant 2.000000e-01 : f32
      %mul3A_1206 = vector.broadcast %mul3A_1205 : f32 to vector<16xf32>
      %mul3A_1207 = arith.mulf %mul3A_1206, %add3A_1201 : vector<16xf32>
      %select_n3A_1208 = arith.select %ge3A_1204, %add3A_1201, %mul3A_1207 : vector<16xi1>, vector<16xf32>
      %exp3A_1209 = math.exp %select_n3A_1208 : vector<16xf32>
      %swap3A_1210 = arith.constant 96 : index
      %swap3A_1211 = tpu.vector_load %arg14[%swap3A_1210] {strides = array<i32>} : memref<128xf32, #tpu.memory_space<vmem>>, vector<16xf32>,
      tpu.vector_store %arg14[%swap3A_1210], %exp3A_1209 {strides = array<i32>} : memref<128xf32, #tpu.memory_space<vmem>>, vector<16xf32>,
      tpu.vector_store_idx %arg15[%get3A_1198], %exp3A_1209 {add = true} : memref<10016xf32, #tpu.memory_space<vmem>>[vector<16xi32>], vector<16xf32>,
      %get3A_1212 = arith.constant 3 : i32
      %get3A_1213 = arith.constant 0 : i32
      %get3A_1214 = arith.index_cast %get3A_1212 : i32 to index
      %get3A_1215 = arith.index_cast %get3A_1213 : i32 to index
      %get3A_1216 = arith.constant 112 : index
      %get3A_1217 = tpu.vector_load %arg8[%get3A_1214, %get3A_1215, %get3A_1216] {strides = array<i32>} : memref<4x2x128xi32, #tpu.memory_space<vmem>>, vector<16xi32>,
      %get3A_1218 = arith.constant 3 : i32
      %get3A_1219 = arith.constant 1 : i32
      %get3A_1220 = arith.index_cast %get3A_1218 : i32 to index
      %get3A_1221 = arith.index_cast %get3A_1219 : i32 to index
      %get3A_1222 = arith.constant 112 : index
      %get3A_1223 = tpu.vector_load %arg8[%get3A_1220, %get3A_1221, %get3A_1222] {strides = array<i32>} : memref<4x2x128xi32, #tpu.memory_space<vmem>>, vector<16xi32>,
      %gather3A_1224 = tpu.vector_load_idx %arg10[%get3A_1217] : memref<10016xf32, #tpu.memory_space<vmem>>[vector<16xi32>], vector<16xf32>,
      %gather3A_1225 = tpu.vector_load_idx %arg11[%get3A_1223] : memref<10016xf32, #tpu.memory_space<vmem>>[vector<16xi32>], vector<16xf32>,
      %add3A_1226 = arith.addf %gather3A_1224, %gather3A_1225 : vector<16xf32>
      %ge3A_1227 = arith.constant 0.000000e+00 : f32
      %ge3A_1228 = vector.broadcast %ge3A_1227 : f32 to vector<16xf32>
      %ge3A_1229 = arith.cmpf oge, %add3A_1226, %ge3A_1228 : vector<16xf32>
      %mul3A_1230 = arith.constant 2.000000e-01 : f32
      %mul3A_1231 = vector.broadcast %mul3A_1230 : f32 to vector<16xf32>
      %mul3A_1232 = arith.mulf %mul3A_1231, %add3A_1226 : vector<16xf32>
      %select_n3A_1233 = arith.select %ge3A_1229, %add3A_1226, %mul3A_1232 : vector<16xi1>, vector<16xf32>
      %exp3A_1234 = math.exp %select_n3A_1233 : vector<16xf32>
      %swap3A_1235 = arith.constant 112 : index
      %swap3A_1236 = tpu.vector_load %arg14[%swap3A_1235] {strides = array<i32>} : memref<128xf32, #tpu.memory_space<vmem>>, vector<16xf32>,
      tpu.vector_store %arg14[%swap3A_1235], %exp3A_1234 {strides = array<i32>} : memref<128xf32, #tpu.memory_space<vmem>>, vector<16xf32>,
      tpu.vector_store_idx %arg15[%get3A_1223], %exp3A_1234 {add = true} : memref<10016xf32, #tpu.memory_space<vmem>>[vector<16xi32>], vector<16xf32>,
      %ge3A_1237 = arith.constant 1 : i32
      %ge3A_1238 = arith.cmpi sge, %add3A_1029, %ge3A_1237 : i32
      %convert_element_type3A_1239 = arith.extui %ge3A_1238 : i1 to i32
      %cond3A_1240 = arith.constant 0 : i32
      %cond3A_1241 = arith.cmpi ne, %convert_element_type3A_1239, %cond3A_1240 : i32
      scf.if %cond3A_1241 {
        %dma_wait3A_1272 = arith.constant 2 : i32
        %dma_wait3A_1273 = arith.constant 1 : i32
        %dma_wait3A_1274 = arith.constant 0 : i32
        %dma_wait3A_1275 = tpu.memref_slice %arg8[%dma_wait3A_1272, %dma_wait3A_1273, %dma_wait3A_1274] : memref<4x2x128xi32, #tpu.memory_space<vmem>> -> memref<1x1x128xi32, #tpu.memory_space<vmem>>
        %dma_wait3A_1276 = tpu.memref_squeeze %dma_wait3A_1275 : memref<1x1x128xi32, #tpu.memory_space<vmem>> -> memref<128xi32, #tpu.memory_space<vmem>>
        %dma_wait3A_1277 = arith.constant 0 : i32
        %dma_wait3A_1278 = arith.constant 0 : i32
        %dma_wait3A_1279 = tpu.memref_slice %arg16[%dma_wait3A_1277, %dma_wait3A_1278] : memref<10240x64xf32, #tpu.memory_space<vmem_shared>> -> memref<10240x64xf32, #tpu.memory_space<vmem_shared>>
        tpu.wait_indirect_dma semaphore(%arg19 : memref<!tpu.dma_semaphore, #tpu.memory_space<semaphore_mem>>) src(%arg13 : memref<128x64xf32, #tpu.memory_space<vmem>>) dst(%dma_wait3A_1279 : memref<10240x64xf32, #tpu.memory_space<vmem_shared>>)
      } else {
      }
      %add3A_1242 = arith.constant 3 : i32
      %add3A_1243 = arith.addi %add3A_1029, %add3A_1242 : i32
      %lt3A_1244 = arith.constant 160 : i32
      %lt3A_1245 = arith.cmpi slt, %add3A_1243, %lt3A_1244 : i32
      %convert_element_type3A_1246 = arith.extui %lt3A_1245 : i1 to i32
      %cond3A_1247 = arith.constant 0 : i32
      %cond3A_1248 = arith.cmpi ne, %convert_element_type3A_1246, %cond3A_1247 : i32
      scf.if %cond3A_1248 {
        %add3A_1272 = arith.constant 3 : i32
        %add3A_1273 = arith.addi %add3A_1029, %add3A_1272 : i32
        %dma_start3A_1274 = arith.constant 2 : i32
        %dma_start3A_1275 = arith.constant 0 : i32
        %dma_start3A_1276 = arith.constant 0 : i32
        %dma_start3A_1277 = tpu.memref_slice %arg8[%dma_start3A_1274, %dma_start3A_1275, %dma_start3A_1276] : memref<4x2x128xi32, #tpu.memory_space<vmem>> -> memref<1x2x128xi32, #tpu.memory_space<vmem>>
        %dma_start3A_1278 = tpu.memref_squeeze %dma_start3A_1277 : memref<1x2x128xi32, #tpu.memory_space<vmem>> -> memref<2x128xi32, #tpu.memory_space<vmem>>
        %dma_start3A_1279 = arith.constant 0 : i32
        %dma_start3A_1280 = arith.constant 0 : i32
        %dma_start3A_1281 = tpu.memref_slice %arg2[%arg1, %add3A_1273, %dma_start3A_1279, %dma_start3A_1280] : memref<16x160x2x128xi32, #tpu.memory_space<hbm>> -> memref<1x1x2x128xi32, #tpu.memory_space<hbm>>
        %dma_start3A_1282 = tpu.memref_squeeze %dma_start3A_1281 : memref<1x1x2x128xi32, #tpu.memory_space<hbm>> -> memref<2x128xi32, #tpu.memory_space<hbm>>
        %dma_start3A_1283 = arith.constant 0 : i32
        %dma_start3A_1284 = arith.constant 0 : i32
        %dma_start3A_1285 = tpu.memref_slice %arg8[%dma_start3A_1274, %dma_start3A_1283, %dma_start3A_1284] : memref<4x2x128xi32, #tpu.memory_space<vmem>> -> memref<1x2x128xi32, #tpu.memory_space<vmem>>
        %dma_start3A_1286 = tpu.memref_squeeze %dma_start3A_1285 : memref<1x2x128xi32, #tpu.memory_space<vmem>> -> memref<2x128xi32, #tpu.memory_space<vmem>>
        %dma_start3A_1287 = arith.constant 0 : i32
        %dma_start3A_1288 = arith.constant 0 : i32
        %dma_start3A_1289 = tpu.memref_slice %arg2[%arg1, %add3A_1273, %dma_start3A_1287, %dma_start3A_1288] : memref<16x160x2x128xi32, #tpu.memory_space<hbm>> -> memref<1x1x2x128xi32, #tpu.memory_space<hbm>>
        %dma_start3A_1290 = tpu.memref_squeeze %dma_start3A_1289 : memref<1x1x2x128xi32, #tpu.memory_space<hbm>> -> memref<2x128xi32, #tpu.memory_space<hbm>>
        tpu.enqueue_dma source(%dma_start3A_1290 : memref<2x128xi32, #tpu.memory_space<hbm>>) target(%dma_start3A_1286 : memref<2x128xi32, #tpu.memory_space<vmem>>) target_semaphore(%arg22 : memref<!tpu.dma_semaphore, #tpu.memory_space<semaphore_mem>>)
      } else {
      }
      %dma_wait3A_1249 = arith.constant 3 : i32
      %dma_wait3A_1250 = arith.constant 1 : i32
      %dma_wait3A_1251 = arith.constant 0 : i32
      %dma_wait3A_1252 = arith.constant 0 : i32
      %dma_wait3A_1253 = tpu.memref_slice %arg12[%dma_wait3A_1250, %dma_wait3A_1251, %dma_wait3A_1252] : memref<2x128x64xbf16, #tpu.memory_space<vmem>> -> memref<1x128x64xbf16, #tpu.memory_space<vmem>>
      %dma_wait3A_1254 = tpu.memref_squeeze %dma_wait3A_1253 : memref<1x128x64xbf16, #tpu.memory_space<vmem>> -> memref<128x64xbf16, #tpu.memory_space<vmem>>
      %dma_wait3A_1255 = arith.constant 0 : i32
      %dma_wait3A_1256 = tpu.memref_slice %arg9[%dma_wait3A_1249, %dma_wait3A_1255] : memref<4x128xi32, #tpu.memory_space<vmem>> -> memref<1x128xi32, #tpu.memory_space<vmem>>
      %dma_wait3A_1257 = tpu.memref_squeeze %dma_wait3A_1256 : memref<1x128xi32, #tpu.memory_space<vmem>> -> memref<128xi32, #tpu.memory_space<vmem>>
      %dma_wait3A_1258 = arith.constant 0 : i32
      %dma_wait3A_1259 = arith.constant 0 : i32
      %dma_wait3A_1260 = tpu.memref_slice %arg5[%dma_wait3A_1258, %dma_wait3A_1259] : memref<20000x64xbf16, #tpu.memory_space<hbm>> -> memref<20000x64xbf16, #tpu.memory_space<hbm>>
      tpu.wait_indirect_dma semaphore(%arg18 : memref<!tpu.dma_semaphore, #tpu.memory_space<semaphore_mem>>) src(%dma_wait3A_1260 : memref<20000x64xbf16, #tpu.memory_space<hbm>>) dst(%dma_wait3A_1254 : memref<128x64xbf16, #tpu.memory_space<vmem>>)
      %parallel_loop3A_1261 = arith.constant 0 : i32
      %parallel_loop3A_1262 = arith.constant 128 : i32
      %parallel_loop3A_1263 = arith.constant 1 : i32
      scf.for %parallel_loop3A_1272 = %parallel_loop3A_1261 to %parallel_loop3A_1262 step %parallel_loop3A_1263  : i32 {
        %parallel_loop3A_1273 = vector.broadcast %parallel_loop3A_1272 : i32 to vector<16xi32>
        %parallel_loop3A_1274 = tpu.vector_load_idx %arg14[%parallel_loop3A_1273] : memref<128xf32, #tpu.memory_space<vmem>>[vector<16xi32>], vector<16xf32>,
        %parallel_loop3A_1275 = arith.constant 1 : i32
        %parallel_loop3A_1276 = arith.index_cast %parallel_loop3A_1275 : i32 to index
        %parallel_loop3A_1277 = arith.index_cast %parallel_loop3A_1272 : i32 to index
        %parallel_loop3A_1278 = arith.constant 0 : index
        %parallel_loop3A_1279 = tpu.vector_load %arg12[%parallel_loop3A_1276, %parallel_loop3A_1277, %parallel_loop3A_1278] {strides = array<i32>} : memref<2x128x64xbf16, #tpu.memory_space<vmem>>, vector<32xbf16>,
        %parallel_loop3A_1280 = tpu.unpack_subelements %parallel_loop3A_1279, 0 {pack_format = #tpu.pack_format<interleaved>} : vector<32xbf16> -> vector<16xf32>
        %parallel_loop3A_1281 = tpu.unpack_subelements %parallel_loop3A_1279, 1 {pack_format = #tpu.pack_format<interleaved>} : vector<32xbf16> -> vector<16xf32>
        %parallel_loop3A_1282 = tpu.iota {dimensions = array<i32: 0>} : vector<16xi32>
        %parallel_loop3A_1283 = arith.constant 2 : i32
        %parallel_loop3A_1284 = vector.broadcast %parallel_loop3A_1283 : i32 to vector<16xi32>
        %parallel_loop3A_1285 = arith.muli %parallel_loop3A_1282, %parallel_loop3A_1284 : vector<16xi32>
        %parallel_loop3A_1286 = arith.constant 0 : i32
        %parallel_loop3A_1287 = vector.broadcast %parallel_loop3A_1286 : i32 to vector<16xi32>
        %parallel_loop3A_1288 = arith.addi %parallel_loop3A_1285, %parallel_loop3A_1287 : vector<16xi32>
        %parallel_loop3A_1289 = arith.mulf %parallel_loop3A_1280, %parallel_loop3A_1274 : vector<16xf32>
        tpu.vector_store_idx %arg13[%parallel_loop3A_1273, %parallel_loop3A_1288], %parallel_loop3A_1289 : memref<128x64xf32, #tpu.memory_space<vmem>>[vector<16xi32>, vector<16xi32>], vector<16xf32>,
        %parallel_loop3A_1290 = arith.constant 1 : i32
        %parallel_loop3A_1291 = vector.broadcast %parallel_loop3A_1290 : i32 to vector<16xi32>
        %parallel_loop3A_1292 = arith.addi %parallel_loop3A_1288, %parallel_loop3A_1291 : vector<16xi32>
        %parallel_loop3A_1293 = arith.mulf %parallel_loop3A_1281, %parallel_loop3A_1274 : vector<16xf32>
        tpu.vector_store_idx %arg13[%parallel_loop3A_1273, %parallel_loop3A_1292], %parallel_loop3A_1293 : memref<128x64xf32, #tpu.memory_space<vmem>>[vector<16xi32>, vector<16xi32>], vector<16xf32>,
        %parallel_loop3A_1294 = arith.constant 1 : i32
        %parallel_loop3A_1295 = arith.index_cast %parallel_loop3A_1294 : i32 to index
        %parallel_loop3A_1296 = arith.index_cast %parallel_loop3A_1272 : i32 to index
        %parallel_loop3A_1297 = arith.constant 32 : index
        %parallel_loop3A_1298 = tpu.vector_load %arg12[%parallel_loop3A_1295, %parallel_loop3A_1296, %parallel_loop3A_1297] {strides = array<i32>} : memref<2x128x64xbf16, #tpu.memory_space<vmem>>, vector<32xbf16>,
        %parallel_loop3A_1299 = tpu.unpack_subelements %parallel_loop3A_1298, 0 {pack_format = #tpu.pack_format<interleaved>} : vector<32xbf16> -> vector<16xf32>
        %parallel_loop3A_1300 = tpu.unpack_subelements %parallel_loop3A_1298, 1 {pack_format = #tpu.pack_format<interleaved>} : vector<32xbf16> -> vector<16xf32>
        %parallel_loop3A_1301 = tpu.iota {dimensions = array<i32: 0>} : vector<16xi32>
        %parallel_loop3A_1302 = arith.constant 2 : i32
        %parallel_loop3A_1303 = vector.broadcast %parallel_loop3A_1302 : i32 to vector<16xi32>
        %parallel_loop3A_1304 = arith.muli %parallel_loop3A_1301, %parallel_loop3A_1303 : vector<16xi32>
        %parallel_loop3A_1305 = arith.constant 32 : i32
        %parallel_loop3A_1306 = vector.broadcast %parallel_loop3A_1305 : i32 to vector<16xi32>
        %parallel_loop3A_1307 = arith.addi %parallel_loop3A_1304, %parallel_loop3A_1306 : vector<16xi32>
        %parallel_loop3A_1308 = arith.mulf %parallel_loop3A_1299, %parallel_loop3A_1274 : vector<16xf32>
        tpu.vector_store_idx %arg13[%parallel_loop3A_1273, %parallel_loop3A_1307], %parallel_loop3A_1308 : memref<128x64xf32, #tpu.memory_space<vmem>>[vector<16xi32>, vector<16xi32>], vector<16xf32>,
        %parallel_loop3A_1309 = arith.constant 1 : i32
        %parallel_loop3A_1310 = vector.broadcast %parallel_loop3A_1309 : i32 to vector<16xi32>
        %parallel_loop3A_1311 = arith.addi %parallel_loop3A_1307, %parallel_loop3A_1310 : vector<16xi32>
        %parallel_loop3A_1312 = arith.mulf %parallel_loop3A_1300, %parallel_loop3A_1274 : vector<16xf32>
        tpu.vector_store_idx %arg13[%parallel_loop3A_1273, %parallel_loop3A_1311], %parallel_loop3A_1312 : memref<128x64xf32, #tpu.memory_space<vmem>>[vector<16xi32>, vector<16xi32>], vector<16xf32>,
      } {sc.loop_unroll_factor = 4 : i64, sc.parallel_access}
      %dma_start3A_1264 = arith.constant 3 : i32
      %dma_start3A_1265 = arith.constant 1 : i32
      %dma_start3A_1266 = arith.constant 0 : i32
      %dma_start3A_1267 = tpu.memref_slice %arg8[%dma_start3A_1264, %dma_start3A_1265, %dma_start3A_1266] : memref<4x2x128xi32, #tpu.memory_space<vmem>> -> memref<1x1x128xi32, #tpu.memory_space<vmem>>
      %dma_start3A_1268 = tpu.memref_squeeze %dma_start3A_1267 : memref<1x1x128xi32, #tpu.memory_space<vmem>> -> memref<128xi32, #tpu.memory_space<vmem>>
      %dma_start3A_1269 = arith.constant 0 : i32
      %dma_start3A_1270 = arith.constant 0 : i32
      %dma_start3A_1271 = tpu.memref_slice %arg16[%dma_start3A_1269, %dma_start3A_1270] : memref<10240x64xf32, #tpu.memory_space<vmem_shared>> -> memref<10240x64xf32, #tpu.memory_space<vmem_shared>>
      tpu.enqueue_indirect_dma source(%arg13 : memref<128x64xf32, #tpu.memory_space<vmem>>) target(%dma_start3A_1271 : memref<10240x64xf32, #tpu.memory_space<vmem_shared>>) offsets(%dma_start3A_1268 : memref<128xi32, #tpu.memory_space<vmem>>) semaphore(%arg19 : memref<!tpu.dma_semaphore, #tpu.memory_space<semaphore_mem>>) {add = true}
    }
    %scan3A_211 = arith.constant 40 : i32
    %dma_wait3A_212 = arith.constant 3 : i32
    %dma_wait3A_213 = arith.constant 1 : i32
    %dma_wait3A_214 = arith.constant 0 : i32
    %dma_wait3A_215 = tpu.memref_slice %arg8[%dma_wait3A_212, %dma_wait3A_213, %dma_wait3A_214] : memref<4x2x128xi32, #tpu.memory_space<vmem>> -> memref<1x1x128xi32, #tpu.memory_space<vmem>>
    %dma_wait3A_216 = tpu.memref_squeeze %dma_wait3A_215 : memref<1x1x128xi32, #tpu.memory_space<vmem>> -> memref<128xi32, #tpu.memory_space<vmem>>
    %dma_wait3A_217 = arith.constant 0 : i32
    %dma_wait3A_218 = arith.constant 0 : i32
    %dma_wait3A_219 = tpu.memref_slice %arg16[%dma_wait3A_217, %dma_wait3A_218] : memref<10240x64xf32, #tpu.memory_space<vmem_shared>> -> memref<10240x64xf32, #tpu.memory_space<vmem_shared>>
    tpu.wait_indirect_dma semaphore(%arg19 : memref<!tpu.dma_semaphore, #tpu.memory_space<semaphore_mem>>) src(%arg13 : memref<128x64xf32, #tpu.memory_space<vmem>>) dst(%dma_wait3A_219 : memref<10240x64xf32, #tpu.memory_space<vmem_shared>>)
    %barrier3A_220 = arith.constant 0 : index
    tpu.barrier barrier_id(%barrier3A_220)
    %add3A_221 = arith.constant 0 : i32
    %add3A_222 = arith.addi %mul3A_14, %add3A_221 : i32
    %add3A_223 = arith.constant 0 : i32
    %add3A_224 = arith.addi %mul3A_14, %add3A_223 : i32
    %dma_start3A_225 = arith.constant 0 : i32
    %dma_start3A_226 = tpu.memref_slice %arg6[%arg0, %add3A_224, %dma_start3A_225] : memref<2x10240x64xf32, #tpu.memory_space<hbm>> -> memref<1x128x64xf32, #tpu.memory_space<hbm>>
    %dma_start3A_227 = tpu.memref_squeeze %dma_start3A_226 : memref<1x128x64xf32, #tpu.memory_space<hbm>> -> memref<128x64xf32, #tpu.memory_space<hbm>>
    %dma_start3A_228 = arith.constant 0 : i32
    %dma_start3A_229 = tpu.memref_slice %arg16[%add3A_222, %dma_start3A_228] : memref<10240x64xf32, #tpu.memory_space<vmem_shared>> -> memref<128x64xf32, #tpu.memory_space<vmem_shared>>
    tpu.enqueue_dma source(%dma_start3A_229 : memref<128x64xf32, #tpu.memory_space<vmem_shared>>) target(%dma_start3A_227 : memref<128x64xf32, #tpu.memory_space<hbm>>) target_semaphore(%arg17 : memref<!tpu.dma_semaphore, #tpu.memory_space<semaphore_mem>>)
    %add3A_230 = arith.constant 128 : i32
    %add3A_231 = arith.addi %mul3A_14, %add3A_230 : i32
    %add3A_232 = arith.constant 128 : i32
    %add3A_233 = arith.addi %mul3A_14, %add3A_232 : i32
    %dma_start3A_234 = arith.constant 0 : i32
    %dma_start3A_235 = tpu.memref_slice %arg6[%arg0, %add3A_233, %dma_start3A_234] : memref<2x10240x64xf32, #tpu.memory_space<hbm>> -> memref<1x128x64xf32, #tpu.memory_space<hbm>>
    %dma_start3A_236 = tpu.memref_squeeze %dma_start3A_235 : memref<1x128x64xf32, #tpu.memory_space<hbm>> -> memref<128x64xf32, #tpu.memory_space<hbm>>
    %dma_start3A_237 = arith.constant 0 : i32
    %dma_start3A_238 = tpu.memref_slice %arg16[%add3A_231, %dma_start3A_237] : memref<10240x64xf32, #tpu.memory_space<vmem_shared>> -> memref<128x64xf32, #tpu.memory_space<vmem_shared>>
    tpu.enqueue_dma source(%dma_start3A_238 : memref<128x64xf32, #tpu.memory_space<vmem_shared>>) target(%dma_start3A_236 : memref<128x64xf32, #tpu.memory_space<hbm>>) target_semaphore(%arg17 : memref<!tpu.dma_semaphore, #tpu.memory_space<semaphore_mem>>)
    %add3A_239 = arith.constant 256 : i32
    %add3A_240 = arith.addi %mul3A_14, %add3A_239 : i32
    %add3A_241 = arith.constant 256 : i32
    %add3A_242 = arith.addi %mul3A_14, %add3A_241 : i32
    %dma_start3A_243 = arith.constant 0 : i32
    %dma_start3A_244 = tpu.memref_slice %arg6[%arg0, %add3A_242, %dma_start3A_243] : memref<2x10240x64xf32, #tpu.memory_space<hbm>> -> memref<1x128x64xf32, #tpu.memory_space<hbm>>
    %dma_start3A_245 = tpu.memref_squeeze %dma_start3A_244 : memref<1x128x64xf32, #tpu.memory_space<hbm>> -> memref<128x64xf32, #tpu.memory_space<hbm>>
    %dma_start3A_246 = arith.constant 0 : i32
    %dma_start3A_247 = tpu.memref_slice %arg16[%add3A_240, %dma_start3A_246] : memref<10240x64xf32, #tpu.memory_space<vmem_shared>> -> memref<128x64xf32, #tpu.memory_space<vmem_shared>>
    tpu.enqueue_dma source(%dma_start3A_247 : memref<128x64xf32, #tpu.memory_space<vmem_shared>>) target(%dma_start3A_245 : memref<128x64xf32, #tpu.memory_space<hbm>>) target_semaphore(%arg17 : memref<!tpu.dma_semaphore, #tpu.memory_space<semaphore_mem>>)
    %add3A_248 = arith.constant 384 : i32
    %add3A_249 = arith.addi %mul3A_14, %add3A_248 : i32
    %add3A_250 = arith.constant 384 : i32
    %add3A_251 = arith.addi %mul3A_14, %add3A_250 : i32
    %dma_start3A_252 = arith.constant 0 : i32
    %dma_start3A_253 = tpu.memref_slice %arg6[%arg0, %add3A_251, %dma_start3A_252] : memref<2x10240x64xf32, #tpu.memory_space<hbm>> -> memref<1x128x64xf32, #tpu.memory_space<hbm>>
    %dma_start3A_254 = tpu.memref_squeeze %dma_start3A_253 : memref<1x128x64xf32, #tpu.memory_space<hbm>> -> memref<128x64xf32, #tpu.memory_space<hbm>>
    %dma_start3A_255 = arith.constant 0 : i32
    %dma_start3A_256 = tpu.memref_slice %arg16[%add3A_249, %dma_start3A_255] : memref<10240x64xf32, #tpu.memory_space<vmem_shared>> -> memref<128x64xf32, #tpu.memory_space<vmem_shared>>
    tpu.enqueue_dma source(%dma_start3A_256 : memref<128x64xf32, #tpu.memory_space<vmem_shared>>) target(%dma_start3A_254 : memref<128x64xf32, #tpu.memory_space<hbm>>) target_semaphore(%arg17 : memref<!tpu.dma_semaphore, #tpu.memory_space<semaphore_mem>>)
    %add3A_257 = arith.constant 512 : i32
    %add3A_258 = arith.addi %mul3A_14, %add3A_257 : i32
    %add3A_259 = arith.constant 512 : i32
    %add3A_260 = arith.addi %mul3A_14, %add3A_259 : i32
    %dma_start3A_261 = arith.constant 0 : i32
    %dma_start3A_262 = tpu.memref_slice %arg6[%arg0, %add3A_260, %dma_start3A_261] : memref<2x10240x64xf32, #tpu.memory_space<hbm>> -> memref<1x128x64xf32, #tpu.memory_space<hbm>>
    %dma_start3A_263 = tpu.memref_squeeze %dma_start3A_262 : memref<1x128x64xf32, #tpu.memory_space<hbm>> -> memref<128x64xf32, #tpu.memory_space<hbm>>
    %dma_start3A_264 = arith.constant 0 : i32
    %dma_start3A_265 = tpu.memref_slice %arg16[%add3A_258, %dma_start3A_264] : memref<10240x64xf32, #tpu.memory_space<vmem_shared>> -> memref<128x64xf32, #tpu.memory_space<vmem_shared>>
    tpu.enqueue_dma source(%dma_start3A_265 : memref<128x64xf32, #tpu.memory_space<vmem_shared>>) target(%dma_start3A_263 : memref<128x64xf32, #tpu.memory_space<hbm>>) target_semaphore(%arg17 : memref<!tpu.dma_semaphore, #tpu.memory_space<semaphore_mem>>)
    %dma_wait3A_266 = arith.constant 0 : i32
    %dma_wait3A_267 = tpu.memref_slice %arg6[%arg0, %add3A_224, %dma_wait3A_266] : memref<2x10240x64xf32, #tpu.memory_space<hbm>> -> memref<1x128x64xf32, #tpu.memory_space<hbm>>
    %dma_wait3A_268 = tpu.memref_squeeze %dma_wait3A_267 : memref<1x128x64xf32, #tpu.memory_space<hbm>> -> memref<128x64xf32, #tpu.memory_space<hbm>>
    %dma_wait3A_269 = arith.constant 0 : i32
    %dma_wait3A_270 = tpu.memref_slice %arg16[%add3A_222, %dma_wait3A_269] : memref<10240x64xf32, #tpu.memory_space<vmem_shared>> -> memref<128x64xf32, #tpu.memory_space<vmem_shared>>
    tpu.wait_dma2 semaphore(%arg17 : memref<!tpu.dma_semaphore, #tpu.memory_space<semaphore_mem>>) src(%dma_wait3A_270 : memref<128x64xf32, #tpu.memory_space<vmem_shared>>) dst(%dma_wait3A_268 : memref<128x64xf32, #tpu.memory_space<hbm>>)
    %dma_wait3A_271 = arith.constant 0 : i32
    %dma_wait3A_272 = tpu.memref_slice %arg6[%arg0, %add3A_233, %dma_wait3A_271] : memref<2x10240x64xf32, #tpu.memory_space<hbm>> -> memref<1x128x64xf32, #tpu.memory_space<hbm>>
    %dma_wait3A_273 = tpu.memref_squeeze %dma_wait3A_272 : memref<1x128x64xf32, #tpu.memory_space<hbm>> -> memref<128x64xf32, #tpu.memory_space<hbm>>
    %dma_wait3A_274 = arith.constant 0 : i32
    %dma_wait3A_275 = tpu.memref_slice %arg16[%add3A_231, %dma_wait3A_274] : memref<10240x64xf32, #tpu.memory_space<vmem_shared>> -> memref<128x64xf32, #tpu.memory_space<vmem_shared>>
    tpu.wait_dma2 semaphore(%arg17 : memref<!tpu.dma_semaphore, #tpu.memory_space<semaphore_mem>>) src(%dma_wait3A_275 : memref<128x64xf32, #tpu.memory_space<vmem_shared>>) dst(%dma_wait3A_273 : memref<128x64xf32, #tpu.memory_space<hbm>>)
    %dma_wait3A_276 = arith.constant 0 : i32
    %dma_wait3A_277 = tpu.memref_slice %arg6[%arg0, %add3A_242, %dma_wait3A_276] : memref<2x10240x64xf32, #tpu.memory_space<hbm>> -> memref<1x128x64xf32, #tpu.memory_space<hbm>>
    %dma_wait3A_278 = tpu.memref_squeeze %dma_wait3A_277 : memref<1x128x64xf32, #tpu.memory_space<hbm>> -> memref<128x64xf32, #tpu.memory_space<hbm>>
    %dma_wait3A_279 = arith.constant 0 : i32
    %dma_wait3A_280 = tpu.memref_slice %arg16[%add3A_240, %dma_wait3A_279] : memref<10240x64xf32, #tpu.memory_space<vmem_shared>> -> memref<128x64xf32, #tpu.memory_space<vmem_shared>>
    tpu.wait_dma2 semaphore(%arg17 : memref<!tpu.dma_semaphore, #tpu.memory_space<semaphore_mem>>) src(%dma_wait3A_280 : memref<128x64xf32, #tpu.memory_space<vmem_shared>>) dst(%dma_wait3A_278 : memref<128x64xf32, #tpu.memory_space<hbm>>)
    %dma_wait3A_281 = arith.constant 0 : i32
    %dma_wait3A_282 = tpu.memref_slice %arg6[%arg0, %add3A_251, %dma_wait3A_281] : memref<2x10240x64xf32, #tpu.memory_space<hbm>> -> memref<1x128x64xf32, #tpu.memory_space<hbm>>
    %dma_wait3A_283 = tpu.memref_squeeze %dma_wait3A_282 : memref<1x128x64xf32, #tpu.memory_space<hbm>> -> memref<128x64xf32, #tpu.memory_space<hbm>>
    %dma_wait3A_284 = arith.constant 0 : i32
    %dma_wait3A_285 = tpu.memref_slice %arg16[%add3A_249, %dma_wait3A_284] : memref<10240x64xf32, #tpu.memory_space<vmem_shared>> -> memref<128x64xf32, #tpu.memory_space<vmem_shared>>
    tpu.wait_dma2 semaphore(%arg17 : memref<!tpu.dma_semaphore, #tpu.memory_space<semaphore_mem>>) src(%dma_wait3A_285 : memref<128x64xf32, #tpu.memory_space<vmem_shared>>) dst(%dma_wait3A_283 : memref<128x64xf32, #tpu.memory_space<hbm>>)
    %dma_wait3A_286 = arith.constant 0 : i32
    %dma_wait3A_287 = tpu.memref_slice %arg6[%arg0, %add3A_260, %dma_wait3A_286] : memref<2x10240x64xf32, #tpu.memory_space<hbm>> -> memref<1x128x64xf32, #tpu.memory_space<hbm>>
    %dma_wait3A_288 = tpu.memref_squeeze %dma_wait3A_287 : memref<1x128x64xf32, #tpu.memory_space<hbm>> -> memref<128x64xf32, #tpu.memory_space<hbm>>
    %dma_wait3A_289 = arith.constant 0 : i32
    %dma_wait3A_290 = tpu.memref_slice %arg16[%add3A_258, %dma_wait3A_289] : memref<10240x64xf32, #tpu.memory_space<vmem_shared>> -> memref<128x64xf32, #tpu.memory_space<vmem_shared>>
    tpu.wait_dma2 semaphore(%arg17 : memref<!tpu.dma_semaphore, #tpu.memory_space<semaphore_mem>>) src(%dma_wait3A_290 : memref<128x64xf32, #tpu.memory_space<vmem_shared>>) dst(%dma_wait3A_288 : memref<128x64xf32, #tpu.memory_space<hbm>>)
    %eq3A = arith.constant 0 : i32
    %eq3A_291 = arith.cmpi eq, %arg0, %eq3A : i32
    %convert_element_type3A = arith.extui %eq3A_291 : i1 to i32
    %cond3A = arith.constant 0 : i32
    %cond3A_292 = arith.cmpi ne, %convert_element_type3A, %cond3A : i32
    scf.if %cond3A_292 {
      "tpu.region"() ({
        %run_scoped3A = tpu.sem_alloc : memref<!tpu.dma_semaphore, #tpu.memory_space<semaphore_mem>>
        %dma_start3A_293 = arith.constant 0 : i32
        %dma_start3A_294 = tpu.memref_slice %arg7[%arg1, %dma_start3A_293] : memref<16x10016xf32, #tpu.memory_space<hbm>> -> memref<1x10016xf32, #tpu.memory_space<hbm>>
        %dma_start3A_295 = tpu.memref_squeeze %dma_start3A_294 : memref<1x10016xf32, #tpu.memory_space<hbm>> -> memref<10016xf32, #tpu.memory_space<hbm>>
        %dma_start3A_296 = arith.constant 0 : i32
        %dma_start3A_297 = tpu.memref_slice %arg7[%arg1, %dma_start3A_296] : memref<16x10016xf32, #tpu.memory_space<hbm>> -> memref<1x10016xf32, #tpu.memory_space<hbm>>
        %dma_start3A_298 = tpu.memref_squeeze %dma_start3A_297 : memref<1x10016xf32, #tpu.memory_space<hbm>> -> memref<10016xf32, #tpu.memory_space<hbm>>
        tpu.enqueue_dma source(%arg15 : memref<10016xf32, #tpu.memory_space<vmem>>) target(%dma_start3A_298 : memref<10016xf32, #tpu.memory_space<hbm>>) target_semaphore(%run_scoped3A : memref<!tpu.dma_semaphore, #tpu.memory_space<semaphore_mem>>)
        %dma_wait3A_299 = arith.constant 0 : i32
        %dma_wait3A_300 = tpu.memref_slice %arg7[%arg1, %dma_wait3A_299] : memref<16x10016xf32, #tpu.memory_space<hbm>> -> memref<1x10016xf32, #tpu.memory_space<hbm>>
        %dma_wait3A_301 = tpu.memref_squeeze %dma_wait3A_300 : memref<1x10016xf32, #tpu.memory_space<hbm>> -> memref<10016xf32, #tpu.memory_space<hbm>>
        %dma_wait3A_302 = arith.constant 0 : i32
        %dma_wait3A_303 = tpu.memref_slice %arg7[%arg1, %dma_wait3A_302] : memref<16x10016xf32, #tpu.memory_space<hbm>> -> memref<1x10016xf32, #tpu.memory_space<hbm>>
        %dma_wait3A_304 = tpu.memref_squeeze %dma_wait3A_303 : memref<1x10016xf32, #tpu.memory_space<hbm>> -> memref<10016xf32, #tpu.memory_space<hbm>>
        tpu.wait_dma2 semaphore(%run_scoped3A : memref<!tpu.dma_semaphore, #tpu.memory_space<semaphore_mem>>) src(%arg15 : memref<10016xf32, #tpu.memory_space<vmem>>) dst(%dma_wait3A_304 : memref<10016xf32, #tpu.memory_space<hbm>>)
        tpu.yield
      }) : () -> ()
    } else {
    }
    return
  }
}

module attributes {stable_mosaic.version = 14 : i64} {
  func.func @_front_body(%arg0: i32, %arg1: memref<2000x128xf32, #tpu.memory_space<vmem>>, %arg2: memref<128x128xf32, #tpu.memory_space<vmem>>, %arg3: memref<128x1xf32, #tpu.memory_space<vmem>>, %arg4: memref<128x1xf32, #tpu.memory_space<vmem>>, %arg5: memref<2x2000x64xbf16, #tpu.memory_space<vmem>>, %arg6: memref<2000x1xf32, #tpu.memory_space<vmem>>, %arg7: memref<2000x1xf32, #tpu.memory_space<vmem>>) attributes {dimension_semantics = [#tpu.dimension_semantics<arbitrary>], iteration_bounds = array<i64: 5>, scalar_prefetch = 0 : i64, scratch_operands = 0 : i64, tpu.core_type = #tpu.core_type<tc>, window_params = [{transform_indices = @transform_0, window_bounds = array<i64: 2000, 128>}, {pipeline_mode = #tpu.pipeline_mode<synchronous>, transform_indices = @transform_1, window_bounds = array<i64: 128, 128>}, {pipeline_mode = #tpu.pipeline_mode<synchronous>, transform_indices = @transform_2, window_bounds = array<i64: 128, 1>}, {pipeline_mode = #tpu.pipeline_mode<synchronous>, transform_indices = @transform_3, window_bounds = array<i64: 128, 1>}, {transform_indices = @transform_4, window_bounds = array<i64: 2, 2000, 64>}, {transform_indices = @transform_5, window_bounds = array<i64: 2000, 1>}, {transform_indices = @transform_6, window_bounds = array<i64: 2000, 1>}]} {
    %get3A = arith.constant 0 : index
    %get3A_0 = arith.constant 0 : index
    %get3A_1 = vector.load %arg1[%get3A, %get3A_0] : memref<2000x128xf32, #tpu.memory_space<vmem>>, vector<2000x128xf32>
    %get3A_2 = arith.constant 0 : index
    %get3A_3 = arith.constant 0 : index
    %get3A_4 = vector.load %arg2[%get3A_2, %get3A_3] : memref<128x128xf32, #tpu.memory_space<vmem>>, vector<128x128xf32>
    %dot_general3A = arith.constant dense<0.000000e+00> : vector<2000x128xf32>
    %dot_general3A_5 = tpu.matmul %get3A_1, %get3A_4, %dot_general3A {dimension_numbers = #tpu.dot_dimension_numbers<[1], [0], [0], [1], [0, 0, 1, 1], [], []>, transpose_lhs_hint = false} : vector<2000x128xf32>, vector<128x128xf32>, vector<2000x128xf32> -> vector<2000x128xf32>
    %convert_element_type3A = arith.truncf %dot_general3A_5 : vector<2000x128xf32> to vector<2000x128xbf16>
    %slice3A = vector.extract_strided_slice %convert_element_type3A {offsets = [0, 0], sizes = [2000, 64], strides = [1, 1]} : vector<2000x128xbf16> to vector<2000x64xbf16>
    %swap3A = arith.constant 0 : index
    %swap3A_6 = arith.constant 0 : index
    %swap3A_7 = arith.constant 0 : index
    %swap3A_8 = vector.load %arg5[%swap3A, %swap3A_6, %swap3A_7] : memref<2x2000x64xbf16, #tpu.memory_space<vmem>>, vector<1x2000x64xbf16>
    %swap3A_9 = vector.shape_cast %swap3A_8 : vector<1x2000x64xbf16> to vector<2000x64xbf16>
    %swap3A_10 = vector.shape_cast %slice3A : vector<2000x64xbf16> to vector<1x2000x64xbf16>
    tpu.vector_store %arg5[%swap3A, %swap3A_6, %swap3A_7], %swap3A_10 {strides = array<i32>} : memref<2x2000x64xbf16, #tpu.memory_space<vmem>>, vector<1x2000x64xbf16>,
    %slice3A_11 = vector.extract_strided_slice %convert_element_type3A {offsets = [0, 64], sizes = [2000, 64], strides = [1, 1]} : vector<2000x128xbf16> to vector<2000x64xbf16>
    %swap3A_12 = arith.constant 1 : index
    %swap3A_13 = arith.constant 0 : index
    %swap3A_14 = arith.constant 0 : index
    %swap3A_15 = vector.load %arg5[%swap3A_12, %swap3A_13, %swap3A_14] : memref<2x2000x64xbf16, #tpu.memory_space<vmem>>, vector<1x2000x64xbf16>
    %swap3A_16 = vector.shape_cast %swap3A_15 : vector<1x2000x64xbf16> to vector<2000x64xbf16>
    %swap3A_17 = vector.shape_cast %slice3A_11 : vector<2000x64xbf16> to vector<1x2000x64xbf16>
    tpu.vector_store %arg5[%swap3A_12, %swap3A_13, %swap3A_14], %swap3A_17 {strides = array<i32>} : memref<2x2000x64xbf16, #tpu.memory_space<vmem>>, vector<1x2000x64xbf16>,
    %get3A_18 = arith.constant 0 : index
    %get3A_19 = arith.constant 0 : index
    %get3A_20 = vector.load %arg3[%get3A_18, %get3A_19] : memref<128x1xf32, #tpu.memory_space<vmem>>, vector<128x1xf32>
    %dot_general3A_21 = arith.constant dense<0.000000e+00> : vector<2000x1xf32>
    %dot_general3A_22 = tpu.matmul %dot_general3A_5, %get3A_20, %dot_general3A_21 {dimension_numbers = #tpu.dot_dimension_numbers<[1], [0], [0], [1], [0, 0, 1, 1], [], []>, transpose_lhs_hint = false} : vector<2000x128xf32>, vector<128x1xf32>, vector<2000x1xf32> -> vector<2000x1xf32>
    %swap3A_23 = arith.constant 0 : index
    %swap3A_24 = arith.constant 0 : index
    %swap3A_25 = vector.load %arg6[%swap3A_23, %swap3A_24] : memref<2000x1xf32, #tpu.memory_space<vmem>>, vector<2000x1xf32>
    tpu.vector_store %arg6[%swap3A_23, %swap3A_24], %dot_general3A_22 {strides = array<i32>} : memref<2000x1xf32, #tpu.memory_space<vmem>>, vector<2000x1xf32>,
    %get3A_26 = arith.constant 0 : index
    %get3A_27 = arith.constant 0 : index
    %get3A_28 = vector.load %arg4[%get3A_26, %get3A_27] : memref<128x1xf32, #tpu.memory_space<vmem>>, vector<128x1xf32>
    %dot_general3A_29 = arith.constant dense<0.000000e+00> : vector<2000x1xf32>
    %dot_general3A_30 = tpu.matmul %dot_general3A_5, %get3A_28, %dot_general3A_29 {dimension_numbers = #tpu.dot_dimension_numbers<[1], [0], [0], [1], [0, 0, 1, 1], [], []>, transpose_lhs_hint = false} : vector<2000x128xf32>, vector<128x1xf32>, vector<2000x1xf32> -> vector<2000x1xf32>
    %swap3A_31 = arith.constant 0 : index
    %swap3A_32 = arith.constant 0 : index
    %swap3A_33 = vector.load %arg7[%swap3A_31, %swap3A_32] : memref<2000x1xf32, #tpu.memory_space<vmem>>, vector<2000x1xf32>
    tpu.vector_store %arg7[%swap3A_31, %swap3A_32], %dot_general3A_30 {strides = array<i32>} : memref<2000x1xf32, #tpu.memory_space<vmem>>, vector<2000x1xf32>,
    return
  }
  func.func @transform_0(%arg0: i32) -> (i32, i32) {
    %c0_i32 = arith.constant 0 : i32
    %c0_i32_0 = arith.constant 0 : i32
    return %arg0, %c0_i32 : i32, i32
  }
  func.func @transform_1(%arg0: i32) -> (i32, i32) {
    %c0_i32 = arith.constant 0 : i32
    %c0_i32_0 = arith.constant 0 : i32
    %c0_i32_1 = arith.constant 0 : i32
    return %c0_i32, %c0_i32_0 : i32, i32
  }
  func.func @transform_2(%arg0: i32) -> (i32, i32) {
    %c0_i32 = arith.constant 0 : i32
    %c0_i32_0 = arith.constant 0 : i32
    %c0_i32_1 = arith.constant 0 : i32
    return %c0_i32, %c0_i32_0 : i32, i32
  }
  func.func @transform_3(%arg0: i32) -> (i32, i32) {
    %c0_i32 = arith.constant 0 : i32
    %c0_i32_0 = arith.constant 0 : i32
    %c0_i32_1 = arith.constant 0 : i32
    return %c0_i32, %c0_i32_0 : i32, i32
  }
  func.func @transform_4(%arg0: i32) -> (i32, i32, i32) {
    %c0_i32 = arith.constant 0 : i32
    %c0_i32_0 = arith.constant 0 : i32
    %c0_i32_1 = arith.constant 0 : i32
    return %c0_i32, %arg0, %c0_i32_0 : i32, i32, i32
  }
  func.func @transform_5(%arg0: i32) -> (i32, i32) {
    %c0_i32 = arith.constant 0 : i32
    %c0_i32_0 = arith.constant 0 : i32
    return %arg0, %c0_i32 : i32, i32
  }
  func.func @transform_6(%arg0: i32) -> (i32, i32) {
    %c0_i32 = arith.constant 0 : i32
    %c0_i32_0 = arith.constant 0 : i32
    return %arg0, %c0_i32 : i32, i32
  }
}

module attributes {stable_mosaic.version = 14 : i64} {
  func.func @_comb_front_body(%arg0: i32, %arg1: memref<2x2000x64xf32, #tpu.memory_space<vmem>>, %arg2: memref<2000x16xf32, #tpu.memory_space<vmem>>, %arg3: memref<2000x1xf32, #tpu.memory_space<vmem>>, %arg4: memref<2000x1xf32, #tpu.memory_space<vmem>>, %arg5: memref<2x2000x64xbf16, #tpu.memory_space<vmem>>, %arg6: memref<1x128xf32, #tpu.memory_space<vmem>>, %arg7: memref<128x128xf32, #tpu.memory_space<vmem>>, %arg8: memref<128x1xf32, #tpu.memory_space<vmem>>, %arg9: memref<128x1xf32, #tpu.memory_space<vmem>>, %arg10: memref<2000x128xf32, #tpu.memory_space<vmem>>, %arg11: memref<2x2000x64xbf16, #tpu.memory_space<vmem>>, %arg12: memref<2000x1xf32, #tpu.memory_space<vmem>>, %arg13: memref<2000x1xf32, #tpu.memory_space<vmem>>) attributes {dimension_semantics = [#tpu.dimension_semantics<arbitrary>], iteration_bounds = array<i64: 5>, scalar_prefetch = 0 : i64, scratch_operands = 0 : i64, tpu.core_type = #tpu.core_type<tc>, window_params = [{transform_indices = @transform_0, window_bounds = array<i64: 2, 2000, 64>}, {transform_indices = @transform_1, window_bounds = array<i64: 2000, 16>}, {transform_indices = @transform_2, window_bounds = array<i64: 2000, 1>}, {transform_indices = @transform_3, window_bounds = array<i64: 2000, 1>}, {transform_indices = @transform_4, window_bounds = array<i64: 2, 2000, 64>}, {pipeline_mode = #tpu.pipeline_mode<synchronous>, transform_indices = @transform_5, window_bounds = array<i64: 1, 128>}, {pipeline_mode = #tpu.pipeline_mode<synchronous>, transform_indices = @transform_6, window_bounds = array<i64: 128, 128>}, {pipeline_mode = #tpu.pipeline_mode<synchronous>, transform_indices = @transform_7, window_bounds = array<i64: 128, 1>}, {pipeline_mode = #tpu.pipeline_mode<synchronous>, transform_indices = @transform_8, window_bounds = array<i64: 128, 1>}, {transform_indices = @transform_9, window_bounds = array<i64: 2000, 128>}, {transform_indices = @transform_10, window_bounds = array<i64: 2, 2000, 64>}, {transform_indices = @transform_11, window_bounds = array<i64: 2000, 1>}, {transform_indices = @transform_12, window_bounds = array<i64: 2000, 1>}]} {
    %get3A = arith.constant 0 : index
    %get3A_0 = arith.constant 0 : index
    %get3A_1 = vector.load %arg3[%get3A, %get3A_0] : memref<2000x1xf32, #tpu.memory_space<vmem>>, vector<2000x1xf32>
    %get3A_2 = arith.constant 0 : index
    %get3A_3 = arith.constant 0 : index
    %get3A_4 = vector.load %arg4[%get3A_2, %get3A_3] : memref<2000x1xf32, #tpu.memory_space<vmem>>, vector<2000x1xf32>
    %add3A = arith.addf %get3A_1, %get3A_4 : vector<2000x1xf32>
    %ge3A = arith.constant 0.000000e+00 : f32
    %ge3A_5 = vector.broadcast %ge3A : f32 to vector<2000x1xf32>
    %ge3A_6 = arith.cmpf oge, %add3A, %ge3A_5 : vector<2000x1xf32>
    %mul3A = arith.constant 2.000000e-01 : f32
    %mul3A_7 = vector.broadcast %mul3A : f32 to vector<2000x1xf32>
    %mul3A_8 = arith.mulf %mul3A_7, %add3A : vector<2000x1xf32>
    %select_n3A = arith.select %ge3A_6, %add3A, %mul3A_8 : vector<2000x1xi1>, vector<2000x1xf32>
    %exp3A = math.exp %select_n3A : vector<2000x1xf32>
    %get3A_9 = arith.constant 0 : index
    %get3A_10 = arith.constant 0 : index
    %get3A_11 = arith.constant 0 : index
    %get3A_12 = vector.load %arg5[%get3A_9, %get3A_10, %get3A_11] : memref<2x2000x64xbf16, #tpu.memory_space<vmem>>, vector<1x2000x64xbf16>
    %get3A_13 = vector.shape_cast %get3A_12 : vector<1x2000x64xbf16> to vector<2000x64xbf16>
    %get3A_14 = arith.constant 1 : index
    %get3A_15 = arith.constant 0 : index
    %get3A_16 = arith.constant 0 : index
    %get3A_17 = vector.load %arg5[%get3A_14, %get3A_15, %get3A_16] : memref<2x2000x64xbf16, #tpu.memory_space<vmem>>, vector<1x2000x64xbf16>
    %get3A_18 = vector.shape_cast %get3A_17 : vector<1x2000x64xbf16> to vector<2000x64xbf16>
    %concatenate3A = tpu.concatenate %get3A_13, %get3A_18 in 1 : vector<2000x64xbf16>, vector<2000x64xbf16> -> vector<2000x128xbf16>
    %convert_element_type3A = arith.extf %concatenate3A : vector<2000x128xbf16> to vector<2000x128xf32>
    %get3A_19 = arith.constant 0 : index
    %get3A_20 = arith.constant 0 : index
    %get3A_21 = arith.constant 0 : index
    %get3A_22 = vector.load %arg1[%get3A_19, %get3A_20, %get3A_21] : memref<2x2000x64xf32, #tpu.memory_space<vmem>>, vector<1x2000x64xf32>
    %get3A_23 = vector.shape_cast %get3A_22 : vector<1x2000x64xf32> to vector<2000x64xf32>
    %get3A_24 = arith.constant 1 : index
    %get3A_25 = arith.constant 0 : index
    %get3A_26 = arith.constant 0 : index
    %get3A_27 = vector.load %arg1[%get3A_24, %get3A_25, %get3A_26] : memref<2x2000x64xf32, #tpu.memory_space<vmem>>, vector<1x2000x64xf32>
    %get3A_28 = vector.shape_cast %get3A_27 : vector<1x2000x64xf32> to vector<2000x64xf32>
    %concatenate3A_29 = tpu.concatenate %get3A_23, %get3A_28 in 1 : vector<2000x64xf32>, vector<2000x64xf32> -> vector<2000x128xf32>
    %mul3A_30 = vector.broadcast %exp3A : vector<2000x1xf32> to vector<2000x128xf32>
    %mul3A_31 = arith.mulf %mul3A_30, %convert_element_type3A : vector<2000x128xf32>
    %add3A_32 = arith.addf %concatenate3A_29, %mul3A_31 : vector<2000x128xf32>
    %get3A_33 = arith.constant 0 : index
    %get3A_34 = arith.constant 0 : index
    %get3A_35 = vector.load %arg2[%get3A_33, %get3A_34] : memref<2000x16xf32, #tpu.memory_space<vmem>>, vector<2000x16xf32>
    %reduce_sum3A = arith.constant dense<0.000000e+00> : vector<2000xf32>
    %reduce_sum3A_36 = vector.multi_reduction <add>, %get3A_35, %reduce_sum3A [1] : vector<2000x16xf32> to vector<2000xf32>
    %broadcast_in_dim3A = vector.shape_cast %reduce_sum3A_36 : vector<2000xf32> to vector<2000x1xf32>
    %add3A_37 = arith.addf %broadcast_in_dim3A, %exp3A : vector<2000x1xf32>
    %div3A = vector.broadcast %add3A_37 : vector<2000x1xf32> to vector<2000x128xf32>
    %div3A_38 = arith.divf %add3A_32, %div3A : vector<2000x128xf32>
    %get3A_39 = arith.constant 0 : index
    %get3A_40 = arith.constant 0 : index
    %get3A_41 = vector.load %arg6[%get3A_39, %get3A_40] : memref<1x128xf32, #tpu.memory_space<vmem>>, vector<1x128xf32>
    %add3A_42 = vector.broadcast %get3A_41 : vector<1x128xf32> to vector<2000x128xf32>
    %add3A_43 = arith.addf %div3A_38, %add3A_42 : vector<2000x128xf32>
    %max3A = arith.constant 0.000000e+00 : f32
    %max3A_44 = vector.broadcast %max3A : f32 to vector<2000x128xf32>
    %max3A_45 = arith.maximumf %add3A_43, %max3A_44 : vector<2000x128xf32>
    %swap3A = arith.constant 0 : index
    %swap3A_46 = arith.constant 0 : index
    %swap3A_47 = vector.load %arg10[%swap3A, %swap3A_46] : memref<2000x128xf32, #tpu.memory_space<vmem>>, vector<2000x128xf32>
    tpu.vector_store %arg10[%swap3A, %swap3A_46], %max3A_45 {strides = array<i32>} : memref<2000x128xf32, #tpu.memory_space<vmem>>, vector<2000x128xf32>,
    %get3A_48 = arith.constant 0 : index
    %get3A_49 = arith.constant 0 : index
    %get3A_50 = vector.load %arg7[%get3A_48, %get3A_49] : memref<128x128xf32, #tpu.memory_space<vmem>>, vector<128x128xf32>
    %dot_general3A = arith.constant dense<0.000000e+00> : vector<2000x128xf32>
    %dot_general3A_51 = tpu.matmul %max3A_45, %get3A_50, %dot_general3A {dimension_numbers = #tpu.dot_dimension_numbers<[1], [0], [0], [1], [0, 0, 1, 1], [], []>, transpose_lhs_hint = false} : vector<2000x128xf32>, vector<128x128xf32>, vector<2000x128xf32> -> vector<2000x128xf32>
    %convert_element_type3A_52 = arith.truncf %dot_general3A_51 : vector<2000x128xf32> to vector<2000x128xbf16>
    %slice3A = vector.extract_strided_slice %convert_element_type3A_52 {offsets = [0, 0], sizes = [2000, 64], strides = [1, 1]} : vector<2000x128xbf16> to vector<2000x64xbf16>
    %swap3A_53 = arith.constant 0 : index
    %swap3A_54 = arith.constant 0 : index
    %swap3A_55 = arith.constant 0 : index
    %swap3A_56 = vector.load %arg11[%swap3A_53, %swap3A_54, %swap3A_55] : memref<2x2000x64xbf16, #tpu.memory_space<vmem>>, vector<1x2000x64xbf16>
    %swap3A_57 = vector.shape_cast %swap3A_56 : vector<1x2000x64xbf16> to vector<2000x64xbf16>
    %swap3A_58 = vector.shape_cast %slice3A : vector<2000x64xbf16> to vector<1x2000x64xbf16>
    tpu.vector_store %arg11[%swap3A_53, %swap3A_54, %swap3A_55], %swap3A_58 {strides = array<i32>} : memref<2x2000x64xbf16, #tpu.memory_space<vmem>>, vector<1x2000x64xbf16>,
    %slice3A_59 = vector.extract_strided_slice %convert_element_type3A_52 {offsets = [0, 64], sizes = [2000, 64], strides = [1, 1]} : vector<2000x128xbf16> to vector<2000x64xbf16>
    %swap3A_60 = arith.constant 1 : index
    %swap3A_61 = arith.constant 0 : index
    %swap3A_62 = arith.constant 0 : index
    %swap3A_63 = vector.load %arg11[%swap3A_60, %swap3A_61, %swap3A_62] : memref<2x2000x64xbf16, #tpu.memory_space<vmem>>, vector<1x2000x64xbf16>
    %swap3A_64 = vector.shape_cast %swap3A_63 : vector<1x2000x64xbf16> to vector<2000x64xbf16>
    %swap3A_65 = vector.shape_cast %slice3A_59 : vector<2000x64xbf16> to vector<1x2000x64xbf16>
    tpu.vector_store %arg11[%swap3A_60, %swap3A_61, %swap3A_62], %swap3A_65 {strides = array<i32>} : memref<2x2000x64xbf16, #tpu.memory_space<vmem>>, vector<1x2000x64xbf16>,
    %get3A_66 = arith.constant 0 : index
    %get3A_67 = arith.constant 0 : index
    %get3A_68 = vector.load %arg8[%get3A_66, %get3A_67] : memref<128x1xf32, #tpu.memory_space<vmem>>, vector<128x1xf32>
    %dot_general3A_69 = arith.constant dense<0.000000e+00> : vector<2000x1xf32>
    %dot_general3A_70 = tpu.matmul %dot_general3A_51, %get3A_68, %dot_general3A_69 {dimension_numbers = #tpu.dot_dimension_numbers<[1], [0], [0], [1], [0, 0, 1, 1], [], []>, transpose_lhs_hint = false} : vector<2000x128xf32>, vector<128x1xf32>, vector<2000x1xf32> -> vector<2000x1xf32>
    %swap3A_71 = arith.constant 0 : index
    %swap3A_72 = arith.constant 0 : index
    %swap3A_73 = vector.load %arg12[%swap3A_71, %swap3A_72] : memref<2000x1xf32, #tpu.memory_space<vmem>>, vector<2000x1xf32>
    tpu.vector_store %arg12[%swap3A_71, %swap3A_72], %dot_general3A_70 {strides = array<i32>} : memref<2000x1xf32, #tpu.memory_space<vmem>>, vector<2000x1xf32>,
    %get3A_74 = arith.constant 0 : index
    %get3A_75 = arith.constant 0 : index
    %get3A_76 = vector.load %arg9[%get3A_74, %get3A_75] : memref<128x1xf32, #tpu.memory_space<vmem>>, vector<128x1xf32>
    %dot_general3A_77 = arith.constant dense<0.000000e+00> : vector<2000x1xf32>
    %dot_general3A_78 = tpu.matmul %dot_general3A_51, %get3A_76, %dot_general3A_77 {dimension_numbers = #tpu.dot_dimension_numbers<[1], [0], [0], [1], [0, 0, 1, 1], [], []>, transpose_lhs_hint = false} : vector<2000x128xf32>, vector<128x1xf32>, vector<2000x1xf32> -> vector<2000x1xf32>
    %swap3A_79 = arith.constant 0 : index
    %swap3A_80 = arith.constant 0 : index
    %swap3A_81 = vector.load %arg13[%swap3A_79, %swap3A_80] : memref<2000x1xf32, #tpu.memory_space<vmem>>, vector<2000x1xf32>
    tpu.vector_store %arg13[%swap3A_79, %swap3A_80], %dot_general3A_78 {strides = array<i32>} : memref<2000x1xf32, #tpu.memory_space<vmem>>, vector<2000x1xf32>,
    return
  }
  func.func @transform_0(%arg0: i32) -> (i32, i32, i32) {
    %c0_i32 = arith.constant 0 : i32
    %c0_i32_0 = arith.constant 0 : i32
    %c0_i32_1 = arith.constant 0 : i32
    return %c0_i32, %arg0, %c0_i32_0 : i32, i32, i32
  }
  func.func @transform_1(%arg0: i32) -> (i32, i32) {
    %c0_i32 = arith.constant 0 : i32
    %c0_i32_0 = arith.constant 0 : i32
    return %arg0, %c0_i32 : i32, i32
  }
  func.func @transform_2(%arg0: i32) -> (i32, i32) {
    %c0_i32 = arith.constant 0 : i32
    %c0_i32_0 = arith.constant 0 : i32
    return %arg0, %c0_i32 : i32, i32
  }
  func.func @transform_3(%arg0: i32) -> (i32, i32) {
    %c0_i32 = arith.constant 0 : i32
    %c0_i32_0 = arith.constant 0 : i32
    return %arg0, %c0_i32 : i32, i32
  }
  func.func @transform_4(%arg0: i32) -> (i32, i32, i32) {
    %c0_i32 = arith.constant 0 : i32
    %c0_i32_0 = arith.constant 0 : i32
    %c0_i32_1 = arith.constant 0 : i32
    return %c0_i32, %arg0, %c0_i32_0 : i32, i32, i32
  }
  func.func @transform_5(%arg0: i32) -> (i32, i32) {
    %c0_i32 = arith.constant 0 : i32
    %c0_i32_0 = arith.constant 0 : i32
    %c0_i32_1 = arith.constant 0 : i32
    return %c0_i32, %c0_i32_0 : i32, i32
  }
  func.func @transform_6(%arg0: i32) -> (i32, i32) {
    %c0_i32 = arith.constant 0 : i32
    %c0_i32_0 = arith.constant 0 : i32
    %c0_i32_1 = arith.constant 0 : i32
    return %c0_i32, %c0_i32_0 : i32, i32
  }
  func.func @transform_7(%arg0: i32) -> (i32, i32) {
    %c0_i32 = arith.constant 0 : i32
    %c0_i32_0 = arith.constant 0 : i32
    %c0_i32_1 = arith.constant 0 : i32
    return %c0_i32, %c0_i32_0 : i32, i32
  }
  func.func @transform_8(%arg0: i32) -> (i32, i32) {
    %c0_i32 = arith.constant 0 : i32
    %c0_i32_0 = arith.constant 0 : i32
    %c0_i32_1 = arith.constant 0 : i32
    return %c0_i32, %c0_i32_0 : i32, i32
  }
  func.func @transform_9(%arg0: i32) -> (i32, i32) {
    %c0_i32 = arith.constant 0 : i32
    %c0_i32_0 = arith.constant 0 : i32
    return %arg0, %c0_i32 : i32, i32
  }
  func.func @transform_10(%arg0: i32) -> (i32, i32, i32) {
    %c0_i32 = arith.constant 0 : i32
    %c0_i32_0 = arith.constant 0 : i32
    %c0_i32_1 = arith.constant 0 : i32
    return %c0_i32, %arg0, %c0_i32_0 : i32, i32, i32
  }
  func.func @transform_11(%arg0: i32) -> (i32, i32) {
    %c0_i32 = arith.constant 0 : i32
    %c0_i32_0 = arith.constant 0 : i32
    return %arg0, %c0_i32 : i32, i32
  }
  func.func @transform_12(%arg0: i32) -> (i32, i32) {
    %c0_i32 = arith.constant 0 : i32
    %c0_i32_0 = arith.constant 0 : i32
    return %arg0, %c0_i32 : i32, i32
  }
}

</mosaic_0001>

<sc_bundles>
// kernel: closed_call.17.cloned.1.call-start
scs
__scs_entry_jumppad:
0x0: {  	(pc) =	sbr.rel $0x88, $3  }
0x1: {  	(tag) =	ssettag $0x0;
	lr =	simm.s32 $0x1  }
0x2: {  	[smem:$0x3F97] =	sst lr;
	_ =	strace $0xD0000000  }
0x3: {  	_ = 	snop  }
0x4: {  	_ = 	snop  }
0x5: {  	_ = 	snop  }
0x6: {  	_ = 	snop  }
0x7: {  	_ = 	snop  }
__scs_overlays_trampoline_lowered:
0x8: {  	[smem:$0x3FA6] =	sst s0  }
0x9: {  	[smem:$0x3FA7] =	sst s1  }
0xa: {  	[smem:$0x3FA8] =	sst s2  }
0xb: {  	[smem:$0x3FA9] =	sst s3  }
0xc: {  	[smem:$0x3FAA] =	sst s4  }
0xd: {  	[smem:$0x3FAB] =	sst s5  }
0xe: {  	[smem:$0x3FAC] =	sst s6  }
0xf: {  	[smem:$0x3FAD] =	sst s7  }
0x10: {  	[smem:$0x3FAE] =	sst s8  }
0x11: {  	[smem:$0x3FAF] =	sst s9;
	s0 =	simm.s32 @!p0 $0x0  }
0x12: {  	s1 =	sld [smem:$0x3F95];
	s0 =	simm.s32 @p0 $0x1  }
0x13: {  	[smem:$0x3FB0] =	sst s0;
	s0 =	simm.s32 @!p1 $0x0  }
0x14: {  	s2 =	sld [smem:$0x3F94];
	s0 =	simm.s32 @p1 $0x1  }
0x15: {  	[smem:$0x3FB1] =	sst s0;
	s0 =	simm.s32 @!p2 $0x0  }
0x16: {  	s3 =	sld [smem:$0x3FDB];
	s0 =	simm.s32 @p2 $0x1  }
0x17: {  	s4 =	simm.s32 $0x1BF5;
	[smem:$0x3FB3] =	sst s0  }
0x18: {  	s0 =	sld [smem:$0x3F96];
	_ =	swait.ge [sflag:s4], $0x0  }
0x19: {  	s7 =	sld [smem:$0x3F97]  }
0x1a: {  	s8 =	sadd.s32 $0xFFFFE003, lr  }
0x1b: {  	s9 =	sadd.s32 $0xFFFFFEF7, lr;
	s5 =	simm.s32 $0xFFFFFFFF;
	p2 =	slt.u32 s8, $0xFFFFF086  }
0x1c: {  	p1 =	slt.u32 s9, $0xF7A;
	s5 =	simm.s32 @!p2 $0x0  }
0x1d: {  	s5 =	simm.s32 @p1 $0x1;
	p0 =	seq.s32 s7, s2  }
0x1e: {  	s7 =	smul.u32 @!p0 $0xF7A, s2;
	p2 =	seq.s32 @!p0 s5, $0x0  }
0x1f: {  	s9 =	smul.u32 $0xF7A, s1;
	s8 =	simm.s32 @!p0 $0x1BF5;
	p2 =	por !p2, p0  }
0x20: {  	[sflag:s8] =	ssyncset.s32 @!p0 $0xFFFFF086;
	s6 =	sadd.s32 @!p0 s3, s7;
	s7 =	simm.s32 @!p0 $0x108  }
0x21: {  	s3 =	sadd.s32 s3, s9;
	s6 =	sadd.s32 @!p0 $0x88, s6;
	s7 =	simm.s32 @p2 $0x1082  }
0x22: {  	[simem:s7], [sflag:s8] =	dma.local @!p0 [hbm:s6], $0xF7A  }
0x23: {  	s9 =	sor.u32 $0xD0000000, s2;
	s6 =	simm.s32 $0x108;
	_ =	swait.ge @!p0 [sflag:s8], $0x0  }
0x24: {  	s3 =	sadd.s32 $0x88, s3;
	s6 =	simm.s32 @!p1 $0x1082;
	[sflag:s4] =	ssyncset.s32 $0xFFFFF086  }
0x25: {  	[simem:s6], [sflag:s4] =	dma.local [hbm:s3], $0xF7A  }
0x26: {  	[smem:$0x3F97] =	sst s1;
	(tag) =	ssettag s2;
	_ =	strace s9  }
0x27: {  	s1 =	sld [smem:$0x3FA7]  }
0x28: {  	s2 =	sld [smem:$0x3FA8]  }
0x29: {  	s4 =	sld [smem:$0x3FAA]  }
0x2a: {  	p0 =	seq.s32 s5, $0x0;
	s5 =	sld [smem:$0x3FAB]  }
0x2b: {  	s6 =	sld [smem:$0x3FAC]  }
0x2c: {  	s7 =	sld [smem:$0x3FAD]  }
0x2d: {  	s3 =	simm.s32 $0x108;
	s8 =	sld [smem:$0x3FAE]  }
0x2e: {  	s3 =	simm.s32 @!p0 $0x1082;
	s9 =	sld [smem:$0x3FAF]  }
0x2f: {  	lr =	sadd.s32 s0, s3;
	s0 =	sld [smem:$0x3FA6]  }
0x30: {  	s3 =	sld [smem:$0x3FA9]  }
0x31: {  	[smem:$0x3FB2] =	sst s10  }
0x32: {  	s10 =	sld [smem:$0x3FB0];
	_ =	sdelay $0x3  }
0x33: {  	p0 =	seq.s32 s10, $0x1;
	s10 =	sld [smem:$0x3FB2];
	_ =	sdelay $0x3  }
0x34: {  	[smem:$0x3FB2] =	sst s10  }
0x35: {  	s10 =	sld [smem:$0x3FB1];
	_ =	sdelay $0x3  }
0x36: {  	p1 =	seq.s32 s10, $0x1;
	s10 =	sld [smem:$0x3FB2];
	_ =	sdelay $0x3  }
0x37: {  	[smem:$0x3FB2] =	sst s10  }
0x38: {  	s10 =	sld [smem:$0x3FB3]  }
0x39: {  	_ = 	snop;
	(pc) =	sbr.ind lr, $3  }
0x3a: {  	_ = 	snop  }
0x3b: {  	_ = 	snop  }
0x3c: {  	p2 =	seq.s32 s10, $0x1;
	s10 =	sld [smem:$0x3FB2]  }
0x3d: {  	_ =	shalt  }
0x3e: {  	_ =	shalt  }
0x3f: {  	_ =	shalt  }
0x40: {  	_ =	shalt  }
0x41: {  	_ =	shalt  }
0x42: {  	_ =	shalt  }
0x43: {  	_ =	shalt  }
0x44: {  	_ =	shalt  }
0x45: {  	_ =	shalt  }
0x46: {  	_ =	shalt  }
0x47: {  	_ =	shalt  }
0x48: {  	_ =	shalt  }
0x49: {  	_ =	shalt  }
0x4a: {  	_ =	shalt  }
0x4b: {  	_ =	shalt  }
0x4c: {  	_ =	shalt  }
0x4d: {  	_ =	shalt  }
0x4e: {  	_ =	shalt  }
0x4f: {  	_ =	shalt  }
0x50: {  	_ =	shalt  }
0x51: {  	_ =	shalt  }
0x52: {  	_ =	shalt  }
0x53: {  	_ =	shalt  }
0x54: {  	_ =	shalt  }
0x55: {  	_ =	shalt  }
0x56: {  	_ =	shalt  }
0x57: {  	_ =	shalt  }
0x58: {  	_ =	shalt  }
0x59: {  	_ =	shalt  }
0x5a: {  	_ =	shalt  }
0x5b: {  	_ =	shalt  }
0x5c: {  	_ =	shalt  }
0x5d: {  	_ =	shalt  }
0x5e: {  	_ =	shalt  }
0x5f: {  	_ =	shalt  }
0x60: {  	_ =	shalt  }
0x61: {  	_ =	shalt  }
0x62: {  	_ =	shalt  }
0x63: {  	_ =	shalt  }
0x64: {  	_ =	shalt  }
0x65: {  	_ =	shalt  }
0x66: {  	_ =	shalt  }
0x67: {  	_ =	shalt  }
0x68: {  	_ =	shalt  }
0x69: {  	_ =	shalt  }
0x6a: {  	_ =	shalt  }
0x6b: {  	_ =	shalt  }
0x6c: {  	_ =	shalt  }
0x6d: {  	_ =	shalt  }
0x6e: {  	_ =	shalt  }
0x6f: {  	_ =	shalt  }
0x70: {  	_ =	shalt  }
0x71: {  	_ =	shalt  }
0x72: {  	_ =	shalt  }
0x73: {  	_ =	shalt  }
0x74: {  	_ =	shalt  }
0x75: {  	_ =	shalt  }
0x76: {  	_ =	shalt  }
0x77: {  	_ =	shalt  }
0x78: {  	_ =	shalt  }
0x79: {  	_ =	shalt  }
0x7a: {  	_ =	shalt  }
0x7b: {  	_ =	shalt  }
0x7c: {  	_ =	shalt  }
0x7d: {  	_ =	shalt  }
0x7e: {  	_ =	shalt  }
0x7f: {  	_ =	shalt  }
0x80: {  	_ =	shalt  }
0x81: {  	_ =	shalt  }
0x82: {  	_ =	shalt  }
0x83: {  	_ =	shalt  }
0x84: {  	_ =	shalt  }
0x85: {  	_ =	shalt  }
0x86: {  	_ =	shalt  }
0x87: {  	_ =	shalt  }
.Lfunc_end0:
.L_simem_size_0:
called_computation_lowered:
.L_overlay_start_0:
0x88: {  	s2 =	sld [smem:$0x3FD9]  }
0x89: {  	s3 =	sld [smem:$0x3FFE];
	_ =	sdelay $0x1  }
0x8a: {  	s1 =	srdreg.scid  }
0x8b: {  	s0 =	sand.u32 $0x1, s1  }
0x8c: {  	s17 =	sshll.u32 s0, $0xA;
	s2 =	sadd.s32 s3, s2  }
0x8d: {  	s2 =	sadd.s32 s2, s17  }
0x8e: {  	[smem:$0x3FBE] =	sst s2  }
0x8f: {  	_ = 	snop  }
0x90: {  	s2 =	sld [smem:$0x3FD0];
	(tm) =	ssettm $0x1  }
0x91: {  	s18 =	sld [smem:$0x3FFB];
	_ =	sdelay $0x3  }
0x92: {  	_ =	strace s18  }
0x93: {  	s3 =	sld [smem:$0x3FFC];
	_ =	sdelay $0x3  }
0x94: {  	_ =	strace s3  }
0x95: {  	s3 =	sld [smem:$0x3FFD];
	_ =	sdelay $0x3  }
0x96: {  	_ =	strace s3  }
0x97: {  	_ =	strace $0x8FFFFFFF  }
0x98: {  	s19 =	sld [smem:$0x3FDB];
	_ =	sdelay $0x1  }
0x99: {  	s4 =	simm.s32 $_scs_section_size  }
0x9a: {  	s5 =	simm.s32 $_size__tile_overlayer_lowered;
	s6 =	simm.s32 $_tile_overlayer_lowered  }
0x9b: {  	s22 =	simm.s32 $0x1BFF;
	s21 =	sshll.u32 s6, $0x1;
	s3 =	sadd.s32 s4, s19  }
0x9c: {  	s7 =	simm.s32 $0x0;
	s20 =	sshll.u32 s5, $0x1;
	s5 =	sadd.s32 s21, s3  }
0x9d: {  	[timem:s7], [sflag:s22] =	dma.local [hbm:s5], s20  }
0x9e: {  	_ =	swait.ge [sflag:s22], s20  }
0x9f: {  	s4 =	ssub.s32 $0x0, s20;
	[sflag:s22] =	ssyncset.done $0x0  }
0xa0: {  	[sflag:s22] =	ssyncadd.s32 s4;
	_ =	sdelay $0x1  }
0xa1: {  	s23 =	simm.s32 $0x1B8B  }
0xa2: {  	_ =	swait.ge [sflag:s23], $0x1  }
0xa3: {  	[sflag:s23] =	ssyncset.done $0x0  }
0xa4: {  	s25 =	simm.s32 $0x1B8E;
	s24 =	sld [smem:$0x3FFE];
	[sflag:s23] =	ssyncadd.s32 $0xFFFFFFFF  }
0xa5: {  	s26 =	simm.s32 $execute0_lowered;
	[smem:$0x3FD2] =	sst s25  }
0xa6: {  	s5 =	sshll.u32 s26, $0x1;
	_ =	strace $0x80000046;
	[dreg:$0x1] =	wrdreg $0xFFFFFFFF  }
0xa7: {  	s28 =	simm.s32 $_size_execute0_lowered;
	s3 =	sadd.s32 s3, s5;
	[dreg:$0x0] =	wrdreg $0x0  }
0xa8: {  	s5 =	sshll.u32 s28, $0x1;
	[dreg:$0x2] =	wrdreg s3  }
0xa9: {  	[dreg:$0x3] =	wrdreg s5  }
0xaa: {  	[dreg:$0x4] =	wrdreg $0xC0  }
0xab: {  	_ =	task [dreg:s7], $0x5FFFF  }
0xac: {  	[dreg:$0x1] =	wrdreg $0xFFFFFFFF  }
0xad: {  	[dreg:$0x0] =	wrdreg $0x60  }
0xae: {  	[dreg:$0x2] =	wrdreg s24  }
0xaf: {  	[dreg:$0x3] =	wrdreg s2  }
0xb0: {  	[dreg:$0x4] =	wrdreg $0xBBE00  }
0xb1: {  	[dreg:$0x5] =	wrdreg $0x9  }
0xb2: {  	_ =	task.clear_ibuf [dreg:s7], $0x6FFFF;
	_ =	strace $0x90000046  }
0xb3: {  	s29 =	simm.s32 $0x9;
	_ =	strace $0x80000048  }
0xb4: {  	_ =	swait.ge [sflag:s29], $0x1  }
0xb5: {  	[sflag:s29] =	ssyncadd.s32 $0xFFFFFFFF  }
0xb6: {  	_ =	strace $0x90000048  }
0xb7: {  	_ =	sfence  }
0xb8: {  	s30 =	sld [smem:$0x0];
	_ =	sdelay $0x2  }
0xb9: {  	s31 =	sshll.u32 s1, $0xD;
	s1 =	sshrl.u32 s1, $0x2  }
0xba: {  	s3 =	sand.u32 $0x4000, s31;
	s1 =	sadd.s32 s1, s30  }
0xbb: {  	s0 =	sor.u32 s3, s0;
	s1 =	sshll.u32 s1, $0x11  }
0xbc: {  	s0 =	sor.u32 s1, s0  }
0xbd: {  	s0 =	sadd.s32 $0x8F2B, s0  }
0xbe: {  	[sflag:s0] =	ssyncadd.remote.s32 $0x1  }
0xbf: {  	_ =	sfence.sel $0xFFFF  }
0xc0: {  	[dreg:$0x0] =	wrdreg $0xFFFFFFFF;
	(pc) =	sbr.abs _section_cstart, $3  }
0xc1: {  	[dreg:$0x1] =	wrdreg $0xFFFFFFFF  }
0xc2: {  	_ =	task.clear_ibuf [dreg:s7], $0x2FFFF;
	_ =	strace $0x9FFFFFFF  }
0xc3: {  	(tm) =	ssettm $0x7FFFFFFF  }
tec
execute0_lowered:
.L_overlay_start_1:
0x0: {  	(tag) =	ssettag $0x1  }
0x1: {  	s0 =	rddreg [dreg:$0x0]  }
0x2: {  	s1 =	rddreg [dreg:$0x1]  }
0x3: {  	s2 =	rddreg [dreg:$0x2]  }
0x4: {  	s18 =	simm.s32 $0x0;
	s3 =	srdreg.scid;
	s8 =	stileid.u32  }
0x5: {  	s28 =	simm.s32 $0x7440;
	s30 =	simm.s32 $0x600;
	s31 =	simm.s32 $0x2D20  }
0x6: {  	[smem:$0x7FF] =	sst s18;
	s5 =	sadd.s32 $0x4F400, s0;
	s3 =	sand.u32 $0x1, s3  }
0x7: {  	s4 =	sadd.s32 $0x63A00, s0;
	s21 =	smul.u32 $0x4E4, s8;
	s7 =	sadd.s32 $0x63400, s0  }
0x8: {  	s8 =	smul.u32 $0xA000, s8;
	s9 =	sadd.s32 $0x69000, s0;
	_ =	strace $0x80000047  }
0x9: {  	[dreg:$0x5] =	wrdreg s4;
	s6 =	ssub.s32 $0x2, s3;
	s10 =	smul.u32 $0x2710, s3  }
0xa: {  	[dreg:$0x6] =	wrdreg s7;
	s13 =	smul.u32 $0xA0000, s3;
	p0 =	sne.s32 s3, $0x0  }
0xb: {  	s22 =	sshrl.u32 s6, $0x1;
	s0 =	sadd.s32 s21, s0;
	s23 =	sadd.s32 $0x2000, s8  }
0xc: {  	s24 =	sadd.s32 $0x4000, s8;
	s25 =	sadd.s32 s8, s2;
	s26 =	sadd.s32 $0x6000, s8  }
0xd: {  	s12 =	sadd.s32 $0x8000, s8;
	s16 =	sshrl.u32 s8, $0x3;
	s4 =	ssub.s32 s6, s22  }
0xe: {  	s29 =	sadd.s32 s23, s2;
	s11 =	sadd.s32 s24, s2;
	s14 =	sadd.s32 s26, s2  }
0xf: {  	s15 =	sadd.s32 s12, s2;
	s16 =	sadd.s32 s5, s16;
	[dreg:$0x7] =	wrdreg s25  }
0x10: {  	s6 =	sadd.s32 s13, s23;
	s7 =	sadd.s32 s13, s24;
	[dreg:$0x9] =	wrdreg s11  }
0x11: {  	s12 =	sadd.s32 s13, s12;
	s0 =	sadd.s32 $0x64000, s0;
	[dreg:$0xa] =	wrdreg s14  }
0x12: {  	v1 =	vmov s10;
	s10 =	simm.s32 $0x280;
	[dreg:$0xb] =	wrdreg s15;
	s15 =	sadd.s32 s8, s13  }
0x13: {  	s11 =	sadd.s32 s13, s26;
	s14 =	sor.u32 $0x300, s8;
	s6 =	sshrl.u32 s6, $0x3  }
0x14: {  	s19 =	sshrl.u32 s7, $0x3;
	s21 =	sshrl.u32 s12, $0x3;
	[dreg:$0x12] =	wrdreg s0  }
0x15: {  	s23 =	smax.u32 s4, $0x1;
	s24 =	sadd.s32 $0x20, s16;
	[dreg:$0xc] =	wrdreg s16  }
0x16: {  	s26 =	sadd.s32 $0x40, s16;
	s4 =	simm.s32 $0x80;
	s7 =	simm.s32 $0x5  }
0x17: {  	s16 =	simm.s32 $0x6440;
	[dreg:$0x8] =	wrdreg s29;
	s17 =	sshrl.u32 s15, $0x3  }
0x18: {  	s6 =	sadd.s32 s9, s6;
	s20 =	sshrl.u32 s11, $0x3;
	[dreg:$0x13] =	wrdreg s23  }
0x19: {  	s22 =	sadd.s32 s9, s21;
	s21 =	sor.u32 $0x500, s8;
	[dreg:$0x14] =	wrdreg s24  }
0x1a: {  	[dreg:$0x15] =	wrdreg s26;
	s23 =	simm.s32 $0x9440;
	s24 =	simm.s32 $0x6  }
0x1b: {  	s26 =	simm.s32 $0x3;
	s11 =	simm.s32 $0x380;
	[dreg:$0xe] =	wrdreg s6  }
0x1c: {  	s13 =	sadd.s32 s9, s17;
	s6 =	sadd.s32 s9, s19;
	[dreg:$0x11] =	wrdreg s22  }
0x1d: {  	v0 =	vlaneseq.u32;
	s22 =	sor.u32 $0x600, s8;
	s17 =	simm.s32 $0x94C0;
	[dreg:$0xd] =	wrdreg s13  }
0x1e: {  	v0 =	vmul.u32 $0x2, v0;
	s19 =	simm.s32 $0x1;
	[dreg:$0xf] =	wrdreg s6;
	s6 =	sadd.s32 s9, s20  }
0x1f: {  	v2 =	vimm.f32 $0.0e+00;
	s20 =	sor.u32 $0x400, s8;
	s13 =	simm.s32 $0x2;
	s8 =	simm.s32 $0x7  }
0x20: {  	v3 =	vor.u32 $0x1, v0;
	v4 =	vor.u32 $0x20, v0;
	v5 =	vor.u32 $0x21, v0;
	s9 =	simm.s32 $0x580;
	[dreg:$0x10] =	wrdreg s6;
	s6 =	simm.s32 $0x5440  }
.LBB2_1:
0x21: {  	s3 =	simm.s32 $0x0  }
.LBB2_2:
0x22: {  	p1 =	sne.s32 s3, $0x7F00  }
.Ltmp0:
0x23: {  	s12 =	sshra.s32 s3, $0x2;
	(pc) =	sbr.rel @p1 .LBB2_2-.Ltmp0, $4  }
0x24: {  	[tilespmem:s12+$0x7440] =	vst v2  }
0x25: {  	[tilespmem:s12+$0x7450] =	vst v2  }
0x26: {  	[tilespmem:s12+$0x7460] =	vst v2  }
0x27: {  	s3 =	sadd.s32 $0x100, s3;
	[tilespmem:s12+$0x7470] =	vst v2  }
0x28: {  	[dreg:$0x4] =	wrdreg s18;
	s3 =	simm.s32 $0x40;
	s12 =	simm.s32 $0x0  }
.LBB2_4:
0x29: {  	p1 =	sne.s32 s3, $0x9C40;
	[tilespmem:s12+$0x94C0] =	vst v2;
	s12 =	smov.u32 s3;
	s3 =	sadd.s32 $0x40, s3  }
.Ltmp1:
0x2a: {  	(pc) =	sbr.rel @p1 .LBB2_4-.Ltmp1, $2  }
0x2b: {  	_ =	sdelay $0x2  }
0x2c: {  	s12 =	sshra.s32 s12, $0x2  }
0x2d: {  	[tilespmem:s12+$0x94C0] =	vst v2;
	s3 =	simm.s32 $0x8  }
0x2e: {  	[spmem:s25] =	stream.linear.scatter [tilespmem:s28], [sflag:$0x8], $0x2000, $0x38;
	[tilespmem:$0x15BE0] =	vst v63  }
0x2f: {  	_ =	swait.ge [sflag:s3], $0x2000  }
0x30: {  	[sflag:s3] =	ssyncset.done $0x0  }
0x31: {  	[sflag:s3] =	ssyncadd.s32 $0xFFFFE000  }
0x32: {  	[spmem:s29] =	stream.linear.scatter [tilespmem:s28], [sflag:$0x8], $0x2000, $0x38;
	[tilespmem:$0x15BE0] =	vst v63  }
0x33: {  	_ =	swait.ge [sflag:s3], $0x2000  }
0x34: {  	[sflag:s3] =	ssyncset.done $0x0  }
0x35: {  	s0 =	rddreg [dreg:$0x9];
	[sflag:s3] =	ssyncadd.s32 $0xFFFFE000  }
0x36: {  	[spmem:s0] =	stream.linear.scatter [tilespmem:s28], [sflag:$0x8], $0x2000, $0x38;
	[tilespmem:$0x15BE0] =	vst v63  }
0x37: {  	_ =	swait.ge [sflag:s3], $0x2000  }
0x38: {  	[sflag:s3] =	ssyncset.done $0x0  }
0x39: {  	s18 =	rddreg [dreg:$0xa];
	[sflag:s3] =	ssyncadd.s32 $0xFFFFE000  }
0x3a: {  	[spmem:s18] =	stream.linear.scatter [tilespmem:s28], [sflag:$0x8], $0x2000, $0x38;
	[tilespmem:$0x15BE0] =	vst v63  }
0x3b: {  	_ =	swait.ge [sflag:s3], $0x2000  }
0x3c: {  	[sflag:s3] =	ssyncset.done $0x0  }
0x3d: {  	s25 =	rddreg [dreg:$0xb];
	[sflag:s3] =	ssyncadd.s32 $0xFFFFE000  }
0x3e: {  	[spmem:s25] =	stream.linear.scatter [tilespmem:s28], [sflag:$0x8], $0x2000, $0x38;
	[tilespmem:$0x15BE0] =	vst v63  }
0x3f: {  	_ =	swait.ge [sflag:s3], $0x2000  }
0x40: {  	[sflag:s3] =	ssyncset.done $0x0  }
0x41: {  	s12 =	simm.s32 $0x0;
	s29 =	rddreg [dreg:$0x5];
	[sflag:s3] =	ssyncadd.s32 $0xFFFFE000  }
0x42: {  	[tilespmem:s30], [sflag:$0x8] =	stream.linear.gather [hbm4b:s29+s12], $0x2720, $0x38;
	[tilespmem:$0x15BE0] =	vst v63  }
0x43: {  	_ =	swait.ge [sflag:s3], $0x2720  }
0x44: {  	[sflag:s3] =	ssyncset.done $0x0  }
0x45: {  	s15 =	rddreg [dreg:$0x6];
	[sflag:s3] =	ssyncadd.s32 $0xFFFFD8E0  }
0x46: {  	[tilespmem:s31], [sflag:$0x8] =	stream.linear.gather [hbm4b:s15+s12], $0x2720, $0x38;
	[tilespmem:$0x15BE0] =	vst v63  }
0x47: {  	_ =	swait.ge [sflag:s3], $0x2720  }
0x48: {  	[sflag:s3] =	ssyncset.done $0x0  }
0x49: {  	s18 =	rddreg [dreg:$0xc];
	[sflag:s3] =	ssyncadd.s32 $0xFFFFD8E0  }
0x4a: {  	[tilespmem:s12], [sflag:$0x4] =	stream.linear.gather [hbm4b:s18+s12], $0x100, $0x38;
	[tilespmem:$0x15BE0] =	vst v63  }
0x4b: {  	s29 =	simm.s32 $0x100;
	s25 =	rddreg [dreg:$0x14]  }
0x4c: {  	[tilespmem:s29], [sflag:$0x5] =	stream.linear.gather [hbm4b:s25+s12], $0x100, $0x38;
	[tilespmem:$0x15BE0] =	vst v63  }
0x4d: {  	s15 =	rddreg [dreg:$0x15];
	s18 =	simm.s32 $0x200;
	s25 =	simm.s32 $0x4  }
0x4e: {  	[tilespmem:s18], [sflag:$0x6] =	stream.linear.gather [hbm4b:s15+s12], $0x100, $0x38;
	[tilespmem:$0x15BE0] =	vst v63  }
0x4f: {  	_ =	swait.ge [sflag:s25], $0x100  }
0x50: {  	[sflag:s25] =	ssyncset.done $0x0  }
0x51: {  	[sflag:s25] =	ssyncadd.s32 $0xFFFFFF00  }
0x52: {  	v6 =	vld [tilespmem:$0x0]  }
0x53: {  	v7 =	vld [tilespmem:$0x10]  }
0x54: {  	v8 =	vld [tilespmem:$0x20]  }
0x55: {  	v9 =	vld [tilespmem:$0x30]  }
0x56: {  	v10 =	vld [tilespmem:$0x40]  }
0x57: {  	v11 =	vld [tilespmem:$0x50];
	vm0 =	vlt.s32 v6, $0x270F  }
0x58: {  	v12 =	vld [tilespmem:$0x60];
	vm9 =	vlt.s32 v7, $0x270F;
	v6 =	vnsel vm0, $0x270F, v6  }
0x59: {  	v13 =	vld [tilespmem:$0x70];
	vm10 =	vlt.s32 v8, $0x270F;
	v7 =	vnsel vm9, $0x270F, v7;
	v6 =	vadd.s32 v1, v6  }
0x5a: {  	vm11 =	vlt.s32 v9, $0x270F;
	[tilespmem:$0x400] =	vst v6;
	v6 =	vadd.s32 v1, v7;
	v7 =	vnsel vm10, $0x270F, v8  }
0x5b: {  	vm12 =	vlt.s32 v10, $0x270F;
	[tilespmem:$0x410] =	vst v6;
	v6 =	vadd.s32 v1, v7;
	v7 =	vnsel vm11, $0x270F, v9  }
0x5c: {  	vm13 =	vlt.s32 v11, $0x270F;
	[tilespmem:$0x420] =	vst v6;
	v6 =	vadd.s32 v1, v7;
	v7 =	vnsel vm12, $0x270F, v10  }
0x5d: {  	vm14 =	vlt.s32 v12, $0x270F;
	[tilespmem:$0x430] =	vst v6;
	v6 =	vadd.s32 v1, v7;
	v7 =	vnsel vm13, $0x270F, v11  }
0x5e: {  	vm15 =	vlt.s32 v13, $0x270F;
	[tilespmem:$0x440] =	vst v6;
	v6 =	vadd.s32 v1, v7;
	v7 =	vnsel vm14, $0x270F, v12  }
0x5f: {  	[tilespmem:$0x450] =	vst v6;
	v6 =	vnsel vm15, $0x270F, v13;
	v7 =	vadd.s32 v1, v7  }
0x60: {  	[tilespmem:$0x460] =	vst v7;
	v6 =	vadd.s32 v1, v6  }
0x61: {  	s29 =	simm.s32 $0x400;
	[tilespmem:$0x470] =	vst v6  }
0x62: {  	[tilespmem:s6], [sflag:$0x1] =	stream.indirect.gather [hbm4b:s1+s4], $0x20, s29, s4, $0xb8;
	[tilespmem:$0x15BE0] =	vst v63  }
0x63: {  	s3 =	simm.s32 $0x0;
	[bflag:$0x0] =	sbarrier.arrive $0xFFFF  }
.LBB2_6:
0x64: {  	_ =	swait.ge [sflag:s7], $0x100  }
0x65: {  	[sflag:s7] =	ssyncset.done $0x0  }
0x66: {  	[sflag:s7] =	ssyncadd.s32 $0xFFFFFF00  }
0x67: {  	v6 =	vld [tilespmem:$0x100]  }
0x68: {  	v7 =	vld [tilespmem:$0x110]  }
0x69: {  	v8 =	vld [tilespmem:$0x120]  }
0x6a: {  	v9 =	vld [tilespmem:$0x130]  }
0x6b: {  	v10 =	vld [tilespmem:$0x140]  }
0x6c: {  	v11 =	vld [tilespmem:$0x150];
	vm0 =	vlt.s32 v6, $0x270F  }
0x6d: {  	v12 =	vld [tilespmem:$0x160];
	vm13 =	vlt.s32 v7, $0x270F;
	v6 =	vnsel vm0, $0x270F, v6  }
0x6e: {  	v13 =	vld [tilespmem:$0x170];
	vm14 =	vlt.s32 v8, $0x270F;
	v7 =	vnsel vm13, $0x270F, v7;
	v6 =	vadd.s32 v1, v6  }
0x6f: {  	vm15 =	vlt.s32 v9, $0x270F;
	[tilespmem:$0x480] =	vst v6;
	v6 =	vadd.s32 v1, v7;
	v7 =	vnsel vm14, $0x270F, v8  }
0x70: {  	vm4 =	vlt.s32 v10, $0x270F;
	[tilespmem:$0x490] =	vst v6;
	v6 =	vadd.s32 v1, v7;
	v7 =	vnsel vm15, $0x270F, v9  }
0x71: {  	vm5 =	vlt.s32 v11, $0x270F;
	[tilespmem:$0x4A0] =	vst v6;
	v6 =	vadd.s32 v1, v7;
	v7 =	vnsel vm4, $0x270F, v10  }
0x72: {  	vm6 =	vlt.s32 v12, $0x270F;
	[tilespmem:$0x4B0] =	vst v6;
	v6 =	vadd.s32 v1, v7;
	v7 =	vnsel vm5, $0x270F, v11  }
0x73: {  	vm7 =	vlt.s32 v13, $0x270F;
	[tilespmem:$0x4C0] =	vst v6;
	v6 =	vadd.s32 v1, v7;
	v7 =	vnsel vm6, $0x270F, v12  }
0x74: {  	[tilespmem:$0x4D0] =	vst v6;
	v6 =	vadd.s32 v1, v7;
	v7 =	vnsel vm7, $0x270F, v13  }
0x75: {  	[tilespmem:$0x4E0] =	vst v6;
	v6 =	vadd.s32 v1, v7  }
0x76: {  	s0 =	simm.s32 $0x480;
	[tilespmem:$0x4F0] =	vst v6  }
0x77: {  	[tilespmem:s16], [sflag:$0x2] =	stream.indirect.gather [hbm4b:s1+s4], $0x20, s0, s4, $0xb8;
	[tilespmem:$0x15BE0] =	vst v63  }
0x78: {  	v6 =	vld [tilespmem:$0x0]  }
0x79: {  	v7 =	vld [tilespmem:$0x80];
	_ =	sdelay $0x6  }
0x7a: {  	v6 =	vld.idx.msk [tilespmem:v6+s30+$0x0], $0xffff  }
0x7b: {  	v8 =	vld.idx.msk [tilespmem:v7+s31+$0x0], $0xffff;
	_ =	sdelay $0x4  }
0x7c: {  	v6 =	vadd.f32 v8, v6;
	_ =	sdelay $0x1  }
0x7d: {  	v8 =	vmul.f32 $2.000000030e-01, v6  }
0x7e: {  	vm8 =	vge.f32 v6, $0.0e+00  }
0x7f: {  	v6 =	vsel vm8, v6, v8  }
0x80: {  	v6 =	vmul.f32 $1.442695020e+00, v6;
	_ =	sdelay $0x1  }
0x81: {  	(erf) = vpow2.f32 v6;
	_ =	sdelay $0x8  }
0x82: {  	v6 =	vpop (erf)  }
0x83: {  	[tilespmem:$0x9440] =	vst v6  }
0x84: {  	[tilespmem:v7+s17+$0x0] =	vst.idx.add.f32.msk $0xffff, v6  }
0x85: {  	v6 =	vld [tilespmem:$0x10]  }
0x86: {  	v7 =	vld [tilespmem:$0x90];
	_ =	sdelay $0x6  }
0x87: {  	v6 =	vld.idx.msk [tilespmem:v6+s30+$0x0], $0xffff  }
0x88: {  	v8 =	vld.idx.msk [tilespmem:v7+s31+$0x0], $0xffff;
	_ =	sdelay $0x4  }
0x89: {  	v6 =	vadd.f32 v8, v6;
	_ =	sdelay $0x1  }
0x8a: {  	v8 =	vmul.f32 $2.000000030e-01, v6  }
0x8b: {  	vm9 =	vge.f32 v6, $0.0e+00  }
0x8c: {  	v6 =	vsel vm9, v6, v8  }
0x8d: {  	v6 =	vmul.f32 $1.442695020e+00, v6;
	_ =	sdelay $0x1  }
0x8e: {  	(erf) = vpow2.f32 v6;
	_ =	sdelay $0x8  }
0x8f: {  	v6 =	vpop (erf)  }
0x90: {  	[tilespmem:$0x9450] =	vst v6  }
0x91: {  	[tilespmem:v7+s17+$0x0] =	vst.idx.add.f32.msk $0xffff, v6  }
0x92: {  	v6 =	vld [tilespmem:$0x20]  }
0x93: {  	v7 =	vld [tilespmem:$0xA0];
	_ =	sdelay $0x6  }
0x94: {  	v6 =	vld.idx.msk [tilespmem:v6+s30+$0x0], $0xffff  }
0x95: {  	v8 =	vld.idx.msk [tilespmem:v7+s31+$0x0], $0xffff;
	_ =	sdelay $0x4  }
0x96: {  	v6 =	vadd.f32 v8, v6;
	_ =	sdelay $0x1  }
0x97: {  	v8 =	vmul.f32 $2.000000030e-01, v6  }
0x98: {  	vm10 =	vge.f32 v6, $0.0e+00  }
0x99: {  	v6 =	vsel vm10, v6, v8  }
0x9a: {  	v6 =	vmul.f32 $1.442695020e+00, v6;
	_ =	sdelay $0x1  }
0x9b: {  	(erf) = vpow2.f32 v6;
	_ =	sdelay $0x8  }
0x9c: {  	v6 =	vpop (erf)  }
0x9d: {  	[tilespmem:$0x9460] =	vst v6  }
0x9e: {  	[tilespmem:v7+s17+$0x0] =	vst.idx.add.f32.msk $0xffff, v6  }
0x9f: {  	v6 =	vld [tilespmem:$0x30]  }
0xa0: {  	v7 =	vld [tilespmem:$0xB0];
	_ =	sdelay $0x6  }
0xa1: {  	v6 =	vld.idx.msk [tilespmem:v6+s30+$0x0], $0xffff  }
0xa2: {  	v8 =	vld.idx.msk [tilespmem:v7+s31+$0x0], $0xffff;
	_ =	sdelay $0x4  }
0xa3: {  	v6 =	vadd.f32 v8, v6;
	_ =	sdelay $0x1  }
0xa4: {  	v8 =	vmul.f32 $2.000000030e-01, v6  }
0xa5: {  	vm11 =	vge.f32 v6, $0.0e+00  }
0xa6: {  	v6 =	vsel vm11, v6, v8  }
0xa7: {  	v6 =	vmul.f32 $1.442695020e+00, v6;
	_ =	sdelay $0x1  }
0xa8: {  	(erf) = vpow2.f32 v6;
	_ =	sdelay $0x8  }
0xa9: {  	v6 =	vpop (erf)  }
0xaa: {  	[tilespmem:$0x9470] =	vst v6  }
0xab: {  	[tilespmem:v7+s17+$0x0] =	vst.idx.add.f32.msk $0xffff, v6  }
0xac: {  	v6 =	vld [tilespmem:$0x40]  }
0xad: {  	v7 =	vld [tilespmem:$0xC0];
	_ =	sdelay $0x6  }
0xae: {  	v6 =	vld.idx.msk [tilespmem:v6+s30+$0x0], $0xffff  }
0xaf: {  	v8 =	vld.idx.msk [tilespmem:v7+s31+$0x0], $0xffff;
	_ =	sdelay $0x4  }
0xb0: {  	v6 =	vadd.f32 v8, v6;
	_ =	sdelay $0x1  }
0xb1: {  	v8 =	vmul.f32 $2.000000030e-01, v6  }
0xb2: {  	vm12 =	vge.f32 v6, $0.0e+00  }
0xb3: {  	v6 =	vsel vm12, v6, v8  }
0xb4: {  	v6 =	vmul.f32 $1.442695020e+00, v6;
	_ =	sdelay $0x1  }
0xb5: {  	(erf) = vpow2.f32 v6;
	_ =	sdelay $0x8  }
0xb6: {  	v6 =	vpop (erf)  }
0xb7: {  	[tilespmem:$0x9480] =	vst v6  }
0xb8: {  	[tilespmem:v7+s17+$0x0] =	vst.idx.add.f32.msk $0xffff, v6  }
0xb9: {  	v6 =	vld [tilespmem:$0x50]  }
0xba: {  	v7 =	vld [tilespmem:$0xD0];
	_ =	sdelay $0x6  }
0xbb: {  	v6 =	vld.idx.msk [tilespmem:v6+s30+$0x0], $0xffff  }
0xbc: {  	v8 =	vld.idx.msk [tilespmem:v7+s31+$0x0], $0xffff;
	_ =	sdelay $0x4  }
0xbd: {  	v6 =	vadd.f32 v8, v6;
	_ =	sdelay $0x1  }
0xbe: {  	v8 =	vmul.f32 $2.000000030e-01, v6  }
0xbf: {  	vm13 =	vge.f32 v6, $0.0e+00  }
0xc0: {  	v6 =	vsel vm13, v6, v8  }
0xc1: {  	v6 =	vmul.f32 $1.442695020e+00, v6;
	_ =	sdelay $0x1  }
0xc2: {  	(erf) = vpow2.f32 v6;
	_ =	sdelay $0x8  }
0xc3: {  	v6 =	vpop (erf)  }
0xc4: {  	[tilespmem:$0x9490] =	vst v6  }
0xc5: {  	[tilespmem:v7+s17+$0x0] =	vst.idx.add.f32.msk $0xffff, v6  }
0xc6: {  	v6 =	vld [tilespmem:$0x60]  }
0xc7: {  	v7 =	vld [tilespmem:$0xE0];
	_ =	sdelay $0x6  }
0xc8: {  	v6 =	vld.idx.msk [tilespmem:v6+s30+$0x0], $0xffff  }
0xc9: {  	v8 =	vld.idx.msk [tilespmem:v7+s31+$0x0], $0xffff;
	_ =	sdelay $0x4  }
0xca: {  	v6 =	vadd.f32 v8, v6;
	_ =	sdelay $0x1  }
0xcb: {  	v8 =	vmul.f32 $2.000000030e-01, v6  }
0xcc: {  	vm14 =	vge.f32 v6, $0.0e+00  }
0xcd: {  	v6 =	vsel vm14, v6, v8  }
0xce: {  	v6 =	vmul.f32 $1.442695020e+00, v6;
	_ =	sdelay $0x1  }
0xcf: {  	(erf) = vpow2.f32 v6;
	_ =	sdelay $0x8  }
0xd0: {  	v6 =	vpop (erf)  }
0xd1: {  	[tilespmem:$0x94A0] =	vst v6  }
0xd2: {  	[tilespmem:v7+s17+$0x0] =	vst.idx.add.f32.msk $0xffff, v6  }
0xd3: {  	v6 =	vld [tilespmem:$0x70]  }
0xd4: {  	v7 =	vld [tilespmem:$0xF0];
	_ =	sdelay $0x6  }
0xd5: {  	v6 =	vld.idx.msk [tilespmem:v6+s30+$0x0], $0xffff  }
0xd6: {  	v8 =	vld.idx.msk [tilespmem:v7+s31+$0x0], $0xffff;
	_ =	sdelay $0x4  }
0xd7: {  	v6 =	vadd.f32 v8, v6;
	_ =	sdelay $0x1  }
0xd8: {  	v8 =	vmul.f32 $2.000000030e-01, v6  }
0xd9: {  	vm15 =	vge.f32 v6, $0.0e+00  }
0xda: {  	v6 =	vsel vm15, v6, v8  }
0xdb: {  	v6 =	vmul.f32 $1.442695020e+00, v6;
	_ =	sdelay $0x1  }
0xdc: {  	(erf) = vpow2.f32 v6;
	_ =	sdelay $0x8  }
0xdd: {  	v6 =	vpop (erf)  }
0xde: {  	p1 =	seq.s32 s3, $0x0;
	s29 =	sshll.u32 s3, $0xA;
	[tilespmem:$0x94B0] =	vst v6  }
0xdf: {  	s15 =	simm.s32 @!p1 $0x3;
	s18 =	sadd.s32 s29, s14;
	[tilespmem:v7+s17+$0x0] =	vst.idx.add.f32.msk $0xffff, v6  }
0xe0: {  	s18 =	sshrl.u32 s18, $0x3;
	_ =	swait.ge @!p1 [sflag:s15], $0x2000  }
0xe1: {  	s0 =	sadd.s32 s5, s18;
	s18 =	simm.s32 $0x1;
	[sflag:s15] =	ssyncset.done @!p1 $0x0  }
0xe2: {  	s25 =	simm.s32 $0x300;
	v6 =	vmov s18;
	s18 =	simm.s32 $0x3;
	[sflag:s15] =	ssyncadd.s32 @!p1 $0xFFFFE000  }
0xe3: {  	[tilespmem:s25], [sflag:$0x7] =	stream.linear.gather [hbm4b:s0+s12], $0x100, $0x38;
	[tilespmem:$0x15BE0] =	vst v63  }
0xe4: {  	v7 =	vmov s18;
	_ =	swait.ge [sflag:s19], $0x1000  }
0xe5: {  	[sflag:s19] =	ssyncset.done $0x0  }
0xe6: {  	[sflag:s19] =	ssyncadd.s32 $0xFFFFF000  }
0xe7: {  	s15 =	simm.s32 $0x5480;
	s25 =	simm.s32 $0x2;
	v16 =	vld.idx.msk [tilespmem:v6+s23+$0x0], $0xffff  }
0xe8: {  	v9 =	vmov s25;
	v8 =	vld [tilespmem:s15+$0x20]  }
0xe9: {  	v13 =	vld.idx.msk [tilespmem:v7+s23+$0x0], $0xffff  }
0xea: {  	v10 =	vmov s12;
	v19 =	vshll.u32 v7, $0x6;
	v7 =	vld [tilespmem:s15+$0xFFFFFFE0]  }
0xeb: {  	v12 =	vshll.u32 v10, $0x6;
	v14 =	vshll.u32 v6, $0x6;
	v17 =	vor.u32 v0, v19;
	v11 =	vld [tilespmem:s15+$0xFFFFFFC0]  }
0xec: {  	v22 =	vor.u32 v0, v12;
	v21 =	vor.u32 v0, v14;
	v20 =	vor.u32 v3, v19;
	v18 =	vld [tilespmem:s15+$0x0]  }
0xed: {  	v23 =	vor.u32 v3, v14;
	v15 =	vshll.u32 v9, $0x6;
	v9 =	vld.idx.msk [tilespmem:v9+s23+$0x0], $0xffff;
	v6 =	vunpack.i.l.bf16.f32 v8  }
0xee: {  	v25 =	vor.u32 v0, v15;
	v8 =	vunpack.i.u.bf16.f32 v8;
	v24 =	vmul.f32 v6, v13  }
0xef: {  	v27 =	vunpack.i.u.bf16.f32 v7;
	v7 =	vunpack.i.l.bf16.f32 v7;
	v6 =	vld.idx.msk [tilespmem:v10+s23+$0x0], $0xffff;
	v8 =	vmul.f32 v8, v13  }
0xf0: {  	v26 =	vor.u32 v3, v15;
	v7 =	vmul.f32 v7, v16;
	[tilespmem:v17+s28+$0x0] =	vst.idx.msk $0xffff, v24  }
0xf1: {  	s0 =	simm.s32 $0x4;
	v17 =	vunpack.i.u.bf16.f32 v18;
	v18 =	vunpack.i.l.bf16.f32 v18;
	[tilespmem:v20+s28+$0x0] =	vst.idx.msk $0xffff, v8;
	v20 =	vmul.f32 v27, v16  }
0xf2: {  	v10 =	vunpack.i.u.bf16.f32 v11;
	[tilespmem:v21+s28+$0x0] =	vst.idx.msk $0xffff, v7;
	v8 =	vmov s0;
	v28 =	vmul.f32 v18, v9;
	v27 =	vld [tilespmem:s15+$0x30]  }
0xf3: {  	s25 =	simm.s32 $0x5;
	v11 =	vunpack.i.l.bf16.f32 v11;
	v24 =	vor.u32 v3, v12;
	v29 =	vmul.f32 v17, v9;
	[tilespmem:v23+s28+$0x0] =	vst.idx.msk $0xffff, v20  }
0xf4: {  	v21 =	vor.u32 v5, v19;
	v18 =	vmov s25;
	v30 =	vmul.f32 v11, v6;
	[tilespmem:v25+s28+$0x0] =	vst.idx.msk $0xffff, v28  }
0xf5: {  	s0 =	simm.s32 $0x6;
	v7 =	vshll.u32 v8, $0x6;
	v31 =	vmul.f32 v10, v6;
	v20 =	vor.u32 v4, v19;
	v23 =	vld [tilespmem:s15+$0xFFFFFFF0];
	[tilespmem:v26+s28+$0x0] =	vst.idx.msk $0xffff, v29  }
0xf6: {  	s25 =	simm.s32 $0x7;
	v17 =	vmov s0;
	v10 =	vor.u32 v4, v12;
	v12 =	vor.u32 v5, v12;
	[tilespmem:v22+s28+$0x0] =	vst.idx.msk $0xffff, v30;
	v22 =	vld [tilespmem:s15+$0x10]  }
0xf7: {  	v19 =	vmov s25;
	v11 =	vld.idx.msk [tilespmem:v8+s23+$0x0], $0xffff;
	v8 =	vor.u32 v0, v7;
	v25 =	vunpack.i.l.bf16.f32 v27  }
0xf8: {  	s18 =	simm.s32 $0x8;
	[tilespmem:v24+s28+$0x0] =	vst.idx.msk $0xffff, v31;
	v24 =	vor.u32 v4, v14;
	v26 =	vunpack.i.u.bf16.f32 v27;
	v25 =	vmul.f32 v25, v13  }
.LBB2_7:
0xf9: {  	p1 =	slt.u32 s18, $0x7C;
	v27 =	vld [tilespmem:s15+$0xFFFFFFD0];
	v28 =	vor.u32 v5, v14;
	v29 =	vor.u32 v4, v15;
	v13 =	vmul.f32 v26, v13  }
0xfa: {  	v31 =	vor.u32 v5, v15;
	s15 =	sadd.s32 $0x80, s15;
	v26 =	vld.idx.msk [tilespmem:v18+s23+$0x0], $0xffff;
	v30 =	vunpack.i.u.bf16.f32 v23;
	v23 =	vunpack.i.l.bf16.f32 v23;
	[tilespmem:v20+s28+$0x0] =	vst.idx.msk $0xffff, v25  }
0xfb: {  	v14 =	vshll.u32 v18, $0x6;
	v18 =	vld [tilespmem:s15+$0x20];
	v20 =	vmul.f32 v23, v16;
	v16 =	vmul.f32 v30, v16;
	[tilespmem:v21+s28+$0x0] =	vst.idx.msk $0xffff, v13  }
0xfc: {  	v21 =	vor.u32 v0, v14;
	v13 =	vld.idx.msk [tilespmem:v19+s23+$0x0], $0xffff;
	v23 =	vunpack.i.u.bf16.f32 v22;
	v22 =	vunpack.i.l.bf16.f32 v22  }
0xfd: {  	v15 =	vshll.u32 v17, $0x6;
	v25 =	vld [tilespmem:s15+$0xFFFFFFC0];
	[tilespmem:v24+s28+$0x0] =	vst.idx.msk $0xffff, v20;
	v20 =	vmul.f32 v22, v9;
	v22 =	vmul.f32 v23, v9  }
0xfe: {  	v19 =	vshll.u32 v19, $0x6;
	v23 =	vld [tilespmem:s15+$0xFFFFFFE0];
	v9 =	vunpack.i.u.bf16.f32 v27;
	v24 =	vunpack.i.l.bf16.f32 v27;
	[tilespmem:v28+s28+$0x0] =	vst.idx.msk $0xffff, v16  }
0xff: {  	v28 =	vor.u32 v0, v19;
	v27 =	vld [tilespmem:s15+$0x0];
	v32 =	vmul.f32 v24, v6;
	v24 =	vmul.f32 v9, v6;
	v6 =	vmovc v11  }
0x100: {  	v11 =	vor.u32 v3, v14;
	v9 =	vld.idx.msk [tilespmem:v17+s23+$0x0], $0xffff;
	v17 =	vor.u32 v3, v19;
	[tilespmem:v29+s28+$0x0] =	vst.idx.msk $0xffff, v20  }
0x101: {  	v20 =	vor.u32 v0, v15;
	v29 =	vor.u32 v3, v15;
	v30 =	vunpack.i.l.bf16.f32 v18;
	[tilespmem:v31+s28+$0x0] =	vst.idx.msk $0xffff, v22  }
0x102: {  	v16 =	vmovc v26;
	v18 =	vunpack.i.u.bf16.f32 v18;
	v30 =	vmul.f32 v30, v13;
	v22 =	vunpack.i.u.bf16.f32 v25;
	[tilespmem:v10+s28+$0x0] =	vst.idx.msk $0xffff, v32  }
0x103: {  	v18 =	vmul.f32 v18, v13;
	v10 =	vunpack.i.l.bf16.f32 v25;
	v25 =	vunpack.i.u.bf16.f32 v23;
	[tilespmem:v12+s28+$0x0] =	vst.idx.msk $0xffff, v24  }
0x104: {  	v12 =	vunpack.i.l.bf16.f32 v23;
	v23 =	vunpack.i.u.bf16.f32 v27;
	v24 =	vunpack.i.l.bf16.f32 v27;
	[tilespmem:v28+s28+$0x0] =	vst.idx.msk $0xffff, v30  }
0x105: {  	v26 =	vmov s18;
	v12 =	vmul.f32 v12, v16;
	v25 =	vmul.f32 v25, v16;
	[tilespmem:v17+s28+$0x0] =	vst.idx.msk $0xffff, v18  }
0x106: {  	v27 =	vor.u32 v3, v7;
	v17 =	vmul.f32 v24, v9;
	v24 =	vmul.f32 v23, v9;
	v28 =	vld [tilespmem:s15+$0x30]  }
0x107: {  	v31 =	vmul.f32 v22, v6;
	v30 =	vmul.f32 v10, v6;
	[tilespmem:v21+s28+$0x0] =	vst.idx.msk $0xffff, v12  }
.Ltmp2:
0x108: {  	s25 =	sadd.s32 $0x1, s18;
	v32 =	vshll.u32 v26, $0x6;
	[tilespmem:v11+s28+$0x0] =	vst.idx.msk $0xffff, v25;
	(pc) =	sbr.rel @p1 .LBB2_7-.Ltmp2, $4  }
0x109: {  	v10 =	vor.u32 v4, v7;
	v18 =	vmov s25;
	s25 =	sadd.s32 $0x2, s18;
	v23 =	vld [tilespmem:s15+$0xFFFFFFF0];
	[tilespmem:v20+s28+$0x0] =	vst.idx.msk $0xffff, v17;
	v20 =	vor.u32 v4, v19  }
0x10a: {  	v12 =	vor.u32 v5, v7;
	v21 =	vor.u32 v5, v19;
	v17 =	vmov s25;
	s25 =	sadd.s32 $0x3, s18;
	v11 =	vld.idx.msk [tilespmem:v26+s23+$0x0], $0xffff;
	[tilespmem:v29+s28+$0x0] =	vst.idx.msk $0xffff, v24  }
0x10b: {  	v7 =	vmovc v32;
	v19 =	vmov s25;
	[tilespmem:v8+s28+$0x0] =	vst.idx.msk $0xffff, v30;
	v8 =	vor.u32 v0, v32;
	v22 =	vld [tilespmem:s15+$0x10];
	v25 =	vunpack.i.l.bf16.f32 v28  }
0x10c: {  	s18 =	sadd.s32 $0x4, s18;
	v24 =	vor.u32 v4, v14;
	v26 =	vunpack.i.u.bf16.f32 v28;
	[tilespmem:v27+s28+$0x0] =	vst.idx.msk $0xffff, v31;
	v25 =	vmul.f32 v25, v13  }
0x10d: {  	_ =	sdelay $0x3  }
0x10e: {  	v14 =	vor.u32 v5, v14;
	v27 =	vld.idx.msk [tilespmem:v18+s23+$0x0], $0xffff;
	s18 =	sadd.s32 $0x80, s15  }
0x10f: {  	v28 =	vor.u32 v4, v15;
	v13 =	vmul.f32 v26, v13;
	v15 =	vor.u32 v5, v15;
	v29 =	vld [tilespmem:s18+$0x20]  }
0x110: {  	v30 =	vld.idx.msk [tilespmem:v19+s23+$0x0], $0xffff;
	v19 =	vshll.u32 v19, $0x6;
	v26 =	vunpack.i.u.bf16.f32 v23;
	v23 =	vunpack.i.l.bf16.f32 v23  }
0x111: {  	v18 =	vshll.u32 v18, $0x6;
	[tilespmem:v20+s28+$0x0] =	vst.idx.msk $0xffff, v25;
	v25 =	vor.u32 v0, v19;
	v20 =	vmul.f32 v23, v16;
	v23 =	vld [tilespmem:s18+$0xFFFFFFE0]  }
0x112: {  	v16 =	vmul.f32 v26, v16;
	[tilespmem:v21+s28+$0x0] =	vst.idx.msk $0xffff, v13;
	v13 =	vor.u32 v0, v18;
	v21 =	vunpack.i.l.bf16.f32 v22  }
0x113: {  	v22 =	vunpack.i.u.bf16.f32 v22;
	[tilespmem:v24+s28+$0x0] =	vst.idx.msk $0xffff, v20;
	v20 =	vmul.f32 v21, v9;
	v21 =	vld [tilespmem:s18+$0x0];
	v24 =	vor.u32 v3, v19  }
0x114: {  	v26 =	vshll.u32 v17, $0x6;
	v9 =	vmul.f32 v22, v9;
	[tilespmem:v14+s28+$0x0] =	vst.idx.msk $0xffff, v16;
	v14 =	vld.idx.msk [tilespmem:v17+s23+$0x0], $0xffff;
	v16 =	vunpack.i.l.bf16.f32 v29  }
0x115: {  	v22 =	vor.u32 v3, v18;
	v17 =	vld [tilespmem:s18+$0xFFFFFFC0];
	[tilespmem:v28+s28+$0x0] =	vst.idx.msk $0xffff, v20;
	v20 =	vunpack.i.u.bf16.f32 v29;
	v16 =	vmul.f32 v16, v30  }
0x116: {  	v59 =	vor.u32 v0, v26;
	[tilespmem:v15+s28+$0x0] =	vst.idx.msk $0xffff, v9;
	v9 =	vmul.f32 v20, v30;
	v15 =	vunpack.i.l.bf16.f32 v23  }
0x117: {  	v60 =	vor.u32 v3, v26;
	v20 =	vld [tilespmem:s15+$0xFFFFFFD0];
	v23 =	vunpack.i.u.bf16.f32 v23;
	v15 =	vmul.f32 v15, v27;
	[tilespmem:v25+s28+$0x0] =	vst.idx.msk $0xffff, v16  }
0x118: {  	v23 =	vmul.f32 v23, v27;
	v16 =	vunpack.i.l.bf16.f32 v21;
	[tilespmem:v24+s28+$0x0] =	vst.idx.msk $0xffff, v9  }
0x119: {  	v9 =	vunpack.i.u.bf16.f32 v21;
	v21 =	vor.u32 v3, v7;
	v16 =	vmul.f32 v16, v14;
	[tilespmem:v13+s28+$0x0] =	vst.idx.msk $0xffff, v15;
	v24 =	vld [tilespmem:s18+$0x30]  }
0x11a: {  	v13 =	vunpack.i.l.bf16.f32 v17;
	v9 =	vmul.f32 v9, v14;
	[tilespmem:v22+s28+$0x0] =	vst.idx.msk $0xffff, v23  }
0x11b: {  	v15 =	vunpack.i.u.bf16.f32 v17;
	v13 =	vmul.f32 v13, v11;
	v17 =	vld [tilespmem:s18+$0xFFFFFFF0];
	[tilespmem:v59+s28+$0x0] =	vst.idx.msk $0xffff, v16  }
0x11c: {  	v15 =	vmul.f32 v15, v11;
	v22 =	vor.u32 v4, v19;
	v16 =	vunpack.i.l.bf16.f32 v20;
	[tilespmem:v60+s28+$0x0] =	vst.idx.msk $0xffff, v9  }
0x11d: {  	v19 =	vor.u32 v5, v19;
	v9 =	vunpack.i.u.bf16.f32 v20;
	v16 =	vmul.f32 v16, v6;
	[tilespmem:v8+s28+$0x0] =	vst.idx.msk $0xffff, v13;
	v8 =	vld [tilespmem:s18+$0x10]  }
0x11e: {  	v13 =	vor.u32 v4, v18;
	v6 =	vmul.f32 v9, v6;
	[tilespmem:v21+s28+$0x0] =	vst.idx.msk $0xffff, v15;
	v9 =	vunpack.i.l.bf16.f32 v24  }
0x11f: {  	[tilespmem:v10+s28+$0x0] =	vst.idx.msk $0xffff, v16;
	v16 =	vor.u32 v5, v18;
	v10 =	vunpack.i.u.bf16.f32 v24;
	v15 =	vld [tilespmem:s18+$0xFFFFFFD0];
	v9 =	vmul.f32 v9, v30  }
0x120: {  	[tilespmem:v12+s28+$0x0] =	vst.idx.msk $0xffff, v6;
	v6 =	vor.u32 v4, v26;
	v10 =	vmul.f32 v10, v30;
	v12 =	vunpack.i.l.bf16.f32 v17  }
0x121: {  	v18 =	vor.u32 v5, v26;
	v17 =	vunpack.i.u.bf16.f32 v17;
	[tilespmem:v22+s28+$0x0] =	vst.idx.msk $0xffff, v9;
	v9 =	vmul.f32 v12, v27  }
0x122: {  	v17 =	vmul.f32 v17, v27;
	v12 =	vor.u32 v4, v7;
	[tilespmem:v19+s28+$0x0] =	vst.idx.msk $0xffff, v10;
	v10 =	vunpack.i.l.bf16.f32 v8  }
0x123: {  	v7 =	vor.u32 v5, v7;
	v8 =	vunpack.i.u.bf16.f32 v8;
	[tilespmem:v13+s28+$0x0] =	vst.idx.msk $0xffff, v9;
	v9 =	vmul.f32 v10, v14  }
0x124: {  	v8 =	vmul.f32 v8, v14;
	v10 =	vunpack.i.l.bf16.f32 v15;
	[tilespmem:v16+s28+$0x0] =	vst.idx.msk $0xffff, v17  }
0x125: {  	v13 =	vunpack.i.u.bf16.f32 v15;
	v10 =	vmul.f32 v10, v11;
	[tilespmem:v6+s28+$0x0] =	vst.idx.msk $0xffff, v9  }
0x126: {  	v6 =	vmul.f32 v13, v11;
	[tilespmem:v18+s28+$0x0] =	vst.idx.msk $0xffff, v8  }
0x127: {  	[tilespmem:v12+s28+$0x0] =	vst.idx.msk $0xffff, v10  }
0x128: {  	[tilespmem:v7+s28+$0x0] =	vst.idx.msk $0xffff, v6  }
0x129: {  	[spmem:s2] =	stream.indirect.scatter.add.f32 [tilespmem:s28], [sflag:$0x3], $0x40, s4, s4, $0xb8;
	[tilespmem:$0x15BE0] =	vst v63  }
0x12a: {  	_ =	swait.ge [sflag:s24], $0x100  }
0x12b: {  	[sflag:s24] =	ssyncset.done $0x0  }
0x12c: {  	[sflag:s24] =	ssyncadd.s32 $0xFFFFFF00  }
0x12d: {  	v6 =	vld [tilespmem:$0x200]  }
0x12e: {  	v7 =	vld [tilespmem:$0x210]  }
0x12f: {  	v8 =	vld [tilespmem:$0x220]  }
0x130: {  	v9 =	vld [tilespmem:$0x230]  }
0x131: {  	v10 =	vld [tilespmem:$0x240]  }
0x132: {  	v11 =	vld [tilespmem:$0x250];
	vm0 =	vlt.s32 v6, $0x270F  }
0x133: {  	v12 =	vld [tilespmem:$0x260];
	vm13 =	vlt.s32 v7, $0x270F;
	v6 =	vnsel vm0, $0x270F, v6  }
0x134: {  	v13 =	vld [tilespmem:$0x270];
	vm14 =	vlt.s32 v8, $0x270F;
	v7 =	vnsel vm13, $0x270F, v7;
	v6 =	vadd.s32 v1, v6  }
0x135: {  	vm15 =	vlt.s32 v9, $0x270F;
	[tilespmem:$0x500] =	vst v6;
	v6 =	vadd.s32 v1, v7;
	v7 =	vnsel vm14, $0x270F, v8  }
0x136: {  	vm4 =	vlt.s32 v10, $0x270F;
	[tilespmem:$0x510] =	vst v6;
	v6 =	vadd.s32 v1, v7;
	v7 =	vnsel vm15, $0x270F, v9  }
0x137: {  	vm5 =	vlt.s32 v11, $0x270F;
	[tilespmem:$0x520] =	vst v6;
	v6 =	vadd.s32 v1, v7;
	v7 =	vnsel vm4, $0x270F, v10  }
0x138: {  	vm6 =	vlt.s32 v12, $0x270F;
	[tilespmem:$0x530] =	vst v6;
	v6 =	vadd.s32 v1, v7;
	v7 =	vnsel vm5, $0x270F, v11  }
0x139: {  	vm7 =	vlt.s32 v13, $0x270F;
	[tilespmem:$0x540] =	vst v6;
	v6 =	vadd.s32 v1, v7;
	v7 =	vnsel vm6, $0x270F, v12  }
0x13a: {  	[tilespmem:$0x550] =	vst v6;
	v6 =	vadd.s32 v1, v7;
	v7 =	vnsel vm7, $0x270F, v13  }
0x13b: {  	[tilespmem:$0x560] =	vst v6;
	v6 =	vadd.s32 v1, v7  }
0x13c: {  	s0 =	simm.s32 $0x500;
	[tilespmem:$0x570] =	vst v6  }
0x13d: {  	[tilespmem:s6], [sflag:$0x1] =	stream.indirect.gather [hbm4b:s1+s4], $0x20, s0, s4, $0xb8;
	[tilespmem:$0x15BE0] =	vst v63  }
0x13e: {  	v6 =	vld [tilespmem:$0x100]  }
0x13f: {  	v7 =	vld [tilespmem:$0x180];
	_ =	sdelay $0x6  }
0x140: {  	v6 =	vld.idx.msk [tilespmem:v6+s30+$0x0], $0xffff  }
0x141: {  	v8 =	vld.idx.msk [tilespmem:v7+s31+$0x0], $0xffff;
	_ =	sdelay $0x4  }
0x142: {  	v6 =	vadd.f32 v8, v6;
	_ =	sdelay $0x1  }
0x143: {  	v8 =	vmul.f32 $2.000000030e-01, v6  }
0x144: {  	vm8 =	vge.f32 v6, $0.0e+00  }
0x145: {  	v6 =	vsel vm8, v6, v8  }
0x146: {  	v6 =	vmul.f32 $1.442695020e+00, v6;
	_ =	sdelay $0x1  }
0x147: {  	(erf) = vpow2.f32 v6;
	_ =	sdelay $0x8  }
0x148: {  	v6 =	vpop (erf)  }
0x149: {  	[tilespmem:$0x9440] =	vst v6  }
0x14a: {  	[tilespmem:v7+s17+$0x0] =	vst.idx.add.f32.msk $0xffff, v6  }
0x14b: {  	v6 =	vld [tilespmem:$0x110]  }
0x14c: {  	v7 =	vld [tilespmem:$0x190];
	_ =	sdelay $0x6  }
0x14d: {  	v6 =	vld.idx.msk [tilespmem:v6+s30+$0x0], $0xffff  }
0x14e: {  	v8 =	vld.idx.msk [tilespmem:v7+s31+$0x0], $0xffff;
	_ =	sdelay $0x4  }
0x14f: {  	v6 =	vadd.f32 v8, v6;
	_ =	sdelay $0x1  }
0x150: {  	v8 =	vmul.f32 $2.000000030e-01, v6  }
0x151: {  	vm9 =	vge.f32 v6, $0.0e+00  }
0x152: {  	v6 =	vsel vm9, v6, v8  }
0x153: {  	v6 =	vmul.f32 $1.442695020e+00, v6;
	_ =	sdelay $0x1  }
0x154: {  	(erf) = vpow2.f32 v6;
	_ =	sdelay $0x8  }
0x155: {  	v6 =	vpop (erf)  }
0x156: {  	[tilespmem:$0x9450] =	vst v6  }
0x157: {  	[tilespmem:v7+s17+$0x0] =	vst.idx.add.f32.msk $0xffff, v6  }
0x158: {  	v6 =	vld [tilespmem:$0x120]  }
0x159: {  	v7 =	vld [tilespmem:$0x1A0];
	_ =	sdelay $0x6  }
0x15a: {  	v6 =	vld.idx.msk [tilespmem:v6+s30+$0x0], $0xffff  }
0x15b: {  	v8 =	vld.idx.msk [tilespmem:v7+s31+$0x0], $0xffff;
	_ =	sdelay $0x4  }
0x15c: {  	v6 =	vadd.f32 v8, v6;
	_ =	sdelay $0x1  }
0x15d: {  	v8 =	vmul.f32 $2.000000030e-01, v6  }
0x15e: {  	vm10 =	vge.f32 v6, $0.0e+00  }
0x15f: {  	v6 =	vsel vm10, v6, v8  }
0x160: {  	v6 =	vmul.f32 $1.442695020e+00, v6;
	_ =	sdelay $0x1  }
0x161: {  	(erf) = vpow2.f32 v6;
	_ =	sdelay $0x8  }
0x162: {  	v6 =	vpop (erf)  }
0x163: {  	[tilespmem:$0x9460] =	vst v6  }
0x164: {  	[tilespmem:v7+s17+$0x0] =	vst.idx.add.f32.msk $0xffff, v6  }
0x165: {  	v6 =	vld [tilespmem:$0x130]  }
0x166: {  	v7 =	vld [tilespmem:$0x1B0];
	_ =	sdelay $0x6  }
0x167: {  	v6 =	vld.idx.msk [tilespmem:v6+s30+$0x0], $0xffff  }
0x168: {  	v8 =	vld.idx.msk [tilespmem:v7+s31+$0x0], $0xffff;
	_ =	sdelay $0x4  }
0x169: {  	v6 =	vadd.f32 v8, v6;
	_ =	sdelay $0x1  }
0x16a: {  	v8 =	vmul.f32 $2.000000030e-01, v6  }
0x16b: {  	vm11 =	vge.f32 v6, $0.0e+00  }
0x16c: {  	v6 =	vsel vm11, v6, v8  }
0x16d: {  	v6 =	vmul.f32 $1.442695020e+00, v6;
	_ =	sdelay $0x1  }
0x16e: {  	(erf) = vpow2.f32 v6;
	_ =	sdelay $0x8  }
0x16f: {  	v6 =	vpop (erf)  }
0x170: {  	[tilespmem:$0x9470] =	vst v6  }
0x171: {  	[tilespmem:v7+s17+$0x0] =	vst.idx.add.f32.msk $0xffff, v6  }
0x172: {  	v6 =	vld [tilespmem:$0x140]  }
0x173: {  	v7 =	vld [tilespmem:$0x1C0];
	_ =	sdelay $0x6  }
0x174: {  	v6 =	vld.idx.msk [tilespmem:v6+s30+$0x0], $0xffff  }
0x175: {  	v8 =	vld.idx.msk [tilespmem:v7+s31+$0x0], $0xffff;
	_ =	sdelay $0x4  }
0x176: {  	v6 =	vadd.f32 v8, v6;
	_ =	sdelay $0x1  }
0x177: {  	v8 =	vmul.f32 $2.000000030e-01, v6  }
0x178: {  	vm12 =	vge.f32 v6, $0.0e+00  }
0x179: {  	v6 =	vsel vm12, v6, v8  }
0x17a: {  	v6 =	vmul.f32 $1.442695020e+00, v6;
	_ =	sdelay $0x1  }
0x17b: {  	(erf) = vpow2.f32 v6;
	_ =	sdelay $0x8  }
0x17c: {  	v6 =	vpop (erf)  }
0x17d: {  	[tilespmem:$0x9480] =	vst v6  }
0x17e: {  	[tilespmem:v7+s17+$0x0] =	vst.idx.add.f32.msk $0xffff, v6  }
0x17f: {  	v6 =	vld [tilespmem:$0x150]  }
0x180: {  	v7 =	vld [tilespmem:$0x1D0];
	_ =	sdelay $0x6  }
0x181: {  	v6 =	vld.idx.msk [tilespmem:v6+s30+$0x0], $0xffff  }
0x182: {  	v8 =	vld.idx.msk [tilespmem:v7+s31+$0x0], $0xffff;
	_ =	sdelay $0x4  }
0x183: {  	v6 =	vadd.f32 v8, v6;
	_ =	sdelay $0x1  }
0x184: {  	v8 =	vmul.f32 $2.000000030e-01, v6  }
0x185: {  	vm13 =	vge.f32 v6, $0.0e+00  }
0x186: {  	v6 =	vsel vm13, v6, v8  }
0x187: {  	v6 =	vmul.f32 $1.442695020e+00, v6;
	_ =	sdelay $0x1  }
0x188: {  	(erf) = vpow2.f32 v6;
	_ =	sdelay $0x8  }
0x189: {  	v6 =	vpop (erf)  }
0x18a: {  	[tilespmem:$0x9490] =	vst v6  }
0x18b: {  	[tilespmem:v7+s17+$0x0] =	vst.idx.add.f32.msk $0xffff, v6  }
0x18c: {  	v6 =	vld [tilespmem:$0x160]  }
0x18d: {  	v7 =	vld [tilespmem:$0x1E0];
	_ =	sdelay $0x6  }
0x18e: {  	v6 =	vld.idx.msk [tilespmem:v6+s30+$0x0], $0xffff  }
0x18f: {  	v8 =	vld.idx.msk [tilespmem:v7+s31+$0x0], $0xffff;
	_ =	sdelay $0x4  }
0x190: {  	v6 =	vadd.f32 v8, v6;
	_ =	sdelay $0x1  }
0x191: {  	v8 =	vmul.f32 $2.000000030e-01, v6  }
0x192: {  	vm14 =	vge.f32 v6, $0.0e+00  }
0x193: {  	v6 =	vsel vm14, v6, v8  }
0x194: {  	v6 =	vmul.f32 $1.442695020e+00, v6;
	_ =	sdelay $0x1  }
0x195: {  	(erf) = vpow2.f32 v6;
	_ =	sdelay $0x8  }
0x196: {  	v6 =	vpop (erf)  }
0x197: {  	[tilespmem:$0x94A0] =	vst v6  }
0x198: {  	[tilespmem:v7+s17+$0x0] =	vst.idx.add.f32.msk $0xffff, v6  }
0x199: {  	v6 =	vld [tilespmem:$0x170]  }
0x19a: {  	v7 =	vld [tilespmem:$0x1F0];
	_ =	sdelay $0x6  }
0x19b: {  	v6 =	vld.idx.msk [tilespmem:v6+s30+$0x0], $0xffff  }
0x19c: {  	v8 =	vld.idx.msk [tilespmem:v7+s31+$0x0], $0xffff;
	_ =	sdelay $0x4  }
0x19d: {  	v6 =	vadd.f32 v8, v6;
	_ =	sdelay $0x1  }
0x19e: {  	v8 =	vmul.f32 $2.000000030e-01, v6  }
0x19f: {  	vm15 =	vge.f32 v6, $0.0e+00  }
0x1a0: {  	v6 =	vsel vm15, v6, v8  }
0x1a1: {  	v6 =	vmul.f32 $1.442695020e+00, v6;
	_ =	sdelay $0x1  }
0x1a2: {  	(erf) = vpow2.f32 v6;
	_ =	sdelay $0x8  }
0x1a3: {  	v6 =	vpop (erf)  }
0x1a4: {  	p1 =	seq.s32 s3, $0x27;
	[tilespmem:$0x94B0] =	vst v6  }
0x1a5: {  	s15 =	sadd.s32 @!p1 s29, s20;
	[tilespmem:v7+s17+$0x0] =	vst.idx.add.f32.msk $0xffff, v6  }
0x1a6: {  	s15 =	sshrl.u32 @!p1 s15, $0x3;
	_ =	swait.ge [sflag:s26], $0x2000  }
0x1a7: {  	s25 =	simm.s32 $0x1;
	s15 =	sadd.s32 @!p1 s5, s15;
	[sflag:s26] =	ssyncset.done $0x0  }
0x1a8: {  	s18 =	simm.s32 @!p1 $0x0;
	v6 =	vmov s25;
	s25 =	simm.s32 $0x3;
	[sflag:s26] =	ssyncadd.s32 $0xFFFFE000  }
0x1a9: {  	[tilespmem:s18], [sflag:$0x4] =	stream.linear.gather @!p1 [hbm4b:s15+s18], $0x100, $0x38;
	[tilespmem:$0x15BE0] =	vst v63  }
0x1aa: {  	v7 =	vmov s25;
	_ =	swait.ge [sflag:s13], $0x1000  }
0x1ab: {  	[sflag:s13] =	ssyncset.done $0x0  }
0x1ac: {  	[sflag:s13] =	ssyncadd.s32 $0xFFFFF000  }
0x1ad: {  	s0 =	simm.s32 $0x2;
	s15 =	simm.s32 $0x64B0;
	v16 =	vld.idx.msk [tilespmem:v6+s23+$0x0], $0xffff  }
0x1ae: {  	v9 =	vmov s0;
	v8 =	vld [tilespmem:s15+$0xFFFFFFF0]  }
0x1af: {  	s25 =	simm.s32 $0x0;
	v13 =	vld.idx.msk [tilespmem:v7+s23+$0x0], $0xffff  }
0x1b0: {  	v15 =	vshll.u32 v9, $0x6;
	v10 =	vmov s25;
	v19 =	vshll.u32 v7, $0x6;
	v7 =	vld [tilespmem:s15+$0xFFFFFFB0]  }
0x1b1: {  	v25 =	vor.u32 v0, v15;
	v17 =	vor.u32 v0, v19;
	v11 =	vld [tilespmem:s15+$0xFFFFFF90]  }
0x1b2: {  	v26 =	vor.u32 v3, v15;
	v14 =	vshll.u32 v6, $0x6;
	v20 =	vor.u32 v3, v19;
	v18 =	vld [tilespmem:s15+$0xFFFFFFD0]  }
0x1b3: {  	v21 =	vor.u32 v0, v14;
	v23 =	vor.u32 v3, v14;
	v9 =	vld.idx.msk [tilespmem:v9+s23+$0x0], $0xffff;
	v6 =	vunpack.i.l.bf16.f32 v8  }
0x1b4: {  	v12 =	vshll.u32 v10, $0x6;
	v8 =	vunpack.i.u.bf16.f32 v8;
	v24 =	vmul.f32 v6, v13  }
0x1b5: {  	v27 =	vunpack.i.u.bf16.f32 v7;
	v7 =	vunpack.i.l.bf16.f32 v7;
	v6 =	vld.idx.msk [tilespmem:v10+s23+$0x0], $0xffff;
	v8 =	vmul.f32 v8, v13  }
0x1b6: {  	v22 =	vor.u32 v0, v12;
	v7 =	vmul.f32 v7, v16;
	[tilespmem:v17+s28+$0x0] =	vst.idx.msk $0xffff, v24  }
0x1b7: {  	s0 =	simm.s32 $0x4;
	v17 =	vunpack.i.u.bf16.f32 v18;
	v18 =	vunpack.i.l.bf16.f32 v18;
	[tilespmem:v20+s28+$0x0] =	vst.idx.msk $0xffff, v8;
	v20 =	vmul.f32 v27, v16  }
0x1b8: {  	v10 =	vunpack.i.u.bf16.f32 v11;
	[tilespmem:v21+s28+$0x0] =	vst.idx.msk $0xffff, v7;
	v8 =	vmov s0;
	v61 =	vmul.f32 v18, v9;
	v27 =	vld [tilespmem:s15+$0x0]  }
0x1b9: {  	s25 =	simm.s32 $0x5;
	v11 =	vunpack.i.l.bf16.f32 v11;
	v24 =	vor.u32 v3, v12;
	v62 =	vmul.f32 v17, v9;
	[tilespmem:v23+s28+$0x0] =	vst.idx.msk $0xffff, v20  }
0x1ba: {  	v21 =	vor.u32 v5, v19;
	v18 =	vmov s25;
	v63 =	vmul.f32 v11, v6;
	[tilespmem:v25+s28+$0x0] =	vst.idx.msk $0xffff, v61  }
0x1bb: {  	s0 =	simm.s32 $0x6;
	v7 =	vshll.u32 v8, $0x6;
	v31 =	vmul.f32 v10, v6;
	v20 =	vor.u32 v4, v19;
	v23 =	vld [tilespmem:s15+$0xFFFFFFC0];
	[tilespmem:v26+s28+$0x0] =	vst.idx.msk $0xffff, v62  }
0x1bc: {  	s25 =	simm.s32 $0x7;
	v17 =	vmov s0;
	v10 =	vor.u32 v4, v12;
	v12 =	vor.u32 v5, v12;
	[tilespmem:v22+s28+$0x0] =	vst.idx.msk $0xffff, v63;
	v22 =	vld [tilespmem:s15+$0xFFFFFFE0]  }
0x1bd: {  	v19 =	vmov s25;
	v11 =	vld.idx.msk [tilespmem:v8+s23+$0x0], $0xffff;
	v8 =	vor.u32 v0, v7;
	v25 =	vunpack.i.l.bf16.f32 v27  }
0x1be: {  	s18 =	simm.s32 $0x8;
	[tilespmem:v24+s28+$0x0] =	vst.idx.msk $0xffff, v31;
	v24 =	vor.u32 v4, v14;
	v26 =	vunpack.i.u.bf16.f32 v27;
	v25 =	vmul.f32 v25, v13  }
.LBB2_9:
0x1bf: {  	p2 =	slt.u32 s18, $0x7C;
	v27 =	vld [tilespmem:s15+$0xFFFFFFA0];
	v28 =	vor.u32 v5, v14;
	v29 =	vor.u32 v4, v15;
	v13 =	vmul.f32 v26, v13  }
0x1c0: {  	v31 =	vor.u32 v5, v15;
	s15 =	sadd.s32 $0x80, s15;
	v26 =	vld.idx.msk [tilespmem:v18+s23+$0x0], $0xffff;
	v30 =	vunpack.i.u.bf16.f32 v23;
	v23 =	vunpack.i.l.bf16.f32 v23;
	[tilespmem:v20+s28+$0x0] =	vst.idx.msk $0xffff, v25  }
0x1c1: {  	v14 =	vshll.u32 v18, $0x6;
	v18 =	vld [tilespmem:s15+$0xFFFFFFF0];
	v20 =	vmul.f32 v23, v16;
	v16 =	vmul.f32 v30, v16;
	[tilespmem:v21+s28+$0x0] =	vst.idx.msk $0xffff, v13  }
0x1c2: {  	v21 =	vor.u32 v0, v14;
	v13 =	vld.idx.msk [tilespmem:v19+s23+$0x0], $0xffff;
	v23 =	vunpack.i.u.bf16.f32 v22;
	v22 =	vunpack.i.l.bf16.f32 v22  }
0x1c3: {  	v15 =	vshll.u32 v17, $0x6;
	v25 =	vld [tilespmem:s15+$0xFFFFFF90];
	[tilespmem:v24+s28+$0x0] =	vst.idx.msk $0xffff, v20;
	v20 =	vmul.f32 v22, v9;
	v22 =	vmul.f32 v23, v9  }
0x1c4: {  	v19 =	vshll.u32 v19, $0x6;
	v23 =	vld [tilespmem:s15+$0xFFFFFFB0];
	v9 =	vunpack.i.u.bf16.f32 v27;
	v24 =	vunpack.i.l.bf16.f32 v27;
	[tilespmem:v28+s28+$0x0] =	vst.idx.msk $0xffff, v16  }
0x1c5: {  	v28 =	vor.u32 v0, v19;
	v27 =	vld [tilespmem:s15+$0xFFFFFFD0];
	v32 =	vmul.f32 v24, v6;
	v24 =	vmul.f32 v9, v6;
	v6 =	vmovc v11  }
0x1c6: {  	v11 =	vor.u32 v3, v14;
	v9 =	vld.idx.msk [tilespmem:v17+s23+$0x0], $0xffff;
	v17 =	vor.u32 v3, v19;
	[tilespmem:v29+s28+$0x0] =	vst.idx.msk $0xffff, v20  }
0x1c7: {  	v20 =	vor.u32 v0, v15;
	v29 =	vor.u32 v3, v15;
	v30 =	vunpack.i.l.bf16.f32 v18;
	[tilespmem:v31+s28+$0x0] =	vst.idx.msk $0xffff, v22  }
0x1c8: {  	v16 =	vmovc v26;
	v18 =	vunpack.i.u.bf16.f32 v18;
	v30 =	vmul.f32 v30, v13;
	v22 =	vunpack.i.u.bf16.f32 v25;
	[tilespmem:v10+s28+$0x0] =	vst.idx.msk $0xffff, v32  }
0x1c9: {  	v18 =	vmul.f32 v18, v13;
	v10 =	vunpack.i.l.bf16.f32 v25;
	v25 =	vunpack.i.u.bf16.f32 v23;
	[tilespmem:v12+s28+$0x0] =	vst.idx.msk $0xffff, v24  }
0x1ca: {  	v12 =	vunpack.i.l.bf16.f32 v23;
	v23 =	vunpack.i.u.bf16.f32 v27;
	v24 =	vunpack.i.l.bf16.f32 v27;
	[tilespmem:v28+s28+$0x0] =	vst.idx.msk $0xffff, v30  }
0x1cb: {  	v26 =	vmov s18;
	v12 =	vmul.f32 v12, v16;
	v25 =	vmul.f32 v25, v16;
	[tilespmem:v17+s28+$0x0] =	vst.idx.msk $0xffff, v18  }
0x1cc: {  	v27 =	vor.u32 v3, v7;
	v17 =	vmul.f32 v24, v9;
	v24 =	vmul.f32 v23, v9;
	v28 =	vld [tilespmem:s15+$0x0]  }
0x1cd: {  	v31 =	vmul.f32 v22, v6;
	v30 =	vmul.f32 v10, v6;
	[tilespmem:v21+s28+$0x0] =	vst.idx.msk $0xffff, v12  }
.Ltmp3:
0x1ce: {  	s25 =	sadd.s32 $0x1, s18;
	v32 =	vshll.u32 v26, $0x6;
	[tilespmem:v11+s28+$0x0] =	vst.idx.msk $0xffff, v25;
	(pc) =	sbr.rel @p2 .LBB2_9-.Ltmp3, $4  }
0x1cf: {  	v10 =	vor.u32 v4, v7;
	v18 =	vmov s25;
	s25 =	sadd.s32 $0x2, s18;
	v23 =	vld [tilespmem:s15+$0xFFFFFFC0];
	[tilespmem:v20+s28+$0x0] =	vst.idx.msk $0xffff, v17;
	v20 =	vor.u32 v4, v19  }
0x1d0: {  	v12 =	vor.u32 v5, v7;
	v21 =	vor.u32 v5, v19;
	v17 =	vmov s25;
	s25 =	sadd.s32 $0x3, s18;
	v11 =	vld.idx.msk [tilespmem:v26+s23+$0x0], $0xffff;
	[tilespmem:v29+s28+$0x0] =	vst.idx.msk $0xffff, v24  }
0x1d1: {  	v7 =	vmovc v32;
	v19 =	vmov s25;
	[tilespmem:v8+s28+$0x0] =	vst.idx.msk $0xffff, v30;
	v8 =	vor.u32 v0, v32;
	v22 =	vld [tilespmem:s15+$0xFFFFFFE0];
	v25 =	vunpack.i.l.bf16.f32 v28  }
0x1d2: {  	s18 =	sadd.s32 $0x4, s18;
	v24 =	vor.u32 v4, v14;
	v26 =	vunpack.i.u.bf16.f32 v28;
	[tilespmem:v27+s28+$0x0] =	vst.idx.msk $0xffff, v31;
	v25 =	vmul.f32 v25, v13  }
0x1d3: {  	_ =	sdelay $0x3  }
0x1d4: {  	v14 =	vor.u32 v5, v14;
	v27 =	vld.idx.msk [tilespmem:v18+s23+$0x0], $0xffff;
	s18 =	sadd.s32 $0x80, s15  }
0x1d5: {  	v28 =	vor.u32 v4, v15;
	v13 =	vmul.f32 v26, v13;
	v15 =	vor.u32 v5, v15;
	v29 =	vld [tilespmem:s18+$0xFFFFFFF0]  }
0x1d6: {  	v30 =	vld.idx.msk [tilespmem:v19+s23+$0x0], $0xffff;
	v19 =	vshll.u32 v19, $0x6;
	v26 =	vunpack.i.u.bf16.f32 v23;
	v23 =	vunpack.i.l.bf16.f32 v23  }
0x1d7: {  	v18 =	vshll.u32 v18, $0x6;
	[tilespmem:v20+s28+$0x0] =	vst.idx.msk $0xffff, v25;
	v25 =	vor.u32 v0, v19;
	v20 =	vmul.f32 v23, v16;
	v23 =	vld [tilespmem:s18+$0xFFFFFFB0]  }
0x1d8: {  	v16 =	vmul.f32 v26, v16;
	[tilespmem:v21+s28+$0x0] =	vst.idx.msk $0xffff, v13;
	v13 =	vor.u32 v0, v18;
	v21 =	vunpack.i.l.bf16.f32 v22  }
0x1d9: {  	v22 =	vunpack.i.u.bf16.f32 v22;
	[tilespmem:v24+s28+$0x0] =	vst.idx.msk $0xffff, v20;
	v20 =	vmul.f32 v21, v9;
	v21 =	vld [tilespmem:s18+$0xFFFFFFD0];
	v24 =	vor.u32 v3, v19  }
0x1da: {  	v26 =	vshll.u32 v17, $0x6;
	v9 =	vmul.f32 v22, v9;
	[tilespmem:v14+s28+$0x0] =	vst.idx.msk $0xffff, v16;
	v14 =	vld.idx.msk [tilespmem:v17+s23+$0x0], $0xffff;
	v16 =	vunpack.i.l.bf16.f32 v29  }
0x1db: {  	v22 =	vor.u32 v3, v18;
	v17 =	vld [tilespmem:s18+$0xFFFFFF90];
	[tilespmem:v28+s28+$0x0] =	vst.idx.msk $0xffff, v20;
	v20 =	vunpack.i.u.bf16.f32 v29;
	v16 =	vmul.f32 v16, v30  }
0x1dc: {  	v59 =	vor.u32 v0, v26;
	[tilespmem:v15+s28+$0x0] =	vst.idx.msk $0xffff, v9;
	v9 =	vmul.f32 v20, v30;
	v15 =	vunpack.i.l.bf16.f32 v23  }
0x1dd: {  	v60 =	vor.u32 v3, v26;
	v20 =	vld [tilespmem:s15+$0xFFFFFFA0];
	v23 =	vunpack.i.u.bf16.f32 v23;
	v15 =	vmul.f32 v15, v27;
	[tilespmem:v25+s28+$0x0] =	vst.idx.msk $0xffff, v16  }
0x1de: {  	v23 =	vmul.f32 v23, v27;
	v16 =	vunpack.i.l.bf16.f32 v21;
	[tilespmem:v24+s28+$0x0] =	vst.idx.msk $0xffff, v9  }
0x1df: {  	v9 =	vunpack.i.u.bf16.f32 v21;
	v21 =	vor.u32 v3, v7;
	v16 =	vmul.f32 v16, v14;
	[tilespmem:v13+s28+$0x0] =	vst.idx.msk $0xffff, v15;
	v24 =	vld [tilespmem:s18+$0x0]  }
0x1e0: {  	v13 =	vunpack.i.l.bf16.f32 v17;
	v9 =	vmul.f32 v9, v14;
	[tilespmem:v22+s28+$0x0] =	vst.idx.msk $0xffff, v23  }
0x1e1: {  	v15 =	vunpack.i.u.bf16.f32 v17;
	v13 =	vmul.f32 v13, v11;
	v17 =	vld [tilespmem:s18+$0xFFFFFFC0];
	[tilespmem:v59+s28+$0x0] =	vst.idx.msk $0xffff, v16  }
0x1e2: {  	v15 =	vmul.f32 v15, v11;
	v22 =	vor.u32 v4, v19;
	v16 =	vunpack.i.l.bf16.f32 v20;
	[tilespmem:v60+s28+$0x0] =	vst.idx.msk $0xffff, v9  }
0x1e3: {  	v19 =	vor.u32 v5, v19;
	v9 =	vunpack.i.u.bf16.f32 v20;
	v16 =	vmul.f32 v16, v6;
	[tilespmem:v8+s28+$0x0] =	vst.idx.msk $0xffff, v13;
	v8 =	vld [tilespmem:s18+$0xFFFFFFE0]  }
0x1e4: {  	v13 =	vor.u32 v4, v18;
	v6 =	vmul.f32 v9, v6;
	[tilespmem:v21+s28+$0x0] =	vst.idx.msk $0xffff, v15;
	v9 =	vunpack.i.l.bf16.f32 v24  }
0x1e5: {  	[tilespmem:v10+s28+$0x0] =	vst.idx.msk $0xffff, v16;
	v16 =	vor.u32 v5, v18;
	v10 =	vunpack.i.u.bf16.f32 v24;
	v15 =	vld [tilespmem:s18+$0xFFFFFFA0];
	v9 =	vmul.f32 v9, v30  }
0x1e6: {  	[tilespmem:v12+s28+$0x0] =	vst.idx.msk $0xffff, v6;
	v6 =	vor.u32 v4, v26;
	v10 =	vmul.f32 v10, v30;
	v12 =	vunpack.i.l.bf16.f32 v17  }
0x1e7: {  	v18 =	vor.u32 v5, v26;
	v17 =	vunpack.i.u.bf16.f32 v17;
	[tilespmem:v22+s28+$0x0] =	vst.idx.msk $0xffff, v9;
	v9 =	vmul.f32 v12, v27  }
0x1e8: {  	v17 =	vmul.f32 v17, v27;
	v12 =	vor.u32 v4, v7;
	[tilespmem:v19+s28+$0x0] =	vst.idx.msk $0xffff, v10;
	v10 =	vunpack.i.l.bf16.f32 v8  }
0x1e9: {  	v7 =	vor.u32 v5, v7;
	v8 =	vunpack.i.u.bf16.f32 v8;
	[tilespmem:v13+s28+$0x0] =	vst.idx.msk $0xffff, v9;
	v9 =	vmul.f32 v10, v14  }
0x1ea: {  	v8 =	vmul.f32 v8, v14;
	v10 =	vunpack.i.l.bf16.f32 v15;
	[tilespmem:v16+s28+$0x0] =	vst.idx.msk $0xffff, v17  }
0x1eb: {  	v13 =	vunpack.i.u.bf16.f32 v15;
	v10 =	vmul.f32 v10, v11;
	[tilespmem:v6+s28+$0x0] =	vst.idx.msk $0xffff, v9  }
0x1ec: {  	v6 =	vmul.f32 v13, v11;
	[tilespmem:v18+s28+$0x0] =	vst.idx.msk $0xffff, v8  }
0x1ed: {  	[tilespmem:v12+s28+$0x0] =	vst.idx.msk $0xffff, v10  }
0x1ee: {  	s0 =	simm.s32 $0x180;
	[tilespmem:v7+s28+$0x0] =	vst.idx.msk $0xffff, v6  }
0x1ef: {  	[spmem:s2] =	stream.indirect.scatter.add.f32 [tilespmem:s28], [sflag:$0x3], $0x40, s0, s4, $0xb8;
	[tilespmem:$0x15BE0] =	vst v63  }
0x1f0: {  	_ =	swait.ge [sflag:s8], $0x100  }
0x1f1: {  	[sflag:s8] =	ssyncset.done $0x0  }
0x1f2: {  	[sflag:s8] =	ssyncadd.s32 $0xFFFFFF00  }
0x1f3: {  	v6 =	vld [tilespmem:$0x300]  }
0x1f4: {  	v7 =	vld [tilespmem:$0x310]  }
0x1f5: {  	v8 =	vld [tilespmem:$0x320]  }
0x1f6: {  	v9 =	vld [tilespmem:$0x330]  }
0x1f7: {  	v10 =	vld [tilespmem:$0x340]  }
0x1f8: {  	v11 =	vld [tilespmem:$0x350];
	vm0 =	vlt.s32 v6, $0x270F  }
0x1f9: {  	v12 =	vld [tilespmem:$0x360];
	vm13 =	vlt.s32 v7, $0x270F;
	v6 =	vnsel vm0, $0x270F, v6  }
0x1fa: {  	v13 =	vld [tilespmem:$0x370];
	vm14 =	vlt.s32 v8, $0x270F;
	v7 =	vnsel vm13, $0x270F, v7;
	v6 =	vadd.s32 v1, v6  }
0x1fb: {  	vm15 =	vlt.s32 v9, $0x270F;
	[tilespmem:$0x580] =	vst v6;
	v6 =	vadd.s32 v1, v7;
	v7 =	vnsel vm14, $0x270F, v8  }
0x1fc: {  	vm4 =	vlt.s32 v10, $0x270F;
	[tilespmem:$0x590] =	vst v6;
	v6 =	vadd.s32 v1, v7;
	v7 =	vnsel vm15, $0x270F, v9  }
0x1fd: {  	vm5 =	vlt.s32 v11, $0x270F;
	[tilespmem:$0x5A0] =	vst v6;
	v6 =	vadd.s32 v1, v7;
	v7 =	vnsel vm4, $0x270F, v10  }
0x1fe: {  	vm6 =	vlt.s32 v12, $0x270F;
	[tilespmem:$0x5B0] =	vst v6;
	v6 =	vadd.s32 v1, v7;
	v7 =	vnsel vm5, $0x270F, v11  }
0x1ff: {  	vm7 =	vlt.s32 v13, $0x270F;
	[tilespmem:$0x5C0] =	vst v6;
	v6 =	vadd.s32 v1, v7;
	v7 =	vnsel vm6, $0x270F, v12  }
0x200: {  	[tilespmem:$0x5D0] =	vst v6;
	v6 =	vadd.s32 v1, v7;
	v7 =	vnsel vm7, $0x270F, v13  }
0x201: {  	[tilespmem:$0x5E0] =	vst v6;
	v6 =	vadd.s32 v1, v7  }
0x202: {  	[tilespmem:$0x5F0] =	vst v6  }
0x203: {  	[tilespmem:s16], [sflag:$0x2] =	stream.indirect.gather [hbm4b:s1+s4], $0x20, s9, s4, $0xb8;
	[tilespmem:$0x15BE0] =	vst v63  }
0x204: {  	v6 =	vld [tilespmem:$0x200]  }
0x205: {  	v7 =	vld [tilespmem:$0x280];
	_ =	sdelay $0x6  }
0x206: {  	v6 =	vld.idx.msk [tilespmem:v6+s30+$0x0], $0xffff  }
0x207: {  	v8 =	vld.idx.msk [tilespmem:v7+s31+$0x0], $0xffff;
	_ =	sdelay $0x4  }
0x208: {  	v6 =	vadd.f32 v8, v6;
	_ =	sdelay $0x1  }
0x209: {  	v8 =	vmul.f32 $2.000000030e-01, v6  }
0x20a: {  	vm8 =	vge.f32 v6, $0.0e+00  }
0x20b: {  	v6 =	vsel vm8, v6, v8  }
0x20c: {  	v6 =	vmul.f32 $1.442695020e+00, v6;
	_ =	sdelay $0x1  }
0x20d: {  	(erf) = vpow2.f32 v6;
	_ =	sdelay $0x8  }
0x20e: {  	v6 =	vpop (erf)  }
0x20f: {  	[tilespmem:$0x9440] =	vst v6  }
0x210: {  	[tilespmem:v7+s17+$0x0] =	vst.idx.add.f32.msk $0xffff, v6  }
0x211: {  	v6 =	vld [tilespmem:$0x210]  }
0x212: {  	v7 =	vld [tilespmem:$0x290];
	_ =	sdelay $0x6  }
0x213: {  	v6 =	vld.idx.msk [tilespmem:v6+s30+$0x0], $0xffff  }
0x214: {  	v8 =	vld.idx.msk [tilespmem:v7+s31+$0x0], $0xffff;
	_ =	sdelay $0x4  }
0x215: {  	v6 =	vadd.f32 v8, v6;
	_ =	sdelay $0x1  }
0x216: {  	v8 =	vmul.f32 $2.000000030e-01, v6  }
0x217: {  	vm9 =	vge.f32 v6, $0.0e+00  }
0x218: {  	v6 =	vsel vm9, v6, v8  }
0x219: {  	v6 =	vmul.f32 $1.442695020e+00, v6;
	_ =	sdelay $0x1  }
0x21a: {  	(erf) = vpow2.f32 v6;
	_ =	sdelay $0x8  }
0x21b: {  	v6 =	vpop (erf)  }
0x21c: {  	[tilespmem:$0x9450] =	vst v6  }
0x21d: {  	[tilespmem:v7+s17+$0x0] =	vst.idx.add.f32.msk $0xffff, v6  }
0x21e: {  	v6 =	vld [tilespmem:$0x220]  }
0x21f: {  	v7 =	vld [tilespmem:$0x2A0];
	_ =	sdelay $0x6  }
0x220: {  	v6 =	vld.idx.msk [tilespmem:v6+s30+$0x0], $0xffff  }
0x221: {  	v8 =	vld.idx.msk [tilespmem:v7+s31+$0x0], $0xffff;
	_ =	sdelay $0x4  }
0x222: {  	v6 =	vadd.f32 v8, v6;
	_ =	sdelay $0x1  }
0x223: {  	v8 =	vmul.f32 $2.000000030e-01, v6  }
0x224: {  	vm10 =	vge.f32 v6, $0.0e+00  }
0x225: {  	v6 =	vsel vm10, v6, v8  }
0x226: {  	v6 =	vmul.f32 $1.442695020e+00, v6;
	_ =	sdelay $0x1  }
0x227: {  	(erf) = vpow2.f32 v6;
	_ =	sdelay $0x8  }
0x228: {  	v6 =	vpop (erf)  }
0x229: {  	[tilespmem:$0x9460] =	vst v6  }
0x22a: {  	[tilespmem:v7+s17+$0x0] =	vst.idx.add.f32.msk $0xffff, v6  }
0x22b: {  	v6 =	vld [tilespmem:$0x230]  }
0x22c: {  	v7 =	vld [tilespmem:$0x2B0];
	_ =	sdelay $0x6  }
0x22d: {  	v6 =	vld.idx.msk [tilespmem:v6+s30+$0x0], $0xffff  }
0x22e: {  	v8 =	vld.idx.msk [tilespmem:v7+s31+$0x0], $0xffff;
	_ =	sdelay $0x4  }
0x22f: {  	v6 =	vadd.f32 v8, v6;
	_ =	sdelay $0x1  }
0x230: {  	v8 =	vmul.f32 $2.000000030e-01, v6  }
0x231: {  	vm11 =	vge.f32 v6, $0.0e+00  }
0x232: {  	v6 =	vsel vm11, v6, v8  }
0x233: {  	v6 =	vmul.f32 $1.442695020e+00, v6;
	_ =	sdelay $0x1  }
0x234: {  	(erf) = vpow2.f32 v6;
	_ =	sdelay $0x8  }
0x235: {  	v6 =	vpop (erf)  }
0x236: {  	[tilespmem:$0x9470] =	vst v6  }
0x237: {  	[tilespmem:v7+s17+$0x0] =	vst.idx.add.f32.msk $0xffff, v6  }
0x238: {  	v6 =	vld [tilespmem:$0x240]  }
0x239: {  	v7 =	vld [tilespmem:$0x2C0];
	_ =	sdelay $0x6  }
0x23a: {  	v6 =	vld.idx.msk [tilespmem:v6+s30+$0x0], $0xffff  }
0x23b: {  	v8 =	vld.idx.msk [tilespmem:v7+s31+$0x0], $0xffff;
	_ =	sdelay $0x4  }
0x23c: {  	v6 =	vadd.f32 v8, v6;
	_ =	sdelay $0x1  }
0x23d: {  	v8 =	vmul.f32 $2.000000030e-01, v6  }
0x23e: {  	vm12 =	vge.f32 v6, $0.0e+00  }
0x23f: {  	v6 =	vsel vm12, v6, v8  }
0x240: {  	v6 =	vmul.f32 $1.442695020e+00, v6;
	_ =	sdelay $0x1  }
0x241: {  	(erf) = vpow2.f32 v6;
	_ =	sdelay $0x8  }
0x242: {  	v6 =	vpop (erf)  }
0x243: {  	[tilespmem:$0x9480] =	vst v6  }
0x244: {  	[tilespmem:v7+s17+$0x0] =	vst.idx.add.f32.msk $0xffff, v6  }
0x245: {  	v6 =	vld [tilespmem:$0x250]  }
0x246: {  	v7 =	vld [tilespmem:$0x2D0];
	_ =	sdelay $0x6  }
0x247: {  	v6 =	vld.idx.msk [tilespmem:v6+s30+$0x0], $0xffff  }
0x248: {  	v8 =	vld.idx.msk [tilespmem:v7+s31+$0x0], $0xffff;
	_ =	sdelay $0x4  }
0x249: {  	v6 =	vadd.f32 v8, v6;
	_ =	sdelay $0x1  }
0x24a: {  	v8 =	vmul.f32 $2.000000030e-01, v6  }
0x24b: {  	vm13 =	vge.f32 v6, $0.0e+00  }
0x24c: {  	v6 =	vsel vm13, v6, v8  }
0x24d: {  	v6 =	vmul.f32 $1.442695020e+00, v6;
	_ =	sdelay $0x1  }
0x24e: {  	(erf) = vpow2.f32 v6;
	_ =	sdelay $0x8  }
0x24f: {  	v6 =	vpop (erf)  }
0x250: {  	[tilespmem:$0x9490] =	vst v6  }
0x251: {  	[tilespmem:v7+s17+$0x0] =	vst.idx.add.f32.msk $0xffff, v6  }
0x252: {  	v6 =	vld [tilespmem:$0x260]  }
0x253: {  	v7 =	vld [tilespmem:$0x2E0];
	_ =	sdelay $0x6  }
0x254: {  	v6 =	vld.idx.msk [tilespmem:v6+s30+$0x0], $0xffff  }
0x255: {  	v8 =	vld.idx.msk [tilespmem:v7+s31+$0x0], $0xffff;
	_ =	sdelay $0x4  }
0x256: {  	v6 =	vadd.f32 v8, v6;
	_ =	sdelay $0x1  }
0x257: {  	v8 =	vmul.f32 $2.000000030e-01, v6  }
0x258: {  	vm14 =	vge.f32 v6, $0.0e+00  }
0x259: {  	v6 =	vsel vm14, v6, v8  }
0x25a: {  	v6 =	vmul.f32 $1.442695020e+00, v6;
	_ =	sdelay $0x1  }
0x25b: {  	(erf) = vpow2.f32 v6;
	_ =	sdelay $0x8  }
0x25c: {  	v6 =	vpop (erf)  }
0x25d: {  	[tilespmem:$0x94A0] =	vst v6  }
0x25e: {  	[tilespmem:v7+s17+$0x0] =	vst.idx.add.f32.msk $0xffff, v6  }
0x25f: {  	v6 =	vld [tilespmem:$0x270]  }
0x260: {  	v7 =	vld [tilespmem:$0x2F0];
	_ =	sdelay $0x6  }
0x261: {  	v6 =	vld.idx.msk [tilespmem:v6+s30+$0x0], $0xffff  }
0x262: {  	v8 =	vld.idx.msk [tilespmem:v7+s31+$0x0], $0xffff;
	_ =	sdelay $0x4  }
0x263: {  	v6 =	vadd.f32 v8, v6;
	_ =	sdelay $0x1  }
0x264: {  	v8 =	vmul.f32 $2.000000030e-01, v6  }
0x265: {  	vm15 =	vge.f32 v6, $0.0e+00  }
0x266: {  	v6 =	vsel vm15, v6, v8  }
0x267: {  	v6 =	vmul.f32 $1.442695020e+00, v6;
	_ =	sdelay $0x1  }
0x268: {  	(erf) = vpow2.f32 v6;
	_ =	sdelay $0x8  }
0x269: {  	v6 =	vpop (erf)  }
0x26a: {  	[tilespmem:$0x94B0] =	vst v6  }
0x26b: {  	s15 =	sadd.s32 @!p1 s29, s21;
	[tilespmem:v7+s17+$0x0] =	vst.idx.add.f32.msk $0xffff, v6  }
0x26c: {  	s15 =	sshrl.u32 @!p1 s15, $0x3;
	_ =	swait.ge [sflag:s26], $0x2000  }
0x26d: {  	s25 =	simm.s32 @!p1 $0x100;
	s15 =	sadd.s32 @!p1 s5, s15;
	[sflag:s26] =	ssyncset.done $0x0  }
0x26e: {  	s18 =	simm.s32 @!p1 $0x0;
	s0 =	simm.s32 $0x1;
	[sflag:s26] =	ssyncadd.s32 $0xFFFFE000  }
0x26f: {  	v6 =	vmov s0;
	[tilespmem:s25], [sflag:$0x5] =	stream.linear.gather @!p1 [hbm4b:s15+s18], $0x100, $0x38;
	[tilespmem:$0x15BE0] =	vst v63  }
0x270: {  	s15 =	simm.s32 $0x3  }
0x271: {  	_ =	swait.ge [sflag:s19], $0x1000;
	v7 =	vmov s15  }
0x272: {  	[sflag:s19] =	ssyncset.done $0x0  }
0x273: {  	[sflag:s19] =	ssyncadd.s32 $0xFFFFF000  }
0x274: {  	s18 =	simm.s32 $0x2;
	s15 =	simm.s32 $0x5480;
	v16 =	vld.idx.msk [tilespmem:v6+s23+$0x0], $0xffff  }
0x275: {  	v9 =	vmov s18;
	v8 =	vld [tilespmem:s15+$0x20]  }
0x276: {  	s25 =	simm.s32 $0x0;
	v13 =	vld.idx.msk [tilespmem:v7+s23+$0x0], $0xffff  }
0x277: {  	v14 =	vshll.u32 v6, $0x6;
	v10 =	vmov s25;
	v19 =	vshll.u32 v7, $0x6;
	v7 =	vld [tilespmem:s15+$0xFFFFFFE0]  }
0x278: {  	v21 =	vor.u32 v0, v14;
	v17 =	vor.u32 v0, v19;
	v11 =	vld [tilespmem:s15+$0xFFFFFFC0]  }
0x279: {  	v23 =	vor.u32 v3, v14;
	v12 =	vshll.u32 v10, $0x6;
	v20 =	vor.u32 v3, v19;
	v18 =	vld [tilespmem:s15+$0x0]  }
0x27a: {  	v15 =	vshll.u32 v9, $0x6;
	v22 =	vor.u32 v0, v12;
	v9 =	vld.idx.msk [tilespmem:v9+s23+$0x0], $0xffff;
	v6 =	vunpack.i.l.bf16.f32 v8  }
0x27b: {  	v25 =	vor.u32 v0, v15;
	v8 =	vunpack.i.u.bf16.f32 v8;
	v24 =	vmul.f32 v6, v13  }
0x27c: {  	v6 =	vld.idx.msk [tilespmem:v10+s23+$0x0], $0xffff;
	v8 =	vmul.f32 v8, v13;
	v27 =	vunpack.i.u.bf16.f32 v7;
	v7 =	vunpack.i.l.bf16.f32 v7  }
0x27d: {  	v26 =	vor.u32 v3, v15;
	v7 =	vmul.f32 v7, v16;
	[tilespmem:v17+s28+$0x0] =	vst.idx.msk $0xffff, v24  }
0x27e: {  	s18 =	simm.s32 $0x4;
	v17 =	vunpack.i.u.bf16.f32 v18;
	v18 =	vunpack.i.l.bf16.f32 v18;
	[tilespmem:v20+s28+$0x0] =	vst.idx.msk $0xffff, v8;
	v20 =	vmul.f32 v27, v16  }
0x27f: {  	v10 =	vunpack.i.u.bf16.f32 v11;
	v8 =	vmov s18;
	v61 =	vmul.f32 v18, v9;
	[tilespmem:v21+s28+$0x0] =	vst.idx.msk $0xffff, v7;
	v27 =	vld [tilespmem:s15+$0x30]  }
0x280: {  	s25 =	simm.s32 $0x5;
	v11 =	vunpack.i.l.bf16.f32 v11;
	v24 =	vor.u32 v3, v12;
	v62 =	vmul.f32 v17, v9;
	[tilespmem:v23+s28+$0x0] =	vst.idx.msk $0xffff, v20  }
0x281: {  	v18 =	vmov s25;
	v21 =	vor.u32 v5, v19;
	v63 =	vmul.f32 v11, v6;
	[tilespmem:v25+s28+$0x0] =	vst.idx.msk $0xffff, v61  }
0x282: {  	s18 =	simm.s32 $0x6;
	v7 =	vshll.u32 v8, $0x6;
	v31 =	vmul.f32 v10, v6;
	v20 =	vor.u32 v4, v19;
	v23 =	vld [tilespmem:s15+$0xFFFFFFF0];
	[tilespmem:v26+s28+$0x0] =	vst.idx.msk $0xffff, v62  }
0x283: {  	s25 =	simm.s32 $0x7;
	v17 =	vmov s18;
	v10 =	vor.u32 v4, v12;
	v12 =	vor.u32 v5, v12;
	[tilespmem:v22+s28+$0x0] =	vst.idx.msk $0xffff, v63;
	v22 =	vld [tilespmem:s15+$0x10]  }
0x284: {  	v19 =	vmov s25;
	v11 =	vld.idx.msk [tilespmem:v8+s23+$0x0], $0xffff;
	v8 =	vor.u32 v0, v7;
	v25 =	vunpack.i.l.bf16.f32 v27  }
0x285: {  	s18 =	simm.s32 $0x8;
	[tilespmem:v24+s28+$0x0] =	vst.idx.msk $0xffff, v31;
	v24 =	vor.u32 v4, v14;
	v26 =	vunpack.i.u.bf16.f32 v27;
	v25 =	vmul.f32 v25, v13  }
.LBB2_11:
0x286: {  	p2 =	slt.u32 s18, $0x7C;
	v27 =	vld [tilespmem:s15+$0xFFFFFFD0];
	v28 =	vor.u32 v5, v14;
	v29 =	vor.u32 v4, v15;
	v13 =	vmul.f32 v26, v13  }
0x287: {  	v31 =	vor.u32 v5, v15;
	s15 =	sadd.s32 $0x80, s15;
	v26 =	vld.idx.msk [tilespmem:v18+s23+$0x0], $0xffff;
	v30 =	vunpack.i.u.bf16.f32 v23;
	v23 =	vunpack.i.l.bf16.f32 v23;
	[tilespmem:v20+s28+$0x0] =	vst.idx.msk $0xffff, v25  }
0x288: {  	v14 =	vshll.u32 v18, $0x6;
	v18 =	vld [tilespmem:s15+$0x20];
	v20 =	vmul.f32 v23, v16;
	v16 =	vmul.f32 v30, v16;
	[tilespmem:v21+s28+$0x0] =	vst.idx.msk $0xffff, v13  }
0x289: {  	v21 =	vor.u32 v0, v14;
	v13 =	vld.idx.msk [tilespmem:v19+s23+$0x0], $0xffff;
	v23 =	vunpack.i.u.bf16.f32 v22;
	v22 =	vunpack.i.l.bf16.f32 v22  }
0x28a: {  	v15 =	vshll.u32 v17, $0x6;
	v25 =	vld [tilespmem:s15+$0xFFFFFFC0];
	[tilespmem:v24+s28+$0x0] =	vst.idx.msk $0xffff, v20;
	v20 =	vmul.f32 v22, v9;
	v22 =	vmul.f32 v23, v9  }
0x28b: {  	v19 =	vshll.u32 v19, $0x6;
	v23 =	vld [tilespmem:s15+$0xFFFFFFE0];
	v9 =	vunpack.i.u.bf16.f32 v27;
	v24 =	vunpack.i.l.bf16.f32 v27;
	[tilespmem:v28+s28+$0x0] =	vst.idx.msk $0xffff, v16  }
0x28c: {  	v28 =	vor.u32 v0, v19;
	v27 =	vld [tilespmem:s15+$0x0];
	v32 =	vmul.f32 v24, v6;
	v24 =	vmul.f32 v9, v6;
	v6 =	vmovc v11  }
0x28d: {  	v11 =	vor.u32 v3, v14;
	v9 =	vld.idx.msk [tilespmem:v17+s23+$0x0], $0xffff;
	v17 =	vor.u32 v3, v19;
	[tilespmem:v29+s28+$0x0] =	vst.idx.msk $0xffff, v20  }
0x28e: {  	v20 =	vor.u32 v0, v15;
	v29 =	vor.u32 v3, v15;
	v30 =	vunpack.i.l.bf16.f32 v18;
	[tilespmem:v31+s28+$0x0] =	vst.idx.msk $0xffff, v22  }
0x28f: {  	v16 =	vmovc v26;
	v18 =	vunpack.i.u.bf16.f32 v18;
	v30 =	vmul.f32 v30, v13;
	v22 =	vunpack.i.u.bf16.f32 v25;
	[tilespmem:v10+s28+$0x0] =	vst.idx.msk $0xffff, v32  }
0x290: {  	v18 =	vmul.f32 v18, v13;
	v10 =	vunpack.i.l.bf16.f32 v25;
	v25 =	vunpack.i.u.bf16.f32 v23;
	[tilespmem:v12+s28+$0x0] =	vst.idx.msk $0xffff, v24  }
0x291: {  	v12 =	vunpack.i.l.bf16.f32 v23;
	v23 =	vunpack.i.u.bf16.f32 v27;
	v24 =	vunpack.i.l.bf16.f32 v27;
	[tilespmem:v28+s28+$0x0] =	vst.idx.msk $0xffff, v30  }
0x292: {  	v26 =	vmov s18;
	v12 =	vmul.f32 v12, v16;
	v25 =	vmul.f32 v25, v16;
	[tilespmem:v17+s28+$0x0] =	vst.idx.msk $0xffff, v18  }
0x293: {  	v27 =	vor.u32 v3, v7;
	v17 =	vmul.f32 v24, v9;
	v24 =	vmul.f32 v23, v9;
	v28 =	vld [tilespmem:s15+$0x30]  }
0x294: {  	v31 =	vmul.f32 v22, v6;
	v30 =	vmul.f32 v10, v6;
	[tilespmem:v21+s28+$0x0] =	vst.idx.msk $0xffff, v12  }
.Ltmp4:
0x295: {  	s0 =	sadd.s32 $0x1, s18;
	v32 =	vshll.u32 v26, $0x6;
	[tilespmem:v11+s28+$0x0] =	vst.idx.msk $0xffff, v25;
	(pc) =	sbr.rel @p2 .LBB2_11-.Ltmp4, $4  }
0x296: {  	v10 =	vor.u32 v4, v7;
	v18 =	vmov s0;
	s0 =	sadd.s32 $0x2, s18;
	v23 =	vld [tilespmem:s15+$0xFFFFFFF0];
	[tilespmem:v20+s28+$0x0] =	vst.idx.msk $0xffff, v17;
	v20 =	vor.u32 v4, v19  }
0x297: {  	v12 =	vor.u32 v5, v7;
	v21 =	vor.u32 v5, v19;
	v17 =	vmov s0;
	s0 =	sadd.s32 $0x3, s18;
	v11 =	vld.idx.msk [tilespmem:v26+s23+$0x0], $0xffff;
	[tilespmem:v29+s28+$0x0] =	vst.idx.msk $0xffff, v24  }
0x298: {  	v7 =	vmovc v32;
	v19 =	vmov s0;
	[tilespmem:v8+s28+$0x0] =	vst.idx.msk $0xffff, v30;
	v8 =	vor.u32 v0, v32;
	v22 =	vld [tilespmem:s15+$0x10];
	v25 =	vunpack.i.l.bf16.f32 v28  }
0x299: {  	s18 =	sadd.s32 $0x4, s18;
	v24 =	vor.u32 v4, v14;
	v26 =	vunpack.i.u.bf16.f32 v28;
	[tilespmem:v27+s28+$0x0] =	vst.idx.msk $0xffff, v31;
	v25 =	vmul.f32 v25, v13  }
0x29a: {  	_ =	sdelay $0x3  }
0x29b: {  	v14 =	vor.u32 v5, v14;
	v27 =	vld.idx.msk [tilespmem:v18+s23+$0x0], $0xffff;
	s18 =	sadd.s32 $0x80, s15  }
0x29c: {  	v28 =	vor.u32 v4, v15;
	v13 =	vmul.f32 v26, v13;
	v15 =	vor.u32 v5, v15;
	v29 =	vld [tilespmem:s18+$0x20]  }
0x29d: {  	v30 =	vld.idx.msk [tilespmem:v19+s23+$0x0], $0xffff;
	v19 =	vshll.u32 v19, $0x6;
	v26 =	vunpack.i.u.bf16.f32 v23;
	v23 =	vunpack.i.l.bf16.f32 v23  }
0x29e: {  	v18 =	vshll.u32 v18, $0x6;
	[tilespmem:v20+s28+$0x0] =	vst.idx.msk $0xffff, v25;
	v25 =	vor.u32 v0, v19;
	v20 =	vmul.f32 v23, v16;
	v23 =	vld [tilespmem:s18+$0xFFFFFFE0]  }
0x29f: {  	v16 =	vmul.f32 v26, v16;
	[tilespmem:v21+s28+$0x0] =	vst.idx.msk $0xffff, v13;
	v13 =	vor.u32 v0, v18;
	v21 =	vunpack.i.l.bf16.f32 v22  }
0x2a0: {  	v22 =	vunpack.i.u.bf16.f32 v22;
	[tilespmem:v24+s28+$0x0] =	vst.idx.msk $0xffff, v20;
	v20 =	vmul.f32 v21, v9;
	v21 =	vld [tilespmem:s18+$0x0];
	v24 =	vor.u32 v3, v19  }
0x2a1: {  	v26 =	vshll.u32 v17, $0x6;
	v9 =	vmul.f32 v22, v9;
	[tilespmem:v14+s28+$0x0] =	vst.idx.msk $0xffff, v16;
	v14 =	vld.idx.msk [tilespmem:v17+s23+$0x0], $0xffff;
	v16 =	vunpack.i.l.bf16.f32 v29  }
0x2a2: {  	v22 =	vor.u32 v3, v18;
	v17 =	vld [tilespmem:s18+$0xFFFFFFC0];
	[tilespmem:v28+s28+$0x0] =	vst.idx.msk $0xffff, v20;
	v20 =	vunpack.i.u.bf16.f32 v29;
	v16 =	vmul.f32 v16, v30  }
0x2a3: {  	v59 =	vor.u32 v0, v26;
	[tilespmem:v15+s28+$0x0] =	vst.idx.msk $0xffff, v9;
	v9 =	vmul.f32 v20, v30;
	v15 =	vunpack.i.l.bf16.f32 v23  }
0x2a4: {  	v60 =	vor.u32 v3, v26;
	v20 =	vld [tilespmem:s15+$0xFFFFFFD0];
	v23 =	vunpack.i.u.bf16.f32 v23;
	v15 =	vmul.f32 v15, v27;
	[tilespmem:v25+s28+$0x0] =	vst.idx.msk $0xffff, v16  }
0x2a5: {  	v23 =	vmul.f32 v23, v27;
	v16 =	vunpack.i.l.bf16.f32 v21;
	[tilespmem:v24+s28+$0x0] =	vst.idx.msk $0xffff, v9  }
0x2a6: {  	v9 =	vunpack.i.u.bf16.f32 v21;
	v21 =	vor.u32 v3, v7;
	v16 =	vmul.f32 v16, v14;
	[tilespmem:v13+s28+$0x0] =	vst.idx.msk $0xffff, v15;
	v24 =	vld [tilespmem:s18+$0x30]  }
0x2a7: {  	v13 =	vunpack.i.l.bf16.f32 v17;
	v9 =	vmul.f32 v9, v14;
	[tilespmem:v22+s28+$0x0] =	vst.idx.msk $0xffff, v23  }
0x2a8: {  	v15 =	vunpack.i.u.bf16.f32 v17;
	v13 =	vmul.f32 v13, v11;
	v17 =	vld [tilespmem:s18+$0xFFFFFFF0];
	[tilespmem:v59+s28+$0x0] =	vst.idx.msk $0xffff, v16  }
0x2a9: {  	v15 =	vmul.f32 v15, v11;
	v22 =	vor.u32 v4, v19;
	v16 =	vunpack.i.l.bf16.f32 v20;
	[tilespmem:v60+s28+$0x0] =	vst.idx.msk $0xffff, v9  }
0x2aa: {  	v19 =	vor.u32 v5, v19;
	v9 =	vunpack.i.u.bf16.f32 v20;
	v16 =	vmul.f32 v16, v6;
	[tilespmem:v8+s28+$0x0] =	vst.idx.msk $0xffff, v13;
	v8 =	vld [tilespmem:s18+$0x10]  }
0x2ab: {  	v13 =	vor.u32 v4, v18;
	v6 =	vmul.f32 v9, v6;
	[tilespmem:v21+s28+$0x0] =	vst.idx.msk $0xffff, v15;
	v9 =	vunpack.i.l.bf16.f32 v24  }
0x2ac: {  	[tilespmem:v10+s28+$0x0] =	vst.idx.msk $0xffff, v16;
	v16 =	vor.u32 v5, v18;
	v10 =	vunpack.i.u.bf16.f32 v24;
	v15 =	vld [tilespmem:s18+$0xFFFFFFD0];
	v9 =	vmul.f32 v9, v30  }
0x2ad: {  	[tilespmem:v12+s28+$0x0] =	vst.idx.msk $0xffff, v6;
	v6 =	vor.u32 v4, v26;
	v10 =	vmul.f32 v10, v30;
	v12 =	vunpack.i.l.bf16.f32 v17  }
0x2ae: {  	v18 =	vor.u32 v5, v26;
	v17 =	vunpack.i.u.bf16.f32 v17;
	[tilespmem:v22+s28+$0x0] =	vst.idx.msk $0xffff, v9;
	v9 =	vmul.f32 v12, v27  }
0x2af: {  	v17 =	vmul.f32 v17, v27;
	v12 =	vor.u32 v4, v7;
	[tilespmem:v19+s28+$0x0] =	vst.idx.msk $0xffff, v10;
	v10 =	vunpack.i.l.bf16.f32 v8  }
0x2b0: {  	v7 =	vor.u32 v5, v7;
	v8 =	vunpack.i.u.bf16.f32 v8;
	[tilespmem:v13+s28+$0x0] =	vst.idx.msk $0xffff, v9;
	v9 =	vmul.f32 v10, v14  }
0x2b1: {  	v8 =	vmul.f32 v8, v14;
	v10 =	vunpack.i.l.bf16.f32 v15;
	[tilespmem:v16+s28+$0x0] =	vst.idx.msk $0xffff, v17  }
0x2b2: {  	v13 =	vunpack.i.u.bf16.f32 v15;
	v10 =	vmul.f32 v10, v11;
	[tilespmem:v6+s28+$0x0] =	vst.idx.msk $0xffff, v9  }
0x2b3: {  	v6 =	vmul.f32 v13, v11;
	[tilespmem:v18+s28+$0x0] =	vst.idx.msk $0xffff, v8  }
0x2b4: {  	[tilespmem:v12+s28+$0x0] =	vst.idx.msk $0xffff, v10  }
0x2b5: {  	s0 =	simm.s32 @!p1 $0x4;
	[tilespmem:v7+s28+$0x0] =	vst.idx.msk $0xffff, v6  }
0x2b6: {  	[spmem:s2] =	stream.indirect.scatter.add.f32 [tilespmem:s28], [sflag:$0x3], $0x40, s10, s4, $0xb8;
	[tilespmem:$0x15BE0] =	vst v63  }
0x2b7: {  	_ =	swait.ge @!p1 [sflag:s0], $0x100  }
0x2b8: {  	[sflag:s0] =	ssyncset.done @!p1 $0x0  }
0x2b9: {  	[sflag:s0] =	ssyncadd.s32 @!p1 $0xFFFFFF00  }
0x2ba: {  	v6 =	vld @!p1 [tilespmem:$0x0]  }
0x2bb: {  	v7 =	vld @!p1 [tilespmem:$0x10]  }
0x2bc: {  	v8 =	vld @!p1 [tilespmem:$0x20]  }
0x2bd: {  	v9 =	vld @!p1 [tilespmem:$0x30]  }
0x2be: {  	v10 =	vld @!p1 [tilespmem:$0x40]  }
0x2bf: {  	v11 =	vld @!p1 [tilespmem:$0x50];
	vm0 =	vlt.s32 @!p1 v6, $0x270F  }
0x2c0: {  	v12 =	vld @!p1 [tilespmem:$0x60];
	v6 =	vnsel @!p1 vm0, $0x270F, v6;
	vm0 =	vlt.s32 @!p1 v7, $0x270F  }
0x2c1: {  	v13 =	vld @!p1 [tilespmem:$0x70];
	v6 =	vadd.s32 @!p1 v1, v6;
	v7 =	vnsel @!p1 vm0, $0x270F, v7;
	vm0 =	vlt.s32 @!p1 v8, $0x270F  }
0x2c2: {  	[tilespmem:$0x400] =	vst @!p1 v6;
	v6 =	vadd.s32 @!p1 v1, v7;
	v7 =	vnsel @!p1 vm0, $0x270F, v8;
	vm0 =	vlt.s32 @!p1 v9, $0x270F  }
0x2c3: {  	[tilespmem:$0x410] =	vst @!p1 v6;
	v6 =	vadd.s32 @!p1 v1, v7;
	v7 =	vnsel @!p1 vm0, $0x270F, v9;
	vm0 =	vlt.s32 @!p1 v10, $0x270F  }
0x2c4: {  	[tilespmem:$0x420] =	vst @!p1 v6;
	v6 =	vadd.s32 @!p1 v1, v7;
	v7 =	vnsel @!p1 vm0, $0x270F, v10;
	vm0 =	vlt.s32 @!p1 v11, $0x270F  }
0x2c5: {  	[tilespmem:$0x430] =	vst @!p1 v6;
	v6 =	vadd.s32 @!p1 v1, v7;
	v7 =	vnsel @!p1 vm0, $0x270F, v11;
	vm0 =	vlt.s32 @!p1 v12, $0x270F  }
0x2c6: {  	[tilespmem:$0x440] =	vst @!p1 v6;
	v6 =	vadd.s32 @!p1 v1, v7;
	v7 =	vnsel @!p1 vm0, $0x270F, v12;
	vm0 =	vlt.s32 @!p1 v13, $0x270F  }
0x2c7: {  	[tilespmem:$0x450] =	vst @!p1 v6;
	v6 =	vadd.s32 @!p1 v1, v7;
	v7 =	vnsel @!p1 vm0, $0x270F, v13  }
0x2c8: {  	[tilespmem:$0x460] =	vst @!p1 v6;
	v6 =	vadd.s32 @!p1 v1, v7  }
0x2c9: {  	s15 =	simm.s32 @!p1 $0x400;
	s18 =	simm.s32 @!p1 $0x5440;
	s0 =	simm.s32 @!p1 $0x80;
	[tilespmem:$0x470] =	vst @!p1 v6  }
0x2ca: {  	[tilespmem:s18], [sflag:$0x1] =	stream.indirect.gather @!p1 [hbm4b:s1+s0], $0x20, s15, s0, $0xb8;
	[tilespmem:$0x15BE0] =	vst v63  }
0x2cb: {  	v6 =	vld [tilespmem:$0x300]  }
0x2cc: {  	v7 =	vld [tilespmem:$0x380];
	_ =	sdelay $0x6  }
0x2cd: {  	v6 =	vld.idx.msk [tilespmem:v6+s30+$0x0], $0xffff  }
0x2ce: {  	v8 =	vld.idx.msk [tilespmem:v7+s31+$0x0], $0xffff;
	_ =	sdelay $0x4  }
0x2cf: {  	v6 =	vadd.f32 v8, v6;
	_ =	sdelay $0x1  }
0x2d0: {  	v8 =	vmul.f32 $2.000000030e-01, v6  }
0x2d1: {  	vm8 =	vge.f32 v6, $0.0e+00  }
0x2d2: {  	v6 =	vsel vm8, v6, v8  }
0x2d3: {  	v6 =	vmul.f32 $1.442695020e+00, v6;
	_ =	sdelay $0x1  }
0x2d4: {  	(erf) = vpow2.f32 v6;
	_ =	sdelay $0x8  }
0x2d5: {  	v6 =	vpop (erf)  }
0x2d6: {  	[tilespmem:$0x9440] =	vst v6  }
0x2d7: {  	[tilespmem:v7+s17+$0x0] =	vst.idx.add.f32.msk $0xffff, v6  }
0x2d8: {  	v6 =	vld [tilespmem:$0x310]  }
0x2d9: {  	v7 =	vld [tilespmem:$0x390];
	_ =	sdelay $0x6  }
0x2da: {  	v6 =	vld.idx.msk [tilespmem:v6+s30+$0x0], $0xffff  }
0x2db: {  	v8 =	vld.idx.msk [tilespmem:v7+s31+$0x0], $0xffff;
	_ =	sdelay $0x4  }
0x2dc: {  	v6 =	vadd.f32 v8, v6;
	_ =	sdelay $0x1  }
0x2dd: {  	v8 =	vmul.f32 $2.000000030e-01, v6  }
0x2de: {  	vm9 =	vge.f32 v6, $0.0e+00  }
0x2df: {  	v6 =	vsel vm9, v6, v8  }
0x2e0: {  	v6 =	vmul.f32 $1.442695020e+00, v6;
	_ =	sdelay $0x1  }
0x2e1: {  	(erf) = vpow2.f32 v6;
	_ =	sdelay $0x8  }
0x2e2: {  	v6 =	vpop (erf)  }
0x2e3: {  	[tilespmem:$0x9450] =	vst v6  }
0x2e4: {  	[tilespmem:v7+s17+$0x0] =	vst.idx.add.f32.msk $0xffff, v6  }
0x2e5: {  	v6 =	vld [tilespmem:$0x320]  }
0x2e6: {  	v7 =	vld [tilespmem:$0x3A0];
	_ =	sdelay $0x6  }
0x2e7: {  	v6 =	vld.idx.msk [tilespmem:v6+s30+$0x0], $0xffff  }
0x2e8: {  	v8 =	vld.idx.msk [tilespmem:v7+s31+$0x0], $0xffff;
	_ =	sdelay $0x4  }
0x2e9: {  	v6 =	vadd.f32 v8, v6;
	_ =	sdelay $0x1  }
0x2ea: {  	v8 =	vmul.f32 $2.000000030e-01, v6  }
0x2eb: {  	vm10 =	vge.f32 v6, $0.0e+00  }
0x2ec: {  	v6 =	vsel vm10, v6, v8  }
0x2ed: {  	v6 =	vmul.f32 $1.442695020e+00, v6;
	_ =	sdelay $0x1  }
0x2ee: {  	(erf) = vpow2.f32 v6;
	_ =	sdelay $0x8  }
0x2ef: {  	v6 =	vpop (erf)  }
0x2f0: {  	[tilespmem:$0x9460] =	vst v6  }
0x2f1: {  	[tilespmem:v7+s17+$0x0] =	vst.idx.add.f32.msk $0xffff, v6  }
0x2f2: {  	v6 =	vld [tilespmem:$0x330]  }
0x2f3: {  	v7 =	vld [tilespmem:$0x3B0];
	_ =	sdelay $0x6  }
0x2f4: {  	v6 =	vld.idx.msk [tilespmem:v6+s30+$0x0], $0xffff  }
0x2f5: {  	v8 =	vld.idx.msk [tilespmem:v7+s31+$0x0], $0xffff;
	_ =	sdelay $0x4  }
0x2f6: {  	v6 =	vadd.f32 v8, v6;
	_ =	sdelay $0x1  }
0x2f7: {  	v8 =	vmul.f32 $2.000000030e-01, v6  }
0x2f8: {  	vm11 =	vge.f32 v6, $0.0e+00  }
0x2f9: {  	v6 =	vsel vm11, v6, v8  }
0x2fa: {  	v6 =	vmul.f32 $1.442695020e+00, v6;
	_ =	sdelay $0x1  }
0x2fb: {  	(erf) = vpow2.f32 v6;
	_ =	sdelay $0x8  }
0x2fc: {  	v6 =	vpop (erf)  }
0x2fd: {  	[tilespmem:$0x9470] =	vst v6  }
0x2fe: {  	[tilespmem:v7+s17+$0x0] =	vst.idx.add.f32.msk $0xffff, v6  }
0x2ff: {  	v6 =	vld [tilespmem:$0x340]  }
0x300: {  	v7 =	vld [tilespmem:$0x3C0];
	_ =	sdelay $0x6  }
0x301: {  	v6 =	vld.idx.msk [tilespmem:v6+s30+$0x0], $0xffff  }
0x302: {  	v8 =	vld.idx.msk [tilespmem:v7+s31+$0x0], $0xffff;
	_ =	sdelay $0x4  }
0x303: {  	v6 =	vadd.f32 v8, v6;
	_ =	sdelay $0x1  }
0x304: {  	v8 =	vmul.f32 $2.000000030e-01, v6  }
0x305: {  	vm12 =	vge.f32 v6, $0.0e+00  }
0x306: {  	v6 =	vsel vm12, v6, v8  }
0x307: {  	v6 =	vmul.f32 $1.442695020e+00, v6;
	_ =	sdelay $0x1  }
0x308: {  	(erf) = vpow2.f32 v6;
	_ =	sdelay $0x8  }
0x309: {  	v6 =	vpop (erf)  }
0x30a: {  	[tilespmem:$0x9480] =	vst v6  }
0x30b: {  	[tilespmem:v7+s17+$0x0] =	vst.idx.add.f32.msk $0xffff, v6  }
0x30c: {  	v6 =	vld [tilespmem:$0x350]  }
0x30d: {  	v7 =	vld [tilespmem:$0x3D0];
	_ =	sdelay $0x6  }
0x30e: {  	v6 =	vld.idx.msk [tilespmem:v6+s30+$0x0], $0xffff  }
0x30f: {  	v8 =	vld.idx.msk [tilespmem:v7+s31+$0x0], $0xffff;
	_ =	sdelay $0x4  }
0x310: {  	v6 =	vadd.f32 v8, v6;
	_ =	sdelay $0x1  }
0x311: {  	v8 =	vmul.f32 $2.000000030e-01, v6  }
0x312: {  	vm13 =	vge.f32 v6, $0.0e+00  }
0x313: {  	v6 =	vsel vm13, v6, v8  }
0x314: {  	v6 =	vmul.f32 $1.442695020e+00, v6;
	_ =	sdelay $0x1  }
0x315: {  	(erf) = vpow2.f32 v6;
	_ =	sdelay $0x8  }
0x316: {  	v6 =	vpop (erf)  }
0x317: {  	[tilespmem:$0x9490] =	vst v6  }
0x318: {  	[tilespmem:v7+s17+$0x0] =	vst.idx.add.f32.msk $0xffff, v6  }
0x319: {  	v6 =	vld [tilespmem:$0x360]  }
0x31a: {  	v7 =	vld [tilespmem:$0x3E0];
	_ =	sdelay $0x6  }
0x31b: {  	v6 =	vld.idx.msk [tilespmem:v6+s30+$0x0], $0xffff  }
0x31c: {  	v8 =	vld.idx.msk [tilespmem:v7+s31+$0x0], $0xffff;
	_ =	sdelay $0x4  }
0x31d: {  	v6 =	vadd.f32 v8, v6;
	_ =	sdelay $0x1  }
0x31e: {  	v8 =	vmul.f32 $2.000000030e-01, v6  }
0x31f: {  	vm14 =	vge.f32 v6, $0.0e+00  }
0x320: {  	v6 =	vsel vm14, v6, v8  }
0x321: {  	v6 =	vmul.f32 $1.442695020e+00, v6;
	_ =	sdelay $0x1  }
0x322: {  	(erf) = vpow2.f32 v6;
	_ =	sdelay $0x8  }
0x323: {  	v6 =	vpop (erf)  }
0x324: {  	[tilespmem:$0x94A0] =	vst v6  }
0x325: {  	[tilespmem:v7+s17+$0x0] =	vst.idx.add.f32.msk $0xffff, v6  }
0x326: {  	v6 =	vld [tilespmem:$0x370]  }
0x327: {  	v7 =	vld [tilespmem:$0x3F0];
	_ =	sdelay $0x6  }
0x328: {  	v6 =	vld.idx.msk [tilespmem:v6+s30+$0x0], $0xffff  }
0x329: {  	v8 =	vld.idx.msk [tilespmem:v7+s31+$0x0], $0xffff;
	_ =	sdelay $0x4  }
0x32a: {  	v6 =	vadd.f32 v8, v6;
	_ =	sdelay $0x1  }
0x32b: {  	v8 =	vmul.f32 $2.000000030e-01, v6  }
0x32c: {  	vm15 =	vge.f32 v6, $0.0e+00  }
0x32d: {  	v6 =	vsel vm15, v6, v8  }
0x32e: {  	v6 =	vmul.f32 $1.442695020e+00, v6;
	_ =	sdelay $0x1  }
0x32f: {  	(erf) = vpow2.f32 v6;
	_ =	sdelay $0x8  }
0x330: {  	v6 =	vpop (erf)  }
0x331: {  	[tilespmem:$0x94B0] =	vst v6  }
0x332: {  	[tilespmem:v7+s17+$0x0] =	vst.idx.add.f32.msk $0xffff, v6  }
0x333: {  	s25 =	simm.s32 $0x1;
	s0 =	sadd.s32 @!p1 s29, s22;
	_ =	swait.ge [sflag:s26], $0x2000  }
0x334: {  	s15 =	simm.s32 @!p1 $0x0;
	s0 =	sshrl.u32 @!p1 s0, $0x3;
	[sflag:s26] =	ssyncset.done $0x0  }
0x335: {  	s18 =	simm.s32 @!p1 $0x200;
	s0 =	sadd.s32 @!p1 s5, s0;
	[sflag:s26] =	ssyncadd.s32 $0xFFFFE000  }
0x336: {  	v6 =	vmov s25;
	[tilespmem:s18], [sflag:$0x6] =	stream.linear.gather @!p1 [hbm4b:s0+s15], $0x100, $0x38;
	[tilespmem:$0x15BE0] =	vst v63  }
0x337: {  	s15 =	simm.s32 $0x3  }
0x338: {  	_ =	swait.ge [sflag:s13], $0x1000;
	v7 =	vmov s15  }
0x339: {  	[sflag:s13] =	ssyncset.done $0x0  }
0x33a: {  	[sflag:s13] =	ssyncadd.s32 $0xFFFFF000  }
0x33b: {  	s18 =	simm.s32 $0x2;
	s15 =	simm.s32 $0x64B0;
	v16 =	vld.idx.msk [tilespmem:v6+s23+$0x0], $0xffff  }
0x33c: {  	v9 =	vmov s18;
	v8 =	vld [tilespmem:s15+$0xFFFFFFF0]  }
0x33d: {  	s25 =	simm.s32 $0x0;
	v13 =	vld.idx.msk [tilespmem:v7+s23+$0x0], $0xffff  }
0x33e: {  	v10 =	vmov s25;
	v19 =	vshll.u32 v7, $0x6;
	v7 =	vld [tilespmem:s15+$0xFFFFFFB0]  }
0x33f: {  	v14 =	vshll.u32 v6, $0x6;
	v12 =	vshll.u32 v10, $0x6;
	v17 =	vor.u32 v0, v19;
	v11 =	vld [tilespmem:s15+$0xFFFFFF90]  }
0x340: {  	v21 =	vor.u32 v0, v14;
	v23 =	vor.u32 v3, v14;
	v20 =	vor.u32 v3, v19;
	v18 =	vld [tilespmem:s15+$0xFFFFFFD0]  }
0x341: {  	v22 =	vor.u32 v0, v12;
	v15 =	vshll.u32 v9, $0x6;
	v9 =	vld.idx.msk [tilespmem:v9+s23+$0x0], $0xffff;
	v6 =	vunpack.i.l.bf16.f32 v8  }
0x342: {  	v25 =	vor.u32 v0, v15;
	v8 =	vunpack.i.u.bf16.f32 v8;
	v24 =	vmul.f32 v6, v13  }
0x343: {  	v6 =	vld.idx.msk [tilespmem:v10+s23+$0x0], $0xffff;
	v8 =	vmul.f32 v8, v13;
	v27 =	vunpack.i.u.bf16.f32 v7;
	v7 =	vunpack.i.l.bf16.f32 v7  }
0x344: {  	v26 =	vor.u32 v3, v15;
	v7 =	vmul.f32 v7, v16;
	[tilespmem:v17+s28+$0x0] =	vst.idx.msk $0xffff, v24  }
0x345: {  	s29 =	simm.s32 $0x4;
	v17 =	vunpack.i.u.bf16.f32 v18;
	v18 =	vunpack.i.l.bf16.f32 v18;
	[tilespmem:v20+s28+$0x0] =	vst.idx.msk $0xffff, v8;
	v20 =	vmul.f32 v27, v16  }
0x346: {  	v10 =	vunpack.i.u.bf16.f32 v11;
	v8 =	vmov s29;
	v61 =	vmul.f32 v18, v9;
	[tilespmem:v21+s28+$0x0] =	vst.idx.msk $0xffff, v7;
	v27 =	vld [tilespmem:s15+$0x0]  }
0x347: {  	s18 =	simm.s32 $0x5;
	v11 =	vunpack.i.l.bf16.f32 v11;
	v24 =	vor.u32 v3, v12;
	v62 =	vmul.f32 v17, v9;
	[tilespmem:v23+s28+$0x0] =	vst.idx.msk $0xffff, v20  }
0x348: {  	s25 =	simm.s32 $0x6;
	v18 =	vmov s18;
	v21 =	vor.u32 v5, v19;
	v63 =	vmul.f32 v11, v6;
	[tilespmem:v25+s28+$0x0] =	vst.idx.msk $0xffff, v61  }
0x349: {  	v17 =	vmov s25;
	v31 =	vmul.f32 v10, v6;
	v20 =	vor.u32 v4, v19;
	v23 =	vld [tilespmem:s15+$0xFFFFFFC0];
	[tilespmem:v26+s28+$0x0] =	vst.idx.msk $0xffff, v62  }
0x34a: {  	s29 =	simm.s32 $0x7;
	v7 =	vshll.u32 v8, $0x6;
	v10 =	vor.u32 v4, v12;
	v12 =	vor.u32 v5, v12;
	[tilespmem:v22+s28+$0x0] =	vst.idx.msk $0xffff, v63;
	v22 =	vld [tilespmem:s15+$0xFFFFFFE0]  }
0x34b: {  	v19 =	vmov s29;
	v11 =	vld.idx.msk [tilespmem:v8+s23+$0x0], $0xffff;
	v8 =	vor.u32 v0, v7;
	v25 =	vunpack.i.l.bf16.f32 v27  }
0x34c: {  	s18 =	simm.s32 $0x8;
	[tilespmem:v24+s28+$0x0] =	vst.idx.msk $0xffff, v31;
	v24 =	vor.u32 v4, v14;
	v26 =	vunpack.i.u.bf16.f32 v27;
	v25 =	vmul.f32 v25, v13  }
.LBB2_13:
0x34d: {  	p1 =	slt.u32 s18, $0x7C;
	v27 =	vld [tilespmem:s15+$0xFFFFFFA0];
	v28 =	vor.u32 v5, v14;
	v29 =	vor.u32 v4, v15;
	v13 =	vmul.f32 v26, v13  }
0x34e: {  	v31 =	vor.u32 v5, v15;
	s15 =	sadd.s32 $0x80, s15;
	v26 =	vld.idx.msk [tilespmem:v18+s23+$0x0], $0xffff;
	v30 =	vunpack.i.u.bf16.f32 v23;
	v23 =	vunpack.i.l.bf16.f32 v23;
	[tilespmem:v20+s28+$0x0] =	vst.idx.msk $0xffff, v25  }
0x34f: {  	v14 =	vshll.u32 v18, $0x6;
	v18 =	vld [tilespmem:s15+$0xFFFFFFF0];
	v20 =	vmul.f32 v23, v16;
	v16 =	vmul.f32 v30, v16;
	[tilespmem:v21+s28+$0x0] =	vst.idx.msk $0xffff, v13  }
0x350: {  	v21 =	vor.u32 v0, v14;
	v13 =	vld.idx.msk [tilespmem:v19+s23+$0x0], $0xffff;
	v23 =	vunpack.i.u.bf16.f32 v22;
	v22 =	vunpack.i.l.bf16.f32 v22  }
0x351: {  	v15 =	vshll.u32 v17, $0x6;
	v25 =	vld [tilespmem:s15+$0xFFFFFF90];
	[tilespmem:v24+s28+$0x0] =	vst.idx.msk $0xffff, v20;
	v20 =	vmul.f32 v22, v9;
	v22 =	vmul.f32 v23, v9  }
0x352: {  	v19 =	vshll.u32 v19, $0x6;
	v23 =	vld [tilespmem:s15+$0xFFFFFFB0];
	v9 =	vunpack.i.u.bf16.f32 v27;
	v24 =	vunpack.i.l.bf16.f32 v27;
	[tilespmem:v28+s28+$0x0] =	vst.idx.msk $0xffff, v16  }
0x353: {  	v28 =	vor.u32 v0, v19;
	v27 =	vld [tilespmem:s15+$0xFFFFFFD0];
	v32 =	vmul.f32 v24, v6;
	v24 =	vmul.f32 v9, v6;
	v6 =	vmovc v11  }
0x354: {  	v11 =	vor.u32 v3, v14;
	v9 =	vld.idx.msk [tilespmem:v17+s23+$0x0], $0xffff;
	v17 =	vor.u32 v3, v19;
	[tilespmem:v29+s28+$0x0] =	vst.idx.msk $0xffff, v20  }
0x355: {  	v20 =	vor.u32 v0, v15;
	v29 =	vor.u32 v3, v15;
	v30 =	vunpack.i.l.bf16.f32 v18;
	[tilespmem:v31+s28+$0x0] =	vst.idx.msk $0xffff, v22  }
0x356: {  	v16 =	vmovc v26;
	v18 =	vunpack.i.u.bf16.f32 v18;
	v30 =	vmul.f32 v30, v13;
	v22 =	vunpack.i.u.bf16.f32 v25;
	[tilespmem:v10+s28+$0x0] =	vst.idx.msk $0xffff, v32  }
0x357: {  	v18 =	vmul.f32 v18, v13;
	v10 =	vunpack.i.l.bf16.f32 v25;
	v25 =	vunpack.i.u.bf16.f32 v23;
	[tilespmem:v12+s28+$0x0] =	vst.idx.msk $0xffff, v24  }
0x358: {  	v12 =	vunpack.i.l.bf16.f32 v23;
	v23 =	vunpack.i.u.bf16.f32 v27;
	v24 =	vunpack.i.l.bf16.f32 v27;
	[tilespmem:v28+s28+$0x0] =	vst.idx.msk $0xffff, v30  }
0x359: {  	v26 =	vmov s18;
	v12 =	vmul.f32 v12, v16;
	v25 =	vmul.f32 v25, v16;
	[tilespmem:v17+s28+$0x0] =	vst.idx.msk $0xffff, v18  }
0x35a: {  	v27 =	vor.u32 v3, v7;
	v17 =	vmul.f32 v24, v9;
	v24 =	vmul.f32 v23, v9;
	v28 =	vld [tilespmem:s15+$0x0]  }
0x35b: {  	v31 =	vmul.f32 v22, v6;
	v30 =	vmul.f32 v10, v6;
	[tilespmem:v21+s28+$0x0] =	vst.idx.msk $0xffff, v12  }
.Ltmp5:
0x35c: {  	s0 =	sadd.s32 $0x1, s18;
	v32 =	vshll.u32 v26, $0x6;
	[tilespmem:v11+s28+$0x0] =	vst.idx.msk $0xffff, v25;
	(pc) =	sbr.rel @p1 .LBB2_13-.Ltmp5, $4  }
0x35d: {  	v10 =	vor.u32 v4, v7;
	v18 =	vmov s0;
	s0 =	sadd.s32 $0x2, s18;
	v23 =	vld [tilespmem:s15+$0xFFFFFFC0];
	[tilespmem:v20+s28+$0x0] =	vst.idx.msk $0xffff, v17;
	v20 =	vor.u32 v4, v19  }
0x35e: {  	v12 =	vor.u32 v5, v7;
	v21 =	vor.u32 v5, v19;
	v17 =	vmov s0;
	s0 =	sadd.s32 $0x3, s18;
	v11 =	vld.idx.msk [tilespmem:v26+s23+$0x0], $0xffff;
	[tilespmem:v29+s28+$0x0] =	vst.idx.msk $0xffff, v24  }
0x35f: {  	v7 =	vmovc v32;
	v19 =	vmov s0;
	[tilespmem:v8+s28+$0x0] =	vst.idx.msk $0xffff, v30;
	v8 =	vor.u32 v0, v32;
	v22 =	vld [tilespmem:s15+$0xFFFFFFE0];
	v25 =	vunpack.i.l.bf16.f32 v28  }
0x360: {  	s18 =	sadd.s32 $0x4, s18;
	v24 =	vor.u32 v4, v14;
	v26 =	vunpack.i.u.bf16.f32 v28;
	[tilespmem:v27+s28+$0x0] =	vst.idx.msk $0xffff, v31;
	v25 =	vmul.f32 v25, v13  }
0x361: {  	_ =	sdelay $0x3  }
0x362: {  	v27 =	vld.idx.msk [tilespmem:v18+s23+$0x0], $0xffff  }
0x363: {  	s18 =	sadd.s32 $0x80, s15;
	v30 =	vld.idx.msk [tilespmem:v19+s23+$0x0], $0xffff  }
0x364: {  	v14 =	vor.u32 v5, v14;
	v29 =	vld [tilespmem:s18+$0xFFFFFFF0]  }
0x365: {  	v28 =	vor.u32 v4, v15;
	v13 =	vmul.f32 v26, v13;
	v50 =	vor.u32 v5, v15;
	v53 =	vld [tilespmem:s18+$0xFFFFFFB0]  }
0x366: {  	v18 =	vshll.u32 v18, $0x6;
	v54 =	vshll.u32 v19, $0x6;
	v32 =	vld.idx.msk [tilespmem:v17+s23+$0x0], $0xffff;
	v49 =	vunpack.i.l.bf16.f32 v23  }
0x367: {  	v48 =	vunpack.i.u.bf16.f32 v23;
	[tilespmem:v20+s28+$0x0] =	vst.idx.msk $0xffff, v25;
	v57 =	vor.u32 v0, v54;
	v51 =	vmul.f32 v49, v16  }
0x368: {  	v55 =	vor.u32 v0, v18;
	v52 =	vmul.f32 v48, v16;
	[tilespmem:v21+s28+$0x0] =	vst.idx.msk $0xffff, v13;
	v56 =	vunpack.i.l.bf16.f32 v22  }
0x369: {  	v60 =	vld [tilespmem:s18+$0xFFFFFFD0];
	v61 =	vor.u32 v3, v54;
	[tilespmem:v24+s28+$0x0] =	vst.idx.msk $0xffff, v51;
	v59 =	vmul.f32 v56, v9;
	v33 =	vunpack.i.l.bf16.f32 v29  }
0x36a: {  	v35 =	vor.u32 v3, v18;
	[tilespmem:v14+s28+$0x0] =	vst.idx.msk $0xffff, v52;
	v39 =	vunpack.i.l.bf16.f32 v53;
	v16 =	vmul.f32 v33, v30  }
0x36b: {  	v62 =	vshll.u32 v17, $0x6;
	v34 =	vld [tilespmem:s18+$0xFFFFFF90];
	[tilespmem:v28+s28+$0x0] =	vst.idx.msk $0xffff, v59;
	v36 =	vunpack.i.u.bf16.f32 v29;
	v15 =	vmul.f32 v39, v27  }
0x36c: {  	v37 =	vor.u32 v0, v62;
	v23 =	vunpack.i.u.bf16.f32 v53;
	v38 =	vmul.f32 v36, v30;
	[tilespmem:v57+s28+$0x0] =	vst.idx.msk $0xffff, v16  }
0x36d: {  	v40 =	vld [tilespmem:s15+$0xFFFFFFA0];
	v41 =	vor.u32 v3, v62;
	v58 =	vunpack.i.u.bf16.f32 v22;
	v23 =	vmul.f32 v23, v27;
	[tilespmem:v55+s28+$0x0] =	vst.idx.msk $0xffff, v15  }
0x36e: {  	v63 =	vmul.f32 v58, v9;
	v42 =	vunpack.i.l.bf16.f32 v60;
	[tilespmem:v61+s28+$0x0] =	vst.idx.msk $0xffff, v38  }
0x36f: {  	v44 =	vor.u32 v3, v7;
	v43 =	vunpack.i.u.bf16.f32 v60;
	v16 =	vmul.f32 v42, v32;
	[tilespmem:v35+s28+$0x0] =	vst.idx.msk $0xffff, v23;
	v24 =	vld [tilespmem:s18+$0x0]  }
0x370: {  	v45 =	vunpack.i.l.bf16.f32 v34;
	[tilespmem:v50+s28+$0x0] =	vst.idx.msk $0xffff, v63;
	v9 =	vmul.f32 v43, v32;
	v47 =	vld [tilespmem:s18+$0xFFFFFFC0]  }
0x371: {  	v46 =	vunpack.i.u.bf16.f32 v34;
	v13 =	vmul.f32 v45, v11;
	[tilespmem:v37+s28+$0x0] =	vst.idx.msk $0xffff, v16  }
0x372: {  	v49 =	vor.u32 v4, v54;
	v48 =	vunpack.i.l.bf16.f32 v40;
	v15 =	vmul.f32 v46, v11;
	[tilespmem:v41+s28+$0x0] =	vst.idx.msk $0xffff, v9  }
0x373: {  	v53 =	vor.u32 v4, v18;
	v50 =	vunpack.i.u.bf16.f32 v40;
	[tilespmem:v8+s28+$0x0] =	vst.idx.msk $0xffff, v13;
	v16 =	vmul.f32 v48, v6;
	v51 =	vld [tilespmem:s18+$0xFFFFFFE0]  }
0x374: {  	v19 =	vor.u32 v5, v54;
	v6 =	vmul.f32 v50, v6;
	[tilespmem:v44+s28+$0x0] =	vst.idx.msk $0xffff, v15;
	v52 =	vunpack.i.l.bf16.f32 v24  }
0x375: {  	v55 =	vor.u32 v5, v18;
	v15 =	vld [tilespmem:s18+$0xFFFFFFA0];
	[tilespmem:v10+s28+$0x0] =	vst.idx.msk $0xffff, v16;
	v56 =	vunpack.i.l.bf16.f32 v47;
	v9 =	vmul.f32 v52, v30  }
0x376: {  	[tilespmem:v12+s28+$0x0] =	vst.idx.msk $0xffff, v6;
	v6 =	vor.u32 v4, v62;
	v54 =	vunpack.i.u.bf16.f32 v24;
	v58 =	vmul.f32 v56, v27  }
0x377: {  	v57 =	vor.u32 v5, v62;
	v17 =	vunpack.i.u.bf16.f32 v47;
	v10 =	vmul.f32 v54, v30;
	[tilespmem:v49+s28+$0x0] =	vst.idx.msk $0xffff, v9  }
0x378: {  	v59 =	vor.u32 v4, v7;
	v17 =	vmul.f32 v17, v27;
	v60 =	vunpack.i.l.bf16.f32 v51;
	[tilespmem:v53+s28+$0x0] =	vst.idx.msk $0xffff, v58  }
0x379: {  	s3 =	sadd.s32 $0x1, s3;
	v7 =	vor.u32 v5, v7;
	v8 =	vunpack.i.u.bf16.f32 v51;
	v61 =	vmul.f32 v60, v32;
	[tilespmem:v19+s28+$0x0] =	vst.idx.msk $0xffff, v10  }
0x37a: {  	p1 =	sne.s32 s3, $0x28;
	v62 =	vunpack.i.l.bf16.f32 v15;
	v8 =	vmul.f32 v8, v32;
	[tilespmem:v55+s28+$0x0] =	vst.idx.msk $0xffff, v17  }
.Ltmp6:
0x37b: {  	v63 =	vunpack.i.u.bf16.f32 v15;
	v10 =	vmul.f32 v62, v11;
	[tilespmem:v6+s28+$0x0] =	vst.idx.msk $0xffff, v61;
	(pc) =	sbr.rel @p1 .LBB2_6-.Ltmp6, $4  }
0x37c: {  	v6 =	vmul.f32 v63, v11;
	[tilespmem:v57+s28+$0x0] =	vst.idx.msk $0xffff, v8  }
0x37d: {  	[tilespmem:v59+s28+$0x0] =	vst.idx.msk $0xffff, v10  }
0x37e: {  	[tilespmem:v7+s28+$0x0] =	vst.idx.msk $0xffff, v6  }
0x37f: {  	[spmem:s2] =	stream.indirect.scatter.add.f32 [tilespmem:s28], [sflag:$0x3], $0x40, s11, s4, $0xb8;
	[tilespmem:$0x15BE0] =	vst v63  }
0x380: {  	_ =	swait.ge [sflag:s26], $0x2000  }
0x381: {  	[sflag:s26] =	ssyncset.done $0x0  }
0x382: {  	[sflag:s26] =	ssyncadd.s32 $0xFFFFE000  }
0x383: {  	s0 =	stileid.u32;
	[bflag:$0x0] =	sbarrier.arrive $0xFFFF  }
0x384: {  	s0 =	sshll.u32 s0, $0x6;
	s25 =	rddreg [dreg:$0x7]  }
0x385: {  	s0 =	sor.u32 $0x1C01, s0;
	s12 =	rddreg [dreg:$0xd];
	s3 =	sshrl.u32 s25, $0x3  }
0x386: {  	[hbm:s12], [sflag:s0] =	dma.local [spmem:s3], $0x400  }
0x387: {  	s29 =	rddreg [dreg:$0x8]  }
0x388: {  	s12 =	rddreg [dreg:$0xe];
	s18 =	sshrl.u32 s29, $0x3  }
0x389: {  	[hbm:s12], [sflag:s0] =	dma.local [spmem:s18], $0x400  }
0x38a: {  	s3 =	rddreg [dreg:$0x9]  }
0x38b: {  	s12 =	rddreg [dreg:$0xf];
	s3 =	sshrl.u32 s3, $0x3  }
0x38c: {  	[hbm:s12], [sflag:s0] =	dma.local [spmem:s3], $0x400  }
0x38d: {  	s3 =	rddreg [dreg:$0xa]  }
0x38e: {  	s12 =	rddreg [dreg:$0x10];
	s3 =	sshrl.u32 s3, $0x3  }
0x38f: {  	[hbm:s12], [sflag:s0] =	dma.local [spmem:s3], $0x400  }
0x390: {  	s3 =	rddreg [dreg:$0xb]  }
0x391: {  	s12 =	rddreg [dreg:$0x11];
	s3 =	sshrl.u32 s3, $0x3  }
0x392: {  	[hbm:s12], [sflag:s0] =	dma.local [spmem:s3], $0x400  }
0x393: {  	_ =	swait.ge [sflag:s19], $0x400  }
0x394: {  	[sflag:s19] =	ssyncset.done $0x0  }
0x395: {  	[sflag:s19] =	ssyncadd.s32 $0xFFFFFC00  }
0x396: {  	_ =	swait.ge [sflag:s19], $0x400  }
0x397: {  	[sflag:s19] =	ssyncset.done $0x0  }
0x398: {  	[sflag:s19] =	ssyncadd.s32 $0xFFFFFC00  }
0x399: {  	_ =	swait.ge [sflag:s19], $0x400  }
0x39a: {  	[sflag:s19] =	ssyncset.done $0x0  }
0x39b: {  	[sflag:s19] =	ssyncadd.s32 $0xFFFFFC00  }
0x39c: {  	_ =	swait.ge [sflag:s19], $0x400  }
0x39d: {  	[sflag:s19] =	ssyncset.done $0x0  }
0x39e: {  	[sflag:s19] =	ssyncadd.s32 $0xFFFFFC00  }
0x39f: {  	_ =	swait.ge [sflag:s19], $0x400  }
0x3a0: {  	s0 =	simm.s32 @!p0 $0x0;
	[sflag:s19] =	ssyncset.done $0x0  }
0x3a1: {  	s3 =	simm.s32 @!p0 $0x94C0;
	s12 =	rddreg [dreg:$0x12];
	[sflag:s19] =	ssyncadd.s32 $0xFFFFFC00  }
0x3a2: {  	[hbm4b:s12+s0] =	stream.linear.scatter @!p0 [tilespmem:s3], [sflag:$0x8], $0x2720, $0x38;
	[tilespmem:$0x15BE0] =	vst v63  }
0x3a3: {  	s0 =	simm.s32 @!p0 $0x8  }
0x3a4: {  	_ =	swait.ge @!p0 [sflag:s0], $0x2720  }
0x3a5: {  	s18 =	rddreg [dreg:$0x4]  }
0x3a6: {  	s15 =	rddreg [dreg:$0x13];
	s18 =	sadd.s32 $0x1, s18  }
0x3a7: {  	p1 =	sne.s32 s18, s15  }
.Ltmp7:
0x3a8: {  	_ = 	snop;
	(pc) =	sbr.rel @p1 .LBB2_1-.Ltmp7, $3  }
0x3a9: {  	_ =	sdelay $0x1  }
0x3aa: {  	[sflag:s0] =	ssyncset.done @!p0 $0x0  }
0x3ab: {  	[sflag:s0] =	ssyncadd.s32 @!p0 $0xFFFFD8E0  }
0x3ac: {  	_ =	sfence.sel $0x180000  }
0x3ad: {  	[bflag:$0x0] =	sbarrier.arrive $0xFFFF  }
0x3ae: {  	_ =	strace $0x90000047  }
0x3af: {  	s0 =	stileid.u32;
	[bflag:$0x2] =	sbarrier.arrive $0xFFFF  }
0x3b0: {  	p0 =	sne.s32 s0, $0x0;
	s0 =	rddreg [dreg:$0x3]  }
0x3b1: {  	s0 =	sadd.s32 @!p0 $0x100000, s0  }
0x3b2: {  	[sflag:s0] =	ssyncadd.tile.s32 @!p0 $0x1;
	_ =	shalt  }
.Lfunc_end2:
_tile_overlayer_lowered:
.L_overlay_start_2:
0x3b3: {  	(tag) =	ssettag $0x2  }
0x3b4: {  	s0 =	rddreg [dreg:$0x0];
	s2 =	stileid.u32  }
0x3b5: {  	s1 =	rddreg [dreg:$0x1];
	p0 =	sne.s32 s2, $0x0  }
0x3b6: {  	s3 =	rddreg [dreg:$0x2];
	[bflag:$0x3] =	sbarrier.arrive $0xFFFF;
	s2 =	simm.s32 @!p0 $0x1C08  }
0x3b7: {  	[timem:s3], [sflag:s2] =	dma.local @!p0 [hbm:s0], s1  }
0x3b8: {  	s0 =	simm.s32 @!p0 $0x8  }
0x3b9: {  	_ =	swait.ge @!p0 [sflag:s0], s1  }
0x3ba: {  	s1 =	ssub.s32 @!p0 $0x0, s1;
	[sflag:s0] =	ssyncset.done @!p0 $0x0  }
0x3bb: {  	[sflag:s0] =	ssyncadd.s32 @!p0 s1  }
0x3bc: {  	[bflag:$0x3] =	sbarrier.arrive $0xFFFF  }
0x3bd: {  	_ =	shalt  }

</sc_bundles>
